<compile_context>
chip_gen: v7x
topology: tpu7x:2x2x1
jax: 0.10.2.dev20260603
libtpu: 0.0.44.dev20260713+nightly
codegen_flags: <defaults>
</compile_context>

<pallas_src>
import functools

import jax
import jax.numpy as jnp
from jax import lax
from jax.experimental import pallas as pl
from jax.experimental.pallas import tpu as pltpu
from jax.experimental.pallas import tpu_sc as plsc

N_NODES = 10000
N_EDGES = 320000
D_FEAT = 128
D_OUT = 32
N_GRAPHS = 64

NC = 2
NS = 16
LANES = 16

EPW = N_EDGES // (NC * NS)
CHUNK = 128
NCHUNK = (EPW + CHUNK - 1) // CHUNK
PADDED = NCHUNK * CHUNK
WLEN = PADDED
TBL = N_NODES * N_GRAPHS
TPW = TBL // NS
ZB = 10000


def _sc_body(edge_hbm, pt_hbm, b_hbm, out_hbm,
             ev, e_v, bat_v, w_buf, f_buf, z_v, y_v, table,
             in_sem, zt_sem, sc_sem, fl_sem):
    c = lax.axis_index("c")
    s = lax.axis_index("s")
    wid = c * NS + s
    base = wid * EPW

    base_al = jnp.minimum((base // 128) * 128, N_EDGES - WLEN)
    off0 = base - base_al
    in_cps = [
        pltpu.async_copy(
            edge_hbm.at[:, pl.ds(pl.multiple_of(base_al, 128), WLEN)],
            ev, in_sem),
        pltpu.async_copy(pt_hbm.at[0], e_v, in_sem),
        pltpu.async_copy(b_hbm, bat_v, in_sem),
    ]

    @plsc.parallel_loop(0, ZB // LANES, step=1, unroll=8)
    def zero_loop(i):
        z_v[pl.ds(pl.multiple_of(i * LANES, LANES), LANES)] = jnp.zeros(
            (LANES,), jnp.float32)

    z_cps = [
        pltpu.async_copy(z_v, table.at[pl.ds(s * TPW + k * ZB, ZB)], zt_sem)
        for k in range(TPW // ZB)
    ]

    for k in range((PADDED - EPW) // LANES):
        w_buf[NCHUNK - 1, pl.ds(EPW % CHUNK + k * LANES, LANES)] = jnp.zeros(
            (LANES,), jnp.float32)
        f_buf[NCHUNK - 1, pl.ds(EPW % CHUNK + k * LANES, LANES)] = jnp.zeros(
            (LANES,), jnp.int32)

    for cp in in_cps:
        cp.wait()

    def edge_span(lo, hi):
        @plsc.parallel_loop(lo, hi, step=1, unroll=8)
        def edge_loop(i):
            off = pl.ds(pl.multiple_of(off0 + i * LANES, LANES), LANES)
            sn = ev[0, off]
            d = ev[1, off]
            w = plsc.load_gather(e_v, [d])
            g = plsc.load_gather(bat_v, [d])
            f = sn * N_GRAPHS + g
            row = i // (CHUNK // LANES)
            col = (i % (CHUNK // LANES)) * LANES
            w_buf[row, pl.ds(col, LANES)] = w
            f_buf[row, pl.ds(col, LANES)] = f

    ROWS1 = (EPW // LANES) // 2 // (CHUNK // LANES)
    edge_span(0, ROWS1 * (CHUNK // LANES))

    for cp in z_cps:
        cp.wait()
    plsc.subcore_barrier()

    sc_cps = [
        pltpu.async_copy(w_buf.at[j], table.at[f_buf.at[j]], sc_sem,
                         add=True)
        for j in range(ROWS1)
    ]
    edge_span(ROWS1 * (CHUNK // LANES), EPW // LANES)
    sc_cps += [
        pltpu.async_copy(w_buf.at[j], table.at[f_buf.at[j]], sc_sem,
                         add=True)
        for j in range(ROWS1, NCHUNK)
    ]
    for cp in sc_cps:
        cp.wait()

    plsc.subcore_barrier()

    bufs = [z_v, y_v]
    prev = None
    for k in range(TPW // ZB):
        buf = bufs[k % 2]
        pltpu.sync_copy(table.at[pl.ds(s * TPW + k * ZB, ZB)], buf)
        if prev is not None:
            prev.wait()
        prev = pltpu.async_copy(
            buf, out_hbm.at[pl.ds(c * TBL + s * TPW + k * ZB, ZB)], fl_sem)
    prev.wait()


@functools.partial(jax.jit, static_argnums=())
def _sc_build_table(edge_index, pt, bat):
    mesh = plsc.VectorSubcoreMesh(core_axis_name="c", subcore_axis_name="s")
    f = pl.kernel(
        _sc_body,
        out_type=jax.ShapeDtypeStruct((NC * TBL,), jnp.float32),
        mesh=mesh,
        compiler_params=pltpu.CompilerParams(needs_layout_passes=False),
        scratch_types=[
            pltpu.VMEM((2, WLEN), jnp.int32),
            pltpu.VMEM((N_NODES,), jnp.float32),
            pltpu.VMEM((N_NODES,), jnp.int32),
            pltpu.VMEM((NCHUNK, CHUNK), jnp.float32),
            pltpu.VMEM((NCHUNK, CHUNK), jnp.int32),
            pltpu.VMEM((ZB,), jnp.float32),
            pltpu.VMEM((ZB,), jnp.float32),
            pltpu.VMEM_SHARED((TBL,), jnp.float32),
            pltpu.SemaphoreType.DMA,
            pltpu.SemaphoreType.DMA,
            pltpu.SemaphoreType.DMA,
            pltpu.SemaphoreType.DMA,
        ],
    )
    return f(edge_index, pt, bat)


def _tc_body(s_ref, x_ref, w_ref, b_ref, o_ref):
    st = s_ref[0] + s_ref[1]
    m = lax.dot_general(st, x_ref[...], (((0,), (0,)), ((), ())),
                        preferred_element_type=jnp.float32)
    g = m[:N_GRAPHS, :D_FEAT] + m[N_GRAPHS:, D_FEAT:]
    cnt128 = jnp.sum(st, axis=0, keepdims=True)
    cnt = cnt128[:, :N_GRAPHS] + cnt128[:, N_GRAPHS:]
    o_ref[...] = (
        lax.dot_general(w_ref[...], g, (((0,), (1,)), ((), ())),
                        preferred_element_type=jnp.float32)
        + b_ref[...] * cnt)


def _tc_finish(s3, xr, w, b_col):
    ot = pl.pallas_call(
        _tc_body,
        out_shape=jax.ShapeDtypeStruct((D_OUT, N_GRAPHS), jnp.float32),
    )(s3, xr, w, b_col)
    return jnp.swapaxes(ot, 0, 1)


def kernel(x, p, edge_index, batch, W, b):
    pt = jnp.swapaxes(p, 0, 1)
    bat = batch.astype(jnp.int32)
    s_tbl = _sc_build_table(edge_index.astype(jnp.int32), pt, bat)
    s3 = s_tbl.reshape(NC, N_NODES // 2, 2 * N_GRAPHS)
    xr = x.reshape(N_NODES // 2, 2 * D_FEAT)
    return _tc_finish(s3, xr, W, b.reshape(D_OUT, 1))

# --- scband reference (transcript-rebuilt; emitter-appended) ---
"""Pipeline reference for scband-efnto-global-24172075941939 (READ-ONLY COPY).

The authoritative reference and input builder live on the scoring server;
editing this copy changes nothing except your own understanding.
"""

import jax, jax.numpy as jnp
import numpy as np

N_NODES = 10000
N_EDGES = 320000
D_FEAT = 128
D_OUT = 32
N_GRAPHS = 64


def setup_inputs(seed: int = 0) -> dict:
    key = jax.random.key(seed)
    k1, k2, k3, k4, k5, k6 = jax.random.split(key, 6)
    x = jax.random.normal(k1, (N_NODES, D_FEAT), dtype=jnp.float32)
    p = jax.random.uniform(k2, (N_NODES, 4), dtype=jnp.float32)
    edge_index = jax.random.randint(k3, (2, N_EDGES), 0, N_NODES, dtype=jnp.int64)
    batch = jnp.sort(jax.random.randint(k4, (N_NODES,), 0, N_GRAPHS, dtype=jnp.int64))
    # learned params of the inner nn (single Linear: d_feat -> d_out)
    W = jax.random.normal(k5, (D_FEAT, D_OUT), dtype=jnp.float32) * (1.0 / np.sqrt(D_FEAT))
    b = jax.random.normal(k6, (D_OUT,), dtype=jnp.float32) * 0.01
    return {"x": x, "p": p, "edge_index": edge_index, "batch": batch, "W": W, "b": b}


def reference(x, p, edge_index, batch, W, b):
    # PTConv with aggr='add': message m_{ij} = nn(x_j); out_i = sum_{j in N(i)} m_{ij}
    src = edge_index[0]
    dst = edge_index[1]
    msg = x[src] @ W + b                      # gather + linear per edge
    h = jax.ops.segment_sum(msg, dst, num_segments=N_NODES)  # scatter-add to dst nodes
    # x = E * x  (per-particle energy weighting; E = p[:, 0])
    E = p[:, 0]
    h = E[:, None] * h
    # global_add_pool over graph ids
    out = jax.ops.segment_sum(h, batch, num_segments=N_GRAPHS)
    return out

if __name__ == "__main__":
    import jax
    _d = setup_inputs()
    print(jax.jit(kernel)(*tuple(_d.values())))

</pallas_src>

<mosaic_0001>
#map = affine_map<(d0, d1) -> (0, 0)>
#map1 = affine_map<(d0, d1) -> (0)>
module attributes {stable_mosaic.version = 14 : i64} {
  func.func @_sc_body(%arg0: i32, %arg1: i32, %arg2: memref<2x320000xi32, #tpu.memory_space<hbm>>, %arg3: memref<4x10000xf32, #tpu.memory_space<hbm>>, %arg4: memref<10000xi32, #tpu.memory_space<hbm>>, %arg5: memref<1280000xf32, #tpu.memory_space<hbm>>, %arg6: memref<2x10112xi32, #tpu.memory_space<vmem>>, %arg7: memref<10000xf32, #tpu.memory_space<vmem>>, %arg8: memref<10000xi32, #tpu.memory_space<vmem>>, %arg9: memref<79x128xf32, #tpu.memory_space<vmem>>, %arg10: memref<79x128xi32, #tpu.memory_space<vmem>>, %arg11: memref<10000xf32, #tpu.memory_space<vmem>>, %arg12: memref<10000xf32, #tpu.memory_space<vmem>>, %arg13: memref<640000xf32, #tpu.memory_space<vmem_shared>>, %arg14: memref<!tpu.dma_semaphore, #tpu.memory_space<semaphore_mem>>, %arg15: memref<!tpu.dma_semaphore, #tpu.memory_space<semaphore_mem>>, %arg16: memref<!tpu.dma_semaphore, #tpu.memory_space<semaphore_mem>>, %arg17: memref<!tpu.dma_semaphore, #tpu.memory_space<semaphore_mem>>) attributes {dimension_semantics = [#tpu.dimension_semantics<core_parallel>, #tpu.dimension_semantics<subcore_parallel>], iteration_bounds = array<i64: 2, 16>, scalar_prefetch = 0 : i64, scratch_operands = 12 : i64, tpu.core_type = #tpu.core_type<sc_vector_subcore>, window_params = [{transform_indices = #map}, {transform_indices = #map}, {transform_indices = #map1}, {transform_indices = #map1}]} {
    %mul3A = arith.constant 16 : i32
    %mul3A_0 = arith.muli %arg0, %mul3A : i32
    %add3A = arith.addi %mul3A_0, %arg1 : i32
    %mul3A_1 = arith.constant 10000 : i32
    %mul3A_2 = arith.muli %add3A, %mul3A_1 : i32
    %jit3A = arith.constant 128 : i32
    %div3A = arith.divsi %mul3A_2, %jit3A : i32
    %sign3A = arith.constant 0 : i32
    %sign3A_3 = arith.cmpi sgt, %mul3A_2, %sign3A : i32
    %sign3A_4 = arith.extui %sign3A_3 : i1 to i32
    %sign3A_5 = arith.constant 0 : i32
    %sign3A_6 = arith.cmpi slt, %mul3A_2, %sign3A_5 : i32
    %sign3A_7 = arith.extui %sign3A_6 : i1 to i32
    %sign3A_8 = arith.subi %sign3A_4, %sign3A_7 : i32
    %sign3A_9 = arith.constant 0 : i32
    %sign3A_10 = arith.cmpi sgt, %jit3A, %sign3A_9 : i32
    %sign3A_11 = arith.extui %sign3A_10 : i1 to i32
    %sign3A_12 = arith.constant 0 : i32
    %sign3A_13 = arith.cmpi slt, %jit3A, %sign3A_12 : i32
    %sign3A_14 = arith.extui %sign3A_13 : i1 to i32
    %sign3A_15 = arith.subi %sign3A_11, %sign3A_14 : i32
    %ne3A = arith.cmpi ne, %sign3A_8, %sign3A_15 : i32
    %rem3A = arith.remsi %mul3A_2, %jit3A : i32
    %ne3A_16 = arith.constant 0 : i32
    %ne3A_17 = arith.cmpi ne, %rem3A, %ne3A_16 : i32
    %and3A = arith.andi %ne3A, %ne3A_17 : i1
    %sub3A = arith.constant 1 : i32
    %sub3A_18 = arith.subi %div3A, %sub3A : i32
    %select_n3A = arith.select %and3A, %sub3A_18, %div3A : i32
    %mul3A_19 = arith.constant 128 : i32
    %mul3A_20 = arith.muli %select_n3A, %mul3A_19 : i32
    %min3A = arith.constant 309888 : i32
    %min3A_21 = arith.minsi %mul3A_20, %min3A : i32
    %sub3A_22 = arith.subi %mul3A_2, %min3A_21 : i32
    %multiple_of3A = tpu.assume_multiple %min3A_21, 128 : i32
    %dma_start3A = arith.constant 0 : i32
    %dma_start3A_23 = tpu.memref_slice %arg2[%dma_start3A, %multiple_of3A] : memref<2x320000xi32, #tpu.memory_space<hbm>> -> memref<2x10112xi32, #tpu.memory_space<hbm>>
    %dma_start3A_24 = arith.constant 0 : i32
    %dma_start3A_25 = tpu.memref_slice %arg2[%dma_start3A_24, %multiple_of3A] : memref<2x320000xi32, #tpu.memory_space<hbm>> -> memref<2x10112xi32, #tpu.memory_space<hbm>>
    tpu.enqueue_dma source(%dma_start3A_25 : memref<2x10112xi32, #tpu.memory_space<hbm>>) target(%arg6 : memref<2x10112xi32, #tpu.memory_space<vmem>>) target_semaphore(%arg14 : memref<!tpu.dma_semaphore, #tpu.memory_space<semaphore_mem>>)
    %dma_start3A_26 = arith.constant 0 : i32
    %dma_start3A_27 = arith.constant 0 : i32
    %dma_start3A_28 = tpu.memref_slice %arg3[%dma_start3A_26, %dma_start3A_27] : memref<4x10000xf32, #tpu.memory_space<hbm>> -> memref<1x10000xf32, #tpu.memory_space<hbm>>
    %dma_start3A_29 = tpu.memref_squeeze %dma_start3A_28 : memref<1x10000xf32, #tpu.memory_space<hbm>> -> memref<10000xf32, #tpu.memory_space<hbm>>
    %dma_start3A_30 = arith.constant 0 : i32
    %dma_start3A_31 = tpu.memref_slice %arg3[%dma_start3A_26, %dma_start3A_30] : memref<4x10000xf32, #tpu.memory_space<hbm>> -> memref<1x10000xf32, #tpu.memory_space<hbm>>
    %dma_start3A_32 = tpu.memref_squeeze %dma_start3A_31 : memref<1x10000xf32, #tpu.memory_space<hbm>> -> memref<10000xf32, #tpu.memory_space<hbm>>
    tpu.enqueue_dma source(%dma_start3A_32 : memref<10000xf32, #tpu.memory_space<hbm>>) target(%arg7 : memref<10000xf32, #tpu.memory_space<vmem>>) target_semaphore(%arg14 : memref<!tpu.dma_semaphore, #tpu.memory_space<semaphore_mem>>)
    tpu.enqueue_dma source(%arg4 : memref<10000xi32, #tpu.memory_space<hbm>>) target(%arg8 : memref<10000xi32, #tpu.memory_space<vmem>>) target_semaphore(%arg14 : memref<!tpu.dma_semaphore, #tpu.memory_space<semaphore_mem>>)
    %parallel_loop3A = arith.constant 0 : i32
    %parallel_loop3A_33 = arith.constant 625 : i32
    %parallel_loop3A_34 = arith.constant 1 : i32
    scf.for %parallel_loop3A_1806 = %parallel_loop3A to %parallel_loop3A_33 step %parallel_loop3A_34  : i32 {
      %parallel_loop3A_1807 = arith.constant 0.000000e+00 : f32
      %parallel_loop3A_1808 = vector.broadcast %parallel_loop3A_1807 : f32 to vector<16xf32>
      %parallel_loop3A_1809 = arith.constant 16 : i32
      %parallel_loop3A_1810 = arith.muli %parallel_loop3A_1806, %parallel_loop3A_1809 : i32
      %parallel_loop3A_1811 = tpu.assume_multiple %parallel_loop3A_1810, 16 : i32
      %parallel_loop3A_1812 = arith.index_cast %parallel_loop3A_1811 : i32 to index
      %parallel_loop3A_1813 = tpu.vector_load %arg11[%parallel_loop3A_1812] {strides = array<i32>} : memref<10000xf32, #tpu.memory_space<vmem>>, vector<16xf32>,
      tpu.vector_store %arg11[%parallel_loop3A_1812], %parallel_loop3A_1808 {strides = array<i32>} : memref<10000xf32, #tpu.memory_space<vmem>>, vector<16xf32>,
    } {sc.loop_unroll_factor = 8 : i64, sc.parallel_access}
    %mul3A_35 = arith.constant 40000 : i32
    %mul3A_36 = arith.muli %arg1, %mul3A_35 : i32
    %add3A_37 = arith.constant 0 : i32
    %add3A_38 = arith.addi %mul3A_36, %add3A_37 : i32
    %dma_start3A_39 = tpu.memref_slice %arg13[%add3A_38] : memref<640000xf32, #tpu.memory_space<vmem_shared>> -> memref<10000xf32, #tpu.memory_space<vmem_shared>>
    %dma_start3A_40 = tpu.memref_slice %arg13[%add3A_38] : memref<640000xf32, #tpu.memory_space<vmem_shared>> -> memref<10000xf32, #tpu.memory_space<vmem_shared>>
    tpu.enqueue_dma source(%arg11 : memref<10000xf32, #tpu.memory_space<vmem>>) target(%dma_start3A_40 : memref<10000xf32, #tpu.memory_space<vmem_shared>>) target_semaphore(%arg15 : memref<!tpu.dma_semaphore, #tpu.memory_space<semaphore_mem>>)
    %mul3A_41 = arith.constant 40000 : i32
    %mul3A_42 = arith.muli %arg1, %mul3A_41 : i32
    %add3A_43 = arith.constant 10000 : i32
    %add3A_44 = arith.addi %mul3A_42, %add3A_43 : i32
    %dma_start3A_45 = tpu.memref_slice %arg13[%add3A_44] : memref<640000xf32, #tpu.memory_space<vmem_shared>> -> memref<10000xf32, #tpu.memory_space<vmem_shared>>
    %dma_start3A_46 = tpu.memref_slice %arg13[%add3A_44] : memref<640000xf32, #tpu.memory_space<vmem_shared>> -> memref<10000xf32, #tpu.memory_space<vmem_shared>>
    tpu.enqueue_dma source(%arg11 : memref<10000xf32, #tpu.memory_space<vmem>>) target(%dma_start3A_46 : memref<10000xf32, #tpu.memory_space<vmem_shared>>) target_semaphore(%arg15 : memref<!tpu.dma_semaphore, #tpu.memory_space<semaphore_mem>>)
    %mul3A_47 = arith.constant 40000 : i32
    %mul3A_48 = arith.muli %arg1, %mul3A_47 : i32
    %add3A_49 = arith.constant 20000 : i32
    %add3A_50 = arith.addi %mul3A_48, %add3A_49 : i32
    %dma_start3A_51 = tpu.memref_slice %arg13[%add3A_50] : memref<640000xf32, #tpu.memory_space<vmem_shared>> -> memref<10000xf32, #tpu.memory_space<vmem_shared>>
    %dma_start3A_52 = tpu.memref_slice %arg13[%add3A_50] : memref<640000xf32, #tpu.memory_space<vmem_shared>> -> memref<10000xf32, #tpu.memory_space<vmem_shared>>
    tpu.enqueue_dma source(%arg11 : memref<10000xf32, #tpu.memory_space<vmem>>) target(%dma_start3A_52 : memref<10000xf32, #tpu.memory_space<vmem_shared>>) target_semaphore(%arg15 : memref<!tpu.dma_semaphore, #tpu.memory_space<semaphore_mem>>)
    %mul3A_53 = arith.constant 40000 : i32
    %mul3A_54 = arith.muli %arg1, %mul3A_53 : i32
    %add3A_55 = arith.constant 30000 : i32
    %add3A_56 = arith.addi %mul3A_54, %add3A_55 : i32
    %dma_start3A_57 = tpu.memref_slice %arg13[%add3A_56] : memref<640000xf32, #tpu.memory_space<vmem_shared>> -> memref<10000xf32, #tpu.memory_space<vmem_shared>>
    %dma_start3A_58 = tpu.memref_slice %arg13[%add3A_56] : memref<640000xf32, #tpu.memory_space<vmem_shared>> -> memref<10000xf32, #tpu.memory_space<vmem_shared>>
    tpu.enqueue_dma source(%arg11 : memref<10000xf32, #tpu.memory_space<vmem>>) target(%dma_start3A_58 : memref<10000xf32, #tpu.memory_space<vmem_shared>>) target_semaphore(%arg15 : memref<!tpu.dma_semaphore, #tpu.memory_space<semaphore_mem>>)
    %broadcast_in_dim3A = arith.constant 0.000000e+00 : f32
    %broadcast_in_dim3A_59 = vector.broadcast %broadcast_in_dim3A : f32 to vector<16xf32>
    %swap3A = arith.constant 78 : i32
    %swap3A_60 = arith.index_cast %swap3A : i32 to index
    %swap3A_61 = arith.constant 16 : index
    %swap3A_62 = tpu.vector_load %arg9[%swap3A_60, %swap3A_61] {strides = array<i32>} : memref<79x128xf32, #tpu.memory_space<vmem>>, vector<16xf32>,
    tpu.vector_store %arg9[%swap3A_60, %swap3A_61], %broadcast_in_dim3A_59 {strides = array<i32>} : memref<79x128xf32, #tpu.memory_space<vmem>>, vector<16xf32>,
    %broadcast_in_dim3A_63 = arith.constant 0 : i32
    %broadcast_in_dim3A_64 = vector.broadcast %broadcast_in_dim3A_63 : i32 to vector<16xi32>
    %swap3A_65 = arith.constant 78 : i32
    %swap3A_66 = arith.index_cast %swap3A_65 : i32 to index
    %swap3A_67 = arith.constant 16 : index
    %swap3A_68 = tpu.vector_load %arg10[%swap3A_66, %swap3A_67] {strides = array<i32>} : memref<79x128xi32, #tpu.memory_space<vmem>>, vector<16xi32>,
    tpu.vector_store %arg10[%swap3A_66, %swap3A_67], %broadcast_in_dim3A_64 {strides = array<i32>} : memref<79x128xi32, #tpu.memory_space<vmem>>, vector<16xi32>,
    %broadcast_in_dim3A_69 = arith.constant 0.000000e+00 : f32
    %broadcast_in_dim3A_70 = vector.broadcast %broadcast_in_dim3A_69 : f32 to vector<16xf32>
    %swap3A_71 = arith.constant 78 : i32
    %swap3A_72 = arith.index_cast %swap3A_71 : i32 to index
    %swap3A_73 = arith.constant 32 : index
    %swap3A_74 = tpu.vector_load %arg9[%swap3A_72, %swap3A_73] {strides = array<i32>} : memref<79x128xf32, #tpu.memory_space<vmem>>, vector<16xf32>,
    tpu.vector_store %arg9[%swap3A_72, %swap3A_73], %broadcast_in_dim3A_70 {strides = array<i32>} : memref<79x128xf32, #tpu.memory_space<vmem>>, vector<16xf32>,
    %broadcast_in_dim3A_75 = arith.constant 0 : i32
    %broadcast_in_dim3A_76 = vector.broadcast %broadcast_in_dim3A_75 : i32 to vector<16xi32>
    %swap3A_77 = arith.constant 78 : i32
    %swap3A_78 = arith.index_cast %swap3A_77 : i32 to index
    %swap3A_79 = arith.constant 32 : index
    %swap3A_80 = tpu.vector_load %arg10[%swap3A_78, %swap3A_79] {strides = array<i32>} : memref<79x128xi32, #tpu.memory_space<vmem>>, vector<16xi32>,
    tpu.vector_store %arg10[%swap3A_78, %swap3A_79], %broadcast_in_dim3A_76 {strides = array<i32>} : memref<79x128xi32, #tpu.memory_space<vmem>>, vector<16xi32>,
    %broadcast_in_dim3A_81 = arith.constant 0.000000e+00 : f32
    %broadcast_in_dim3A_82 = vector.broadcast %broadcast_in_dim3A_81 : f32 to vector<16xf32>
    %swap3A_83 = arith.constant 78 : i32
    %swap3A_84 = arith.index_cast %swap3A_83 : i32 to index
    %swap3A_85 = arith.constant 48 : index
    %swap3A_86 = tpu.vector_load %arg9[%swap3A_84, %swap3A_85] {strides = array<i32>} : memref<79x128xf32, #tpu.memory_space<vmem>>, vector<16xf32>,
    tpu.vector_store %arg9[%swap3A_84, %swap3A_85], %broadcast_in_dim3A_82 {strides = array<i32>} : memref<79x128xf32, #tpu.memory_space<vmem>>, vector<16xf32>,
    %broadcast_in_dim3A_87 = arith.constant 0 : i32
    %broadcast_in_dim3A_88 = vector.broadcast %broadcast_in_dim3A_87 : i32 to vector<16xi32>
    %swap3A_89 = arith.constant 78 : i32
    %swap3A_90 = arith.index_cast %swap3A_89 : i32 to index
    %swap3A_91 = arith.constant 48 : index
    %swap3A_92 = tpu.vector_load %arg10[%swap3A_90, %swap3A_91] {strides = array<i32>} : memref<79x128xi32, #tpu.memory_space<vmem>>, vector<16xi32>,
    tpu.vector_store %arg10[%swap3A_90, %swap3A_91], %broadcast_in_dim3A_88 {strides = array<i32>} : memref<79x128xi32, #tpu.memory_space<vmem>>, vector<16xi32>,
    %broadcast_in_dim3A_93 = arith.constant 0.000000e+00 : f32
    %broadcast_in_dim3A_94 = vector.broadcast %broadcast_in_dim3A_93 : f32 to vector<16xf32>
    %swap3A_95 = arith.constant 78 : i32
    %swap3A_96 = arith.index_cast %swap3A_95 : i32 to index
    %swap3A_97 = arith.constant 64 : index
    %swap3A_98 = tpu.vector_load %arg9[%swap3A_96, %swap3A_97] {strides = array<i32>} : memref<79x128xf32, #tpu.memory_space<vmem>>, vector<16xf32>,
    tpu.vector_store %arg9[%swap3A_96, %swap3A_97], %broadcast_in_dim3A_94 {strides = array<i32>} : memref<79x128xf32, #tpu.memory_space<vmem>>, vector<16xf32>,
    %broadcast_in_dim3A_99 = arith.constant 0 : i32
    %broadcast_in_dim3A_100 = vector.broadcast %broadcast_in_dim3A_99 : i32 to vector<16xi32>
    %swap3A_101 = arith.constant 78 : i32
    %swap3A_102 = arith.index_cast %swap3A_101 : i32 to index
    %swap3A_103 = arith.constant 64 : index
    %swap3A_104 = tpu.vector_load %arg10[%swap3A_102, %swap3A_103] {strides = array<i32>} : memref<79x128xi32, #tpu.memory_space<vmem>>, vector<16xi32>,
    tpu.vector_store %arg10[%swap3A_102, %swap3A_103], %broadcast_in_dim3A_100 {strides = array<i32>} : memref<79x128xi32, #tpu.memory_space<vmem>>, vector<16xi32>,
    %broadcast_in_dim3A_105 = arith.constant 0.000000e+00 : f32
    %broadcast_in_dim3A_106 = vector.broadcast %broadcast_in_dim3A_105 : f32 to vector<16xf32>
    %swap3A_107 = arith.constant 78 : i32
    %swap3A_108 = arith.index_cast %swap3A_107 : i32 to index
    %swap3A_109 = arith.constant 80 : index
    %swap3A_110 = tpu.vector_load %arg9[%swap3A_108, %swap3A_109] {strides = array<i32>} : memref<79x128xf32, #tpu.memory_space<vmem>>, vector<16xf32>,
    tpu.vector_store %arg9[%swap3A_108, %swap3A_109], %broadcast_in_dim3A_106 {strides = array<i32>} : memref<79x128xf32, #tpu.memory_space<vmem>>, vector<16xf32>,
    %broadcast_in_dim3A_111 = arith.constant 0 : i32
    %broadcast_in_dim3A_112 = vector.broadcast %broadcast_in_dim3A_111 : i32 to vector<16xi32>
    %swap3A_113 = arith.constant 78 : i32
    %swap3A_114 = arith.index_cast %swap3A_113 : i32 to index
    %swap3A_115 = arith.constant 80 : index
    %swap3A_116 = tpu.vector_load %arg10[%swap3A_114, %swap3A_115] {strides = array<i32>} : memref<79x128xi32, #tpu.memory_space<vmem>>, vector<16xi32>,
    tpu.vector_store %arg10[%swap3A_114, %swap3A_115], %broadcast_in_dim3A_112 {strides = array<i32>} : memref<79x128xi32, #tpu.memory_space<vmem>>, vector<16xi32>,
    %broadcast_in_dim3A_117 = arith.constant 0.000000e+00 : f32
    %broadcast_in_dim3A_118 = vector.broadcast %broadcast_in_dim3A_117 : f32 to vector<16xf32>
    %swap3A_119 = arith.constant 78 : i32
    %swap3A_120 = arith.index_cast %swap3A_119 : i32 to index
    %swap3A_121 = arith.constant 96 : index
    %swap3A_122 = tpu.vector_load %arg9[%swap3A_120, %swap3A_121] {strides = array<i32>} : memref<79x128xf32, #tpu.memory_space<vmem>>, vector<16xf32>,
    tpu.vector_store %arg9[%swap3A_120, %swap3A_121], %broadcast_in_dim3A_118 {strides = array<i32>} : memref<79x128xf32, #tpu.memory_space<vmem>>, vector<16xf32>,
    %broadcast_in_dim3A_123 = arith.constant 0 : i32
    %broadcast_in_dim3A_124 = vector.broadcast %broadcast_in_dim3A_123 : i32 to vector<16xi32>
    %swap3A_125 = arith.constant 78 : i32
    %swap3A_126 = arith.index_cast %swap3A_125 : i32 to index
    %swap3A_127 = arith.constant 96 : index
    %swap3A_128 = tpu.vector_load %arg10[%swap3A_126, %swap3A_127] {strides = array<i32>} : memref<79x128xi32, #tpu.memory_space<vmem>>, vector<16xi32>,
    tpu.vector_store %arg10[%swap3A_126, %swap3A_127], %broadcast_in_dim3A_124 {strides = array<i32>} : memref<79x128xi32, #tpu.memory_space<vmem>>, vector<16xi32>,
    %broadcast_in_dim3A_129 = arith.constant 0.000000e+00 : f32
    %broadcast_in_dim3A_130 = vector.broadcast %broadcast_in_dim3A_129 : f32 to vector<16xf32>
    %swap3A_131 = arith.constant 78 : i32
    %swap3A_132 = arith.index_cast %swap3A_131 : i32 to index
    %swap3A_133 = arith.constant 112 : index
    %swap3A_134 = tpu.vector_load %arg9[%swap3A_132, %swap3A_133] {strides = array<i32>} : memref<79x128xf32, #tpu.memory_space<vmem>>, vector<16xf32>,
    tpu.vector_store %arg9[%swap3A_132, %swap3A_133], %broadcast_in_dim3A_130 {strides = array<i32>} : memref<79x128xf32, #tpu.memory_space<vmem>>, vector<16xf32>,
    %broadcast_in_dim3A_135 = arith.constant 0 : i32
    %broadcast_in_dim3A_136 = vector.broadcast %broadcast_in_dim3A_135 : i32 to vector<16xi32>
    %swap3A_137 = arith.constant 78 : i32
    %swap3A_138 = arith.index_cast %swap3A_137 : i32 to index
    %swap3A_139 = arith.constant 112 : index
    %swap3A_140 = tpu.vector_load %arg10[%swap3A_138, %swap3A_139] {strides = array<i32>} : memref<79x128xi32, #tpu.memory_space<vmem>>, vector<16xi32>,
    tpu.vector_store %arg10[%swap3A_138, %swap3A_139], %broadcast_in_dim3A_136 {strides = array<i32>} : memref<79x128xi32, #tpu.memory_space<vmem>>, vector<16xi32>,
    %dma_wait3A = arith.constant 0 : i32
    %dma_wait3A_141 = tpu.memref_slice %arg2[%dma_wait3A, %multiple_of3A] : memref<2x320000xi32, #tpu.memory_space<hbm>> -> memref<2x10112xi32, #tpu.memory_space<hbm>>
    %dma_wait3A_142 = arith.constant 0 : i32
    %dma_wait3A_143 = tpu.memref_slice %arg2[%dma_wait3A_142, %multiple_of3A] : memref<2x320000xi32, #tpu.memory_space<hbm>> -> memref<2x10112xi32, #tpu.memory_space<hbm>>
    tpu.wait_dma2 semaphore(%arg14 : memref<!tpu.dma_semaphore, #tpu.memory_space<semaphore_mem>>) src(%dma_wait3A_143 : memref<2x10112xi32, #tpu.memory_space<hbm>>) dst(%arg6 : memref<2x10112xi32, #tpu.memory_space<vmem>>)
    %dma_wait3A_144 = arith.constant 0 : i32
    %dma_wait3A_145 = arith.constant 0 : i32
    %dma_wait3A_146 = tpu.memref_slice %arg3[%dma_wait3A_144, %dma_wait3A_145] : memref<4x10000xf32, #tpu.memory_space<hbm>> -> memref<1x10000xf32, #tpu.memory_space<hbm>>
    %dma_wait3A_147 = tpu.memref_squeeze %dma_wait3A_146 : memref<1x10000xf32, #tpu.memory_space<hbm>> -> memref<10000xf32, #tpu.memory_space<hbm>>
    %dma_wait3A_148 = arith.constant 0 : i32
    %dma_wait3A_149 = tpu.memref_slice %arg3[%dma_wait3A_144, %dma_wait3A_148] : memref<4x10000xf32, #tpu.memory_space<hbm>> -> memref<1x10000xf32, #tpu.memory_space<hbm>>
    %dma_wait3A_150 = tpu.memref_squeeze %dma_wait3A_149 : memref<1x10000xf32, #tpu.memory_space<hbm>> -> memref<10000xf32, #tpu.memory_space<hbm>>
    tpu.wait_dma2 semaphore(%arg14 : memref<!tpu.dma_semaphore, #tpu.memory_space<semaphore_mem>>) src(%dma_wait3A_150 : memref<10000xf32, #tpu.memory_space<hbm>>) dst(%arg7 : memref<10000xf32, #tpu.memory_space<vmem>>)
    tpu.wait_dma2 semaphore(%arg14 : memref<!tpu.dma_semaphore, #tpu.memory_space<semaphore_mem>>) src(%arg4 : memref<10000xi32, #tpu.memory_space<hbm>>) dst(%arg8 : memref<10000xi32, #tpu.memory_space<vmem>>)
    %parallel_loop3A_151 = arith.constant 0 : i32
    %parallel_loop3A_152 = arith.constant 312 : i32
    %parallel_loop3A_153 = arith.constant 1 : i32
    scf.for %parallel_loop3A_1806 = %parallel_loop3A_151 to %parallel_loop3A_152 step %parallel_loop3A_153  : i32 {
      %parallel_loop3A_1807 = arith.constant 16 : i32
      %parallel_loop3A_1808 = arith.muli %parallel_loop3A_1806, %parallel_loop3A_1807 : i32
      %parallel_loop3A_1809 = arith.addi %sub3A_22, %parallel_loop3A_1808 : i32
      %parallel_loop3A_1810 = tpu.assume_multiple %parallel_loop3A_1809, 16 : i32
      %parallel_loop3A_1811 = arith.constant 0 : i32
      %parallel_loop3A_1812 = arith.index_cast %parallel_loop3A_1811 : i32 to index
      %parallel_loop3A_1813 = arith.index_cast %parallel_loop3A_1810 : i32 to index
      %parallel_loop3A_1814 = tpu.vector_load %arg6[%parallel_loop3A_1812, %parallel_loop3A_1813] {strides = array<i32>} : memref<2x10112xi32, #tpu.memory_space<vmem>>, vector<16xi32>,
      %parallel_loop3A_1815 = arith.constant 1 : i32
      %parallel_loop3A_1816 = arith.index_cast %parallel_loop3A_1815 : i32 to index
      %parallel_loop3A_1817 = arith.index_cast %parallel_loop3A_1810 : i32 to index
      %parallel_loop3A_1818 = tpu.vector_load %arg6[%parallel_loop3A_1816, %parallel_loop3A_1817] {strides = array<i32>} : memref<2x10112xi32, #tpu.memory_space<vmem>>, vector<16xi32>,
      %parallel_loop3A_1819 = tpu.vector_load_idx %arg7[%parallel_loop3A_1818] : memref<10000xf32, #tpu.memory_space<vmem>>[vector<16xi32>], vector<16xf32>,
      %parallel_loop3A_1820 = tpu.vector_load_idx %arg8[%parallel_loop3A_1818] : memref<10000xi32, #tpu.memory_space<vmem>>[vector<16xi32>], vector<16xi32>,
      %parallel_loop3A_1821 = arith.constant 64 : i32
      %parallel_loop3A_1822 = vector.broadcast %parallel_loop3A_1821 : i32 to vector<16xi32>
      %parallel_loop3A_1823 = arith.muli %parallel_loop3A_1814, %parallel_loop3A_1822 : vector<16xi32>
      %parallel_loop3A_1824 = arith.addi %parallel_loop3A_1823, %parallel_loop3A_1820 : vector<16xi32>
      %parallel_loop3A_1825 = arith.constant 8 : i32
      %parallel_loop3A_1826 = arith.divsi %parallel_loop3A_1806, %parallel_loop3A_1825 : i32
      %parallel_loop3A_1827 = arith.constant 0 : i32
      %parallel_loop3A_1828 = arith.cmpi sgt, %parallel_loop3A_1806, %parallel_loop3A_1827 : i32
      %parallel_loop3A_1829 = arith.extui %parallel_loop3A_1828 : i1 to i32
      %parallel_loop3A_1830 = arith.constant 0 : i32
      %parallel_loop3A_1831 = arith.cmpi slt, %parallel_loop3A_1806, %parallel_loop3A_1830 : i32
      %parallel_loop3A_1832 = arith.extui %parallel_loop3A_1831 : i1 to i32
      %parallel_loop3A_1833 = arith.subi %parallel_loop3A_1829, %parallel_loop3A_1832 : i32
      %parallel_loop3A_1834 = arith.constant 0 : i32
      %parallel_loop3A_1835 = arith.cmpi sgt, %parallel_loop3A_1825, %parallel_loop3A_1834 : i32
      %parallel_loop3A_1836 = arith.extui %parallel_loop3A_1835 : i1 to i32
      %parallel_loop3A_1837 = arith.constant 0 : i32
      %parallel_loop3A_1838 = arith.cmpi slt, %parallel_loop3A_1825, %parallel_loop3A_1837 : i32
      %parallel_loop3A_1839 = arith.extui %parallel_loop3A_1838 : i1 to i32
      %parallel_loop3A_1840 = arith.subi %parallel_loop3A_1836, %parallel_loop3A_1839 : i32
      %parallel_loop3A_1841 = arith.cmpi ne, %parallel_loop3A_1833, %parallel_loop3A_1840 : i32
      %parallel_loop3A_1842 = arith.remsi %parallel_loop3A_1806, %parallel_loop3A_1825 : i32
      %parallel_loop3A_1843 = arith.constant 0 : i32
      %parallel_loop3A_1844 = arith.cmpi ne, %parallel_loop3A_1842, %parallel_loop3A_1843 : i32
      %parallel_loop3A_1845 = arith.andi %parallel_loop3A_1841, %parallel_loop3A_1844 : i1
      %parallel_loop3A_1846 = arith.constant 1 : i32
      %parallel_loop3A_1847 = arith.subi %parallel_loop3A_1826, %parallel_loop3A_1846 : i32
      %parallel_loop3A_1848 = arith.select %parallel_loop3A_1845, %parallel_loop3A_1847, %parallel_loop3A_1826 : i32
      %parallel_loop3A_1849 = arith.constant 8 : i32
      %parallel_loop3A_1850 = arith.constant 0 : i32
      %parallel_loop3A_1851 = arith.cmpi eq, %parallel_loop3A_1849, %parallel_loop3A_1850 : i32
      %parallel_loop3A_1852 = arith.constant 1 : i32
      %parallel_loop3A_1853 = arith.select %parallel_loop3A_1851, %parallel_loop3A_1852, %parallel_loop3A_1849 : i32
      %parallel_loop3A_1854 = arith.remsi %parallel_loop3A_1806, %parallel_loop3A_1853 : i32
      %parallel_loop3A_1855 = arith.constant 0 : i32
      %parallel_loop3A_1856 = arith.cmpi ne, %parallel_loop3A_1854, %parallel_loop3A_1855 : i32
      %parallel_loop3A_1857 = arith.constant 0 : i32
      %parallel_loop3A_1858 = arith.cmpi slt, %parallel_loop3A_1854, %parallel_loop3A_1857 : i32
      %parallel_loop3A_1859 = arith.constant 0 : i32
      %parallel_loop3A_1860 = arith.cmpi slt, %parallel_loop3A_1853, %parallel_loop3A_1859 : i32
      %parallel_loop3A_1861 = arith.xori %parallel_loop3A_1858, %parallel_loop3A_1860 : i1
      %parallel_loop3A_1862 = arith.andi %parallel_loop3A_1861, %parallel_loop3A_1856 : i1
      %parallel_loop3A_1863 = arith.addi %parallel_loop3A_1854, %parallel_loop3A_1853 : i32
      %parallel_loop3A_1864 = arith.select %parallel_loop3A_1862, %parallel_loop3A_1863, %parallel_loop3A_1854 : i32
      %parallel_loop3A_1865 = arith.constant 16 : i32
      %parallel_loop3A_1866 = arith.muli %parallel_loop3A_1864, %parallel_loop3A_1865 : i32
      %parallel_loop3A_1867 = arith.index_cast %parallel_loop3A_1848 : i32 to index
      %parallel_loop3A_1868 = arith.index_cast %parallel_loop3A_1866 : i32 to index
      %parallel_loop3A_1869 = tpu.vector_load %arg9[%parallel_loop3A_1867, %parallel_loop3A_1868] {strides = array<i32>} : memref<79x128xf32, #tpu.memory_space<vmem>>, vector<16xf32>,
      tpu.vector_store %arg9[%parallel_loop3A_1867, %parallel_loop3A_1868], %parallel_loop3A_1819 {strides = array<i32>} : memref<79x128xf32, #tpu.memory_space<vmem>>, vector<16xf32>,
      %parallel_loop3A_1870 = arith.index_cast %parallel_loop3A_1848 : i32 to index
      %parallel_loop3A_1871 = arith.index_cast %parallel_loop3A_1866 : i32 to index
      %parallel_loop3A_1872 = tpu.vector_load %arg10[%parallel_loop3A_1870, %parallel_loop3A_1871] {strides = array<i32>} : memref<79x128xi32, #tpu.memory_space<vmem>>, vector<16xi32>,
      tpu.vector_store %arg10[%parallel_loop3A_1870, %parallel_loop3A_1871], %parallel_loop3A_1824 {strides = array<i32>} : memref<79x128xi32, #tpu.memory_space<vmem>>, vector<16xi32>,
    } {sc.loop_unroll_factor = 8 : i64, sc.parallel_access}
    %dma_wait3A_154 = tpu.memref_slice %arg13[%add3A_38] : memref<640000xf32, #tpu.memory_space<vmem_shared>> -> memref<10000xf32, #tpu.memory_space<vmem_shared>>
    %dma_wait3A_155 = tpu.memref_slice %arg13[%add3A_38] : memref<640000xf32, #tpu.memory_space<vmem_shared>> -> memref<10000xf32, #tpu.memory_space<vmem_shared>>
    tpu.wait_dma2 semaphore(%arg15 : memref<!tpu.dma_semaphore, #tpu.memory_space<semaphore_mem>>) src(%arg11 : memref<10000xf32, #tpu.memory_space<vmem>>) dst(%dma_wait3A_155 : memref<10000xf32, #tpu.memory_space<vmem_shared>>)
    %dma_wait3A_156 = tpu.memref_slice %arg13[%add3A_44] : memref<640000xf32, #tpu.memory_space<vmem_shared>> -> memref<10000xf32, #tpu.memory_space<vmem_shared>>
    %dma_wait3A_157 = tpu.memref_slice %arg13[%add3A_44] : memref<640000xf32, #tpu.memory_space<vmem_shared>> -> memref<10000xf32, #tpu.memory_space<vmem_shared>>
    tpu.wait_dma2 semaphore(%arg15 : memref<!tpu.dma_semaphore, #tpu.memory_space<semaphore_mem>>) src(%arg11 : memref<10000xf32, #tpu.memory_space<vmem>>) dst(%dma_wait3A_157 : memref<10000xf32, #tpu.memory_space<vmem_shared>>)
    %dma_wait3A_158 = tpu.memref_slice %arg13[%add3A_50] : memref<640000xf32, #tpu.memory_space<vmem_shared>> -> memref<10000xf32, #tpu.memory_space<vmem_shared>>
    %dma_wait3A_159 = tpu.memref_slice %arg13[%add3A_50] : memref<640000xf32, #tpu.memory_space<vmem_shared>> -> memref<10000xf32, #tpu.memory_space<vmem_shared>>
    tpu.wait_dma2 semaphore(%arg15 : memref<!tpu.dma_semaphore, #tpu.memory_space<semaphore_mem>>) src(%arg11 : memref<10000xf32, #tpu.memory_space<vmem>>) dst(%dma_wait3A_159 : memref<10000xf32, #tpu.memory_space<vmem_shared>>)
    %dma_wait3A_160 = tpu.memref_slice %arg13[%add3A_56] : memref<640000xf32, #tpu.memory_space<vmem_shared>> -> memref<10000xf32, #tpu.memory_space<vmem_shared>>
    %dma_wait3A_161 = tpu.memref_slice %arg13[%add3A_56] : memref<640000xf32, #tpu.memory_space<vmem_shared>> -> memref<10000xf32, #tpu.memory_space<vmem_shared>>
    tpu.wait_dma2 semaphore(%arg15 : memref<!tpu.dma_semaphore, #tpu.memory_space<semaphore_mem>>) src(%arg11 : memref<10000xf32, #tpu.memory_space<vmem>>) dst(%dma_wait3A_161 : memref<10000xf32, #tpu.memory_space<vmem_shared>>)
    %barrier3A = arith.constant 0 : index
    tpu.barrier barrier_id(%barrier3A)
    %dma_start3A_162 = arith.constant 0 : i32
    %dma_start3A_163 = arith.constant 0 : i32
    %dma_start3A_164 = arith.constant 0 : i32
    %dma_start3A_165 = tpu.memref_slice %arg9[%dma_start3A_162, %dma_start3A_164] : memref<79x128xf32, #tpu.memory_space<vmem>> -> memref<1x128xf32, #tpu.memory_space<vmem>>
    %dma_start3A_166 = tpu.memref_squeeze %dma_start3A_165 : memref<1x128xf32, #tpu.memory_space<vmem>> -> memref<128xf32, #tpu.memory_space<vmem>>
    %dma_start3A_167 = arith.constant 0 : i32
    %dma_start3A_168 = tpu.memref_slice %arg10[%dma_start3A_163, %dma_start3A_167] : memref<79x128xi32, #tpu.memory_space<vmem>> -> memref<1x128xi32, #tpu.memory_space<vmem>>
    %dma_start3A_169 = tpu.memref_squeeze %dma_start3A_168 : memref<1x128xi32, #tpu.memory_space<vmem>> -> memref<128xi32, #tpu.memory_space<vmem>>
    %dma_start3A_170 = arith.constant 0 : i32
    %dma_start3A_171 = tpu.memref_slice %arg13[%dma_start3A_170] : memref<640000xf32, #tpu.memory_space<vmem_shared>> -> memref<640000xf32, #tpu.memory_space<vmem_shared>>
    tpu.enqueue_indirect_dma source(%dma_start3A_166 : memref<128xf32, #tpu.memory_space<vmem>>) target(%dma_start3A_171 : memref<640000xf32, #tpu.memory_space<vmem_shared>>) offsets(%dma_start3A_169 : memref<128xi32, #tpu.memory_space<vmem>>) semaphore(%arg16 : memref<!tpu.dma_semaphore, #tpu.memory_space<semaphore_mem>>) {add = true}
    %dma_start3A_172 = arith.constant 1 : i32
    %dma_start3A_173 = arith.constant 1 : i32
    %dma_start3A_174 = arith.constant 0 : i32
    %dma_start3A_175 = tpu.memref_slice %arg9[%dma_start3A_172, %dma_start3A_174] : memref<79x128xf32, #tpu.memory_space<vmem>> -> memref<1x128xf32, #tpu.memory_space<vmem>>
    %dma_start3A_176 = tpu.memref_squeeze %dma_start3A_175 : memref<1x128xf32, #tpu.memory_space<vmem>> -> memref<128xf32, #tpu.memory_space<vmem>>
    %dma_start3A_177 = arith.constant 0 : i32
    %dma_start3A_178 = tpu.memref_slice %arg10[%dma_start3A_173, %dma_start3A_177] : memref<79x128xi32, #tpu.memory_space<vmem>> -> memref<1x128xi32, #tpu.memory_space<vmem>>
    %dma_start3A_179 = tpu.memref_squeeze %dma_start3A_178 : memref<1x128xi32, #tpu.memory_space<vmem>> -> memref<128xi32, #tpu.memory_space<vmem>>
    %dma_start3A_180 = arith.constant 0 : i32
    %dma_start3A_181 = tpu.memref_slice %arg13[%dma_start3A_180] : memref<640000xf32, #tpu.memory_space<vmem_shared>> -> memref<640000xf32, #tpu.memory_space<vmem_shared>>
    tpu.enqueue_indirect_dma source(%dma_start3A_176 : memref<128xf32, #tpu.memory_space<vmem>>) target(%dma_start3A_181 : memref<640000xf32, #tpu.memory_space<vmem_shared>>) offsets(%dma_start3A_179 : memref<128xi32, #tpu.memory_space<vmem>>) semaphore(%arg16 : memref<!tpu.dma_semaphore, #tpu.memory_space<semaphore_mem>>) {add = true}
    %dma_start3A_182 = arith.constant 2 : i32
    %dma_start3A_183 = arith.constant 2 : i32
    %dma_start3A_184 = arith.constant 0 : i32
    %dma_start3A_185 = tpu.memref_slice %arg9[%dma_start3A_182, %dma_start3A_184] : memref<79x128xf32, #tpu.memory_space<vmem>> -> memref<1x128xf32, #tpu.memory_space<vmem>>
    %dma_start3A_186 = tpu.memref_squeeze %dma_start3A_185 : memref<1x128xf32, #tpu.memory_space<vmem>> -> memref<128xf32, #tpu.memory_space<vmem>>
    %dma_start3A_187 = arith.constant 0 : i32
    %dma_start3A_188 = tpu.memref_slice %arg10[%dma_start3A_183, %dma_start3A_187] : memref<79x128xi32, #tpu.memory_space<vmem>> -> memref<1x128xi32, #tpu.memory_space<vmem>>
    %dma_start3A_189 = tpu.memref_squeeze %dma_start3A_188 : memref<1x128xi32, #tpu.memory_space<vmem>> -> memref<128xi32, #tpu.memory_space<vmem>>
    %dma_start3A_190 = arith.constant 0 : i32
    %dma_start3A_191 = tpu.memref_slice %arg13[%dma_start3A_190] : memref<640000xf32, #tpu.memory_space<vmem_shared>> -> memref<640000xf32, #tpu.memory_space<vmem_shared>>
    tpu.enqueue_indirect_dma source(%dma_start3A_186 : memref<128xf32, #tpu.memory_space<vmem>>) target(%dma_start3A_191 : memref<640000xf32, #tpu.memory_space<vmem_shared>>) offsets(%dma_start3A_189 : memref<128xi32, #tpu.memory_space<vmem>>) semaphore(%arg16 : memref<!tpu.dma_semaphore, #tpu.memory_space<semaphore_mem>>) {add = true}
    %dma_start3A_192 = arith.constant 3 : i32
    %dma_start3A_193 = arith.constant 3 : i32
    %dma_start3A_194 = arith.constant 0 : i32
    %dma_start3A_195 = tpu.memref_slice %arg9[%dma_start3A_192, %dma_start3A_194] : memref<79x128xf32, #tpu.memory_space<vmem>> -> memref<1x128xf32, #tpu.memory_space<vmem>>
    %dma_start3A_196 = tpu.memref_squeeze %dma_start3A_195 : memref<1x128xf32, #tpu.memory_space<vmem>> -> memref<128xf32, #tpu.memory_space<vmem>>
    %dma_start3A_197 = arith.constant 0 : i32
    %dma_start3A_198 = tpu.memref_slice %arg10[%dma_start3A_193, %dma_start3A_197] : memref<79x128xi32, #tpu.memory_space<vmem>> -> memref<1x128xi32, #tpu.memory_space<vmem>>
    %dma_start3A_199 = tpu.memref_squeeze %dma_start3A_198 : memref<1x128xi32, #tpu.memory_space<vmem>> -> memref<128xi32, #tpu.memory_space<vmem>>
    %dma_start3A_200 = arith.constant 0 : i32
    %dma_start3A_201 = tpu.memref_slice %arg13[%dma_start3A_200] : memref<640000xf32, #tpu.memory_space<vmem_shared>> -> memref<640000xf32, #tpu.memory_space<vmem_shared>>
    tpu.enqueue_indirect_dma source(%dma_start3A_196 : memref<128xf32, #tpu.memory_space<vmem>>) target(%dma_start3A_201 : memref<640000xf32, #tpu.memory_space<vmem_shared>>) offsets(%dma_start3A_199 : memref<128xi32, #tpu.memory_space<vmem>>) semaphore(%arg16 : memref<!tpu.dma_semaphore, #tpu.memory_space<semaphore_mem>>) {add = true}
    %dma_start3A_202 = arith.constant 4 : i32
    %dma_start3A_203 = arith.constant 4 : i32
    %dma_start3A_204 = arith.constant 0 : i32
    %dma_start3A_205 = tpu.memref_slice %arg9[%dma_start3A_202, %dma_start3A_204] : memref<79x128xf32, #tpu.memory_space<vmem>> -> memref<1x128xf32, #tpu.memory_space<vmem>>
    %dma_start3A_206 = tpu.memref_squeeze %dma_start3A_205 : memref<1x128xf32, #tpu.memory_space<vmem>> -> memref<128xf32, #tpu.memory_space<vmem>>
    %dma_start3A_207 = arith.constant 0 : i32
    %dma_start3A_208 = tpu.memref_slice %arg10[%dma_start3A_203, %dma_start3A_207] : memref<79x128xi32, #tpu.memory_space<vmem>> -> memref<1x128xi32, #tpu.memory_space<vmem>>
    %dma_start3A_209 = tpu.memref_squeeze %dma_start3A_208 : memref<1x128xi32, #tpu.memory_space<vmem>> -> memref<128xi32, #tpu.memory_space<vmem>>
    %dma_start3A_210 = arith.constant 0 : i32
    %dma_start3A_211 = tpu.memref_slice %arg13[%dma_start3A_210] : memref<640000xf32, #tpu.memory_space<vmem_shared>> -> memref<640000xf32, #tpu.memory_space<vmem_shared>>
    tpu.enqueue_indirect_dma source(%dma_start3A_206 : memref<128xf32, #tpu.memory_space<vmem>>) target(%dma_start3A_211 : memref<640000xf32, #tpu.memory_space<vmem_shared>>) offsets(%dma_start3A_209 : memref<128xi32, #tpu.memory_space<vmem>>) semaphore(%arg16 : memref<!tpu.dma_semaphore, #tpu.memory_space<semaphore_mem>>) {add = true}
    %dma_start3A_212 = arith.constant 5 : i32
    %dma_start3A_213 = arith.constant 5 : i32
    %dma_start3A_214 = arith.constant 0 : i32
    %dma_start3A_215 = tpu.memref_slice %arg9[%dma_start3A_212, %dma_start3A_214] : memref<79x128xf32, #tpu.memory_space<vmem>> -> memref<1x128xf32, #tpu.memory_space<vmem>>
    %dma_start3A_216 = tpu.memref_squeeze %dma_start3A_215 : memref<1x128xf32, #tpu.memory_space<vmem>> -> memref<128xf32, #tpu.memory_space<vmem>>
    %dma_start3A_217 = arith.constant 0 : i32
    %dma_start3A_218 = tpu.memref_slice %arg10[%dma_start3A_213, %dma_start3A_217] : memref<79x128xi32, #tpu.memory_space<vmem>> -> memref<1x128xi32, #tpu.memory_space<vmem>>
    %dma_start3A_219 = tpu.memref_squeeze %dma_start3A_218 : memref<1x128xi32, #tpu.memory_space<vmem>> -> memref<128xi32, #tpu.memory_space<vmem>>
    %dma_start3A_220 = arith.constant 0 : i32
    %dma_start3A_221 = tpu.memref_slice %arg13[%dma_start3A_220] : memref<640000xf32, #tpu.memory_space<vmem_shared>> -> memref<640000xf32, #tpu.memory_space<vmem_shared>>
    tpu.enqueue_indirect_dma source(%dma_start3A_216 : memref<128xf32, #tpu.memory_space<vmem>>) target(%dma_start3A_221 : memref<640000xf32, #tpu.memory_space<vmem_shared>>) offsets(%dma_start3A_219 : memref<128xi32, #tpu.memory_space<vmem>>) semaphore(%arg16 : memref<!tpu.dma_semaphore, #tpu.memory_space<semaphore_mem>>) {add = true}
    %dma_start3A_222 = arith.constant 6 : i32
    %dma_start3A_223 = arith.constant 6 : i32
    %dma_start3A_224 = arith.constant 0 : i32
    %dma_start3A_225 = tpu.memref_slice %arg9[%dma_start3A_222, %dma_start3A_224] : memref<79x128xf32, #tpu.memory_space<vmem>> -> memref<1x128xf32, #tpu.memory_space<vmem>>
    %dma_start3A_226 = tpu.memref_squeeze %dma_start3A_225 : memref<1x128xf32, #tpu.memory_space<vmem>> -> memref<128xf32, #tpu.memory_space<vmem>>
    %dma_start3A_227 = arith.constant 0 : i32
    %dma_start3A_228 = tpu.memref_slice %arg10[%dma_start3A_223, %dma_start3A_227] : memref<79x128xi32, #tpu.memory_space<vmem>> -> memref<1x128xi32, #tpu.memory_space<vmem>>
    %dma_start3A_229 = tpu.memref_squeeze %dma_start3A_228 : memref<1x128xi32, #tpu.memory_space<vmem>> -> memref<128xi32, #tpu.memory_space<vmem>>
    %dma_start3A_230 = arith.constant 0 : i32
    %dma_start3A_231 = tpu.memref_slice %arg13[%dma_start3A_230] : memref<640000xf32, #tpu.memory_space<vmem_shared>> -> memref<640000xf32, #tpu.memory_space<vmem_shared>>
    tpu.enqueue_indirect_dma source(%dma_start3A_226 : memref<128xf32, #tpu.memory_space<vmem>>) target(%dma_start3A_231 : memref<640000xf32, #tpu.memory_space<vmem_shared>>) offsets(%dma_start3A_229 : memref<128xi32, #tpu.memory_space<vmem>>) semaphore(%arg16 : memref<!tpu.dma_semaphore, #tpu.memory_space<semaphore_mem>>) {add = true}
    %dma_start3A_232 = arith.constant 7 : i32
    %dma_start3A_233 = arith.constant 7 : i32
    %dma_start3A_234 = arith.constant 0 : i32
    %dma_start3A_235 = tpu.memref_slice %arg9[%dma_start3A_232, %dma_start3A_234] : memref<79x128xf32, #tpu.memory_space<vmem>> -> memref<1x128xf32, #tpu.memory_space<vmem>>
    %dma_start3A_236 = tpu.memref_squeeze %dma_start3A_235 : memref<1x128xf32, #tpu.memory_space<vmem>> -> memref<128xf32, #tpu.memory_space<vmem>>
    %dma_start3A_237 = arith.constant 0 : i32
    %dma_start3A_238 = tpu.memref_slice %arg10[%dma_start3A_233, %dma_start3A_237] : memref<79x128xi32, #tpu.memory_space<vmem>> -> memref<1x128xi32, #tpu.memory_space<vmem>>
    %dma_start3A_239 = tpu.memref_squeeze %dma_start3A_238 : memref<1x128xi32, #tpu.memory_space<vmem>> -> memref<128xi32, #tpu.memory_space<vmem>>
    %dma_start3A_240 = arith.constant 0 : i32
    %dma_start3A_241 = tpu.memref_slice %arg13[%dma_start3A_240] : memref<640000xf32, #tpu.memory_space<vmem_shared>> -> memref<640000xf32, #tpu.memory_space<vmem_shared>>
    tpu.enqueue_indirect_dma source(%dma_start3A_236 : memref<128xf32, #tpu.memory_space<vmem>>) target(%dma_start3A_241 : memref<640000xf32, #tpu.memory_space<vmem_shared>>) offsets(%dma_start3A_239 : memref<128xi32, #tpu.memory_space<vmem>>) semaphore(%arg16 : memref<!tpu.dma_semaphore, #tpu.memory_space<semaphore_mem>>) {add = true}
    %dma_start3A_242 = arith.constant 8 : i32
    %dma_start3A_243 = arith.constant 8 : i32
    %dma_start3A_244 = arith.constant 0 : i32
    %dma_start3A_245 = tpu.memref_slice %arg9[%dma_start3A_242, %dma_start3A_244] : memref<79x128xf32, #tpu.memory_space<vmem>> -> memref<1x128xf32, #tpu.memory_space<vmem>>
    %dma_start3A_246 = tpu.memref_squeeze %dma_start3A_245 : memref<1x128xf32, #tpu.memory_space<vmem>> -> memref<128xf32, #tpu.memory_space<vmem>>
    %dma_start3A_247 = arith.constant 0 : i32
    %dma_start3A_248 = tpu.memref_slice %arg10[%dma_start3A_243, %dma_start3A_247] : memref<79x128xi32, #tpu.memory_space<vmem>> -> memref<1x128xi32, #tpu.memory_space<vmem>>
    %dma_start3A_249 = tpu.memref_squeeze %dma_start3A_248 : memref<1x128xi32, #tpu.memory_space<vmem>> -> memref<128xi32, #tpu.memory_space<vmem>>
    %dma_start3A_250 = arith.constant 0 : i32
    %dma_start3A_251 = tpu.memref_slice %arg13[%dma_start3A_250] : memref<640000xf32, #tpu.memory_space<vmem_shared>> -> memref<640000xf32, #tpu.memory_space<vmem_shared>>
    tpu.enqueue_indirect_dma source(%dma_start3A_246 : memref<128xf32, #tpu.memory_space<vmem>>) target(%dma_start3A_251 : memref<640000xf32, #tpu.memory_space<vmem_shared>>) offsets(%dma_start3A_249 : memref<128xi32, #tpu.memory_space<vmem>>) semaphore(%arg16 : memref<!tpu.dma_semaphore, #tpu.memory_space<semaphore_mem>>) {add = true}
    %dma_start3A_252 = arith.constant 9 : i32
    %dma_start3A_253 = arith.constant 9 : i32
    %dma_start3A_254 = arith.constant 0 : i32
    %dma_start3A_255 = tpu.memref_slice %arg9[%dma_start3A_252, %dma_start3A_254] : memref<79x128xf32, #tpu.memory_space<vmem>> -> memref<1x128xf32, #tpu.memory_space<vmem>>
    %dma_start3A_256 = tpu.memref_squeeze %dma_start3A_255 : memref<1x128xf32, #tpu.memory_space<vmem>> -> memref<128xf32, #tpu.memory_space<vmem>>
    %dma_start3A_257 = arith.constant 0 : i32
    %dma_start3A_258 = tpu.memref_slice %arg10[%dma_start3A_253, %dma_start3A_257] : memref<79x128xi32, #tpu.memory_space<vmem>> -> memref<1x128xi32, #tpu.memory_space<vmem>>
    %dma_start3A_259 = tpu.memref_squeeze %dma_start3A_258 : memref<1x128xi32, #tpu.memory_space<vmem>> -> memref<128xi32, #tpu.memory_space<vmem>>
    %dma_start3A_260 = arith.constant 0 : i32
    %dma_start3A_261 = tpu.memref_slice %arg13[%dma_start3A_260] : memref<640000xf32, #tpu.memory_space<vmem_shared>> -> memref<640000xf32, #tpu.memory_space<vmem_shared>>
    tpu.enqueue_indirect_dma source(%dma_start3A_256 : memref<128xf32, #tpu.memory_space<vmem>>) target(%dma_start3A_261 : memref<640000xf32, #tpu.memory_space<vmem_shared>>) offsets(%dma_start3A_259 : memref<128xi32, #tpu.memory_space<vmem>>) semaphore(%arg16 : memref<!tpu.dma_semaphore, #tpu.memory_space<semaphore_mem>>) {add = true}
    %dma_start3A_262 = arith.constant 10 : i32
    %dma_start3A_263 = arith.constant 10 : i32
    %dma_start3A_264 = arith.constant 0 : i32
    %dma_start3A_265 = tpu.memref_slice %arg9[%dma_start3A_262, %dma_start3A_264] : memref<79x128xf32, #tpu.memory_space<vmem>> -> memref<1x128xf32, #tpu.memory_space<vmem>>
    %dma_start3A_266 = tpu.memref_squeeze %dma_start3A_265 : memref<1x128xf32, #tpu.memory_space<vmem>> -> memref<128xf32, #tpu.memory_space<vmem>>
    %dma_start3A_267 = arith.constant 0 : i32
    %dma_start3A_268 = tpu.memref_slice %arg10[%dma_start3A_263, %dma_start3A_267] : memref<79x128xi32, #tpu.memory_space<vmem>> -> memref<1x128xi32, #tpu.memory_space<vmem>>
    %dma_start3A_269 = tpu.memref_squeeze %dma_start3A_268 : memref<1x128xi32, #tpu.memory_space<vmem>> -> memref<128xi32, #tpu.memory_space<vmem>>
    %dma_start3A_270 = arith.constant 0 : i32
    %dma_start3A_271 = tpu.memref_slice %arg13[%dma_start3A_270] : memref<640000xf32, #tpu.memory_space<vmem_shared>> -> memref<640000xf32, #tpu.memory_space<vmem_shared>>
    tpu.enqueue_indirect_dma source(%dma_start3A_266 : memref<128xf32, #tpu.memory_space<vmem>>) target(%dma_start3A_271 : memref<640000xf32, #tpu.memory_space<vmem_shared>>) offsets(%dma_start3A_269 : memref<128xi32, #tpu.memory_space<vmem>>) semaphore(%arg16 : memref<!tpu.dma_semaphore, #tpu.memory_space<semaphore_mem>>) {add = true}
    %dma_start3A_272 = arith.constant 11 : i32
    %dma_start3A_273 = arith.constant 11 : i32
    %dma_start3A_274 = arith.constant 0 : i32
    %dma_start3A_275 = tpu.memref_slice %arg9[%dma_start3A_272, %dma_start3A_274] : memref<79x128xf32, #tpu.memory_space<vmem>> -> memref<1x128xf32, #tpu.memory_space<vmem>>
    %dma_start3A_276 = tpu.memref_squeeze %dma_start3A_275 : memref<1x128xf32, #tpu.memory_space<vmem>> -> memref<128xf32, #tpu.memory_space<vmem>>
    %dma_start3A_277 = arith.constant 0 : i32
    %dma_start3A_278 = tpu.memref_slice %arg10[%dma_start3A_273, %dma_start3A_277] : memref<79x128xi32, #tpu.memory_space<vmem>> -> memref<1x128xi32, #tpu.memory_space<vmem>>
    %dma_start3A_279 = tpu.memref_squeeze %dma_start3A_278 : memref<1x128xi32, #tpu.memory_space<vmem>> -> memref<128xi32, #tpu.memory_space<vmem>>
    %dma_start3A_280 = arith.constant 0 : i32
    %dma_start3A_281 = tpu.memref_slice %arg13[%dma_start3A_280] : memref<640000xf32, #tpu.memory_space<vmem_shared>> -> memref<640000xf32, #tpu.memory_space<vmem_shared>>
    tpu.enqueue_indirect_dma source(%dma_start3A_276 : memref<128xf32, #tpu.memory_space<vmem>>) target(%dma_start3A_281 : memref<640000xf32, #tpu.memory_space<vmem_shared>>) offsets(%dma_start3A_279 : memref<128xi32, #tpu.memory_space<vmem>>) semaphore(%arg16 : memref<!tpu.dma_semaphore, #tpu.memory_space<semaphore_mem>>) {add = true}
    %dma_start3A_282 = arith.constant 12 : i32
    %dma_start3A_283 = arith.constant 12 : i32
    %dma_start3A_284 = arith.constant 0 : i32
    %dma_start3A_285 = tpu.memref_slice %arg9[%dma_start3A_282, %dma_start3A_284] : memref<79x128xf32, #tpu.memory_space<vmem>> -> memref<1x128xf32, #tpu.memory_space<vmem>>
    %dma_start3A_286 = tpu.memref_squeeze %dma_start3A_285 : memref<1x128xf32, #tpu.memory_space<vmem>> -> memref<128xf32, #tpu.memory_space<vmem>>
    %dma_start3A_287 = arith.constant 0 : i32
    %dma_start3A_288 = tpu.memref_slice %arg10[%dma_start3A_283, %dma_start3A_287] : memref<79x128xi32, #tpu.memory_space<vmem>> -> memref<1x128xi32, #tpu.memory_space<vmem>>
    %dma_start3A_289 = tpu.memref_squeeze %dma_start3A_288 : memref<1x128xi32, #tpu.memory_space<vmem>> -> memref<128xi32, #tpu.memory_space<vmem>>
    %dma_start3A_290 = arith.constant 0 : i32
    %dma_start3A_291 = tpu.memref_slice %arg13[%dma_start3A_290] : memref<640000xf32, #tpu.memory_space<vmem_shared>> -> memref<640000xf32, #tpu.memory_space<vmem_shared>>
    tpu.enqueue_indirect_dma source(%dma_start3A_286 : memref<128xf32, #tpu.memory_space<vmem>>) target(%dma_start3A_291 : memref<640000xf32, #tpu.memory_space<vmem_shared>>) offsets(%dma_start3A_289 : memref<128xi32, #tpu.memory_space<vmem>>) semaphore(%arg16 : memref<!tpu.dma_semaphore, #tpu.memory_space<semaphore_mem>>) {add = true}
    %dma_start3A_292 = arith.constant 13 : i32
    %dma_start3A_293 = arith.constant 13 : i32
    %dma_start3A_294 = arith.constant 0 : i32
    %dma_start3A_295 = tpu.memref_slice %arg9[%dma_start3A_292, %dma_start3A_294] : memref<79x128xf32, #tpu.memory_space<vmem>> -> memref<1x128xf32, #tpu.memory_space<vmem>>
    %dma_start3A_296 = tpu.memref_squeeze %dma_start3A_295 : memref<1x128xf32, #tpu.memory_space<vmem>> -> memref<128xf32, #tpu.memory_space<vmem>>
    %dma_start3A_297 = arith.constant 0 : i32
    %dma_start3A_298 = tpu.memref_slice %arg10[%dma_start3A_293, %dma_start3A_297] : memref<79x128xi32, #tpu.memory_space<vmem>> -> memref<1x128xi32, #tpu.memory_space<vmem>>
    %dma_start3A_299 = tpu.memref_squeeze %dma_start3A_298 : memref<1x128xi32, #tpu.memory_space<vmem>> -> memref<128xi32, #tpu.memory_space<vmem>>
    %dma_start3A_300 = arith.constant 0 : i32
    %dma_start3A_301 = tpu.memref_slice %arg13[%dma_start3A_300] : memref<640000xf32, #tpu.memory_space<vmem_shared>> -> memref<640000xf32, #tpu.memory_space<vmem_shared>>
    tpu.enqueue_indirect_dma source(%dma_start3A_296 : memref<128xf32, #tpu.memory_space<vmem>>) target(%dma_start3A_301 : memref<640000xf32, #tpu.memory_space<vmem_shared>>) offsets(%dma_start3A_299 : memref<128xi32, #tpu.memory_space<vmem>>) semaphore(%arg16 : memref<!tpu.dma_semaphore, #tpu.memory_space<semaphore_mem>>) {add = true}
    %dma_start3A_302 = arith.constant 14 : i32
    %dma_start3A_303 = arith.constant 14 : i32
    %dma_start3A_304 = arith.constant 0 : i32
    %dma_start3A_305 = tpu.memref_slice %arg9[%dma_start3A_302, %dma_start3A_304] : memref<79x128xf32, #tpu.memory_space<vmem>> -> memref<1x128xf32, #tpu.memory_space<vmem>>
    %dma_start3A_306 = tpu.memref_squeeze %dma_start3A_305 : memref<1x128xf32, #tpu.memory_space<vmem>> -> memref<128xf32, #tpu.memory_space<vmem>>
    %dma_start3A_307 = arith.constant 0 : i32
    %dma_start3A_308 = tpu.memref_slice %arg10[%dma_start3A_303, %dma_start3A_307] : memref<79x128xi32, #tpu.memory_space<vmem>> -> memref<1x128xi32, #tpu.memory_space<vmem>>
    %dma_start3A_309 = tpu.memref_squeeze %dma_start3A_308 : memref<1x128xi32, #tpu.memory_space<vmem>> -> memref<128xi32, #tpu.memory_space<vmem>>
    %dma_start3A_310 = arith.constant 0 : i32
    %dma_start3A_311 = tpu.memref_slice %arg13[%dma_start3A_310] : memref<640000xf32, #tpu.memory_space<vmem_shared>> -> memref<640000xf32, #tpu.memory_space<vmem_shared>>
    tpu.enqueue_indirect_dma source(%dma_start3A_306 : memref<128xf32, #tpu.memory_space<vmem>>) target(%dma_start3A_311 : memref<640000xf32, #tpu.memory_space<vmem_shared>>) offsets(%dma_start3A_309 : memref<128xi32, #tpu.memory_space<vmem>>) semaphore(%arg16 : memref<!tpu.dma_semaphore, #tpu.memory_space<semaphore_mem>>) {add = true}
    %dma_start3A_312 = arith.constant 15 : i32
    %dma_start3A_313 = arith.constant 15 : i32
    %dma_start3A_314 = arith.constant 0 : i32
    %dma_start3A_315 = tpu.memref_slice %arg9[%dma_start3A_312, %dma_start3A_314] : memref<79x128xf32, #tpu.memory_space<vmem>> -> memref<1x128xf32, #tpu.memory_space<vmem>>
    %dma_start3A_316 = tpu.memref_squeeze %dma_start3A_315 : memref<1x128xf32, #tpu.memory_space<vmem>> -> memref<128xf32, #tpu.memory_space<vmem>>
    %dma_start3A_317 = arith.constant 0 : i32
    %dma_start3A_318 = tpu.memref_slice %arg10[%dma_start3A_313, %dma_start3A_317] : memref<79x128xi32, #tpu.memory_space<vmem>> -> memref<1x128xi32, #tpu.memory_space<vmem>>
    %dma_start3A_319 = tpu.memref_squeeze %dma_start3A_318 : memref<1x128xi32, #tpu.memory_space<vmem>> -> memref<128xi32, #tpu.memory_space<vmem>>
    %dma_start3A_320 = arith.constant 0 : i32
    %dma_start3A_321 = tpu.memref_slice %arg13[%dma_start3A_320] : memref<640000xf32, #tpu.memory_space<vmem_shared>> -> memref<640000xf32, #tpu.memory_space<vmem_shared>>
    tpu.enqueue_indirect_dma source(%dma_start3A_316 : memref<128xf32, #tpu.memory_space<vmem>>) target(%dma_start3A_321 : memref<640000xf32, #tpu.memory_space<vmem_shared>>) offsets(%dma_start3A_319 : memref<128xi32, #tpu.memory_space<vmem>>) semaphore(%arg16 : memref<!tpu.dma_semaphore, #tpu.memory_space<semaphore_mem>>) {add = true}
    %dma_start3A_322 = arith.constant 16 : i32
    %dma_start3A_323 = arith.constant 16 : i32
    %dma_start3A_324 = arith.constant 0 : i32
    %dma_start3A_325 = tpu.memref_slice %arg9[%dma_start3A_322, %dma_start3A_324] : memref<79x128xf32, #tpu.memory_space<vmem>> -> memref<1x128xf32, #tpu.memory_space<vmem>>
    %dma_start3A_326 = tpu.memref_squeeze %dma_start3A_325 : memref<1x128xf32, #tpu.memory_space<vmem>> -> memref<128xf32, #tpu.memory_space<vmem>>
    %dma_start3A_327 = arith.constant 0 : i32
    %dma_start3A_328 = tpu.memref_slice %arg10[%dma_start3A_323, %dma_start3A_327] : memref<79x128xi32, #tpu.memory_space<vmem>> -> memref<1x128xi32, #tpu.memory_space<vmem>>
    %dma_start3A_329 = tpu.memref_squeeze %dma_start3A_328 : memref<1x128xi32, #tpu.memory_space<vmem>> -> memref<128xi32, #tpu.memory_space<vmem>>
    %dma_start3A_330 = arith.constant 0 : i32
    %dma_start3A_331 = tpu.memref_slice %arg13[%dma_start3A_330] : memref<640000xf32, #tpu.memory_space<vmem_shared>> -> memref<640000xf32, #tpu.memory_space<vmem_shared>>
    tpu.enqueue_indirect_dma source(%dma_start3A_326 : memref<128xf32, #tpu.memory_space<vmem>>) target(%dma_start3A_331 : memref<640000xf32, #tpu.memory_space<vmem_shared>>) offsets(%dma_start3A_329 : memref<128xi32, #tpu.memory_space<vmem>>) semaphore(%arg16 : memref<!tpu.dma_semaphore, #tpu.memory_space<semaphore_mem>>) {add = true}
    %dma_start3A_332 = arith.constant 17 : i32
    %dma_start3A_333 = arith.constant 17 : i32
    %dma_start3A_334 = arith.constant 0 : i32
    %dma_start3A_335 = tpu.memref_slice %arg9[%dma_start3A_332, %dma_start3A_334] : memref<79x128xf32, #tpu.memory_space<vmem>> -> memref<1x128xf32, #tpu.memory_space<vmem>>
    %dma_start3A_336 = tpu.memref_squeeze %dma_start3A_335 : memref<1x128xf32, #tpu.memory_space<vmem>> -> memref<128xf32, #tpu.memory_space<vmem>>
    %dma_start3A_337 = arith.constant 0 : i32
    %dma_start3A_338 = tpu.memref_slice %arg10[%dma_start3A_333, %dma_start3A_337] : memref<79x128xi32, #tpu.memory_space<vmem>> -> memref<1x128xi32, #tpu.memory_space<vmem>>
    %dma_start3A_339 = tpu.memref_squeeze %dma_start3A_338 : memref<1x128xi32, #tpu.memory_space<vmem>> -> memref<128xi32, #tpu.memory_space<vmem>>
    %dma_start3A_340 = arith.constant 0 : i32
    %dma_start3A_341 = tpu.memref_slice %arg13[%dma_start3A_340] : memref<640000xf32, #tpu.memory_space<vmem_shared>> -> memref<640000xf32, #tpu.memory_space<vmem_shared>>
    tpu.enqueue_indirect_dma source(%dma_start3A_336 : memref<128xf32, #tpu.memory_space<vmem>>) target(%dma_start3A_341 : memref<640000xf32, #tpu.memory_space<vmem_shared>>) offsets(%dma_start3A_339 : memref<128xi32, #tpu.memory_space<vmem>>) semaphore(%arg16 : memref<!tpu.dma_semaphore, #tpu.memory_space<semaphore_mem>>) {add = true}
    %dma_start3A_342 = arith.constant 18 : i32
    %dma_start3A_343 = arith.constant 18 : i32
    %dma_start3A_344 = arith.constant 0 : i32
    %dma_start3A_345 = tpu.memref_slice %arg9[%dma_start3A_342, %dma_start3A_344] : memref<79x128xf32, #tpu.memory_space<vmem>> -> memref<1x128xf32, #tpu.memory_space<vmem>>
    %dma_start3A_346 = tpu.memref_squeeze %dma_start3A_345 : memref<1x128xf32, #tpu.memory_space<vmem>> -> memref<128xf32, #tpu.memory_space<vmem>>
    %dma_start3A_347 = arith.constant 0 : i32
    %dma_start3A_348 = tpu.memref_slice %arg10[%dma_start3A_343, %dma_start3A_347] : memref<79x128xi32, #tpu.memory_space<vmem>> -> memref<1x128xi32, #tpu.memory_space<vmem>>
    %dma_start3A_349 = tpu.memref_squeeze %dma_start3A_348 : memref<1x128xi32, #tpu.memory_space<vmem>> -> memref<128xi32, #tpu.memory_space<vmem>>
    %dma_start3A_350 = arith.constant 0 : i32
    %dma_start3A_351 = tpu.memref_slice %arg13[%dma_start3A_350] : memref<640000xf32, #tpu.memory_space<vmem_shared>> -> memref<640000xf32, #tpu.memory_space<vmem_shared>>
    tpu.enqueue_indirect_dma source(%dma_start3A_346 : memref<128xf32, #tpu.memory_space<vmem>>) target(%dma_start3A_351 : memref<640000xf32, #tpu.memory_space<vmem_shared>>) offsets(%dma_start3A_349 : memref<128xi32, #tpu.memory_space<vmem>>) semaphore(%arg16 : memref<!tpu.dma_semaphore, #tpu.memory_space<semaphore_mem>>) {add = true}
    %dma_start3A_352 = arith.constant 19 : i32
    %dma_start3A_353 = arith.constant 19 : i32
    %dma_start3A_354 = arith.constant 0 : i32
    %dma_start3A_355 = tpu.memref_slice %arg9[%dma_start3A_352, %dma_start3A_354] : memref<79x128xf32, #tpu.memory_space<vmem>> -> memref<1x128xf32, #tpu.memory_space<vmem>>
    %dma_start3A_356 = tpu.memref_squeeze %dma_start3A_355 : memref<1x128xf32, #tpu.memory_space<vmem>> -> memref<128xf32, #tpu.memory_space<vmem>>
    %dma_start3A_357 = arith.constant 0 : i32
    %dma_start3A_358 = tpu.memref_slice %arg10[%dma_start3A_353, %dma_start3A_357] : memref<79x128xi32, #tpu.memory_space<vmem>> -> memref<1x128xi32, #tpu.memory_space<vmem>>
    %dma_start3A_359 = tpu.memref_squeeze %dma_start3A_358 : memref<1x128xi32, #tpu.memory_space<vmem>> -> memref<128xi32, #tpu.memory_space<vmem>>
    %dma_start3A_360 = arith.constant 0 : i32
    %dma_start3A_361 = tpu.memref_slice %arg13[%dma_start3A_360] : memref<640000xf32, #tpu.memory_space<vmem_shared>> -> memref<640000xf32, #tpu.memory_space<vmem_shared>>
    tpu.enqueue_indirect_dma source(%dma_start3A_356 : memref<128xf32, #tpu.memory_space<vmem>>) target(%dma_start3A_361 : memref<640000xf32, #tpu.memory_space<vmem_shared>>) offsets(%dma_start3A_359 : memref<128xi32, #tpu.memory_space<vmem>>) semaphore(%arg16 : memref<!tpu.dma_semaphore, #tpu.memory_space<semaphore_mem>>) {add = true}
    %dma_start3A_362 = arith.constant 20 : i32
    %dma_start3A_363 = arith.constant 20 : i32
    %dma_start3A_364 = arith.constant 0 : i32
    %dma_start3A_365 = tpu.memref_slice %arg9[%dma_start3A_362, %dma_start3A_364] : memref<79x128xf32, #tpu.memory_space<vmem>> -> memref<1x128xf32, #tpu.memory_space<vmem>>
    %dma_start3A_366 = tpu.memref_squeeze %dma_start3A_365 : memref<1x128xf32, #tpu.memory_space<vmem>> -> memref<128xf32, #tpu.memory_space<vmem>>
    %dma_start3A_367 = arith.constant 0 : i32
    %dma_start3A_368 = tpu.memref_slice %arg10[%dma_start3A_363, %dma_start3A_367] : memref<79x128xi32, #tpu.memory_space<vmem>> -> memref<1x128xi32, #tpu.memory_space<vmem>>
    %dma_start3A_369 = tpu.memref_squeeze %dma_start3A_368 : memref<1x128xi32, #tpu.memory_space<vmem>> -> memref<128xi32, #tpu.memory_space<vmem>>
    %dma_start3A_370 = arith.constant 0 : i32
    %dma_start3A_371 = tpu.memref_slice %arg13[%dma_start3A_370] : memref<640000xf32, #tpu.memory_space<vmem_shared>> -> memref<640000xf32, #tpu.memory_space<vmem_shared>>
    tpu.enqueue_indirect_dma source(%dma_start3A_366 : memref<128xf32, #tpu.memory_space<vmem>>) target(%dma_start3A_371 : memref<640000xf32, #tpu.memory_space<vmem_shared>>) offsets(%dma_start3A_369 : memref<128xi32, #tpu.memory_space<vmem>>) semaphore(%arg16 : memref<!tpu.dma_semaphore, #tpu.memory_space<semaphore_mem>>) {add = true}
    %dma_start3A_372 = arith.constant 21 : i32
    %dma_start3A_373 = arith.constant 21 : i32
    %dma_start3A_374 = arith.constant 0 : i32
    %dma_start3A_375 = tpu.memref_slice %arg9[%dma_start3A_372, %dma_start3A_374] : memref<79x128xf32, #tpu.memory_space<vmem>> -> memref<1x128xf32, #tpu.memory_space<vmem>>
    %dma_start3A_376 = tpu.memref_squeeze %dma_start3A_375 : memref<1x128xf32, #tpu.memory_space<vmem>> -> memref<128xf32, #tpu.memory_space<vmem>>
    %dma_start3A_377 = arith.constant 0 : i32
    %dma_start3A_378 = tpu.memref_slice %arg10[%dma_start3A_373, %dma_start3A_377] : memref<79x128xi32, #tpu.memory_space<vmem>> -> memref<1x128xi32, #tpu.memory_space<vmem>>
    %dma_start3A_379 = tpu.memref_squeeze %dma_start3A_378 : memref<1x128xi32, #tpu.memory_space<vmem>> -> memref<128xi32, #tpu.memory_space<vmem>>
    %dma_start3A_380 = arith.constant 0 : i32
    %dma_start3A_381 = tpu.memref_slice %arg13[%dma_start3A_380] : memref<640000xf32, #tpu.memory_space<vmem_shared>> -> memref<640000xf32, #tpu.memory_space<vmem_shared>>
    tpu.enqueue_indirect_dma source(%dma_start3A_376 : memref<128xf32, #tpu.memory_space<vmem>>) target(%dma_start3A_381 : memref<640000xf32, #tpu.memory_space<vmem_shared>>) offsets(%dma_start3A_379 : memref<128xi32, #tpu.memory_space<vmem>>) semaphore(%arg16 : memref<!tpu.dma_semaphore, #tpu.memory_space<semaphore_mem>>) {add = true}
    %dma_start3A_382 = arith.constant 22 : i32
    %dma_start3A_383 = arith.constant 22 : i32
    %dma_start3A_384 = arith.constant 0 : i32
    %dma_start3A_385 = tpu.memref_slice %arg9[%dma_start3A_382, %dma_start3A_384] : memref<79x128xf32, #tpu.memory_space<vmem>> -> memref<1x128xf32, #tpu.memory_space<vmem>>
    %dma_start3A_386 = tpu.memref_squeeze %dma_start3A_385 : memref<1x128xf32, #tpu.memory_space<vmem>> -> memref<128xf32, #tpu.memory_space<vmem>>
    %dma_start3A_387 = arith.constant 0 : i32
    %dma_start3A_388 = tpu.memref_slice %arg10[%dma_start3A_383, %dma_start3A_387] : memref<79x128xi32, #tpu.memory_space<vmem>> -> memref<1x128xi32, #tpu.memory_space<vmem>>
    %dma_start3A_389 = tpu.memref_squeeze %dma_start3A_388 : memref<1x128xi32, #tpu.memory_space<vmem>> -> memref<128xi32, #tpu.memory_space<vmem>>
    %dma_start3A_390 = arith.constant 0 : i32
    %dma_start3A_391 = tpu.memref_slice %arg13[%dma_start3A_390] : memref<640000xf32, #tpu.memory_space<vmem_shared>> -> memref<640000xf32, #tpu.memory_space<vmem_shared>>
    tpu.enqueue_indirect_dma source(%dma_start3A_386 : memref<128xf32, #tpu.memory_space<vmem>>) target(%dma_start3A_391 : memref<640000xf32, #tpu.memory_space<vmem_shared>>) offsets(%dma_start3A_389 : memref<128xi32, #tpu.memory_space<vmem>>) semaphore(%arg16 : memref<!tpu.dma_semaphore, #tpu.memory_space<semaphore_mem>>) {add = true}
    %dma_start3A_392 = arith.constant 23 : i32
    %dma_start3A_393 = arith.constant 23 : i32
    %dma_start3A_394 = arith.constant 0 : i32
    %dma_start3A_395 = tpu.memref_slice %arg9[%dma_start3A_392, %dma_start3A_394] : memref<79x128xf32, #tpu.memory_space<vmem>> -> memref<1x128xf32, #tpu.memory_space<vmem>>
    %dma_start3A_396 = tpu.memref_squeeze %dma_start3A_395 : memref<1x128xf32, #tpu.memory_space<vmem>> -> memref<128xf32, #tpu.memory_space<vmem>>
    %dma_start3A_397 = arith.constant 0 : i32
    %dma_start3A_398 = tpu.memref_slice %arg10[%dma_start3A_393, %dma_start3A_397] : memref<79x128xi32, #tpu.memory_space<vmem>> -> memref<1x128xi32, #tpu.memory_space<vmem>>
    %dma_start3A_399 = tpu.memref_squeeze %dma_start3A_398 : memref<1x128xi32, #tpu.memory_space<vmem>> -> memref<128xi32, #tpu.memory_space<vmem>>
    %dma_start3A_400 = arith.constant 0 : i32
    %dma_start3A_401 = tpu.memref_slice %arg13[%dma_start3A_400] : memref<640000xf32, #tpu.memory_space<vmem_shared>> -> memref<640000xf32, #tpu.memory_space<vmem_shared>>
    tpu.enqueue_indirect_dma source(%dma_start3A_396 : memref<128xf32, #tpu.memory_space<vmem>>) target(%dma_start3A_401 : memref<640000xf32, #tpu.memory_space<vmem_shared>>) offsets(%dma_start3A_399 : memref<128xi32, #tpu.memory_space<vmem>>) semaphore(%arg16 : memref<!tpu.dma_semaphore, #tpu.memory_space<semaphore_mem>>) {add = true}
    %dma_start3A_402 = arith.constant 24 : i32
    %dma_start3A_403 = arith.constant 24 : i32
    %dma_start3A_404 = arith.constant 0 : i32
    %dma_start3A_405 = tpu.memref_slice %arg9[%dma_start3A_402, %dma_start3A_404] : memref<79x128xf32, #tpu.memory_space<vmem>> -> memref<1x128xf32, #tpu.memory_space<vmem>>
    %dma_start3A_406 = tpu.memref_squeeze %dma_start3A_405 : memref<1x128xf32, #tpu.memory_space<vmem>> -> memref<128xf32, #tpu.memory_space<vmem>>
    %dma_start3A_407 = arith.constant 0 : i32
    %dma_start3A_408 = tpu.memref_slice %arg10[%dma_start3A_403, %dma_start3A_407] : memref<79x128xi32, #tpu.memory_space<vmem>> -> memref<1x128xi32, #tpu.memory_space<vmem>>
    %dma_start3A_409 = tpu.memref_squeeze %dma_start3A_408 : memref<1x128xi32, #tpu.memory_space<vmem>> -> memref<128xi32, #tpu.memory_space<vmem>>
    %dma_start3A_410 = arith.constant 0 : i32
    %dma_start3A_411 = tpu.memref_slice %arg13[%dma_start3A_410] : memref<640000xf32, #tpu.memory_space<vmem_shared>> -> memref<640000xf32, #tpu.memory_space<vmem_shared>>
    tpu.enqueue_indirect_dma source(%dma_start3A_406 : memref<128xf32, #tpu.memory_space<vmem>>) target(%dma_start3A_411 : memref<640000xf32, #tpu.memory_space<vmem_shared>>) offsets(%dma_start3A_409 : memref<128xi32, #tpu.memory_space<vmem>>) semaphore(%arg16 : memref<!tpu.dma_semaphore, #tpu.memory_space<semaphore_mem>>) {add = true}
    %dma_start3A_412 = arith.constant 25 : i32
    %dma_start3A_413 = arith.constant 25 : i32
    %dma_start3A_414 = arith.constant 0 : i32
    %dma_start3A_415 = tpu.memref_slice %arg9[%dma_start3A_412, %dma_start3A_414] : memref<79x128xf32, #tpu.memory_space<vmem>> -> memref<1x128xf32, #tpu.memory_space<vmem>>
    %dma_start3A_416 = tpu.memref_squeeze %dma_start3A_415 : memref<1x128xf32, #tpu.memory_space<vmem>> -> memref<128xf32, #tpu.memory_space<vmem>>
    %dma_start3A_417 = arith.constant 0 : i32
    %dma_start3A_418 = tpu.memref_slice %arg10[%dma_start3A_413, %dma_start3A_417] : memref<79x128xi32, #tpu.memory_space<vmem>> -> memref<1x128xi32, #tpu.memory_space<vmem>>
    %dma_start3A_419 = tpu.memref_squeeze %dma_start3A_418 : memref<1x128xi32, #tpu.memory_space<vmem>> -> memref<128xi32, #tpu.memory_space<vmem>>
    %dma_start3A_420 = arith.constant 0 : i32
    %dma_start3A_421 = tpu.memref_slice %arg13[%dma_start3A_420] : memref<640000xf32, #tpu.memory_space<vmem_shared>> -> memref<640000xf32, #tpu.memory_space<vmem_shared>>
    tpu.enqueue_indirect_dma source(%dma_start3A_416 : memref<128xf32, #tpu.memory_space<vmem>>) target(%dma_start3A_421 : memref<640000xf32, #tpu.memory_space<vmem_shared>>) offsets(%dma_start3A_419 : memref<128xi32, #tpu.memory_space<vmem>>) semaphore(%arg16 : memref<!tpu.dma_semaphore, #tpu.memory_space<semaphore_mem>>) {add = true}
    %dma_start3A_422 = arith.constant 26 : i32
    %dma_start3A_423 = arith.constant 26 : i32
    %dma_start3A_424 = arith.constant 0 : i32
    %dma_start3A_425 = tpu.memref_slice %arg9[%dma_start3A_422, %dma_start3A_424] : memref<79x128xf32, #tpu.memory_space<vmem>> -> memref<1x128xf32, #tpu.memory_space<vmem>>
    %dma_start3A_426 = tpu.memref_squeeze %dma_start3A_425 : memref<1x128xf32, #tpu.memory_space<vmem>> -> memref<128xf32, #tpu.memory_space<vmem>>
    %dma_start3A_427 = arith.constant 0 : i32
    %dma_start3A_428 = tpu.memref_slice %arg10[%dma_start3A_423, %dma_start3A_427] : memref<79x128xi32, #tpu.memory_space<vmem>> -> memref<1x128xi32, #tpu.memory_space<vmem>>
    %dma_start3A_429 = tpu.memref_squeeze %dma_start3A_428 : memref<1x128xi32, #tpu.memory_space<vmem>> -> memref<128xi32, #tpu.memory_space<vmem>>
    %dma_start3A_430 = arith.constant 0 : i32
    %dma_start3A_431 = tpu.memref_slice %arg13[%dma_start3A_430] : memref<640000xf32, #tpu.memory_space<vmem_shared>> -> memref<640000xf32, #tpu.memory_space<vmem_shared>>
    tpu.enqueue_indirect_dma source(%dma_start3A_426 : memref<128xf32, #tpu.memory_space<vmem>>) target(%dma_start3A_431 : memref<640000xf32, #tpu.memory_space<vmem_shared>>) offsets(%dma_start3A_429 : memref<128xi32, #tpu.memory_space<vmem>>) semaphore(%arg16 : memref<!tpu.dma_semaphore, #tpu.memory_space<semaphore_mem>>) {add = true}
    %dma_start3A_432 = arith.constant 27 : i32
    %dma_start3A_433 = arith.constant 27 : i32
    %dma_start3A_434 = arith.constant 0 : i32
    %dma_start3A_435 = tpu.memref_slice %arg9[%dma_start3A_432, %dma_start3A_434] : memref<79x128xf32, #tpu.memory_space<vmem>> -> memref<1x128xf32, #tpu.memory_space<vmem>>
    %dma_start3A_436 = tpu.memref_squeeze %dma_start3A_435 : memref<1x128xf32, #tpu.memory_space<vmem>> -> memref<128xf32, #tpu.memory_space<vmem>>
    %dma_start3A_437 = arith.constant 0 : i32
    %dma_start3A_438 = tpu.memref_slice %arg10[%dma_start3A_433, %dma_start3A_437] : memref<79x128xi32, #tpu.memory_space<vmem>> -> memref<1x128xi32, #tpu.memory_space<vmem>>
    %dma_start3A_439 = tpu.memref_squeeze %dma_start3A_438 : memref<1x128xi32, #tpu.memory_space<vmem>> -> memref<128xi32, #tpu.memory_space<vmem>>
    %dma_start3A_440 = arith.constant 0 : i32
    %dma_start3A_441 = tpu.memref_slice %arg13[%dma_start3A_440] : memref<640000xf32, #tpu.memory_space<vmem_shared>> -> memref<640000xf32, #tpu.memory_space<vmem_shared>>
    tpu.enqueue_indirect_dma source(%dma_start3A_436 : memref<128xf32, #tpu.memory_space<vmem>>) target(%dma_start3A_441 : memref<640000xf32, #tpu.memory_space<vmem_shared>>) offsets(%dma_start3A_439 : memref<128xi32, #tpu.memory_space<vmem>>) semaphore(%arg16 : memref<!tpu.dma_semaphore, #tpu.memory_space<semaphore_mem>>) {add = true}
    %dma_start3A_442 = arith.constant 28 : i32
    %dma_start3A_443 = arith.constant 28 : i32
    %dma_start3A_444 = arith.constant 0 : i32
    %dma_start3A_445 = tpu.memref_slice %arg9[%dma_start3A_442, %dma_start3A_444] : memref<79x128xf32, #tpu.memory_space<vmem>> -> memref<1x128xf32, #tpu.memory_space<vmem>>
    %dma_start3A_446 = tpu.memref_squeeze %dma_start3A_445 : memref<1x128xf32, #tpu.memory_space<vmem>> -> memref<128xf32, #tpu.memory_space<vmem>>
    %dma_start3A_447 = arith.constant 0 : i32
    %dma_start3A_448 = tpu.memref_slice %arg10[%dma_start3A_443, %dma_start3A_447] : memref<79x128xi32, #tpu.memory_space<vmem>> -> memref<1x128xi32, #tpu.memory_space<vmem>>
    %dma_start3A_449 = tpu.memref_squeeze %dma_start3A_448 : memref<1x128xi32, #tpu.memory_space<vmem>> -> memref<128xi32, #tpu.memory_space<vmem>>
    %dma_start3A_450 = arith.constant 0 : i32
    %dma_start3A_451 = tpu.memref_slice %arg13[%dma_start3A_450] : memref<640000xf32, #tpu.memory_space<vmem_shared>> -> memref<640000xf32, #tpu.memory_space<vmem_shared>>
    tpu.enqueue_indirect_dma source(%dma_start3A_446 : memref<128xf32, #tpu.memory_space<vmem>>) target(%dma_start3A_451 : memref<640000xf32, #tpu.memory_space<vmem_shared>>) offsets(%dma_start3A_449 : memref<128xi32, #tpu.memory_space<vmem>>) semaphore(%arg16 : memref<!tpu.dma_semaphore, #tpu.memory_space<semaphore_mem>>) {add = true}
    %dma_start3A_452 = arith.constant 29 : i32
    %dma_start3A_453 = arith.constant 29 : i32
    %dma_start3A_454 = arith.constant 0 : i32
    %dma_start3A_455 = tpu.memref_slice %arg9[%dma_start3A_452, %dma_start3A_454] : memref<79x128xf32, #tpu.memory_space<vmem>> -> memref<1x128xf32, #tpu.memory_space<vmem>>
    %dma_start3A_456 = tpu.memref_squeeze %dma_start3A_455 : memref<1x128xf32, #tpu.memory_space<vmem>> -> memref<128xf32, #tpu.memory_space<vmem>>
    %dma_start3A_457 = arith.constant 0 : i32
    %dma_start3A_458 = tpu.memref_slice %arg10[%dma_start3A_453, %dma_start3A_457] : memref<79x128xi32, #tpu.memory_space<vmem>> -> memref<1x128xi32, #tpu.memory_space<vmem>>
    %dma_start3A_459 = tpu.memref_squeeze %dma_start3A_458 : memref<1x128xi32, #tpu.memory_space<vmem>> -> memref<128xi32, #tpu.memory_space<vmem>>
    %dma_start3A_460 = arith.constant 0 : i32
    %dma_start3A_461 = tpu.memref_slice %arg13[%dma_start3A_460] : memref<640000xf32, #tpu.memory_space<vmem_shared>> -> memref<640000xf32, #tpu.memory_space<vmem_shared>>
    tpu.enqueue_indirect_dma source(%dma_start3A_456 : memref<128xf32, #tpu.memory_space<vmem>>) target(%dma_start3A_461 : memref<640000xf32, #tpu.memory_space<vmem_shared>>) offsets(%dma_start3A_459 : memref<128xi32, #tpu.memory_space<vmem>>) semaphore(%arg16 : memref<!tpu.dma_semaphore, #tpu.memory_space<semaphore_mem>>) {add = true}
    %dma_start3A_462 = arith.constant 30 : i32
    %dma_start3A_463 = arith.constant 30 : i32
    %dma_start3A_464 = arith.constant 0 : i32
    %dma_start3A_465 = tpu.memref_slice %arg9[%dma_start3A_462, %dma_start3A_464] : memref<79x128xf32, #tpu.memory_space<vmem>> -> memref<1x128xf32, #tpu.memory_space<vmem>>
    %dma_start3A_466 = tpu.memref_squeeze %dma_start3A_465 : memref<1x128xf32, #tpu.memory_space<vmem>> -> memref<128xf32, #tpu.memory_space<vmem>>
    %dma_start3A_467 = arith.constant 0 : i32
    %dma_start3A_468 = tpu.memref_slice %arg10[%dma_start3A_463, %dma_start3A_467] : memref<79x128xi32, #tpu.memory_space<vmem>> -> memref<1x128xi32, #tpu.memory_space<vmem>>
    %dma_start3A_469 = tpu.memref_squeeze %dma_start3A_468 : memref<1x128xi32, #tpu.memory_space<vmem>> -> memref<128xi32, #tpu.memory_space<vmem>>
    %dma_start3A_470 = arith.constant 0 : i32
    %dma_start3A_471 = tpu.memref_slice %arg13[%dma_start3A_470] : memref<640000xf32, #tpu.memory_space<vmem_shared>> -> memref<640000xf32, #tpu.memory_space<vmem_shared>>
    tpu.enqueue_indirect_dma source(%dma_start3A_466 : memref<128xf32, #tpu.memory_space<vmem>>) target(%dma_start3A_471 : memref<640000xf32, #tpu.memory_space<vmem_shared>>) offsets(%dma_start3A_469 : memref<128xi32, #tpu.memory_space<vmem>>) semaphore(%arg16 : memref<!tpu.dma_semaphore, #tpu.memory_space<semaphore_mem>>) {add = true}
    %dma_start3A_472 = arith.constant 31 : i32
    %dma_start3A_473 = arith.constant 31 : i32
    %dma_start3A_474 = arith.constant 0 : i32
    %dma_start3A_475 = tpu.memref_slice %arg9[%dma_start3A_472, %dma_start3A_474] : memref<79x128xf32, #tpu.memory_space<vmem>> -> memref<1x128xf32, #tpu.memory_space<vmem>>
    %dma_start3A_476 = tpu.memref_squeeze %dma_start3A_475 : memref<1x128xf32, #tpu.memory_space<vmem>> -> memref<128xf32, #tpu.memory_space<vmem>>
    %dma_start3A_477 = arith.constant 0 : i32
    %dma_start3A_478 = tpu.memref_slice %arg10[%dma_start3A_473, %dma_start3A_477] : memref<79x128xi32, #tpu.memory_space<vmem>> -> memref<1x128xi32, #tpu.memory_space<vmem>>
    %dma_start3A_479 = tpu.memref_squeeze %dma_start3A_478 : memref<1x128xi32, #tpu.memory_space<vmem>> -> memref<128xi32, #tpu.memory_space<vmem>>
    %dma_start3A_480 = arith.constant 0 : i32
    %dma_start3A_481 = tpu.memref_slice %arg13[%dma_start3A_480] : memref<640000xf32, #tpu.memory_space<vmem_shared>> -> memref<640000xf32, #tpu.memory_space<vmem_shared>>
    tpu.enqueue_indirect_dma source(%dma_start3A_476 : memref<128xf32, #tpu.memory_space<vmem>>) target(%dma_start3A_481 : memref<640000xf32, #tpu.memory_space<vmem_shared>>) offsets(%dma_start3A_479 : memref<128xi32, #tpu.memory_space<vmem>>) semaphore(%arg16 : memref<!tpu.dma_semaphore, #tpu.memory_space<semaphore_mem>>) {add = true}
    %dma_start3A_482 = arith.constant 32 : i32
    %dma_start3A_483 = arith.constant 32 : i32
    %dma_start3A_484 = arith.constant 0 : i32
    %dma_start3A_485 = tpu.memref_slice %arg9[%dma_start3A_482, %dma_start3A_484] : memref<79x128xf32, #tpu.memory_space<vmem>> -> memref<1x128xf32, #tpu.memory_space<vmem>>
    %dma_start3A_486 = tpu.memref_squeeze %dma_start3A_485 : memref<1x128xf32, #tpu.memory_space<vmem>> -> memref<128xf32, #tpu.memory_space<vmem>>
    %dma_start3A_487 = arith.constant 0 : i32
    %dma_start3A_488 = tpu.memref_slice %arg10[%dma_start3A_483, %dma_start3A_487] : memref<79x128xi32, #tpu.memory_space<vmem>> -> memref<1x128xi32, #tpu.memory_space<vmem>>
    %dma_start3A_489 = tpu.memref_squeeze %dma_start3A_488 : memref<1x128xi32, #tpu.memory_space<vmem>> -> memref<128xi32, #tpu.memory_space<vmem>>
    %dma_start3A_490 = arith.constant 0 : i32
    %dma_start3A_491 = tpu.memref_slice %arg13[%dma_start3A_490] : memref<640000xf32, #tpu.memory_space<vmem_shared>> -> memref<640000xf32, #tpu.memory_space<vmem_shared>>
    tpu.enqueue_indirect_dma source(%dma_start3A_486 : memref<128xf32, #tpu.memory_space<vmem>>) target(%dma_start3A_491 : memref<640000xf32, #tpu.memory_space<vmem_shared>>) offsets(%dma_start3A_489 : memref<128xi32, #tpu.memory_space<vmem>>) semaphore(%arg16 : memref<!tpu.dma_semaphore, #tpu.memory_space<semaphore_mem>>) {add = true}
    %dma_start3A_492 = arith.constant 33 : i32
    %dma_start3A_493 = arith.constant 33 : i32
    %dma_start3A_494 = arith.constant 0 : i32
    %dma_start3A_495 = tpu.memref_slice %arg9[%dma_start3A_492, %dma_start3A_494] : memref<79x128xf32, #tpu.memory_space<vmem>> -> memref<1x128xf32, #tpu.memory_space<vmem>>
    %dma_start3A_496 = tpu.memref_squeeze %dma_start3A_495 : memref<1x128xf32, #tpu.memory_space<vmem>> -> memref<128xf32, #tpu.memory_space<vmem>>
    %dma_start3A_497 = arith.constant 0 : i32
    %dma_start3A_498 = tpu.memref_slice %arg10[%dma_start3A_493, %dma_start3A_497] : memref<79x128xi32, #tpu.memory_space<vmem>> -> memref<1x128xi32, #tpu.memory_space<vmem>>
    %dma_start3A_499 = tpu.memref_squeeze %dma_start3A_498 : memref<1x128xi32, #tpu.memory_space<vmem>> -> memref<128xi32, #tpu.memory_space<vmem>>
    %dma_start3A_500 = arith.constant 0 : i32
    %dma_start3A_501 = tpu.memref_slice %arg13[%dma_start3A_500] : memref<640000xf32, #tpu.memory_space<vmem_shared>> -> memref<640000xf32, #tpu.memory_space<vmem_shared>>
    tpu.enqueue_indirect_dma source(%dma_start3A_496 : memref<128xf32, #tpu.memory_space<vmem>>) target(%dma_start3A_501 : memref<640000xf32, #tpu.memory_space<vmem_shared>>) offsets(%dma_start3A_499 : memref<128xi32, #tpu.memory_space<vmem>>) semaphore(%arg16 : memref<!tpu.dma_semaphore, #tpu.memory_space<semaphore_mem>>) {add = true}
    %dma_start3A_502 = arith.constant 34 : i32
    %dma_start3A_503 = arith.constant 34 : i32
    %dma_start3A_504 = arith.constant 0 : i32
    %dma_start3A_505 = tpu.memref_slice %arg9[%dma_start3A_502, %dma_start3A_504] : memref<79x128xf32, #tpu.memory_space<vmem>> -> memref<1x128xf32, #tpu.memory_space<vmem>>
    %dma_start3A_506 = tpu.memref_squeeze %dma_start3A_505 : memref<1x128xf32, #tpu.memory_space<vmem>> -> memref<128xf32, #tpu.memory_space<vmem>>
    %dma_start3A_507 = arith.constant 0 : i32
    %dma_start3A_508 = tpu.memref_slice %arg10[%dma_start3A_503, %dma_start3A_507] : memref<79x128xi32, #tpu.memory_space<vmem>> -> memref<1x128xi32, #tpu.memory_space<vmem>>
    %dma_start3A_509 = tpu.memref_squeeze %dma_start3A_508 : memref<1x128xi32, #tpu.memory_space<vmem>> -> memref<128xi32, #tpu.memory_space<vmem>>
    %dma_start3A_510 = arith.constant 0 : i32
    %dma_start3A_511 = tpu.memref_slice %arg13[%dma_start3A_510] : memref<640000xf32, #tpu.memory_space<vmem_shared>> -> memref<640000xf32, #tpu.memory_space<vmem_shared>>
    tpu.enqueue_indirect_dma source(%dma_start3A_506 : memref<128xf32, #tpu.memory_space<vmem>>) target(%dma_start3A_511 : memref<640000xf32, #tpu.memory_space<vmem_shared>>) offsets(%dma_start3A_509 : memref<128xi32, #tpu.memory_space<vmem>>) semaphore(%arg16 : memref<!tpu.dma_semaphore, #tpu.memory_space<semaphore_mem>>) {add = true}
    %dma_start3A_512 = arith.constant 35 : i32
    %dma_start3A_513 = arith.constant 35 : i32
    %dma_start3A_514 = arith.constant 0 : i32
    %dma_start3A_515 = tpu.memref_slice %arg9[%dma_start3A_512, %dma_start3A_514] : memref<79x128xf32, #tpu.memory_space<vmem>> -> memref<1x128xf32, #tpu.memory_space<vmem>>
    %dma_start3A_516 = tpu.memref_squeeze %dma_start3A_515 : memref<1x128xf32, #tpu.memory_space<vmem>> -> memref<128xf32, #tpu.memory_space<vmem>>
    %dma_start3A_517 = arith.constant 0 : i32
    %dma_start3A_518 = tpu.memref_slice %arg10[%dma_start3A_513, %dma_start3A_517] : memref<79x128xi32, #tpu.memory_space<vmem>> -> memref<1x128xi32, #tpu.memory_space<vmem>>
    %dma_start3A_519 = tpu.memref_squeeze %dma_start3A_518 : memref<1x128xi32, #tpu.memory_space<vmem>> -> memref<128xi32, #tpu.memory_space<vmem>>
    %dma_start3A_520 = arith.constant 0 : i32
    %dma_start3A_521 = tpu.memref_slice %arg13[%dma_start3A_520] : memref<640000xf32, #tpu.memory_space<vmem_shared>> -> memref<640000xf32, #tpu.memory_space<vmem_shared>>
    tpu.enqueue_indirect_dma source(%dma_start3A_516 : memref<128xf32, #tpu.memory_space<vmem>>) target(%dma_start3A_521 : memref<640000xf32, #tpu.memory_space<vmem_shared>>) offsets(%dma_start3A_519 : memref<128xi32, #tpu.memory_space<vmem>>) semaphore(%arg16 : memref<!tpu.dma_semaphore, #tpu.memory_space<semaphore_mem>>) {add = true}
    %dma_start3A_522 = arith.constant 36 : i32
    %dma_start3A_523 = arith.constant 36 : i32
    %dma_start3A_524 = arith.constant 0 : i32
    %dma_start3A_525 = tpu.memref_slice %arg9[%dma_start3A_522, %dma_start3A_524] : memref<79x128xf32, #tpu.memory_space<vmem>> -> memref<1x128xf32, #tpu.memory_space<vmem>>
    %dma_start3A_526 = tpu.memref_squeeze %dma_start3A_525 : memref<1x128xf32, #tpu.memory_space<vmem>> -> memref<128xf32, #tpu.memory_space<vmem>>
    %dma_start3A_527 = arith.constant 0 : i32
    %dma_start3A_528 = tpu.memref_slice %arg10[%dma_start3A_523, %dma_start3A_527] : memref<79x128xi32, #tpu.memory_space<vmem>> -> memref<1x128xi32, #tpu.memory_space<vmem>>
    %dma_start3A_529 = tpu.memref_squeeze %dma_start3A_528 : memref<1x128xi32, #tpu.memory_space<vmem>> -> memref<128xi32, #tpu.memory_space<vmem>>
    %dma_start3A_530 = arith.constant 0 : i32
    %dma_start3A_531 = tpu.memref_slice %arg13[%dma_start3A_530] : memref<640000xf32, #tpu.memory_space<vmem_shared>> -> memref<640000xf32, #tpu.memory_space<vmem_shared>>
    tpu.enqueue_indirect_dma source(%dma_start3A_526 : memref<128xf32, #tpu.memory_space<vmem>>) target(%dma_start3A_531 : memref<640000xf32, #tpu.memory_space<vmem_shared>>) offsets(%dma_start3A_529 : memref<128xi32, #tpu.memory_space<vmem>>) semaphore(%arg16 : memref<!tpu.dma_semaphore, #tpu.memory_space<semaphore_mem>>) {add = true}
    %dma_start3A_532 = arith.constant 37 : i32
    %dma_start3A_533 = arith.constant 37 : i32
    %dma_start3A_534 = arith.constant 0 : i32
    %dma_start3A_535 = tpu.memref_slice %arg9[%dma_start3A_532, %dma_start3A_534] : memref<79x128xf32, #tpu.memory_space<vmem>> -> memref<1x128xf32, #tpu.memory_space<vmem>>
    %dma_start3A_536 = tpu.memref_squeeze %dma_start3A_535 : memref<1x128xf32, #tpu.memory_space<vmem>> -> memref<128xf32, #tpu.memory_space<vmem>>
    %dma_start3A_537 = arith.constant 0 : i32
    %dma_start3A_538 = tpu.memref_slice %arg10[%dma_start3A_533, %dma_start3A_537] : memref<79x128xi32, #tpu.memory_space<vmem>> -> memref<1x128xi32, #tpu.memory_space<vmem>>
    %dma_start3A_539 = tpu.memref_squeeze %dma_start3A_538 : memref<1x128xi32, #tpu.memory_space<vmem>> -> memref<128xi32, #tpu.memory_space<vmem>>
    %dma_start3A_540 = arith.constant 0 : i32
    %dma_start3A_541 = tpu.memref_slice %arg13[%dma_start3A_540] : memref<640000xf32, #tpu.memory_space<vmem_shared>> -> memref<640000xf32, #tpu.memory_space<vmem_shared>>
    tpu.enqueue_indirect_dma source(%dma_start3A_536 : memref<128xf32, #tpu.memory_space<vmem>>) target(%dma_start3A_541 : memref<640000xf32, #tpu.memory_space<vmem_shared>>) offsets(%dma_start3A_539 : memref<128xi32, #tpu.memory_space<vmem>>) semaphore(%arg16 : memref<!tpu.dma_semaphore, #tpu.memory_space<semaphore_mem>>) {add = true}
    %dma_start3A_542 = arith.constant 38 : i32
    %dma_start3A_543 = arith.constant 38 : i32
    %dma_start3A_544 = arith.constant 0 : i32
    %dma_start3A_545 = tpu.memref_slice %arg9[%dma_start3A_542, %dma_start3A_544] : memref<79x128xf32, #tpu.memory_space<vmem>> -> memref<1x128xf32, #tpu.memory_space<vmem>>
    %dma_start3A_546 = tpu.memref_squeeze %dma_start3A_545 : memref<1x128xf32, #tpu.memory_space<vmem>> -> memref<128xf32, #tpu.memory_space<vmem>>
    %dma_start3A_547 = arith.constant 0 : i32
    %dma_start3A_548 = tpu.memref_slice %arg10[%dma_start3A_543, %dma_start3A_547] : memref<79x128xi32, #tpu.memory_space<vmem>> -> memref<1x128xi32, #tpu.memory_space<vmem>>
    %dma_start3A_549 = tpu.memref_squeeze %dma_start3A_548 : memref<1x128xi32, #tpu.memory_space<vmem>> -> memref<128xi32, #tpu.memory_space<vmem>>
    %dma_start3A_550 = arith.constant 0 : i32
    %dma_start3A_551 = tpu.memref_slice %arg13[%dma_start3A_550] : memref<640000xf32, #tpu.memory_space<vmem_shared>> -> memref<640000xf32, #tpu.memory_space<vmem_shared>>
    tpu.enqueue_indirect_dma source(%dma_start3A_546 : memref<128xf32, #tpu.memory_space<vmem>>) target(%dma_start3A_551 : memref<640000xf32, #tpu.memory_space<vmem_shared>>) offsets(%dma_start3A_549 : memref<128xi32, #tpu.memory_space<vmem>>) semaphore(%arg16 : memref<!tpu.dma_semaphore, #tpu.memory_space<semaphore_mem>>) {add = true}
    %parallel_loop3A_552 = arith.constant 312 : i32
    %parallel_loop3A_553 = arith.constant 625 : i32
    %parallel_loop3A_554 = arith.constant 1 : i32
    scf.for %parallel_loop3A_1806 = %parallel_loop3A_552 to %parallel_loop3A_553 step %parallel_loop3A_554  : i32 {
      %parallel_loop3A_1807 = arith.constant 16 : i32
      %parallel_loop3A_1808 = arith.muli %parallel_loop3A_1806, %parallel_loop3A_1807 : i32
      %parallel_loop3A_1809 = arith.addi %sub3A_22, %parallel_loop3A_1808 : i32
      %parallel_loop3A_1810 = tpu.assume_multiple %parallel_loop3A_1809, 16 : i32
      %parallel_loop3A_1811 = arith.constant 0 : i32
      %parallel_loop3A_1812 = arith.index_cast %parallel_loop3A_1811 : i32 to index
      %parallel_loop3A_1813 = arith.index_cast %parallel_loop3A_1810 : i32 to index
      %parallel_loop3A_1814 = tpu.vector_load %arg6[%parallel_loop3A_1812, %parallel_loop3A_1813] {strides = array<i32>} : memref<2x10112xi32, #tpu.memory_space<vmem>>, vector<16xi32>,
      %parallel_loop3A_1815 = arith.constant 1 : i32
      %parallel_loop3A_1816 = arith.index_cast %parallel_loop3A_1815 : i32 to index
      %parallel_loop3A_1817 = arith.index_cast %parallel_loop3A_1810 : i32 to index
      %parallel_loop3A_1818 = tpu.vector_load %arg6[%parallel_loop3A_1816, %parallel_loop3A_1817] {strides = array<i32>} : memref<2x10112xi32, #tpu.memory_space<vmem>>, vector<16xi32>,
      %parallel_loop3A_1819 = tpu.vector_load_idx %arg7[%parallel_loop3A_1818] : memref<10000xf32, #tpu.memory_space<vmem>>[vector<16xi32>], vector<16xf32>,
      %parallel_loop3A_1820 = tpu.vector_load_idx %arg8[%parallel_loop3A_1818] : memref<10000xi32, #tpu.memory_space<vmem>>[vector<16xi32>], vector<16xi32>,
      %parallel_loop3A_1821 = arith.constant 64 : i32
      %parallel_loop3A_1822 = vector.broadcast %parallel_loop3A_1821 : i32 to vector<16xi32>
      %parallel_loop3A_1823 = arith.muli %parallel_loop3A_1814, %parallel_loop3A_1822 : vector<16xi32>
      %parallel_loop3A_1824 = arith.addi %parallel_loop3A_1823, %parallel_loop3A_1820 : vector<16xi32>
      %parallel_loop3A_1825 = arith.constant 8 : i32
      %parallel_loop3A_1826 = arith.divsi %parallel_loop3A_1806, %parallel_loop3A_1825 : i32
      %parallel_loop3A_1827 = arith.constant 0 : i32
      %parallel_loop3A_1828 = arith.cmpi sgt, %parallel_loop3A_1806, %parallel_loop3A_1827 : i32
      %parallel_loop3A_1829 = arith.extui %parallel_loop3A_1828 : i1 to i32
      %parallel_loop3A_1830 = arith.constant 0 : i32
      %parallel_loop3A_1831 = arith.cmpi slt, %parallel_loop3A_1806, %parallel_loop3A_1830 : i32
      %parallel_loop3A_1832 = arith.extui %parallel_loop3A_1831 : i1 to i32
      %parallel_loop3A_1833 = arith.subi %parallel_loop3A_1829, %parallel_loop3A_1832 : i32
      %parallel_loop3A_1834 = arith.constant 0 : i32
      %parallel_loop3A_1835 = arith.cmpi sgt, %parallel_loop3A_1825, %parallel_loop3A_1834 : i32
      %parallel_loop3A_1836 = arith.extui %parallel_loop3A_1835 : i1 to i32
      %parallel_loop3A_1837 = arith.constant 0 : i32
      %parallel_loop3A_1838 = arith.cmpi slt, %parallel_loop3A_1825, %parallel_loop3A_1837 : i32
      %parallel_loop3A_1839 = arith.extui %parallel_loop3A_1838 : i1 to i32
      %parallel_loop3A_1840 = arith.subi %parallel_loop3A_1836, %parallel_loop3A_1839 : i32
      %parallel_loop3A_1841 = arith.cmpi ne, %parallel_loop3A_1833, %parallel_loop3A_1840 : i32
      %parallel_loop3A_1842 = arith.remsi %parallel_loop3A_1806, %parallel_loop3A_1825 : i32
      %parallel_loop3A_1843 = arith.constant 0 : i32
      %parallel_loop3A_1844 = arith.cmpi ne, %parallel_loop3A_1842, %parallel_loop3A_1843 : i32
      %parallel_loop3A_1845 = arith.andi %parallel_loop3A_1841, %parallel_loop3A_1844 : i1
      %parallel_loop3A_1846 = arith.constant 1 : i32
      %parallel_loop3A_1847 = arith.subi %parallel_loop3A_1826, %parallel_loop3A_1846 : i32
      %parallel_loop3A_1848 = arith.select %parallel_loop3A_1845, %parallel_loop3A_1847, %parallel_loop3A_1826 : i32
      %parallel_loop3A_1849 = arith.constant 8 : i32
      %parallel_loop3A_1850 = arith.constant 0 : i32
      %parallel_loop3A_1851 = arith.cmpi eq, %parallel_loop3A_1849, %parallel_loop3A_1850 : i32
      %parallel_loop3A_1852 = arith.constant 1 : i32
      %parallel_loop3A_1853 = arith.select %parallel_loop3A_1851, %parallel_loop3A_1852, %parallel_loop3A_1849 : i32
      %parallel_loop3A_1854 = arith.remsi %parallel_loop3A_1806, %parallel_loop3A_1853 : i32
      %parallel_loop3A_1855 = arith.constant 0 : i32
      %parallel_loop3A_1856 = arith.cmpi ne, %parallel_loop3A_1854, %parallel_loop3A_1855 : i32
      %parallel_loop3A_1857 = arith.constant 0 : i32
      %parallel_loop3A_1858 = arith.cmpi slt, %parallel_loop3A_1854, %parallel_loop3A_1857 : i32
      %parallel_loop3A_1859 = arith.constant 0 : i32
      %parallel_loop3A_1860 = arith.cmpi slt, %parallel_loop3A_1853, %parallel_loop3A_1859 : i32
      %parallel_loop3A_1861 = arith.xori %parallel_loop3A_1858, %parallel_loop3A_1860 : i1
      %parallel_loop3A_1862 = arith.andi %parallel_loop3A_1861, %parallel_loop3A_1856 : i1
      %parallel_loop3A_1863 = arith.addi %parallel_loop3A_1854, %parallel_loop3A_1853 : i32
      %parallel_loop3A_1864 = arith.select %parallel_loop3A_1862, %parallel_loop3A_1863, %parallel_loop3A_1854 : i32
      %parallel_loop3A_1865 = arith.constant 16 : i32
      %parallel_loop3A_1866 = arith.muli %parallel_loop3A_1864, %parallel_loop3A_1865 : i32
      %parallel_loop3A_1867 = arith.index_cast %parallel_loop3A_1848 : i32 to index
      %parallel_loop3A_1868 = arith.index_cast %parallel_loop3A_1866 : i32 to index
      %parallel_loop3A_1869 = tpu.vector_load %arg9[%parallel_loop3A_1867, %parallel_loop3A_1868] {strides = array<i32>} : memref<79x128xf32, #tpu.memory_space<vmem>>, vector<16xf32>,
      tpu.vector_store %arg9[%parallel_loop3A_1867, %parallel_loop3A_1868], %parallel_loop3A_1819 {strides = array<i32>} : memref<79x128xf32, #tpu.memory_space<vmem>>, vector<16xf32>,
      %parallel_loop3A_1870 = arith.index_cast %parallel_loop3A_1848 : i32 to index
      %parallel_loop3A_1871 = arith.index_cast %parallel_loop3A_1866 : i32 to index
      %parallel_loop3A_1872 = tpu.vector_load %arg10[%parallel_loop3A_1870, %parallel_loop3A_1871] {strides = array<i32>} : memref<79x128xi32, #tpu.memory_space<vmem>>, vector<16xi32>,
      tpu.vector_store %arg10[%parallel_loop3A_1870, %parallel_loop3A_1871], %parallel_loop3A_1824 {strides = array<i32>} : memref<79x128xi32, #tpu.memory_space<vmem>>, vector<16xi32>,
    } {sc.loop_unroll_factor = 8 : i64, sc.parallel_access}
    %dma_start3A_555 = arith.constant 39 : i32
    %dma_start3A_556 = arith.constant 39 : i32
    %dma_start3A_557 = arith.constant 0 : i32
    %dma_start3A_558 = tpu.memref_slice %arg9[%dma_start3A_555, %dma_start3A_557] : memref<79x128xf32, #tpu.memory_space<vmem>> -> memref<1x128xf32, #tpu.memory_space<vmem>>
    %dma_start3A_559 = tpu.memref_squeeze %dma_start3A_558 : memref<1x128xf32, #tpu.memory_space<vmem>> -> memref<128xf32, #tpu.memory_space<vmem>>
    %dma_start3A_560 = arith.constant 0 : i32
    %dma_start3A_561 = tpu.memref_slice %arg10[%dma_start3A_556, %dma_start3A_560] : memref<79x128xi32, #tpu.memory_space<vmem>> -> memref<1x128xi32, #tpu.memory_space<vmem>>
    %dma_start3A_562 = tpu.memref_squeeze %dma_start3A_561 : memref<1x128xi32, #tpu.memory_space<vmem>> -> memref<128xi32, #tpu.memory_space<vmem>>
    %dma_start3A_563 = arith.constant 0 : i32
    %dma_start3A_564 = tpu.memref_slice %arg13[%dma_start3A_563] : memref<640000xf32, #tpu.memory_space<vmem_shared>> -> memref<640000xf32, #tpu.memory_space<vmem_shared>>
    tpu.enqueue_indirect_dma source(%dma_start3A_559 : memref<128xf32, #tpu.memory_space<vmem>>) target(%dma_start3A_564 : memref<640000xf32, #tpu.memory_space<vmem_shared>>) offsets(%dma_start3A_562 : memref<128xi32, #tpu.memory_space<vmem>>) semaphore(%arg16 : memref<!tpu.dma_semaphore, #tpu.memory_space<semaphore_mem>>) {add = true}
    %dma_start3A_565 = arith.constant 40 : i32
    %dma_start3A_566 = arith.constant 40 : i32
    %dma_start3A_567 = arith.constant 0 : i32
    %dma_start3A_568 = tpu.memref_slice %arg9[%dma_start3A_565, %dma_start3A_567] : memref<79x128xf32, #tpu.memory_space<vmem>> -> memref<1x128xf32, #tpu.memory_space<vmem>>
    %dma_start3A_569 = tpu.memref_squeeze %dma_start3A_568 : memref<1x128xf32, #tpu.memory_space<vmem>> -> memref<128xf32, #tpu.memory_space<vmem>>
    %dma_start3A_570 = arith.constant 0 : i32
    %dma_start3A_571 = tpu.memref_slice %arg10[%dma_start3A_566, %dma_start3A_570] : memref<79x128xi32, #tpu.memory_space<vmem>> -> memref<1x128xi32, #tpu.memory_space<vmem>>
    %dma_start3A_572 = tpu.memref_squeeze %dma_start3A_571 : memref<1x128xi32, #tpu.memory_space<vmem>> -> memref<128xi32, #tpu.memory_space<vmem>>
    %dma_start3A_573 = arith.constant 0 : i32
    %dma_start3A_574 = tpu.memref_slice %arg13[%dma_start3A_573] : memref<640000xf32, #tpu.memory_space<vmem_shared>> -> memref<640000xf32, #tpu.memory_space<vmem_shared>>
    tpu.enqueue_indirect_dma source(%dma_start3A_569 : memref<128xf32, #tpu.memory_space<vmem>>) target(%dma_start3A_574 : memref<640000xf32, #tpu.memory_space<vmem_shared>>) offsets(%dma_start3A_572 : memref<128xi32, #tpu.memory_space<vmem>>) semaphore(%arg16 : memref<!tpu.dma_semaphore, #tpu.memory_space<semaphore_mem>>) {add = true}
    %dma_start3A_575 = arith.constant 41 : i32
    %dma_start3A_576 = arith.constant 41 : i32
    %dma_start3A_577 = arith.constant 0 : i32
    %dma_start3A_578 = tpu.memref_slice %arg9[%dma_start3A_575, %dma_start3A_577] : memref<79x128xf32, #tpu.memory_space<vmem>> -> memref<1x128xf32, #tpu.memory_space<vmem>>
    %dma_start3A_579 = tpu.memref_squeeze %dma_start3A_578 : memref<1x128xf32, #tpu.memory_space<vmem>> -> memref<128xf32, #tpu.memory_space<vmem>>
    %dma_start3A_580 = arith.constant 0 : i32
    %dma_start3A_581 = tpu.memref_slice %arg10[%dma_start3A_576, %dma_start3A_580] : memref<79x128xi32, #tpu.memory_space<vmem>> -> memref<1x128xi32, #tpu.memory_space<vmem>>
    %dma_start3A_582 = tpu.memref_squeeze %dma_start3A_581 : memref<1x128xi32, #tpu.memory_space<vmem>> -> memref<128xi32, #tpu.memory_space<vmem>>
    %dma_start3A_583 = arith.constant 0 : i32
    %dma_start3A_584 = tpu.memref_slice %arg13[%dma_start3A_583] : memref<640000xf32, #tpu.memory_space<vmem_shared>> -> memref<640000xf32, #tpu.memory_space<vmem_shared>>
    tpu.enqueue_indirect_dma source(%dma_start3A_579 : memref<128xf32, #tpu.memory_space<vmem>>) target(%dma_start3A_584 : memref<640000xf32, #tpu.memory_space<vmem_shared>>) offsets(%dma_start3A_582 : memref<128xi32, #tpu.memory_space<vmem>>) semaphore(%arg16 : memref<!tpu.dma_semaphore, #tpu.memory_space<semaphore_mem>>) {add = true}
    %dma_start3A_585 = arith.constant 42 : i32
    %dma_start3A_586 = arith.constant 42 : i32
    %dma_start3A_587 = arith.constant 0 : i32
    %dma_start3A_588 = tpu.memref_slice %arg9[%dma_start3A_585, %dma_start3A_587] : memref<79x128xf32, #tpu.memory_space<vmem>> -> memref<1x128xf32, #tpu.memory_space<vmem>>
    %dma_start3A_589 = tpu.memref_squeeze %dma_start3A_588 : memref<1x128xf32, #tpu.memory_space<vmem>> -> memref<128xf32, #tpu.memory_space<vmem>>
    %dma_start3A_590 = arith.constant 0 : i32
    %dma_start3A_591 = tpu.memref_slice %arg10[%dma_start3A_586, %dma_start3A_590] : memref<79x128xi32, #tpu.memory_space<vmem>> -> memref<1x128xi32, #tpu.memory_space<vmem>>
    %dma_start3A_592 = tpu.memref_squeeze %dma_start3A_591 : memref<1x128xi32, #tpu.memory_space<vmem>> -> memref<128xi32, #tpu.memory_space<vmem>>
    %dma_start3A_593 = arith.constant 0 : i32
    %dma_start3A_594 = tpu.memref_slice %arg13[%dma_start3A_593] : memref<640000xf32, #tpu.memory_space<vmem_shared>> -> memref<640000xf32, #tpu.memory_space<vmem_shared>>
    tpu.enqueue_indirect_dma source(%dma_start3A_589 : memref<128xf32, #tpu.memory_space<vmem>>) target(%dma_start3A_594 : memref<640000xf32, #tpu.memory_space<vmem_shared>>) offsets(%dma_start3A_592 : memref<128xi32, #tpu.memory_space<vmem>>) semaphore(%arg16 : memref<!tpu.dma_semaphore, #tpu.memory_space<semaphore_mem>>) {add = true}
    %dma_start3A_595 = arith.constant 43 : i32
    %dma_start3A_596 = arith.constant 43 : i32
    %dma_start3A_597 = arith.constant 0 : i32
    %dma_start3A_598 = tpu.memref_slice %arg9[%dma_start3A_595, %dma_start3A_597] : memref<79x128xf32, #tpu.memory_space<vmem>> -> memref<1x128xf32, #tpu.memory_space<vmem>>
    %dma_start3A_599 = tpu.memref_squeeze %dma_start3A_598 : memref<1x128xf32, #tpu.memory_space<vmem>> -> memref<128xf32, #tpu.memory_space<vmem>>
    %dma_start3A_600 = arith.constant 0 : i32
    %dma_start3A_601 = tpu.memref_slice %arg10[%dma_start3A_596, %dma_start3A_600] : memref<79x128xi32, #tpu.memory_space<vmem>> -> memref<1x128xi32, #tpu.memory_space<vmem>>
    %dma_start3A_602 = tpu.memref_squeeze %dma_start3A_601 : memref<1x128xi32, #tpu.memory_space<vmem>> -> memref<128xi32, #tpu.memory_space<vmem>>
    %dma_start3A_603 = arith.constant 0 : i32
    %dma_start3A_604 = tpu.memref_slice %arg13[%dma_start3A_603] : memref<640000xf32, #tpu.memory_space<vmem_shared>> -> memref<640000xf32, #tpu.memory_space<vmem_shared>>
    tpu.enqueue_indirect_dma source(%dma_start3A_599 : memref<128xf32, #tpu.memory_space<vmem>>) target(%dma_start3A_604 : memref<640000xf32, #tpu.memory_space<vmem_shared>>) offsets(%dma_start3A_602 : memref<128xi32, #tpu.memory_space<vmem>>) semaphore(%arg16 : memref<!tpu.dma_semaphore, #tpu.memory_space<semaphore_mem>>) {add = true}
    %dma_start3A_605 = arith.constant 44 : i32
    %dma_start3A_606 = arith.constant 44 : i32
    %dma_start3A_607 = arith.constant 0 : i32
    %dma_start3A_608 = tpu.memref_slice %arg9[%dma_start3A_605, %dma_start3A_607] : memref<79x128xf32, #tpu.memory_space<vmem>> -> memref<1x128xf32, #tpu.memory_space<vmem>>
    %dma_start3A_609 = tpu.memref_squeeze %dma_start3A_608 : memref<1x128xf32, #tpu.memory_space<vmem>> -> memref<128xf32, #tpu.memory_space<vmem>>
    %dma_start3A_610 = arith.constant 0 : i32
    %dma_start3A_611 = tpu.memref_slice %arg10[%dma_start3A_606, %dma_start3A_610] : memref<79x128xi32, #tpu.memory_space<vmem>> -> memref<1x128xi32, #tpu.memory_space<vmem>>
    %dma_start3A_612 = tpu.memref_squeeze %dma_start3A_611 : memref<1x128xi32, #tpu.memory_space<vmem>> -> memref<128xi32, #tpu.memory_space<vmem>>
    %dma_start3A_613 = arith.constant 0 : i32
    %dma_start3A_614 = tpu.memref_slice %arg13[%dma_start3A_613] : memref<640000xf32, #tpu.memory_space<vmem_shared>> -> memref<640000xf32, #tpu.memory_space<vmem_shared>>
    tpu.enqueue_indirect_dma source(%dma_start3A_609 : memref<128xf32, #tpu.memory_space<vmem>>) target(%dma_start3A_614 : memref<640000xf32, #tpu.memory_space<vmem_shared>>) offsets(%dma_start3A_612 : memref<128xi32, #tpu.memory_space<vmem>>) semaphore(%arg16 : memref<!tpu.dma_semaphore, #tpu.memory_space<semaphore_mem>>) {add = true}
    %dma_start3A_615 = arith.constant 45 : i32
    %dma_start3A_616 = arith.constant 45 : i32
    %dma_start3A_617 = arith.constant 0 : i32
    %dma_start3A_618 = tpu.memref_slice %arg9[%dma_start3A_615, %dma_start3A_617] : memref<79x128xf32, #tpu.memory_space<vmem>> -> memref<1x128xf32, #tpu.memory_space<vmem>>
    %dma_start3A_619 = tpu.memref_squeeze %dma_start3A_618 : memref<1x128xf32, #tpu.memory_space<vmem>> -> memref<128xf32, #tpu.memory_space<vmem>>
    %dma_start3A_620 = arith.constant 0 : i32
    %dma_start3A_621 = tpu.memref_slice %arg10[%dma_start3A_616, %dma_start3A_620] : memref<79x128xi32, #tpu.memory_space<vmem>> -> memref<1x128xi32, #tpu.memory_space<vmem>>
    %dma_start3A_622 = tpu.memref_squeeze %dma_start3A_621 : memref<1x128xi32, #tpu.memory_space<vmem>> -> memref<128xi32, #tpu.memory_space<vmem>>
    %dma_start3A_623 = arith.constant 0 : i32
    %dma_start3A_624 = tpu.memref_slice %arg13[%dma_start3A_623] : memref<640000xf32, #tpu.memory_space<vmem_shared>> -> memref<640000xf32, #tpu.memory_space<vmem_shared>>
    tpu.enqueue_indirect_dma source(%dma_start3A_619 : memref<128xf32, #tpu.memory_space<vmem>>) target(%dma_start3A_624 : memref<640000xf32, #tpu.memory_space<vmem_shared>>) offsets(%dma_start3A_622 : memref<128xi32, #tpu.memory_space<vmem>>) semaphore(%arg16 : memref<!tpu.dma_semaphore, #tpu.memory_space<semaphore_mem>>) {add = true}
    %dma_start3A_625 = arith.constant 46 : i32
    %dma_start3A_626 = arith.constant 46 : i32
    %dma_start3A_627 = arith.constant 0 : i32
    %dma_start3A_628 = tpu.memref_slice %arg9[%dma_start3A_625, %dma_start3A_627] : memref<79x128xf32, #tpu.memory_space<vmem>> -> memref<1x128xf32, #tpu.memory_space<vmem>>
    %dma_start3A_629 = tpu.memref_squeeze %dma_start3A_628 : memref<1x128xf32, #tpu.memory_space<vmem>> -> memref<128xf32, #tpu.memory_space<vmem>>
    %dma_start3A_630 = arith.constant 0 : i32
    %dma_start3A_631 = tpu.memref_slice %arg10[%dma_start3A_626, %dma_start3A_630] : memref<79x128xi32, #tpu.memory_space<vmem>> -> memref<1x128xi32, #tpu.memory_space<vmem>>
    %dma_start3A_632 = tpu.memref_squeeze %dma_start3A_631 : memref<1x128xi32, #tpu.memory_space<vmem>> -> memref<128xi32, #tpu.memory_space<vmem>>
    %dma_start3A_633 = arith.constant 0 : i32
    %dma_start3A_634 = tpu.memref_slice %arg13[%dma_start3A_633] : memref<640000xf32, #tpu.memory_space<vmem_shared>> -> memref<640000xf32, #tpu.memory_space<vmem_shared>>
    tpu.enqueue_indirect_dma source(%dma_start3A_629 : memref<128xf32, #tpu.memory_space<vmem>>) target(%dma_start3A_634 : memref<640000xf32, #tpu.memory_space<vmem_shared>>) offsets(%dma_start3A_632 : memref<128xi32, #tpu.memory_space<vmem>>) semaphore(%arg16 : memref<!tpu.dma_semaphore, #tpu.memory_space<semaphore_mem>>) {add = true}
    %dma_start3A_635 = arith.constant 47 : i32
    %dma_start3A_636 = arith.constant 47 : i32
    %dma_start3A_637 = arith.constant 0 : i32
    %dma_start3A_638 = tpu.memref_slice %arg9[%dma_start3A_635, %dma_start3A_637] : memref<79x128xf32, #tpu.memory_space<vmem>> -> memref<1x128xf32, #tpu.memory_space<vmem>>
    %dma_start3A_639 = tpu.memref_squeeze %dma_start3A_638 : memref<1x128xf32, #tpu.memory_space<vmem>> -> memref<128xf32, #tpu.memory_space<vmem>>
    %dma_start3A_640 = arith.constant 0 : i32
    %dma_start3A_641 = tpu.memref_slice %arg10[%dma_start3A_636, %dma_start3A_640] : memref<79x128xi32, #tpu.memory_space<vmem>> -> memref<1x128xi32, #tpu.memory_space<vmem>>
    %dma_start3A_642 = tpu.memref_squeeze %dma_start3A_641 : memref<1x128xi32, #tpu.memory_space<vmem>> -> memref<128xi32, #tpu.memory_space<vmem>>
    %dma_start3A_643 = arith.constant 0 : i32
    %dma_start3A_644 = tpu.memref_slice %arg13[%dma_start3A_643] : memref<640000xf32, #tpu.memory_space<vmem_shared>> -> memref<640000xf32, #tpu.memory_space<vmem_shared>>
    tpu.enqueue_indirect_dma source(%dma_start3A_639 : memref<128xf32, #tpu.memory_space<vmem>>) target(%dma_start3A_644 : memref<640000xf32, #tpu.memory_space<vmem_shared>>) offsets(%dma_start3A_642 : memref<128xi32, #tpu.memory_space<vmem>>) semaphore(%arg16 : memref<!tpu.dma_semaphore, #tpu.memory_space<semaphore_mem>>) {add = true}
    %dma_start3A_645 = arith.constant 48 : i32
    %dma_start3A_646 = arith.constant 48 : i32
    %dma_start3A_647 = arith.constant 0 : i32
    %dma_start3A_648 = tpu.memref_slice %arg9[%dma_start3A_645, %dma_start3A_647] : memref<79x128xf32, #tpu.memory_space<vmem>> -> memref<1x128xf32, #tpu.memory_space<vmem>>
    %dma_start3A_649 = tpu.memref_squeeze %dma_start3A_648 : memref<1x128xf32, #tpu.memory_space<vmem>> -> memref<128xf32, #tpu.memory_space<vmem>>
    %dma_start3A_650 = arith.constant 0 : i32
    %dma_start3A_651 = tpu.memref_slice %arg10[%dma_start3A_646, %dma_start3A_650] : memref<79x128xi32, #tpu.memory_space<vmem>> -> memref<1x128xi32, #tpu.memory_space<vmem>>
    %dma_start3A_652 = tpu.memref_squeeze %dma_start3A_651 : memref<1x128xi32, #tpu.memory_space<vmem>> -> memref<128xi32, #tpu.memory_space<vmem>>
    %dma_start3A_653 = arith.constant 0 : i32
    %dma_start3A_654 = tpu.memref_slice %arg13[%dma_start3A_653] : memref<640000xf32, #tpu.memory_space<vmem_shared>> -> memref<640000xf32, #tpu.memory_space<vmem_shared>>
    tpu.enqueue_indirect_dma source(%dma_start3A_649 : memref<128xf32, #tpu.memory_space<vmem>>) target(%dma_start3A_654 : memref<640000xf32, #tpu.memory_space<vmem_shared>>) offsets(%dma_start3A_652 : memref<128xi32, #tpu.memory_space<vmem>>) semaphore(%arg16 : memref<!tpu.dma_semaphore, #tpu.memory_space<semaphore_mem>>) {add = true}
    %dma_start3A_655 = arith.constant 49 : i32
    %dma_start3A_656 = arith.constant 49 : i32
    %dma_start3A_657 = arith.constant 0 : i32
    %dma_start3A_658 = tpu.memref_slice %arg9[%dma_start3A_655, %dma_start3A_657] : memref<79x128xf32, #tpu.memory_space<vmem>> -> memref<1x128xf32, #tpu.memory_space<vmem>>
    %dma_start3A_659 = tpu.memref_squeeze %dma_start3A_658 : memref<1x128xf32, #tpu.memory_space<vmem>> -> memref<128xf32, #tpu.memory_space<vmem>>
    %dma_start3A_660 = arith.constant 0 : i32
    %dma_start3A_661 = tpu.memref_slice %arg10[%dma_start3A_656, %dma_start3A_660] : memref<79x128xi32, #tpu.memory_space<vmem>> -> memref<1x128xi32, #tpu.memory_space<vmem>>
    %dma_start3A_662 = tpu.memref_squeeze %dma_start3A_661 : memref<1x128xi32, #tpu.memory_space<vmem>> -> memref<128xi32, #tpu.memory_space<vmem>>
    %dma_start3A_663 = arith.constant 0 : i32
    %dma_start3A_664 = tpu.memref_slice %arg13[%dma_start3A_663] : memref<640000xf32, #tpu.memory_space<vmem_shared>> -> memref<640000xf32, #tpu.memory_space<vmem_shared>>
    tpu.enqueue_indirect_dma source(%dma_start3A_659 : memref<128xf32, #tpu.memory_space<vmem>>) target(%dma_start3A_664 : memref<640000xf32, #tpu.memory_space<vmem_shared>>) offsets(%dma_start3A_662 : memref<128xi32, #tpu.memory_space<vmem>>) semaphore(%arg16 : memref<!tpu.dma_semaphore, #tpu.memory_space<semaphore_mem>>) {add = true}
    %dma_start3A_665 = arith.constant 50 : i32
    %dma_start3A_666 = arith.constant 50 : i32
    %dma_start3A_667 = arith.constant 0 : i32
    %dma_start3A_668 = tpu.memref_slice %arg9[%dma_start3A_665, %dma_start3A_667] : memref<79x128xf32, #tpu.memory_space<vmem>> -> memref<1x128xf32, #tpu.memory_space<vmem>>
    %dma_start3A_669 = tpu.memref_squeeze %dma_start3A_668 : memref<1x128xf32, #tpu.memory_space<vmem>> -> memref<128xf32, #tpu.memory_space<vmem>>
    %dma_start3A_670 = arith.constant 0 : i32
    %dma_start3A_671 = tpu.memref_slice %arg10[%dma_start3A_666, %dma_start3A_670] : memref<79x128xi32, #tpu.memory_space<vmem>> -> memref<1x128xi32, #tpu.memory_space<vmem>>
    %dma_start3A_672 = tpu.memref_squeeze %dma_start3A_671 : memref<1x128xi32, #tpu.memory_space<vmem>> -> memref<128xi32, #tpu.memory_space<vmem>>
    %dma_start3A_673 = arith.constant 0 : i32
    %dma_start3A_674 = tpu.memref_slice %arg13[%dma_start3A_673] : memref<640000xf32, #tpu.memory_space<vmem_shared>> -> memref<640000xf32, #tpu.memory_space<vmem_shared>>
    tpu.enqueue_indirect_dma source(%dma_start3A_669 : memref<128xf32, #tpu.memory_space<vmem>>) target(%dma_start3A_674 : memref<640000xf32, #tpu.memory_space<vmem_shared>>) offsets(%dma_start3A_672 : memref<128xi32, #tpu.memory_space<vmem>>) semaphore(%arg16 : memref<!tpu.dma_semaphore, #tpu.memory_space<semaphore_mem>>) {add = true}
    %dma_start3A_675 = arith.constant 51 : i32
    %dma_start3A_676 = arith.constant 51 : i32
    %dma_start3A_677 = arith.constant 0 : i32
    %dma_start3A_678 = tpu.memref_slice %arg9[%dma_start3A_675, %dma_start3A_677] : memref<79x128xf32, #tpu.memory_space<vmem>> -> memref<1x128xf32, #tpu.memory_space<vmem>>
    %dma_start3A_679 = tpu.memref_squeeze %dma_start3A_678 : memref<1x128xf32, #tpu.memory_space<vmem>> -> memref<128xf32, #tpu.memory_space<vmem>>
    %dma_start3A_680 = arith.constant 0 : i32
    %dma_start3A_681 = tpu.memref_slice %arg10[%dma_start3A_676, %dma_start3A_680] : memref<79x128xi32, #tpu.memory_space<vmem>> -> memref<1x128xi32, #tpu.memory_space<vmem>>
    %dma_start3A_682 = tpu.memref_squeeze %dma_start3A_681 : memref<1x128xi32, #tpu.memory_space<vmem>> -> memref<128xi32, #tpu.memory_space<vmem>>
    %dma_start3A_683 = arith.constant 0 : i32
    %dma_start3A_684 = tpu.memref_slice %arg13[%dma_start3A_683] : memref<640000xf32, #tpu.memory_space<vmem_shared>> -> memref<640000xf32, #tpu.memory_space<vmem_shared>>
    tpu.enqueue_indirect_dma source(%dma_start3A_679 : memref<128xf32, #tpu.memory_space<vmem>>) target(%dma_start3A_684 : memref<640000xf32, #tpu.memory_space<vmem_shared>>) offsets(%dma_start3A_682 : memref<128xi32, #tpu.memory_space<vmem>>) semaphore(%arg16 : memref<!tpu.dma_semaphore, #tpu.memory_space<semaphore_mem>>) {add = true}
    %dma_start3A_685 = arith.constant 52 : i32
    %dma_start3A_686 = arith.constant 52 : i32
    %dma_start3A_687 = arith.constant 0 : i32
    %dma_start3A_688 = tpu.memref_slice %arg9[%dma_start3A_685, %dma_start3A_687] : memref<79x128xf32, #tpu.memory_space<vmem>> -> memref<1x128xf32, #tpu.memory_space<vmem>>
    %dma_start3A_689 = tpu.memref_squeeze %dma_start3A_688 : memref<1x128xf32, #tpu.memory_space<vmem>> -> memref<128xf32, #tpu.memory_space<vmem>>
    %dma_start3A_690 = arith.constant 0 : i32
    %dma_start3A_691 = tpu.memref_slice %arg10[%dma_start3A_686, %dma_start3A_690] : memref<79x128xi32, #tpu.memory_space<vmem>> -> memref<1x128xi32, #tpu.memory_space<vmem>>
    %dma_start3A_692 = tpu.memref_squeeze %dma_start3A_691 : memref<1x128xi32, #tpu.memory_space<vmem>> -> memref<128xi32, #tpu.memory_space<vmem>>
    %dma_start3A_693 = arith.constant 0 : i32
    %dma_start3A_694 = tpu.memref_slice %arg13[%dma_start3A_693] : memref<640000xf32, #tpu.memory_space<vmem_shared>> -> memref<640000xf32, #tpu.memory_space<vmem_shared>>
    tpu.enqueue_indirect_dma source(%dma_start3A_689 : memref<128xf32, #tpu.memory_space<vmem>>) target(%dma_start3A_694 : memref<640000xf32, #tpu.memory_space<vmem_shared>>) offsets(%dma_start3A_692 : memref<128xi32, #tpu.memory_space<vmem>>) semaphore(%arg16 : memref<!tpu.dma_semaphore, #tpu.memory_space<semaphore_mem>>) {add = true}
    %dma_start3A_695 = arith.constant 53 : i32
    %dma_start3A_696 = arith.constant 53 : i32
    %dma_start3A_697 = arith.constant 0 : i32
    %dma_start3A_698 = tpu.memref_slice %arg9[%dma_start3A_695, %dma_start3A_697] : memref<79x128xf32, #tpu.memory_space<vmem>> -> memref<1x128xf32, #tpu.memory_space<vmem>>
    %dma_start3A_699 = tpu.memref_squeeze %dma_start3A_698 : memref<1x128xf32, #tpu.memory_space<vmem>> -> memref<128xf32, #tpu.memory_space<vmem>>
    %dma_start3A_700 = arith.constant 0 : i32
    %dma_start3A_701 = tpu.memref_slice %arg10[%dma_start3A_696, %dma_start3A_700] : memref<79x128xi32, #tpu.memory_space<vmem>> -> memref<1x128xi32, #tpu.memory_space<vmem>>
    %dma_start3A_702 = tpu.memref_squeeze %dma_start3A_701 : memref<1x128xi32, #tpu.memory_space<vmem>> -> memref<128xi32, #tpu.memory_space<vmem>>
    %dma_start3A_703 = arith.constant 0 : i32
    %dma_start3A_704 = tpu.memref_slice %arg13[%dma_start3A_703] : memref<640000xf32, #tpu.memory_space<vmem_shared>> -> memref<640000xf32, #tpu.memory_space<vmem_shared>>
    tpu.enqueue_indirect_dma source(%dma_start3A_699 : memref<128xf32, #tpu.memory_space<vmem>>) target(%dma_start3A_704 : memref<640000xf32, #tpu.memory_space<vmem_shared>>) offsets(%dma_start3A_702 : memref<128xi32, #tpu.memory_space<vmem>>) semaphore(%arg16 : memref<!tpu.dma_semaphore, #tpu.memory_space<semaphore_mem>>) {add = true}
    %dma_start3A_705 = arith.constant 54 : i32
    %dma_start3A_706 = arith.constant 54 : i32
    %dma_start3A_707 = arith.constant 0 : i32
    %dma_start3A_708 = tpu.memref_slice %arg9[%dma_start3A_705, %dma_start3A_707] : memref<79x128xf32, #tpu.memory_space<vmem>> -> memref<1x128xf32, #tpu.memory_space<vmem>>
    %dma_start3A_709 = tpu.memref_squeeze %dma_start3A_708 : memref<1x128xf32, #tpu.memory_space<vmem>> -> memref<128xf32, #tpu.memory_space<vmem>>
    %dma_start3A_710 = arith.constant 0 : i32
    %dma_start3A_711 = tpu.memref_slice %arg10[%dma_start3A_706, %dma_start3A_710] : memref<79x128xi32, #tpu.memory_space<vmem>> -> memref<1x128xi32, #tpu.memory_space<vmem>>
    %dma_start3A_712 = tpu.memref_squeeze %dma_start3A_711 : memref<1x128xi32, #tpu.memory_space<vmem>> -> memref<128xi32, #tpu.memory_space<vmem>>
    %dma_start3A_713 = arith.constant 0 : i32
    %dma_start3A_714 = tpu.memref_slice %arg13[%dma_start3A_713] : memref<640000xf32, #tpu.memory_space<vmem_shared>> -> memref<640000xf32, #tpu.memory_space<vmem_shared>>
    tpu.enqueue_indirect_dma source(%dma_start3A_709 : memref<128xf32, #tpu.memory_space<vmem>>) target(%dma_start3A_714 : memref<640000xf32, #tpu.memory_space<vmem_shared>>) offsets(%dma_start3A_712 : memref<128xi32, #tpu.memory_space<vmem>>) semaphore(%arg16 : memref<!tpu.dma_semaphore, #tpu.memory_space<semaphore_mem>>) {add = true}
    %dma_start3A_715 = arith.constant 55 : i32
    %dma_start3A_716 = arith.constant 55 : i32
    %dma_start3A_717 = arith.constant 0 : i32
    %dma_start3A_718 = tpu.memref_slice %arg9[%dma_start3A_715, %dma_start3A_717] : memref<79x128xf32, #tpu.memory_space<vmem>> -> memref<1x128xf32, #tpu.memory_space<vmem>>
    %dma_start3A_719 = tpu.memref_squeeze %dma_start3A_718 : memref<1x128xf32, #tpu.memory_space<vmem>> -> memref<128xf32, #tpu.memory_space<vmem>>
    %dma_start3A_720 = arith.constant 0 : i32
    %dma_start3A_721 = tpu.memref_slice %arg10[%dma_start3A_716, %dma_start3A_720] : memref<79x128xi32, #tpu.memory_space<vmem>> -> memref<1x128xi32, #tpu.memory_space<vmem>>
    %dma_start3A_722 = tpu.memref_squeeze %dma_start3A_721 : memref<1x128xi32, #tpu.memory_space<vmem>> -> memref<128xi32, #tpu.memory_space<vmem>>
    %dma_start3A_723 = arith.constant 0 : i32
    %dma_start3A_724 = tpu.memref_slice %arg13[%dma_start3A_723] : memref<640000xf32, #tpu.memory_space<vmem_shared>> -> memref<640000xf32, #tpu.memory_space<vmem_shared>>
    tpu.enqueue_indirect_dma source(%dma_start3A_719 : memref<128xf32, #tpu.memory_space<vmem>>) target(%dma_start3A_724 : memref<640000xf32, #tpu.memory_space<vmem_shared>>) offsets(%dma_start3A_722 : memref<128xi32, #tpu.memory_space<vmem>>) semaphore(%arg16 : memref<!tpu.dma_semaphore, #tpu.memory_space<semaphore_mem>>) {add = true}
    %dma_start3A_725 = arith.constant 56 : i32
    %dma_start3A_726 = arith.constant 56 : i32
    %dma_start3A_727 = arith.constant 0 : i32
    %dma_start3A_728 = tpu.memref_slice %arg9[%dma_start3A_725, %dma_start3A_727] : memref<79x128xf32, #tpu.memory_space<vmem>> -> memref<1x128xf32, #tpu.memory_space<vmem>>
    %dma_start3A_729 = tpu.memref_squeeze %dma_start3A_728 : memref<1x128xf32, #tpu.memory_space<vmem>> -> memref<128xf32, #tpu.memory_space<vmem>>
    %dma_start3A_730 = arith.constant 0 : i32
    %dma_start3A_731 = tpu.memref_slice %arg10[%dma_start3A_726, %dma_start3A_730] : memref<79x128xi32, #tpu.memory_space<vmem>> -> memref<1x128xi32, #tpu.memory_space<vmem>>
    %dma_start3A_732 = tpu.memref_squeeze %dma_start3A_731 : memref<1x128xi32, #tpu.memory_space<vmem>> -> memref<128xi32, #tpu.memory_space<vmem>>
    %dma_start3A_733 = arith.constant 0 : i32
    %dma_start3A_734 = tpu.memref_slice %arg13[%dma_start3A_733] : memref<640000xf32, #tpu.memory_space<vmem_shared>> -> memref<640000xf32, #tpu.memory_space<vmem_shared>>
    tpu.enqueue_indirect_dma source(%dma_start3A_729 : memref<128xf32, #tpu.memory_space<vmem>>) target(%dma_start3A_734 : memref<640000xf32, #tpu.memory_space<vmem_shared>>) offsets(%dma_start3A_732 : memref<128xi32, #tpu.memory_space<vmem>>) semaphore(%arg16 : memref<!tpu.dma_semaphore, #tpu.memory_space<semaphore_mem>>) {add = true}
    %dma_start3A_735 = arith.constant 57 : i32
    %dma_start3A_736 = arith.constant 57 : i32
    %dma_start3A_737 = arith.constant 0 : i32
    %dma_start3A_738 = tpu.memref_slice %arg9[%dma_start3A_735, %dma_start3A_737] : memref<79x128xf32, #tpu.memory_space<vmem>> -> memref<1x128xf32, #tpu.memory_space<vmem>>
    %dma_start3A_739 = tpu.memref_squeeze %dma_start3A_738 : memref<1x128xf32, #tpu.memory_space<vmem>> -> memref<128xf32, #tpu.memory_space<vmem>>
    %dma_start3A_740 = arith.constant 0 : i32
    %dma_start3A_741 = tpu.memref_slice %arg10[%dma_start3A_736, %dma_start3A_740] : memref<79x128xi32, #tpu.memory_space<vmem>> -> memref<1x128xi32, #tpu.memory_space<vmem>>
    %dma_start3A_742 = tpu.memref_squeeze %dma_start3A_741 : memref<1x128xi32, #tpu.memory_space<vmem>> -> memref<128xi32, #tpu.memory_space<vmem>>
    %dma_start3A_743 = arith.constant 0 : i32
    %dma_start3A_744 = tpu.memref_slice %arg13[%dma_start3A_743] : memref<640000xf32, #tpu.memory_space<vmem_shared>> -> memref<640000xf32, #tpu.memory_space<vmem_shared>>
    tpu.enqueue_indirect_dma source(%dma_start3A_739 : memref<128xf32, #tpu.memory_space<vmem>>) target(%dma_start3A_744 : memref<640000xf32, #tpu.memory_space<vmem_shared>>) offsets(%dma_start3A_742 : memref<128xi32, #tpu.memory_space<vmem>>) semaphore(%arg16 : memref<!tpu.dma_semaphore, #tpu.memory_space<semaphore_mem>>) {add = true}
    %dma_start3A_745 = arith.constant 58 : i32
    %dma_start3A_746 = arith.constant 58 : i32
    %dma_start3A_747 = arith.constant 0 : i32
    %dma_start3A_748 = tpu.memref_slice %arg9[%dma_start3A_745, %dma_start3A_747] : memref<79x128xf32, #tpu.memory_space<vmem>> -> memref<1x128xf32, #tpu.memory_space<vmem>>
    %dma_start3A_749 = tpu.memref_squeeze %dma_start3A_748 : memref<1x128xf32, #tpu.memory_space<vmem>> -> memref<128xf32, #tpu.memory_space<vmem>>
    %dma_start3A_750 = arith.constant 0 : i32
    %dma_start3A_751 = tpu.memref_slice %arg10[%dma_start3A_746, %dma_start3A_750] : memref<79x128xi32, #tpu.memory_space<vmem>> -> memref<1x128xi32, #tpu.memory_space<vmem>>
    %dma_start3A_752 = tpu.memref_squeeze %dma_start3A_751 : memref<1x128xi32, #tpu.memory_space<vmem>> -> memref<128xi32, #tpu.memory_space<vmem>>
    %dma_start3A_753 = arith.constant 0 : i32
    %dma_start3A_754 = tpu.memref_slice %arg13[%dma_start3A_753] : memref<640000xf32, #tpu.memory_space<vmem_shared>> -> memref<640000xf32, #tpu.memory_space<vmem_shared>>
    tpu.enqueue_indirect_dma source(%dma_start3A_749 : memref<128xf32, #tpu.memory_space<vmem>>) target(%dma_start3A_754 : memref<640000xf32, #tpu.memory_space<vmem_shared>>) offsets(%dma_start3A_752 : memref<128xi32, #tpu.memory_space<vmem>>) semaphore(%arg16 : memref<!tpu.dma_semaphore, #tpu.memory_space<semaphore_mem>>) {add = true}
    %dma_start3A_755 = arith.constant 59 : i32
    %dma_start3A_756 = arith.constant 59 : i32
    %dma_start3A_757 = arith.constant 0 : i32
    %dma_start3A_758 = tpu.memref_slice %arg9[%dma_start3A_755, %dma_start3A_757] : memref<79x128xf32, #tpu.memory_space<vmem>> -> memref<1x128xf32, #tpu.memory_space<vmem>>
    %dma_start3A_759 = tpu.memref_squeeze %dma_start3A_758 : memref<1x128xf32, #tpu.memory_space<vmem>> -> memref<128xf32, #tpu.memory_space<vmem>>
    %dma_start3A_760 = arith.constant 0 : i32
    %dma_start3A_761 = tpu.memref_slice %arg10[%dma_start3A_756, %dma_start3A_760] : memref<79x128xi32, #tpu.memory_space<vmem>> -> memref<1x128xi32, #tpu.memory_space<vmem>>
    %dma_start3A_762 = tpu.memref_squeeze %dma_start3A_761 : memref<1x128xi32, #tpu.memory_space<vmem>> -> memref<128xi32, #tpu.memory_space<vmem>>
    %dma_start3A_763 = arith.constant 0 : i32
    %dma_start3A_764 = tpu.memref_slice %arg13[%dma_start3A_763] : memref<640000xf32, #tpu.memory_space<vmem_shared>> -> memref<640000xf32, #tpu.memory_space<vmem_shared>>
    tpu.enqueue_indirect_dma source(%dma_start3A_759 : memref<128xf32, #tpu.memory_space<vmem>>) target(%dma_start3A_764 : memref<640000xf32, #tpu.memory_space<vmem_shared>>) offsets(%dma_start3A_762 : memref<128xi32, #tpu.memory_space<vmem>>) semaphore(%arg16 : memref<!tpu.dma_semaphore, #tpu.memory_space<semaphore_mem>>) {add = true}
    %dma_start3A_765 = arith.constant 60 : i32
    %dma_start3A_766 = arith.constant 60 : i32
    %dma_start3A_767 = arith.constant 0 : i32
    %dma_start3A_768 = tpu.memref_slice %arg9[%dma_start3A_765, %dma_start3A_767] : memref<79x128xf32, #tpu.memory_space<vmem>> -> memref<1x128xf32, #tpu.memory_space<vmem>>
    %dma_start3A_769 = tpu.memref_squeeze %dma_start3A_768 : memref<1x128xf32, #tpu.memory_space<vmem>> -> memref<128xf32, #tpu.memory_space<vmem>>
    %dma_start3A_770 = arith.constant 0 : i32
    %dma_start3A_771 = tpu.memref_slice %arg10[%dma_start3A_766, %dma_start3A_770] : memref<79x128xi32, #tpu.memory_space<vmem>> -> memref<1x128xi32, #tpu.memory_space<vmem>>
    %dma_start3A_772 = tpu.memref_squeeze %dma_start3A_771 : memref<1x128xi32, #tpu.memory_space<vmem>> -> memref<128xi32, #tpu.memory_space<vmem>>
    %dma_start3A_773 = arith.constant 0 : i32
    %dma_start3A_774 = tpu.memref_slice %arg13[%dma_start3A_773] : memref<640000xf32, #tpu.memory_space<vmem_shared>> -> memref<640000xf32, #tpu.memory_space<vmem_shared>>
    tpu.enqueue_indirect_dma source(%dma_start3A_769 : memref<128xf32, #tpu.memory_space<vmem>>) target(%dma_start3A_774 : memref<640000xf32, #tpu.memory_space<vmem_shared>>) offsets(%dma_start3A_772 : memref<128xi32, #tpu.memory_space<vmem>>) semaphore(%arg16 : memref<!tpu.dma_semaphore, #tpu.memory_space<semaphore_mem>>) {add = true}
    %dma_start3A_775 = arith.constant 61 : i32
    %dma_start3A_776 = arith.constant 61 : i32
    %dma_start3A_777 = arith.constant 0 : i32
    %dma_start3A_778 = tpu.memref_slice %arg9[%dma_start3A_775, %dma_start3A_777] : memref<79x128xf32, #tpu.memory_space<vmem>> -> memref<1x128xf32, #tpu.memory_space<vmem>>
    %dma_start3A_779 = tpu.memref_squeeze %dma_start3A_778 : memref<1x128xf32, #tpu.memory_space<vmem>> -> memref<128xf32, #tpu.memory_space<vmem>>
    %dma_start3A_780 = arith.constant 0 : i32
    %dma_start3A_781 = tpu.memref_slice %arg10[%dma_start3A_776, %dma_start3A_780] : memref<79x128xi32, #tpu.memory_space<vmem>> -> memref<1x128xi32, #tpu.memory_space<vmem>>
    %dma_start3A_782 = tpu.memref_squeeze %dma_start3A_781 : memref<1x128xi32, #tpu.memory_space<vmem>> -> memref<128xi32, #tpu.memory_space<vmem>>
    %dma_start3A_783 = arith.constant 0 : i32
    %dma_start3A_784 = tpu.memref_slice %arg13[%dma_start3A_783] : memref<640000xf32, #tpu.memory_space<vmem_shared>> -> memref<640000xf32, #tpu.memory_space<vmem_shared>>
    tpu.enqueue_indirect_dma source(%dma_start3A_779 : memref<128xf32, #tpu.memory_space<vmem>>) target(%dma_start3A_784 : memref<640000xf32, #tpu.memory_space<vmem_shared>>) offsets(%dma_start3A_782 : memref<128xi32, #tpu.memory_space<vmem>>) semaphore(%arg16 : memref<!tpu.dma_semaphore, #tpu.memory_space<semaphore_mem>>) {add = true}
    %dma_start3A_785 = arith.constant 62 : i32
    %dma_start3A_786 = arith.constant 62 : i32
    %dma_start3A_787 = arith.constant 0 : i32
    %dma_start3A_788 = tpu.memref_slice %arg9[%dma_start3A_785, %dma_start3A_787] : memref<79x128xf32, #tpu.memory_space<vmem>> -> memref<1x128xf32, #tpu.memory_space<vmem>>
    %dma_start3A_789 = tpu.memref_squeeze %dma_start3A_788 : memref<1x128xf32, #tpu.memory_space<vmem>> -> memref<128xf32, #tpu.memory_space<vmem>>
    %dma_start3A_790 = arith.constant 0 : i32
    %dma_start3A_791 = tpu.memref_slice %arg10[%dma_start3A_786, %dma_start3A_790] : memref<79x128xi32, #tpu.memory_space<vmem>> -> memref<1x128xi32, #tpu.memory_space<vmem>>
    %dma_start3A_792 = tpu.memref_squeeze %dma_start3A_791 : memref<1x128xi32, #tpu.memory_space<vmem>> -> memref<128xi32, #tpu.memory_space<vmem>>
    %dma_start3A_793 = arith.constant 0 : i32
    %dma_start3A_794 = tpu.memref_slice %arg13[%dma_start3A_793] : memref<640000xf32, #tpu.memory_space<vmem_shared>> -> memref<640000xf32, #tpu.memory_space<vmem_shared>>
    tpu.enqueue_indirect_dma source(%dma_start3A_789 : memref<128xf32, #tpu.memory_space<vmem>>) target(%dma_start3A_794 : memref<640000xf32, #tpu.memory_space<vmem_shared>>) offsets(%dma_start3A_792 : memref<128xi32, #tpu.memory_space<vmem>>) semaphore(%arg16 : memref<!tpu.dma_semaphore, #tpu.memory_space<semaphore_mem>>) {add = true}
    %dma_start3A_795 = arith.constant 63 : i32
    %dma_start3A_796 = arith.constant 63 : i32
    %dma_start3A_797 = arith.constant 0 : i32
    %dma_start3A_798 = tpu.memref_slice %arg9[%dma_start3A_795, %dma_start3A_797] : memref<79x128xf32, #tpu.memory_space<vmem>> -> memref<1x128xf32, #tpu.memory_space<vmem>>
    %dma_start3A_799 = tpu.memref_squeeze %dma_start3A_798 : memref<1x128xf32, #tpu.memory_space<vmem>> -> memref<128xf32, #tpu.memory_space<vmem>>
    %dma_start3A_800 = arith.constant 0 : i32
    %dma_start3A_801 = tpu.memref_slice %arg10[%dma_start3A_796, %dma_start3A_800] : memref<79x128xi32, #tpu.memory_space<vmem>> -> memref<1x128xi32, #tpu.memory_space<vmem>>
    %dma_start3A_802 = tpu.memref_squeeze %dma_start3A_801 : memref<1x128xi32, #tpu.memory_space<vmem>> -> memref<128xi32, #tpu.memory_space<vmem>>
    %dma_start3A_803 = arith.constant 0 : i32
    %dma_start3A_804 = tpu.memref_slice %arg13[%dma_start3A_803] : memref<640000xf32, #tpu.memory_space<vmem_shared>> -> memref<640000xf32, #tpu.memory_space<vmem_shared>>
    tpu.enqueue_indirect_dma source(%dma_start3A_799 : memref<128xf32, #tpu.memory_space<vmem>>) target(%dma_start3A_804 : memref<640000xf32, #tpu.memory_space<vmem_shared>>) offsets(%dma_start3A_802 : memref<128xi32, #tpu.memory_space<vmem>>) semaphore(%arg16 : memref<!tpu.dma_semaphore, #tpu.memory_space<semaphore_mem>>) {add = true}
    %dma_start3A_805 = arith.constant 64 : i32
    %dma_start3A_806 = arith.constant 64 : i32
    %dma_start3A_807 = arith.constant 0 : i32
    %dma_start3A_808 = tpu.memref_slice %arg9[%dma_start3A_805, %dma_start3A_807] : memref<79x128xf32, #tpu.memory_space<vmem>> -> memref<1x128xf32, #tpu.memory_space<vmem>>
    %dma_start3A_809 = tpu.memref_squeeze %dma_start3A_808 : memref<1x128xf32, #tpu.memory_space<vmem>> -> memref<128xf32, #tpu.memory_space<vmem>>
    %dma_start3A_810 = arith.constant 0 : i32
    %dma_start3A_811 = tpu.memref_slice %arg10[%dma_start3A_806, %dma_start3A_810] : memref<79x128xi32, #tpu.memory_space<vmem>> -> memref<1x128xi32, #tpu.memory_space<vmem>>
    %dma_start3A_812 = tpu.memref_squeeze %dma_start3A_811 : memref<1x128xi32, #tpu.memory_space<vmem>> -> memref<128xi32, #tpu.memory_space<vmem>>
    %dma_start3A_813 = arith.constant 0 : i32
    %dma_start3A_814 = tpu.memref_slice %arg13[%dma_start3A_813] : memref<640000xf32, #tpu.memory_space<vmem_shared>> -> memref<640000xf32, #tpu.memory_space<vmem_shared>>
    tpu.enqueue_indirect_dma source(%dma_start3A_809 : memref<128xf32, #tpu.memory_space<vmem>>) target(%dma_start3A_814 : memref<640000xf32, #tpu.memory_space<vmem_shared>>) offsets(%dma_start3A_812 : memref<128xi32, #tpu.memory_space<vmem>>) semaphore(%arg16 : memref<!tpu.dma_semaphore, #tpu.memory_space<semaphore_mem>>) {add = true}
    %dma_start3A_815 = arith.constant 65 : i32
    %dma_start3A_816 = arith.constant 65 : i32
    %dma_start3A_817 = arith.constant 0 : i32
    %dma_start3A_818 = tpu.memref_slice %arg9[%dma_start3A_815, %dma_start3A_817] : memref<79x128xf32, #tpu.memory_space<vmem>> -> memref<1x128xf32, #tpu.memory_space<vmem>>
    %dma_start3A_819 = tpu.memref_squeeze %dma_start3A_818 : memref<1x128xf32, #tpu.memory_space<vmem>> -> memref<128xf32, #tpu.memory_space<vmem>>
    %dma_start3A_820 = arith.constant 0 : i32
    %dma_start3A_821 = tpu.memref_slice %arg10[%dma_start3A_816, %dma_start3A_820] : memref<79x128xi32, #tpu.memory_space<vmem>> -> memref<1x128xi32, #tpu.memory_space<vmem>>
    %dma_start3A_822 = tpu.memref_squeeze %dma_start3A_821 : memref<1x128xi32, #tpu.memory_space<vmem>> -> memref<128xi32, #tpu.memory_space<vmem>>
    %dma_start3A_823 = arith.constant 0 : i32
    %dma_start3A_824 = tpu.memref_slice %arg13[%dma_start3A_823] : memref<640000xf32, #tpu.memory_space<vmem_shared>> -> memref<640000xf32, #tpu.memory_space<vmem_shared>>
    tpu.enqueue_indirect_dma source(%dma_start3A_819 : memref<128xf32, #tpu.memory_space<vmem>>) target(%dma_start3A_824 : memref<640000xf32, #tpu.memory_space<vmem_shared>>) offsets(%dma_start3A_822 : memref<128xi32, #tpu.memory_space<vmem>>) semaphore(%arg16 : memref<!tpu.dma_semaphore, #tpu.memory_space<semaphore_mem>>) {add = true}
    %dma_start3A_825 = arith.constant 66 : i32
    %dma_start3A_826 = arith.constant 66 : i32
    %dma_start3A_827 = arith.constant 0 : i32
    %dma_start3A_828 = tpu.memref_slice %arg9[%dma_start3A_825, %dma_start3A_827] : memref<79x128xf32, #tpu.memory_space<vmem>> -> memref<1x128xf32, #tpu.memory_space<vmem>>
    %dma_start3A_829 = tpu.memref_squeeze %dma_start3A_828 : memref<1x128xf32, #tpu.memory_space<vmem>> -> memref<128xf32, #tpu.memory_space<vmem>>
    %dma_start3A_830 = arith.constant 0 : i32
    %dma_start3A_831 = tpu.memref_slice %arg10[%dma_start3A_826, %dma_start3A_830] : memref<79x128xi32, #tpu.memory_space<vmem>> -> memref<1x128xi32, #tpu.memory_space<vmem>>
    %dma_start3A_832 = tpu.memref_squeeze %dma_start3A_831 : memref<1x128xi32, #tpu.memory_space<vmem>> -> memref<128xi32, #tpu.memory_space<vmem>>
    %dma_start3A_833 = arith.constant 0 : i32
    %dma_start3A_834 = tpu.memref_slice %arg13[%dma_start3A_833] : memref<640000xf32, #tpu.memory_space<vmem_shared>> -> memref<640000xf32, #tpu.memory_space<vmem_shared>>
    tpu.enqueue_indirect_dma source(%dma_start3A_829 : memref<128xf32, #tpu.memory_space<vmem>>) target(%dma_start3A_834 : memref<640000xf32, #tpu.memory_space<vmem_shared>>) offsets(%dma_start3A_832 : memref<128xi32, #tpu.memory_space<vmem>>) semaphore(%arg16 : memref<!tpu.dma_semaphore, #tpu.memory_space<semaphore_mem>>) {add = true}
    %dma_start3A_835 = arith.constant 67 : i32
    %dma_start3A_836 = arith.constant 67 : i32
    %dma_start3A_837 = arith.constant 0 : i32
    %dma_start3A_838 = tpu.memref_slice %arg9[%dma_start3A_835, %dma_start3A_837] : memref<79x128xf32, #tpu.memory_space<vmem>> -> memref<1x128xf32, #tpu.memory_space<vmem>>
    %dma_start3A_839 = tpu.memref_squeeze %dma_start3A_838 : memref<1x128xf32, #tpu.memory_space<vmem>> -> memref<128xf32, #tpu.memory_space<vmem>>
    %dma_start3A_840 = arith.constant 0 : i32
    %dma_start3A_841 = tpu.memref_slice %arg10[%dma_start3A_836, %dma_start3A_840] : memref<79x128xi32, #tpu.memory_space<vmem>> -> memref<1x128xi32, #tpu.memory_space<vmem>>
    %dma_start3A_842 = tpu.memref_squeeze %dma_start3A_841 : memref<1x128xi32, #tpu.memory_space<vmem>> -> memref<128xi32, #tpu.memory_space<vmem>>
    %dma_start3A_843 = arith.constant 0 : i32
    %dma_start3A_844 = tpu.memref_slice %arg13[%dma_start3A_843] : memref<640000xf32, #tpu.memory_space<vmem_shared>> -> memref<640000xf32, #tpu.memory_space<vmem_shared>>
    tpu.enqueue_indirect_dma source(%dma_start3A_839 : memref<128xf32, #tpu.memory_space<vmem>>) target(%dma_start3A_844 : memref<640000xf32, #tpu.memory_space<vmem_shared>>) offsets(%dma_start3A_842 : memref<128xi32, #tpu.memory_space<vmem>>) semaphore(%arg16 : memref<!tpu.dma_semaphore, #tpu.memory_space<semaphore_mem>>) {add = true}
    %dma_start3A_845 = arith.constant 68 : i32
    %dma_start3A_846 = arith.constant 68 : i32
    %dma_start3A_847 = arith.constant 0 : i32
    %dma_start3A_848 = tpu.memref_slice %arg9[%dma_start3A_845, %dma_start3A_847] : memref<79x128xf32, #tpu.memory_space<vmem>> -> memref<1x128xf32, #tpu.memory_space<vmem>>
    %dma_start3A_849 = tpu.memref_squeeze %dma_start3A_848 : memref<1x128xf32, #tpu.memory_space<vmem>> -> memref<128xf32, #tpu.memory_space<vmem>>
    %dma_start3A_850 = arith.constant 0 : i32
    %dma_start3A_851 = tpu.memref_slice %arg10[%dma_start3A_846, %dma_start3A_850] : memref<79x128xi32, #tpu.memory_space<vmem>> -> memref<1x128xi32, #tpu.memory_space<vmem>>
    %dma_start3A_852 = tpu.memref_squeeze %dma_start3A_851 : memref<1x128xi32, #tpu.memory_space<vmem>> -> memref<128xi32, #tpu.memory_space<vmem>>
    %dma_start3A_853 = arith.constant 0 : i32
    %dma_start3A_854 = tpu.memref_slice %arg13[%dma_start3A_853] : memref<640000xf32, #tpu.memory_space<vmem_shared>> -> memref<640000xf32, #tpu.memory_space<vmem_shared>>
    tpu.enqueue_indirect_dma source(%dma_start3A_849 : memref<128xf32, #tpu.memory_space<vmem>>) target(%dma_start3A_854 : memref<640000xf32, #tpu.memory_space<vmem_shared>>) offsets(%dma_start3A_852 : memref<128xi32, #tpu.memory_space<vmem>>) semaphore(%arg16 : memref<!tpu.dma_semaphore, #tpu.memory_space<semaphore_mem>>) {add = true}
    %dma_start3A_855 = arith.constant 69 : i32
    %dma_start3A_856 = arith.constant 69 : i32
    %dma_start3A_857 = arith.constant 0 : i32
    %dma_start3A_858 = tpu.memref_slice %arg9[%dma_start3A_855, %dma_start3A_857] : memref<79x128xf32, #tpu.memory_space<vmem>> -> memref<1x128xf32, #tpu.memory_space<vmem>>
    %dma_start3A_859 = tpu.memref_squeeze %dma_start3A_858 : memref<1x128xf32, #tpu.memory_space<vmem>> -> memref<128xf32, #tpu.memory_space<vmem>>
    %dma_start3A_860 = arith.constant 0 : i32
    %dma_start3A_861 = tpu.memref_slice %arg10[%dma_start3A_856, %dma_start3A_860] : memref<79x128xi32, #tpu.memory_space<vmem>> -> memref<1x128xi32, #tpu.memory_space<vmem>>
    %dma_start3A_862 = tpu.memref_squeeze %dma_start3A_861 : memref<1x128xi32, #tpu.memory_space<vmem>> -> memref<128xi32, #tpu.memory_space<vmem>>
    %dma_start3A_863 = arith.constant 0 : i32
    %dma_start3A_864 = tpu.memref_slice %arg13[%dma_start3A_863] : memref<640000xf32, #tpu.memory_space<vmem_shared>> -> memref<640000xf32, #tpu.memory_space<vmem_shared>>
    tpu.enqueue_indirect_dma source(%dma_start3A_859 : memref<128xf32, #tpu.memory_space<vmem>>) target(%dma_start3A_864 : memref<640000xf32, #tpu.memory_space<vmem_shared>>) offsets(%dma_start3A_862 : memref<128xi32, #tpu.memory_space<vmem>>) semaphore(%arg16 : memref<!tpu.dma_semaphore, #tpu.memory_space<semaphore_mem>>) {add = true}
    %dma_start3A_865 = arith.constant 70 : i32
    %dma_start3A_866 = arith.constant 70 : i32
    %dma_start3A_867 = arith.constant 0 : i32
    %dma_start3A_868 = tpu.memref_slice %arg9[%dma_start3A_865, %dma_start3A_867] : memref<79x128xf32, #tpu.memory_space<vmem>> -> memref<1x128xf32, #tpu.memory_space<vmem>>
    %dma_start3A_869 = tpu.memref_squeeze %dma_start3A_868 : memref<1x128xf32, #tpu.memory_space<vmem>> -> memref<128xf32, #tpu.memory_space<vmem>>
    %dma_start3A_870 = arith.constant 0 : i32
    %dma_start3A_871 = tpu.memref_slice %arg10[%dma_start3A_866, %dma_start3A_870] : memref<79x128xi32, #tpu.memory_space<vmem>> -> memref<1x128xi32, #tpu.memory_space<vmem>>
    %dma_start3A_872 = tpu.memref_squeeze %dma_start3A_871 : memref<1x128xi32, #tpu.memory_space<vmem>> -> memref<128xi32, #tpu.memory_space<vmem>>
    %dma_start3A_873 = arith.constant 0 : i32
    %dma_start3A_874 = tpu.memref_slice %arg13[%dma_start3A_873] : memref<640000xf32, #tpu.memory_space<vmem_shared>> -> memref<640000xf32, #tpu.memory_space<vmem_shared>>
    tpu.enqueue_indirect_dma source(%dma_start3A_869 : memref<128xf32, #tpu.memory_space<vmem>>) target(%dma_start3A_874 : memref<640000xf32, #tpu.memory_space<vmem_shared>>) offsets(%dma_start3A_872 : memref<128xi32, #tpu.memory_space<vmem>>) semaphore(%arg16 : memref<!tpu.dma_semaphore, #tpu.memory_space<semaphore_mem>>) {add = true}
    %dma_start3A_875 = arith.constant 71 : i32
    %dma_start3A_876 = arith.constant 71 : i32
    %dma_start3A_877 = arith.constant 0 : i32
    %dma_start3A_878 = tpu.memref_slice %arg9[%dma_start3A_875, %dma_start3A_877] : memref<79x128xf32, #tpu.memory_space<vmem>> -> memref<1x128xf32, #tpu.memory_space<vmem>>
    %dma_start3A_879 = tpu.memref_squeeze %dma_start3A_878 : memref<1x128xf32, #tpu.memory_space<vmem>> -> memref<128xf32, #tpu.memory_space<vmem>>
    %dma_start3A_880 = arith.constant 0 : i32
    %dma_start3A_881 = tpu.memref_slice %arg10[%dma_start3A_876, %dma_start3A_880] : memref<79x128xi32, #tpu.memory_space<vmem>> -> memref<1x128xi32, #tpu.memory_space<vmem>>
    %dma_start3A_882 = tpu.memref_squeeze %dma_start3A_881 : memref<1x128xi32, #tpu.memory_space<vmem>> -> memref<128xi32, #tpu.memory_space<vmem>>
    %dma_start3A_883 = arith.constant 0 : i32
    %dma_start3A_884 = tpu.memref_slice %arg13[%dma_start3A_883] : memref<640000xf32, #tpu.memory_space<vmem_shared>> -> memref<640000xf32, #tpu.memory_space<vmem_shared>>
    tpu.enqueue_indirect_dma source(%dma_start3A_879 : memref<128xf32, #tpu.memory_space<vmem>>) target(%dma_start3A_884 : memref<640000xf32, #tpu.memory_space<vmem_shared>>) offsets(%dma_start3A_882 : memref<128xi32, #tpu.memory_space<vmem>>) semaphore(%arg16 : memref<!tpu.dma_semaphore, #tpu.memory_space<semaphore_mem>>) {add = true}
    %dma_start3A_885 = arith.constant 72 : i32
    %dma_start3A_886 = arith.constant 72 : i32
    %dma_start3A_887 = arith.constant 0 : i32
    %dma_start3A_888 = tpu.memref_slice %arg9[%dma_start3A_885, %dma_start3A_887] : memref<79x128xf32, #tpu.memory_space<vmem>> -> memref<1x128xf32, #tpu.memory_space<vmem>>
    %dma_start3A_889 = tpu.memref_squeeze %dma_start3A_888 : memref<1x128xf32, #tpu.memory_space<vmem>> -> memref<128xf32, #tpu.memory_space<vmem>>
    %dma_start3A_890 = arith.constant 0 : i32
    %dma_start3A_891 = tpu.memref_slice %arg10[%dma_start3A_886, %dma_start3A_890] : memref<79x128xi32, #tpu.memory_space<vmem>> -> memref<1x128xi32, #tpu.memory_space<vmem>>
    %dma_start3A_892 = tpu.memref_squeeze %dma_start3A_891 : memref<1x128xi32, #tpu.memory_space<vmem>> -> memref<128xi32, #tpu.memory_space<vmem>>
    %dma_start3A_893 = arith.constant 0 : i32
    %dma_start3A_894 = tpu.memref_slice %arg13[%dma_start3A_893] : memref<640000xf32, #tpu.memory_space<vmem_shared>> -> memref<640000xf32, #tpu.memory_space<vmem_shared>>
    tpu.enqueue_indirect_dma source(%dma_start3A_889 : memref<128xf32, #tpu.memory_space<vmem>>) target(%dma_start3A_894 : memref<640000xf32, #tpu.memory_space<vmem_shared>>) offsets(%dma_start3A_892 : memref<128xi32, #tpu.memory_space<vmem>>) semaphore(%arg16 : memref<!tpu.dma_semaphore, #tpu.memory_space<semaphore_mem>>) {add = true}
    %dma_start3A_895 = arith.constant 73 : i32
    %dma_start3A_896 = arith.constant 73 : i32
    %dma_start3A_897 = arith.constant 0 : i32
    %dma_start3A_898 = tpu.memref_slice %arg9[%dma_start3A_895, %dma_start3A_897] : memref<79x128xf32, #tpu.memory_space<vmem>> -> memref<1x128xf32, #tpu.memory_space<vmem>>
    %dma_start3A_899 = tpu.memref_squeeze %dma_start3A_898 : memref<1x128xf32, #tpu.memory_space<vmem>> -> memref<128xf32, #tpu.memory_space<vmem>>
    %dma_start3A_900 = arith.constant 0 : i32
    %dma_start3A_901 = tpu.memref_slice %arg10[%dma_start3A_896, %dma_start3A_900] : memref<79x128xi32, #tpu.memory_space<vmem>> -> memref<1x128xi32, #tpu.memory_space<vmem>>
    %dma_start3A_902 = tpu.memref_squeeze %dma_start3A_901 : memref<1x128xi32, #tpu.memory_space<vmem>> -> memref<128xi32, #tpu.memory_space<vmem>>
    %dma_start3A_903 = arith.constant 0 : i32
    %dma_start3A_904 = tpu.memref_slice %arg13[%dma_start3A_903] : memref<640000xf32, #tpu.memory_space<vmem_shared>> -> memref<640000xf32, #tpu.memory_space<vmem_shared>>
    tpu.enqueue_indirect_dma source(%dma_start3A_899 : memref<128xf32, #tpu.memory_space<vmem>>) target(%dma_start3A_904 : memref<640000xf32, #tpu.memory_space<vmem_shared>>) offsets(%dma_start3A_902 : memref<128xi32, #tpu.memory_space<vmem>>) semaphore(%arg16 : memref<!tpu.dma_semaphore, #tpu.memory_space<semaphore_mem>>) {add = true}
    %dma_start3A_905 = arith.constant 74 : i32
    %dma_start3A_906 = arith.constant 74 : i32
    %dma_start3A_907 = arith.constant 0 : i32
    %dma_start3A_908 = tpu.memref_slice %arg9[%dma_start3A_905, %dma_start3A_907] : memref<79x128xf32, #tpu.memory_space<vmem>> -> memref<1x128xf32, #tpu.memory_space<vmem>>
    %dma_start3A_909 = tpu.memref_squeeze %dma_start3A_908 : memref<1x128xf32, #tpu.memory_space<vmem>> -> memref<128xf32, #tpu.memory_space<vmem>>
    %dma_start3A_910 = arith.constant 0 : i32
    %dma_start3A_911 = tpu.memref_slice %arg10[%dma_start3A_906, %dma_start3A_910] : memref<79x128xi32, #tpu.memory_space<vmem>> -> memref<1x128xi32, #tpu.memory_space<vmem>>
    %dma_start3A_912 = tpu.memref_squeeze %dma_start3A_911 : memref<1x128xi32, #tpu.memory_space<vmem>> -> memref<128xi32, #tpu.memory_space<vmem>>
    %dma_start3A_913 = arith.constant 0 : i32
    %dma_start3A_914 = tpu.memref_slice %arg13[%dma_start3A_913] : memref<640000xf32, #tpu.memory_space<vmem_shared>> -> memref<640000xf32, #tpu.memory_space<vmem_shared>>
    tpu.enqueue_indirect_dma source(%dma_start3A_909 : memref<128xf32, #tpu.memory_space<vmem>>) target(%dma_start3A_914 : memref<640000xf32, #tpu.memory_space<vmem_shared>>) offsets(%dma_start3A_912 : memref<128xi32, #tpu.memory_space<vmem>>) semaphore(%arg16 : memref<!tpu.dma_semaphore, #tpu.memory_space<semaphore_mem>>) {add = true}
    %dma_start3A_915 = arith.constant 75 : i32
    %dma_start3A_916 = arith.constant 75 : i32
    %dma_start3A_917 = arith.constant 0 : i32
    %dma_start3A_918 = tpu.memref_slice %arg9[%dma_start3A_915, %dma_start3A_917] : memref<79x128xf32, #tpu.memory_space<vmem>> -> memref<1x128xf32, #tpu.memory_space<vmem>>
    %dma_start3A_919 = tpu.memref_squeeze %dma_start3A_918 : memref<1x128xf32, #tpu.memory_space<vmem>> -> memref<128xf32, #tpu.memory_space<vmem>>
    %dma_start3A_920 = arith.constant 0 : i32
    %dma_start3A_921 = tpu.memref_slice %arg10[%dma_start3A_916, %dma_start3A_920] : memref<79x128xi32, #tpu.memory_space<vmem>> -> memref<1x128xi32, #tpu.memory_space<vmem>>
    %dma_start3A_922 = tpu.memref_squeeze %dma_start3A_921 : memref<1x128xi32, #tpu.memory_space<vmem>> -> memref<128xi32, #tpu.memory_space<vmem>>
    %dma_start3A_923 = arith.constant 0 : i32
    %dma_start3A_924 = tpu.memref_slice %arg13[%dma_start3A_923] : memref<640000xf32, #tpu.memory_space<vmem_shared>> -> memref<640000xf32, #tpu.memory_space<vmem_shared>>
    tpu.enqueue_indirect_dma source(%dma_start3A_919 : memref<128xf32, #tpu.memory_space<vmem>>) target(%dma_start3A_924 : memref<640000xf32, #tpu.memory_space<vmem_shared>>) offsets(%dma_start3A_922 : memref<128xi32, #tpu.memory_space<vmem>>) semaphore(%arg16 : memref<!tpu.dma_semaphore, #tpu.memory_space<semaphore_mem>>) {add = true}
    %dma_start3A_925 = arith.constant 76 : i32
    %dma_start3A_926 = arith.constant 76 : i32
    %dma_start3A_927 = arith.constant 0 : i32
    %dma_start3A_928 = tpu.memref_slice %arg9[%dma_start3A_925, %dma_start3A_927] : memref<79x128xf32, #tpu.memory_space<vmem>> -> memref<1x128xf32, #tpu.memory_space<vmem>>
    %dma_start3A_929 = tpu.memref_squeeze %dma_start3A_928 : memref<1x128xf32, #tpu.memory_space<vmem>> -> memref<128xf32, #tpu.memory_space<vmem>>
    %dma_start3A_930 = arith.constant 0 : i32
    %dma_start3A_931 = tpu.memref_slice %arg10[%dma_start3A_926, %dma_start3A_930] : memref<79x128xi32, #tpu.memory_space<vmem>> -> memref<1x128xi32, #tpu.memory_space<vmem>>
    %dma_start3A_932 = tpu.memref_squeeze %dma_start3A_931 : memref<1x128xi32, #tpu.memory_space<vmem>> -> memref<128xi32, #tpu.memory_space<vmem>>
    %dma_start3A_933 = arith.constant 0 : i32
    %dma_start3A_934 = tpu.memref_slice %arg13[%dma_start3A_933] : memref<640000xf32, #tpu.memory_space<vmem_shared>> -> memref<640000xf32, #tpu.memory_space<vmem_shared>>
    tpu.enqueue_indirect_dma source(%dma_start3A_929 : memref<128xf32, #tpu.memory_space<vmem>>) target(%dma_start3A_934 : memref<640000xf32, #tpu.memory_space<vmem_shared>>) offsets(%dma_start3A_932 : memref<128xi32, #tpu.memory_space<vmem>>) semaphore(%arg16 : memref<!tpu.dma_semaphore, #tpu.memory_space<semaphore_mem>>) {add = true}
    %dma_start3A_935 = arith.constant 77 : i32
    %dma_start3A_936 = arith.constant 77 : i32
    %dma_start3A_937 = arith.constant 0 : i32
    %dma_start3A_938 = tpu.memref_slice %arg9[%dma_start3A_935, %dma_start3A_937] : memref<79x128xf32, #tpu.memory_space<vmem>> -> memref<1x128xf32, #tpu.memory_space<vmem>>
    %dma_start3A_939 = tpu.memref_squeeze %dma_start3A_938 : memref<1x128xf32, #tpu.memory_space<vmem>> -> memref<128xf32, #tpu.memory_space<vmem>>
    %dma_start3A_940 = arith.constant 0 : i32
    %dma_start3A_941 = tpu.memref_slice %arg10[%dma_start3A_936, %dma_start3A_940] : memref<79x128xi32, #tpu.memory_space<vmem>> -> memref<1x128xi32, #tpu.memory_space<vmem>>
    %dma_start3A_942 = tpu.memref_squeeze %dma_start3A_941 : memref<1x128xi32, #tpu.memory_space<vmem>> -> memref<128xi32, #tpu.memory_space<vmem>>
    %dma_start3A_943 = arith.constant 0 : i32
    %dma_start3A_944 = tpu.memref_slice %arg13[%dma_start3A_943] : memref<640000xf32, #tpu.memory_space<vmem_shared>> -> memref<640000xf32, #tpu.memory_space<vmem_shared>>
    tpu.enqueue_indirect_dma source(%dma_start3A_939 : memref<128xf32, #tpu.memory_space<vmem>>) target(%dma_start3A_944 : memref<640000xf32, #tpu.memory_space<vmem_shared>>) offsets(%dma_start3A_942 : memref<128xi32, #tpu.memory_space<vmem>>) semaphore(%arg16 : memref<!tpu.dma_semaphore, #tpu.memory_space<semaphore_mem>>) {add = true}
    %dma_start3A_945 = arith.constant 78 : i32
    %dma_start3A_946 = arith.constant 78 : i32
    %dma_start3A_947 = arith.constant 0 : i32
    %dma_start3A_948 = tpu.memref_slice %arg9[%dma_start3A_945, %dma_start3A_947] : memref<79x128xf32, #tpu.memory_space<vmem>> -> memref<1x128xf32, #tpu.memory_space<vmem>>
    %dma_start3A_949 = tpu.memref_squeeze %dma_start3A_948 : memref<1x128xf32, #tpu.memory_space<vmem>> -> memref<128xf32, #tpu.memory_space<vmem>>
    %dma_start3A_950 = arith.constant 0 : i32
    %dma_start3A_951 = tpu.memref_slice %arg10[%dma_start3A_946, %dma_start3A_950] : memref<79x128xi32, #tpu.memory_space<vmem>> -> memref<1x128xi32, #tpu.memory_space<vmem>>
    %dma_start3A_952 = tpu.memref_squeeze %dma_start3A_951 : memref<1x128xi32, #tpu.memory_space<vmem>> -> memref<128xi32, #tpu.memory_space<vmem>>
    %dma_start3A_953 = arith.constant 0 : i32
    %dma_start3A_954 = tpu.memref_slice %arg13[%dma_start3A_953] : memref<640000xf32, #tpu.memory_space<vmem_shared>> -> memref<640000xf32, #tpu.memory_space<vmem_shared>>
    tpu.enqueue_indirect_dma source(%dma_start3A_949 : memref<128xf32, #tpu.memory_space<vmem>>) target(%dma_start3A_954 : memref<640000xf32, #tpu.memory_space<vmem_shared>>) offsets(%dma_start3A_952 : memref<128xi32, #tpu.memory_space<vmem>>) semaphore(%arg16 : memref<!tpu.dma_semaphore, #tpu.memory_space<semaphore_mem>>) {add = true}
    %dma_wait3A_955 = arith.constant 0 : i32
    %dma_wait3A_956 = arith.constant 0 : i32
    %dma_wait3A_957 = arith.constant 0 : i32
    %dma_wait3A_958 = tpu.memref_slice %arg9[%dma_wait3A_955, %dma_wait3A_957] : memref<79x128xf32, #tpu.memory_space<vmem>> -> memref<1x128xf32, #tpu.memory_space<vmem>>
    %dma_wait3A_959 = tpu.memref_squeeze %dma_wait3A_958 : memref<1x128xf32, #tpu.memory_space<vmem>> -> memref<128xf32, #tpu.memory_space<vmem>>
    %dma_wait3A_960 = arith.constant 0 : i32
    %dma_wait3A_961 = tpu.memref_slice %arg10[%dma_wait3A_956, %dma_wait3A_960] : memref<79x128xi32, #tpu.memory_space<vmem>> -> memref<1x128xi32, #tpu.memory_space<vmem>>
    %dma_wait3A_962 = tpu.memref_squeeze %dma_wait3A_961 : memref<1x128xi32, #tpu.memory_space<vmem>> -> memref<128xi32, #tpu.memory_space<vmem>>
    %dma_wait3A_963 = arith.constant 0 : i32
    %dma_wait3A_964 = tpu.memref_slice %arg13[%dma_wait3A_963] : memref<640000xf32, #tpu.memory_space<vmem_shared>> -> memref<640000xf32, #tpu.memory_space<vmem_shared>>
    tpu.wait_indirect_dma semaphore(%arg16 : memref<!tpu.dma_semaphore, #tpu.memory_space<semaphore_mem>>) src(%dma_wait3A_959 : memref<128xf32, #tpu.memory_space<vmem>>) dst(%dma_wait3A_964 : memref<640000xf32, #tpu.memory_space<vmem_shared>>)
    %dma_wait3A_965 = arith.constant 1 : i32
    %dma_wait3A_966 = arith.constant 1 : i32
    %dma_wait3A_967 = arith.constant 0 : i32
    %dma_wait3A_968 = tpu.memref_slice %arg9[%dma_wait3A_965, %dma_wait3A_967] : memref<79x128xf32, #tpu.memory_space<vmem>> -> memref<1x128xf32, #tpu.memory_space<vmem>>
    %dma_wait3A_969 = tpu.memref_squeeze %dma_wait3A_968 : memref<1x128xf32, #tpu.memory_space<vmem>> -> memref<128xf32, #tpu.memory_space<vmem>>
    %dma_wait3A_970 = arith.constant 0 : i32
    %dma_wait3A_971 = tpu.memref_slice %arg10[%dma_wait3A_966, %dma_wait3A_970] : memref<79x128xi32, #tpu.memory_space<vmem>> -> memref<1x128xi32, #tpu.memory_space<vmem>>
    %dma_wait3A_972 = tpu.memref_squeeze %dma_wait3A_971 : memref<1x128xi32, #tpu.memory_space<vmem>> -> memref<128xi32, #tpu.memory_space<vmem>>
    %dma_wait3A_973 = arith.constant 0 : i32
    %dma_wait3A_974 = tpu.memref_slice %arg13[%dma_wait3A_973] : memref<640000xf32, #tpu.memory_space<vmem_shared>> -> memref<640000xf32, #tpu.memory_space<vmem_shared>>
    tpu.wait_indirect_dma semaphore(%arg16 : memref<!tpu.dma_semaphore, #tpu.memory_space<semaphore_mem>>) src(%dma_wait3A_969 : memref<128xf32, #tpu.memory_space<vmem>>) dst(%dma_wait3A_974 : memref<640000xf32, #tpu.memory_space<vmem_shared>>)
    %dma_wait3A_975 = arith.constant 2 : i32
    %dma_wait3A_976 = arith.constant 2 : i32
    %dma_wait3A_977 = arith.constant 0 : i32
    %dma_wait3A_978 = tpu.memref_slice %arg9[%dma_wait3A_975, %dma_wait3A_977] : memref<79x128xf32, #tpu.memory_space<vmem>> -> memref<1x128xf32, #tpu.memory_space<vmem>>
    %dma_wait3A_979 = tpu.memref_squeeze %dma_wait3A_978 : memref<1x128xf32, #tpu.memory_space<vmem>> -> memref<128xf32, #tpu.memory_space<vmem>>
    %dma_wait3A_980 = arith.constant 0 : i32
    %dma_wait3A_981 = tpu.memref_slice %arg10[%dma_wait3A_976, %dma_wait3A_980] : memref<79x128xi32, #tpu.memory_space<vmem>> -> memref<1x128xi32, #tpu.memory_space<vmem>>
    %dma_wait3A_982 = tpu.memref_squeeze %dma_wait3A_981 : memref<1x128xi32, #tpu.memory_space<vmem>> -> memref<128xi32, #tpu.memory_space<vmem>>
    %dma_wait3A_983 = arith.constant 0 : i32
    %dma_wait3A_984 = tpu.memref_slice %arg13[%dma_wait3A_983] : memref<640000xf32, #tpu.memory_space<vmem_shared>> -> memref<640000xf32, #tpu.memory_space<vmem_shared>>
    tpu.wait_indirect_dma semaphore(%arg16 : memref<!tpu.dma_semaphore, #tpu.memory_space<semaphore_mem>>) src(%dma_wait3A_979 : memref<128xf32, #tpu.memory_space<vmem>>) dst(%dma_wait3A_984 : memref<640000xf32, #tpu.memory_space<vmem_shared>>)
    %dma_wait3A_985 = arith.constant 3 : i32
    %dma_wait3A_986 = arith.constant 3 : i32
    %dma_wait3A_987 = arith.constant 0 : i32
    %dma_wait3A_988 = tpu.memref_slice %arg9[%dma_wait3A_985, %dma_wait3A_987] : memref<79x128xf32, #tpu.memory_space<vmem>> -> memref<1x128xf32, #tpu.memory_space<vmem>>
    %dma_wait3A_989 = tpu.memref_squeeze %dma_wait3A_988 : memref<1x128xf32, #tpu.memory_space<vmem>> -> memref<128xf32, #tpu.memory_space<vmem>>
    %dma_wait3A_990 = arith.constant 0 : i32
    %dma_wait3A_991 = tpu.memref_slice %arg10[%dma_wait3A_986, %dma_wait3A_990] : memref<79x128xi32, #tpu.memory_space<vmem>> -> memref<1x128xi32, #tpu.memory_space<vmem>>
    %dma_wait3A_992 = tpu.memref_squeeze %dma_wait3A_991 : memref<1x128xi32, #tpu.memory_space<vmem>> -> memref<128xi32, #tpu.memory_space<vmem>>
    %dma_wait3A_993 = arith.constant 0 : i32
    %dma_wait3A_994 = tpu.memref_slice %arg13[%dma_wait3A_993] : memref<640000xf32, #tpu.memory_space<vmem_shared>> -> memref<640000xf32, #tpu.memory_space<vmem_shared>>
    tpu.wait_indirect_dma semaphore(%arg16 : memref<!tpu.dma_semaphore, #tpu.memory_space<semaphore_mem>>) src(%dma_wait3A_989 : memref<128xf32, #tpu.memory_space<vmem>>) dst(%dma_wait3A_994 : memref<640000xf32, #tpu.memory_space<vmem_shared>>)
    %dma_wait3A_995 = arith.constant 4 : i32
    %dma_wait3A_996 = arith.constant 4 : i32
    %dma_wait3A_997 = arith.constant 0 : i32
    %dma_wait3A_998 = tpu.memref_slice %arg9[%dma_wait3A_995, %dma_wait3A_997] : memref<79x128xf32, #tpu.memory_space<vmem>> -> memref<1x128xf32, #tpu.memory_space<vmem>>
    %dma_wait3A_999 = tpu.memref_squeeze %dma_wait3A_998 : memref<1x128xf32, #tpu.memory_space<vmem>> -> memref<128xf32, #tpu.memory_space<vmem>>
    %dma_wait3A_1000 = arith.constant 0 : i32
    %dma_wait3A_1001 = tpu.memref_slice %arg10[%dma_wait3A_996, %dma_wait3A_1000] : memref<79x128xi32, #tpu.memory_space<vmem>> -> memref<1x128xi32, #tpu.memory_space<vmem>>
    %dma_wait3A_1002 = tpu.memref_squeeze %dma_wait3A_1001 : memref<1x128xi32, #tpu.memory_space<vmem>> -> memref<128xi32, #tpu.memory_space<vmem>>
    %dma_wait3A_1003 = arith.constant 0 : i32
    %dma_wait3A_1004 = tpu.memref_slice %arg13[%dma_wait3A_1003] : memref<640000xf32, #tpu.memory_space<vmem_shared>> -> memref<640000xf32, #tpu.memory_space<vmem_shared>>
    tpu.wait_indirect_dma semaphore(%arg16 : memref<!tpu.dma_semaphore, #tpu.memory_space<semaphore_mem>>) src(%dma_wait3A_999 : memref<128xf32, #tpu.memory_space<vmem>>) dst(%dma_wait3A_1004 : memref<640000xf32, #tpu.memory_space<vmem_shared>>)
    %dma_wait3A_1005 = arith.constant 5 : i32
    %dma_wait3A_1006 = arith.constant 5 : i32
    %dma_wait3A_1007 = arith.constant 0 : i32
    %dma_wait3A_1008 = tpu.memref_slice %arg9[%dma_wait3A_1005, %dma_wait3A_1007] : memref<79x128xf32, #tpu.memory_space<vmem>> -> memref<1x128xf32, #tpu.memory_space<vmem>>
    %dma_wait3A_1009 = tpu.memref_squeeze %dma_wait3A_1008 : memref<1x128xf32, #tpu.memory_space<vmem>> -> memref<128xf32, #tpu.memory_space<vmem>>
    %dma_wait3A_1010 = arith.constant 0 : i32
    %dma_wait3A_1011 = tpu.memref_slice %arg10[%dma_wait3A_1006, %dma_wait3A_1010] : memref<79x128xi32, #tpu.memory_space<vmem>> -> memref<1x128xi32, #tpu.memory_space<vmem>>
    %dma_wait3A_1012 = tpu.memref_squeeze %dma_wait3A_1011 : memref<1x128xi32, #tpu.memory_space<vmem>> -> memref<128xi32, #tpu.memory_space<vmem>>
    %dma_wait3A_1013 = arith.constant 0 : i32
    %dma_wait3A_1014 = tpu.memref_slice %arg13[%dma_wait3A_1013] : memref<640000xf32, #tpu.memory_space<vmem_shared>> -> memref<640000xf32, #tpu.memory_space<vmem_shared>>
    tpu.wait_indirect_dma semaphore(%arg16 : memref<!tpu.dma_semaphore, #tpu.memory_space<semaphore_mem>>) src(%dma_wait3A_1009 : memref<128xf32, #tpu.memory_space<vmem>>) dst(%dma_wait3A_1014 : memref<640000xf32, #tpu.memory_space<vmem_shared>>)
    %dma_wait3A_1015 = arith.constant 6 : i32
    %dma_wait3A_1016 = arith.constant 6 : i32
    %dma_wait3A_1017 = arith.constant 0 : i32
    %dma_wait3A_1018 = tpu.memref_slice %arg9[%dma_wait3A_1015, %dma_wait3A_1017] : memref<79x128xf32, #tpu.memory_space<vmem>> -> memref<1x128xf32, #tpu.memory_space<vmem>>
    %dma_wait3A_1019 = tpu.memref_squeeze %dma_wait3A_1018 : memref<1x128xf32, #tpu.memory_space<vmem>> -> memref<128xf32, #tpu.memory_space<vmem>>
    %dma_wait3A_1020 = arith.constant 0 : i32
    %dma_wait3A_1021 = tpu.memref_slice %arg10[%dma_wait3A_1016, %dma_wait3A_1020] : memref<79x128xi32, #tpu.memory_space<vmem>> -> memref<1x128xi32, #tpu.memory_space<vmem>>
    %dma_wait3A_1022 = tpu.memref_squeeze %dma_wait3A_1021 : memref<1x128xi32, #tpu.memory_space<vmem>> -> memref<128xi32, #tpu.memory_space<vmem>>
    %dma_wait3A_1023 = arith.constant 0 : i32
    %dma_wait3A_1024 = tpu.memref_slice %arg13[%dma_wait3A_1023] : memref<640000xf32, #tpu.memory_space<vmem_shared>> -> memref<640000xf32, #tpu.memory_space<vmem_shared>>
    tpu.wait_indirect_dma semaphore(%arg16 : memref<!tpu.dma_semaphore, #tpu.memory_space<semaphore_mem>>) src(%dma_wait3A_1019 : memref<128xf32, #tpu.memory_space<vmem>>) dst(%dma_wait3A_1024 : memref<640000xf32, #tpu.memory_space<vmem_shared>>)
    %dma_wait3A_1025 = arith.constant 7 : i32
    %dma_wait3A_1026 = arith.constant 7 : i32
    %dma_wait3A_1027 = arith.constant 0 : i32
    %dma_wait3A_1028 = tpu.memref_slice %arg9[%dma_wait3A_1025, %dma_wait3A_1027] : memref<79x128xf32, #tpu.memory_space<vmem>> -> memref<1x128xf32, #tpu.memory_space<vmem>>
    %dma_wait3A_1029 = tpu.memref_squeeze %dma_wait3A_1028 : memref<1x128xf32, #tpu.memory_space<vmem>> -> memref<128xf32, #tpu.memory_space<vmem>>
    %dma_wait3A_1030 = arith.constant 0 : i32
    %dma_wait3A_1031 = tpu.memref_slice %arg10[%dma_wait3A_1026, %dma_wait3A_1030] : memref<79x128xi32, #tpu.memory_space<vmem>> -> memref<1x128xi32, #tpu.memory_space<vmem>>
    %dma_wait3A_1032 = tpu.memref_squeeze %dma_wait3A_1031 : memref<1x128xi32, #tpu.memory_space<vmem>> -> memref<128xi32, #tpu.memory_space<vmem>>
    %dma_wait3A_1033 = arith.constant 0 : i32
    %dma_wait3A_1034 = tpu.memref_slice %arg13[%dma_wait3A_1033] : memref<640000xf32, #tpu.memory_space<vmem_shared>> -> memref<640000xf32, #tpu.memory_space<vmem_shared>>
    tpu.wait_indirect_dma semaphore(%arg16 : memref<!tpu.dma_semaphore, #tpu.memory_space<semaphore_mem>>) src(%dma_wait3A_1029 : memref<128xf32, #tpu.memory_space<vmem>>) dst(%dma_wait3A_1034 : memref<640000xf32, #tpu.memory_space<vmem_shared>>)
    %dma_wait3A_1035 = arith.constant 8 : i32
    %dma_wait3A_1036 = arith.constant 8 : i32
    %dma_wait3A_1037 = arith.constant 0 : i32
    %dma_wait3A_1038 = tpu.memref_slice %arg9[%dma_wait3A_1035, %dma_wait3A_1037] : memref<79x128xf32, #tpu.memory_space<vmem>> -> memref<1x128xf32, #tpu.memory_space<vmem>>
    %dma_wait3A_1039 = tpu.memref_squeeze %dma_wait3A_1038 : memref<1x128xf32, #tpu.memory_space<vmem>> -> memref<128xf32, #tpu.memory_space<vmem>>
    %dma_wait3A_1040 = arith.constant 0 : i32
    %dma_wait3A_1041 = tpu.memref_slice %arg10[%dma_wait3A_1036, %dma_wait3A_1040] : memref<79x128xi32, #tpu.memory_space<vmem>> -> memref<1x128xi32, #tpu.memory_space<vmem>>
    %dma_wait3A_1042 = tpu.memref_squeeze %dma_wait3A_1041 : memref<1x128xi32, #tpu.memory_space<vmem>> -> memref<128xi32, #tpu.memory_space<vmem>>
    %dma_wait3A_1043 = arith.constant 0 : i32
    %dma_wait3A_1044 = tpu.memref_slice %arg13[%dma_wait3A_1043] : memref<640000xf32, #tpu.memory_space<vmem_shared>> -> memref<640000xf32, #tpu.memory_space<vmem_shared>>
    tpu.wait_indirect_dma semaphore(%arg16 : memref<!tpu.dma_semaphore, #tpu.memory_space<semaphore_mem>>) src(%dma_wait3A_1039 : memref<128xf32, #tpu.memory_space<vmem>>) dst(%dma_wait3A_1044 : memref<640000xf32, #tpu.memory_space<vmem_shared>>)
    %dma_wait3A_1045 = arith.constant 9 : i32
    %dma_wait3A_1046 = arith.constant 9 : i32
    %dma_wait3A_1047 = arith.constant 0 : i32
    %dma_wait3A_1048 = tpu.memref_slice %arg9[%dma_wait3A_1045, %dma_wait3A_1047] : memref<79x128xf32, #tpu.memory_space<vmem>> -> memref<1x128xf32, #tpu.memory_space<vmem>>
    %dma_wait3A_1049 = tpu.memref_squeeze %dma_wait3A_1048 : memref<1x128xf32, #tpu.memory_space<vmem>> -> memref<128xf32, #tpu.memory_space<vmem>>
    %dma_wait3A_1050 = arith.constant 0 : i32
    %dma_wait3A_1051 = tpu.memref_slice %arg10[%dma_wait3A_1046, %dma_wait3A_1050] : memref<79x128xi32, #tpu.memory_space<vmem>> -> memref<1x128xi32, #tpu.memory_space<vmem>>
    %dma_wait3A_1052 = tpu.memref_squeeze %dma_wait3A_1051 : memref<1x128xi32, #tpu.memory_space<vmem>> -> memref<128xi32, #tpu.memory_space<vmem>>
    %dma_wait3A_1053 = arith.constant 0 : i32
    %dma_wait3A_1054 = tpu.memref_slice %arg13[%dma_wait3A_1053] : memref<640000xf32, #tpu.memory_space<vmem_shared>> -> memref<640000xf32, #tpu.memory_space<vmem_shared>>
    tpu.wait_indirect_dma semaphore(%arg16 : memref<!tpu.dma_semaphore, #tpu.memory_space<semaphore_mem>>) src(%dma_wait3A_1049 : memref<128xf32, #tpu.memory_space<vmem>>) dst(%dma_wait3A_1054 : memref<640000xf32, #tpu.memory_space<vmem_shared>>)
    %dma_wait3A_1055 = arith.constant 10 : i32
    %dma_wait3A_1056 = arith.constant 10 : i32
    %dma_wait3A_1057 = arith.constant 0 : i32
    %dma_wait3A_1058 = tpu.memref_slice %arg9[%dma_wait3A_1055, %dma_wait3A_1057] : memref<79x128xf32, #tpu.memory_space<vmem>> -> memref<1x128xf32, #tpu.memory_space<vmem>>
    %dma_wait3A_1059 = tpu.memref_squeeze %dma_wait3A_1058 : memref<1x128xf32, #tpu.memory_space<vmem>> -> memref<128xf32, #tpu.memory_space<vmem>>
    %dma_wait3A_1060 = arith.constant 0 : i32
    %dma_wait3A_1061 = tpu.memref_slice %arg10[%dma_wait3A_1056, %dma_wait3A_1060] : memref<79x128xi32, #tpu.memory_space<vmem>> -> memref<1x128xi32, #tpu.memory_space<vmem>>
    %dma_wait3A_1062 = tpu.memref_squeeze %dma_wait3A_1061 : memref<1x128xi32, #tpu.memory_space<vmem>> -> memref<128xi32, #tpu.memory_space<vmem>>
    %dma_wait3A_1063 = arith.constant 0 : i32
    %dma_wait3A_1064 = tpu.memref_slice %arg13[%dma_wait3A_1063] : memref<640000xf32, #tpu.memory_space<vmem_shared>> -> memref<640000xf32, #tpu.memory_space<vmem_shared>>
    tpu.wait_indirect_dma semaphore(%arg16 : memref<!tpu.dma_semaphore, #tpu.memory_space<semaphore_mem>>) src(%dma_wait3A_1059 : memref<128xf32, #tpu.memory_space<vmem>>) dst(%dma_wait3A_1064 : memref<640000xf32, #tpu.memory_space<vmem_shared>>)
    %dma_wait3A_1065 = arith.constant 11 : i32
    %dma_wait3A_1066 = arith.constant 11 : i32
    %dma_wait3A_1067 = arith.constant 0 : i32
    %dma_wait3A_1068 = tpu.memref_slice %arg9[%dma_wait3A_1065, %dma_wait3A_1067] : memref<79x128xf32, #tpu.memory_space<vmem>> -> memref<1x128xf32, #tpu.memory_space<vmem>>
    %dma_wait3A_1069 = tpu.memref_squeeze %dma_wait3A_1068 : memref<1x128xf32, #tpu.memory_space<vmem>> -> memref<128xf32, #tpu.memory_space<vmem>>
    %dma_wait3A_1070 = arith.constant 0 : i32
    %dma_wait3A_1071 = tpu.memref_slice %arg10[%dma_wait3A_1066, %dma_wait3A_1070] : memref<79x128xi32, #tpu.memory_space<vmem>> -> memref<1x128xi32, #tpu.memory_space<vmem>>
    %dma_wait3A_1072 = tpu.memref_squeeze %dma_wait3A_1071 : memref<1x128xi32, #tpu.memory_space<vmem>> -> memref<128xi32, #tpu.memory_space<vmem>>
    %dma_wait3A_1073 = arith.constant 0 : i32
    %dma_wait3A_1074 = tpu.memref_slice %arg13[%dma_wait3A_1073] : memref<640000xf32, #tpu.memory_space<vmem_shared>> -> memref<640000xf32, #tpu.memory_space<vmem_shared>>
    tpu.wait_indirect_dma semaphore(%arg16 : memref<!tpu.dma_semaphore, #tpu.memory_space<semaphore_mem>>) src(%dma_wait3A_1069 : memref<128xf32, #tpu.memory_space<vmem>>) dst(%dma_wait3A_1074 : memref<640000xf32, #tpu.memory_space<vmem_shared>>)
    %dma_wait3A_1075 = arith.constant 12 : i32
    %dma_wait3A_1076 = arith.constant 12 : i32
    %dma_wait3A_1077 = arith.constant 0 : i32
    %dma_wait3A_1078 = tpu.memref_slice %arg9[%dma_wait3A_1075, %dma_wait3A_1077] : memref<79x128xf32, #tpu.memory_space<vmem>> -> memref<1x128xf32, #tpu.memory_space<vmem>>
    %dma_wait3A_1079 = tpu.memref_squeeze %dma_wait3A_1078 : memref<1x128xf32, #tpu.memory_space<vmem>> -> memref<128xf32, #tpu.memory_space<vmem>>
    %dma_wait3A_1080 = arith.constant 0 : i32
    %dma_wait3A_1081 = tpu.memref_slice %arg10[%dma_wait3A_1076, %dma_wait3A_1080] : memref<79x128xi32, #tpu.memory_space<vmem>> -> memref<1x128xi32, #tpu.memory_space<vmem>>
    %dma_wait3A_1082 = tpu.memref_squeeze %dma_wait3A_1081 : memref<1x128xi32, #tpu.memory_space<vmem>> -> memref<128xi32, #tpu.memory_space<vmem>>
    %dma_wait3A_1083 = arith.constant 0 : i32
    %dma_wait3A_1084 = tpu.memref_slice %arg13[%dma_wait3A_1083] : memref<640000xf32, #tpu.memory_space<vmem_shared>> -> memref<640000xf32, #tpu.memory_space<vmem_shared>>
    tpu.wait_indirect_dma semaphore(%arg16 : memref<!tpu.dma_semaphore, #tpu.memory_space<semaphore_mem>>) src(%dma_wait3A_1079 : memref<128xf32, #tpu.memory_space<vmem>>) dst(%dma_wait3A_1084 : memref<640000xf32, #tpu.memory_space<vmem_shared>>)
    %dma_wait3A_1085 = arith.constant 13 : i32
    %dma_wait3A_1086 = arith.constant 13 : i32
    %dma_wait3A_1087 = arith.constant 0 : i32
    %dma_wait3A_1088 = tpu.memref_slice %arg9[%dma_wait3A_1085, %dma_wait3A_1087] : memref<79x128xf32, #tpu.memory_space<vmem>> -> memref<1x128xf32, #tpu.memory_space<vmem>>
    %dma_wait3A_1089 = tpu.memref_squeeze %dma_wait3A_1088 : memref<1x128xf32, #tpu.memory_space<vmem>> -> memref<128xf32, #tpu.memory_space<vmem>>
    %dma_wait3A_1090 = arith.constant 0 : i32
    %dma_wait3A_1091 = tpu.memref_slice %arg10[%dma_wait3A_1086, %dma_wait3A_1090] : memref<79x128xi32, #tpu.memory_space<vmem>> -> memref<1x128xi32, #tpu.memory_space<vmem>>
    %dma_wait3A_1092 = tpu.memref_squeeze %dma_wait3A_1091 : memref<1x128xi32, #tpu.memory_space<vmem>> -> memref<128xi32, #tpu.memory_space<vmem>>
    %dma_wait3A_1093 = arith.constant 0 : i32
    %dma_wait3A_1094 = tpu.memref_slice %arg13[%dma_wait3A_1093] : memref<640000xf32, #tpu.memory_space<vmem_shared>> -> memref<640000xf32, #tpu.memory_space<vmem_shared>>
    tpu.wait_indirect_dma semaphore(%arg16 : memref<!tpu.dma_semaphore, #tpu.memory_space<semaphore_mem>>) src(%dma_wait3A_1089 : memref<128xf32, #tpu.memory_space<vmem>>) dst(%dma_wait3A_1094 : memref<640000xf32, #tpu.memory_space<vmem_shared>>)
    %dma_wait3A_1095 = arith.constant 14 : i32
    %dma_wait3A_1096 = arith.constant 14 : i32
    %dma_wait3A_1097 = arith.constant 0 : i32
    %dma_wait3A_1098 = tpu.memref_slice %arg9[%dma_wait3A_1095, %dma_wait3A_1097] : memref<79x128xf32, #tpu.memory_space<vmem>> -> memref<1x128xf32, #tpu.memory_space<vmem>>
    %dma_wait3A_1099 = tpu.memref_squeeze %dma_wait3A_1098 : memref<1x128xf32, #tpu.memory_space<vmem>> -> memref<128xf32, #tpu.memory_space<vmem>>
    %dma_wait3A_1100 = arith.constant 0 : i32
    %dma_wait3A_1101 = tpu.memref_slice %arg10[%dma_wait3A_1096, %dma_wait3A_1100] : memref<79x128xi32, #tpu.memory_space<vmem>> -> memref<1x128xi32, #tpu.memory_space<vmem>>
    %dma_wait3A_1102 = tpu.memref_squeeze %dma_wait3A_1101 : memref<1x128xi32, #tpu.memory_space<vmem>> -> memref<128xi32, #tpu.memory_space<vmem>>
    %dma_wait3A_1103 = arith.constant 0 : i32
    %dma_wait3A_1104 = tpu.memref_slice %arg13[%dma_wait3A_1103] : memref<640000xf32, #tpu.memory_space<vmem_shared>> -> memref<640000xf32, #tpu.memory_space<vmem_shared>>
    tpu.wait_indirect_dma semaphore(%arg16 : memref<!tpu.dma_semaphore, #tpu.memory_space<semaphore_mem>>) src(%dma_wait3A_1099 : memref<128xf32, #tpu.memory_space<vmem>>) dst(%dma_wait3A_1104 : memref<640000xf32, #tpu.memory_space<vmem_shared>>)
    %dma_wait3A_1105 = arith.constant 15 : i32
    %dma_wait3A_1106 = arith.constant 15 : i32
    %dma_wait3A_1107 = arith.constant 0 : i32
    %dma_wait3A_1108 = tpu.memref_slice %arg9[%dma_wait3A_1105, %dma_wait3A_1107] : memref<79x128xf32, #tpu.memory_space<vmem>> -> memref<1x128xf32, #tpu.memory_space<vmem>>
    %dma_wait3A_1109 = tpu.memref_squeeze %dma_wait3A_1108 : memref<1x128xf32, #tpu.memory_space<vmem>> -> memref<128xf32, #tpu.memory_space<vmem>>
    %dma_wait3A_1110 = arith.constant 0 : i32
    %dma_wait3A_1111 = tpu.memref_slice %arg10[%dma_wait3A_1106, %dma_wait3A_1110] : memref<79x128xi32, #tpu.memory_space<vmem>> -> memref<1x128xi32, #tpu.memory_space<vmem>>
    %dma_wait3A_1112 = tpu.memref_squeeze %dma_wait3A_1111 : memref<1x128xi32, #tpu.memory_space<vmem>> -> memref<128xi32, #tpu.memory_space<vmem>>
    %dma_wait3A_1113 = arith.constant 0 : i32
    %dma_wait3A_1114 = tpu.memref_slice %arg13[%dma_wait3A_1113] : memref<640000xf32, #tpu.memory_space<vmem_shared>> -> memref<640000xf32, #tpu.memory_space<vmem_shared>>
    tpu.wait_indirect_dma semaphore(%arg16 : memref<!tpu.dma_semaphore, #tpu.memory_space<semaphore_mem>>) src(%dma_wait3A_1109 : memref<128xf32, #tpu.memory_space<vmem>>) dst(%dma_wait3A_1114 : memref<640000xf32, #tpu.memory_space<vmem_shared>>)
    %dma_wait3A_1115 = arith.constant 16 : i32
    %dma_wait3A_1116 = arith.constant 16 : i32
    %dma_wait3A_1117 = arith.constant 0 : i32
    %dma_wait3A_1118 = tpu.memref_slice %arg9[%dma_wait3A_1115, %dma_wait3A_1117] : memref<79x128xf32, #tpu.memory_space<vmem>> -> memref<1x128xf32, #tpu.memory_space<vmem>>
    %dma_wait3A_1119 = tpu.memref_squeeze %dma_wait3A_1118 : memref<1x128xf32, #tpu.memory_space<vmem>> -> memref<128xf32, #tpu.memory_space<vmem>>
    %dma_wait3A_1120 = arith.constant 0 : i32
    %dma_wait3A_1121 = tpu.memref_slice %arg10[%dma_wait3A_1116, %dma_wait3A_1120] : memref<79x128xi32, #tpu.memory_space<vmem>> -> memref<1x128xi32, #tpu.memory_space<vmem>>
    %dma_wait3A_1122 = tpu.memref_squeeze %dma_wait3A_1121 : memref<1x128xi32, #tpu.memory_space<vmem>> -> memref<128xi32, #tpu.memory_space<vmem>>
    %dma_wait3A_1123 = arith.constant 0 : i32
    %dma_wait3A_1124 = tpu.memref_slice %arg13[%dma_wait3A_1123] : memref<640000xf32, #tpu.memory_space<vmem_shared>> -> memref<640000xf32, #tpu.memory_space<vmem_shared>>
    tpu.wait_indirect_dma semaphore(%arg16 : memref<!tpu.dma_semaphore, #tpu.memory_space<semaphore_mem>>) src(%dma_wait3A_1119 : memref<128xf32, #tpu.memory_space<vmem>>) dst(%dma_wait3A_1124 : memref<640000xf32, #tpu.memory_space<vmem_shared>>)
    %dma_wait3A_1125 = arith.constant 17 : i32
    %dma_wait3A_1126 = arith.constant 17 : i32
    %dma_wait3A_1127 = arith.constant 0 : i32
    %dma_wait3A_1128 = tpu.memref_slice %arg9[%dma_wait3A_1125, %dma_wait3A_1127] : memref<79x128xf32, #tpu.memory_space<vmem>> -> memref<1x128xf32, #tpu.memory_space<vmem>>
    %dma_wait3A_1129 = tpu.memref_squeeze %dma_wait3A_1128 : memref<1x128xf32, #tpu.memory_space<vmem>> -> memref<128xf32, #tpu.memory_space<vmem>>
    %dma_wait3A_1130 = arith.constant 0 : i32
    %dma_wait3A_1131 = tpu.memref_slice %arg10[%dma_wait3A_1126, %dma_wait3A_1130] : memref<79x128xi32, #tpu.memory_space<vmem>> -> memref<1x128xi32, #tpu.memory_space<vmem>>
    %dma_wait3A_1132 = tpu.memref_squeeze %dma_wait3A_1131 : memref<1x128xi32, #tpu.memory_space<vmem>> -> memref<128xi32, #tpu.memory_space<vmem>>
    %dma_wait3A_1133 = arith.constant 0 : i32
    %dma_wait3A_1134 = tpu.memref_slice %arg13[%dma_wait3A_1133] : memref<640000xf32, #tpu.memory_space<vmem_shared>> -> memref<640000xf32, #tpu.memory_space<vmem_shared>>
    tpu.wait_indirect_dma semaphore(%arg16 : memref<!tpu.dma_semaphore, #tpu.memory_space<semaphore_mem>>) src(%dma_wait3A_1129 : memref<128xf32, #tpu.memory_space<vmem>>) dst(%dma_wait3A_1134 : memref<640000xf32, #tpu.memory_space<vmem_shared>>)
    %dma_wait3A_1135 = arith.constant 18 : i32
    %dma_wait3A_1136 = arith.constant 18 : i32
    %dma_wait3A_1137 = arith.constant 0 : i32
    %dma_wait3A_1138 = tpu.memref_slice %arg9[%dma_wait3A_1135, %dma_wait3A_1137] : memref<79x128xf32, #tpu.memory_space<vmem>> -> memref<1x128xf32, #tpu.memory_space<vmem>>
    %dma_wait3A_1139 = tpu.memref_squeeze %dma_wait3A_1138 : memref<1x128xf32, #tpu.memory_space<vmem>> -> memref<128xf32, #tpu.memory_space<vmem>>
    %dma_wait3A_1140 = arith.constant 0 : i32
    %dma_wait3A_1141 = tpu.memref_slice %arg10[%dma_wait3A_1136, %dma_wait3A_1140] : memref<79x128xi32, #tpu.memory_space<vmem>> -> memref<1x128xi32, #tpu.memory_space<vmem>>
    %dma_wait3A_1142 = tpu.memref_squeeze %dma_wait3A_1141 : memref<1x128xi32, #tpu.memory_space<vmem>> -> memref<128xi32, #tpu.memory_space<vmem>>
    %dma_wait3A_1143 = arith.constant 0 : i32
    %dma_wait3A_1144 = tpu.memref_slice %arg13[%dma_wait3A_1143] : memref<640000xf32, #tpu.memory_space<vmem_shared>> -> memref<640000xf32, #tpu.memory_space<vmem_shared>>
    tpu.wait_indirect_dma semaphore(%arg16 : memref<!tpu.dma_semaphore, #tpu.memory_space<semaphore_mem>>) src(%dma_wait3A_1139 : memref<128xf32, #tpu.memory_space<vmem>>) dst(%dma_wait3A_1144 : memref<640000xf32, #tpu.memory_space<vmem_shared>>)
    %dma_wait3A_1145 = arith.constant 19 : i32
    %dma_wait3A_1146 = arith.constant 19 : i32
    %dma_wait3A_1147 = arith.constant 0 : i32
    %dma_wait3A_1148 = tpu.memref_slice %arg9[%dma_wait3A_1145, %dma_wait3A_1147] : memref<79x128xf32, #tpu.memory_space<vmem>> -> memref<1x128xf32, #tpu.memory_space<vmem>>
    %dma_wait3A_1149 = tpu.memref_squeeze %dma_wait3A_1148 : memref<1x128xf32, #tpu.memory_space<vmem>> -> memref<128xf32, #tpu.memory_space<vmem>>
    %dma_wait3A_1150 = arith.constant 0 : i32
    %dma_wait3A_1151 = tpu.memref_slice %arg10[%dma_wait3A_1146, %dma_wait3A_1150] : memref<79x128xi32, #tpu.memory_space<vmem>> -> memref<1x128xi32, #tpu.memory_space<vmem>>
    %dma_wait3A_1152 = tpu.memref_squeeze %dma_wait3A_1151 : memref<1x128xi32, #tpu.memory_space<vmem>> -> memref<128xi32, #tpu.memory_space<vmem>>
    %dma_wait3A_1153 = arith.constant 0 : i32
    %dma_wait3A_1154 = tpu.memref_slice %arg13[%dma_wait3A_1153] : memref<640000xf32, #tpu.memory_space<vmem_shared>> -> memref<640000xf32, #tpu.memory_space<vmem_shared>>
    tpu.wait_indirect_dma semaphore(%arg16 : memref<!tpu.dma_semaphore, #tpu.memory_space<semaphore_mem>>) src(%dma_wait3A_1149 : memref<128xf32, #tpu.memory_space<vmem>>) dst(%dma_wait3A_1154 : memref<640000xf32, #tpu.memory_space<vmem_shared>>)
    %dma_wait3A_1155 = arith.constant 20 : i32
    %dma_wait3A_1156 = arith.constant 20 : i32
    %dma_wait3A_1157 = arith.constant 0 : i32
    %dma_wait3A_1158 = tpu.memref_slice %arg9[%dma_wait3A_1155, %dma_wait3A_1157] : memref<79x128xf32, #tpu.memory_space<vmem>> -> memref<1x128xf32, #tpu.memory_space<vmem>>
    %dma_wait3A_1159 = tpu.memref_squeeze %dma_wait3A_1158 : memref<1x128xf32, #tpu.memory_space<vmem>> -> memref<128xf32, #tpu.memory_space<vmem>>
    %dma_wait3A_1160 = arith.constant 0 : i32
    %dma_wait3A_1161 = tpu.memref_slice %arg10[%dma_wait3A_1156, %dma_wait3A_1160] : memref<79x128xi32, #tpu.memory_space<vmem>> -> memref<1x128xi32, #tpu.memory_space<vmem>>
    %dma_wait3A_1162 = tpu.memref_squeeze %dma_wait3A_1161 : memref<1x128xi32, #tpu.memory_space<vmem>> -> memref<128xi32, #tpu.memory_space<vmem>>
    %dma_wait3A_1163 = arith.constant 0 : i32
    %dma_wait3A_1164 = tpu.memref_slice %arg13[%dma_wait3A_1163] : memref<640000xf32, #tpu.memory_space<vmem_shared>> -> memref<640000xf32, #tpu.memory_space<vmem_shared>>
    tpu.wait_indirect_dma semaphore(%arg16 : memref<!tpu.dma_semaphore, #tpu.memory_space<semaphore_mem>>) src(%dma_wait3A_1159 : memref<128xf32, #tpu.memory_space<vmem>>) dst(%dma_wait3A_1164 : memref<640000xf32, #tpu.memory_space<vmem_shared>>)
    %dma_wait3A_1165 = arith.constant 21 : i32
    %dma_wait3A_1166 = arith.constant 21 : i32
    %dma_wait3A_1167 = arith.constant 0 : i32
    %dma_wait3A_1168 = tpu.memref_slice %arg9[%dma_wait3A_1165, %dma_wait3A_1167] : memref<79x128xf32, #tpu.memory_space<vmem>> -> memref<1x128xf32, #tpu.memory_space<vmem>>
    %dma_wait3A_1169 = tpu.memref_squeeze %dma_wait3A_1168 : memref<1x128xf32, #tpu.memory_space<vmem>> -> memref<128xf32, #tpu.memory_space<vmem>>
    %dma_wait3A_1170 = arith.constant 0 : i32
    %dma_wait3A_1171 = tpu.memref_slice %arg10[%dma_wait3A_1166, %dma_wait3A_1170] : memref<79x128xi32, #tpu.memory_space<vmem>> -> memref<1x128xi32, #tpu.memory_space<vmem>>
    %dma_wait3A_1172 = tpu.memref_squeeze %dma_wait3A_1171 : memref<1x128xi32, #tpu.memory_space<vmem>> -> memref<128xi32, #tpu.memory_space<vmem>>
    %dma_wait3A_1173 = arith.constant 0 : i32
    %dma_wait3A_1174 = tpu.memref_slice %arg13[%dma_wait3A_1173] : memref<640000xf32, #tpu.memory_space<vmem_shared>> -> memref<640000xf32, #tpu.memory_space<vmem_shared>>
    tpu.wait_indirect_dma semaphore(%arg16 : memref<!tpu.dma_semaphore, #tpu.memory_space<semaphore_mem>>) src(%dma_wait3A_1169 : memref<128xf32, #tpu.memory_space<vmem>>) dst(%dma_wait3A_1174 : memref<640000xf32, #tpu.memory_space<vmem_shared>>)
    %dma_wait3A_1175 = arith.constant 22 : i32
    %dma_wait3A_1176 = arith.constant 22 : i32
    %dma_wait3A_1177 = arith.constant 0 : i32
    %dma_wait3A_1178 = tpu.memref_slice %arg9[%dma_wait3A_1175, %dma_wait3A_1177] : memref<79x128xf32, #tpu.memory_space<vmem>> -> memref<1x128xf32, #tpu.memory_space<vmem>>
    %dma_wait3A_1179 = tpu.memref_squeeze %dma_wait3A_1178 : memref<1x128xf32, #tpu.memory_space<vmem>> -> memref<128xf32, #tpu.memory_space<vmem>>
    %dma_wait3A_1180 = arith.constant 0 : i32
    %dma_wait3A_1181 = tpu.memref_slice %arg10[%dma_wait3A_1176, %dma_wait3A_1180] : memref<79x128xi32, #tpu.memory_space<vmem>> -> memref<1x128xi32, #tpu.memory_space<vmem>>
    %dma_wait3A_1182 = tpu.memref_squeeze %dma_wait3A_1181 : memref<1x128xi32, #tpu.memory_space<vmem>> -> memref<128xi32, #tpu.memory_space<vmem>>
    %dma_wait3A_1183 = arith.constant 0 : i32
    %dma_wait3A_1184 = tpu.memref_slice %arg13[%dma_wait3A_1183] : memref<640000xf32, #tpu.memory_space<vmem_shared>> -> memref<640000xf32, #tpu.memory_space<vmem_shared>>
    tpu.wait_indirect_dma semaphore(%arg16 : memref<!tpu.dma_semaphore, #tpu.memory_space<semaphore_mem>>) src(%dma_wait3A_1179 : memref<128xf32, #tpu.memory_space<vmem>>) dst(%dma_wait3A_1184 : memref<640000xf32, #tpu.memory_space<vmem_shared>>)
    %dma_wait3A_1185 = arith.constant 23 : i32
    %dma_wait3A_1186 = arith.constant 23 : i32
    %dma_wait3A_1187 = arith.constant 0 : i32
    %dma_wait3A_1188 = tpu.memref_slice %arg9[%dma_wait3A_1185, %dma_wait3A_1187] : memref<79x128xf32, #tpu.memory_space<vmem>> -> memref<1x128xf32, #tpu.memory_space<vmem>>
    %dma_wait3A_1189 = tpu.memref_squeeze %dma_wait3A_1188 : memref<1x128xf32, #tpu.memory_space<vmem>> -> memref<128xf32, #tpu.memory_space<vmem>>
    %dma_wait3A_1190 = arith.constant 0 : i32
    %dma_wait3A_1191 = tpu.memref_slice %arg10[%dma_wait3A_1186, %dma_wait3A_1190] : memref<79x128xi32, #tpu.memory_space<vmem>> -> memref<1x128xi32, #tpu.memory_space<vmem>>
    %dma_wait3A_1192 = tpu.memref_squeeze %dma_wait3A_1191 : memref<1x128xi32, #tpu.memory_space<vmem>> -> memref<128xi32, #tpu.memory_space<vmem>>
    %dma_wait3A_1193 = arith.constant 0 : i32
    %dma_wait3A_1194 = tpu.memref_slice %arg13[%dma_wait3A_1193] : memref<640000xf32, #tpu.memory_space<vmem_shared>> -> memref<640000xf32, #tpu.memory_space<vmem_shared>>
    tpu.wait_indirect_dma semaphore(%arg16 : memref<!tpu.dma_semaphore, #tpu.memory_space<semaphore_mem>>) src(%dma_wait3A_1189 : memref<128xf32, #tpu.memory_space<vmem>>) dst(%dma_wait3A_1194 : memref<640000xf32, #tpu.memory_space<vmem_shared>>)
    %dma_wait3A_1195 = arith.constant 24 : i32
    %dma_wait3A_1196 = arith.constant 24 : i32
    %dma_wait3A_1197 = arith.constant 0 : i32
    %dma_wait3A_1198 = tpu.memref_slice %arg9[%dma_wait3A_1195, %dma_wait3A_1197] : memref<79x128xf32, #tpu.memory_space<vmem>> -> memref<1x128xf32, #tpu.memory_space<vmem>>
    %dma_wait3A_1199 = tpu.memref_squeeze %dma_wait3A_1198 : memref<1x128xf32, #tpu.memory_space<vmem>> -> memref<128xf32, #tpu.memory_space<vmem>>
    %dma_wait3A_1200 = arith.constant 0 : i32
    %dma_wait3A_1201 = tpu.memref_slice %arg10[%dma_wait3A_1196, %dma_wait3A_1200] : memref<79x128xi32, #tpu.memory_space<vmem>> -> memref<1x128xi32, #tpu.memory_space<vmem>>
    %dma_wait3A_1202 = tpu.memref_squeeze %dma_wait3A_1201 : memref<1x128xi32, #tpu.memory_space<vmem>> -> memref<128xi32, #tpu.memory_space<vmem>>
    %dma_wait3A_1203 = arith.constant 0 : i32
    %dma_wait3A_1204 = tpu.memref_slice %arg13[%dma_wait3A_1203] : memref<640000xf32, #tpu.memory_space<vmem_shared>> -> memref<640000xf32, #tpu.memory_space<vmem_shared>>
    tpu.wait_indirect_dma semaphore(%arg16 : memref<!tpu.dma_semaphore, #tpu.memory_space<semaphore_mem>>) src(%dma_wait3A_1199 : memref<128xf32, #tpu.memory_space<vmem>>) dst(%dma_wait3A_1204 : memref<640000xf32, #tpu.memory_space<vmem_shared>>)
    %dma_wait3A_1205 = arith.constant 25 : i32
    %dma_wait3A_1206 = arith.constant 25 : i32
    %dma_wait3A_1207 = arith.constant 0 : i32
    %dma_wait3A_1208 = tpu.memref_slice %arg9[%dma_wait3A_1205, %dma_wait3A_1207] : memref<79x128xf32, #tpu.memory_space<vmem>> -> memref<1x128xf32, #tpu.memory_space<vmem>>
    %dma_wait3A_1209 = tpu.memref_squeeze %dma_wait3A_1208 : memref<1x128xf32, #tpu.memory_space<vmem>> -> memref<128xf32, #tpu.memory_space<vmem>>
    %dma_wait3A_1210 = arith.constant 0 : i32
    %dma_wait3A_1211 = tpu.memref_slice %arg10[%dma_wait3A_1206, %dma_wait3A_1210] : memref<79x128xi32, #tpu.memory_space<vmem>> -> memref<1x128xi32, #tpu.memory_space<vmem>>
    %dma_wait3A_1212 = tpu.memref_squeeze %dma_wait3A_1211 : memref<1x128xi32, #tpu.memory_space<vmem>> -> memref<128xi32, #tpu.memory_space<vmem>>
    %dma_wait3A_1213 = arith.constant 0 : i32
    %dma_wait3A_1214 = tpu.memref_slice %arg13[%dma_wait3A_1213] : memref<640000xf32, #tpu.memory_space<vmem_shared>> -> memref<640000xf32, #tpu.memory_space<vmem_shared>>
    tpu.wait_indirect_dma semaphore(%arg16 : memref<!tpu.dma_semaphore, #tpu.memory_space<semaphore_mem>>) src(%dma_wait3A_1209 : memref<128xf32, #tpu.memory_space<vmem>>) dst(%dma_wait3A_1214 : memref<640000xf32, #tpu.memory_space<vmem_shared>>)
    %dma_wait3A_1215 = arith.constant 26 : i32
    %dma_wait3A_1216 = arith.constant 26 : i32
    %dma_wait3A_1217 = arith.constant 0 : i32
    %dma_wait3A_1218 = tpu.memref_slice %arg9[%dma_wait3A_1215, %dma_wait3A_1217] : memref<79x128xf32, #tpu.memory_space<vmem>> -> memref<1x128xf32, #tpu.memory_space<vmem>>
    %dma_wait3A_1219 = tpu.memref_squeeze %dma_wait3A_1218 : memref<1x128xf32, #tpu.memory_space<vmem>> -> memref<128xf32, #tpu.memory_space<vmem>>
    %dma_wait3A_1220 = arith.constant 0 : i32
    %dma_wait3A_1221 = tpu.memref_slice %arg10[%dma_wait3A_1216, %dma_wait3A_1220] : memref<79x128xi32, #tpu.memory_space<vmem>> -> memref<1x128xi32, #tpu.memory_space<vmem>>
    %dma_wait3A_1222 = tpu.memref_squeeze %dma_wait3A_1221 : memref<1x128xi32, #tpu.memory_space<vmem>> -> memref<128xi32, #tpu.memory_space<vmem>>
    %dma_wait3A_1223 = arith.constant 0 : i32
    %dma_wait3A_1224 = tpu.memref_slice %arg13[%dma_wait3A_1223] : memref<640000xf32, #tpu.memory_space<vmem_shared>> -> memref<640000xf32, #tpu.memory_space<vmem_shared>>
    tpu.wait_indirect_dma semaphore(%arg16 : memref<!tpu.dma_semaphore, #tpu.memory_space<semaphore_mem>>) src(%dma_wait3A_1219 : memref<128xf32, #tpu.memory_space<vmem>>) dst(%dma_wait3A_1224 : memref<640000xf32, #tpu.memory_space<vmem_shared>>)
    %dma_wait3A_1225 = arith.constant 27 : i32
    %dma_wait3A_1226 = arith.constant 27 : i32
    %dma_wait3A_1227 = arith.constant 0 : i32
    %dma_wait3A_1228 = tpu.memref_slice %arg9[%dma_wait3A_1225, %dma_wait3A_1227] : memref<79x128xf32, #tpu.memory_space<vmem>> -> memref<1x128xf32, #tpu.memory_space<vmem>>
    %dma_wait3A_1229 = tpu.memref_squeeze %dma_wait3A_1228 : memref<1x128xf32, #tpu.memory_space<vmem>> -> memref<128xf32, #tpu.memory_space<vmem>>
    %dma_wait3A_1230 = arith.constant 0 : i32
    %dma_wait3A_1231 = tpu.memref_slice %arg10[%dma_wait3A_1226, %dma_wait3A_1230] : memref<79x128xi32, #tpu.memory_space<vmem>> -> memref<1x128xi32, #tpu.memory_space<vmem>>
    %dma_wait3A_1232 = tpu.memref_squeeze %dma_wait3A_1231 : memref<1x128xi32, #tpu.memory_space<vmem>> -> memref<128xi32, #tpu.memory_space<vmem>>
    %dma_wait3A_1233 = arith.constant 0 : i32
    %dma_wait3A_1234 = tpu.memref_slice %arg13[%dma_wait3A_1233] : memref<640000xf32, #tpu.memory_space<vmem_shared>> -> memref<640000xf32, #tpu.memory_space<vmem_shared>>
    tpu.wait_indirect_dma semaphore(%arg16 : memref<!tpu.dma_semaphore, #tpu.memory_space<semaphore_mem>>) src(%dma_wait3A_1229 : memref<128xf32, #tpu.memory_space<vmem>>) dst(%dma_wait3A_1234 : memref<640000xf32, #tpu.memory_space<vmem_shared>>)
    %dma_wait3A_1235 = arith.constant 28 : i32
    %dma_wait3A_1236 = arith.constant 28 : i32
    %dma_wait3A_1237 = arith.constant 0 : i32
    %dma_wait3A_1238 = tpu.memref_slice %arg9[%dma_wait3A_1235, %dma_wait3A_1237] : memref<79x128xf32, #tpu.memory_space<vmem>> -> memref<1x128xf32, #tpu.memory_space<vmem>>
    %dma_wait3A_1239 = tpu.memref_squeeze %dma_wait3A_1238 : memref<1x128xf32, #tpu.memory_space<vmem>> -> memref<128xf32, #tpu.memory_space<vmem>>
    %dma_wait3A_1240 = arith.constant 0 : i32
    %dma_wait3A_1241 = tpu.memref_slice %arg10[%dma_wait3A_1236, %dma_wait3A_1240] : memref<79x128xi32, #tpu.memory_space<vmem>> -> memref<1x128xi32, #tpu.memory_space<vmem>>
    %dma_wait3A_1242 = tpu.memref_squeeze %dma_wait3A_1241 : memref<1x128xi32, #tpu.memory_space<vmem>> -> memref<128xi32, #tpu.memory_space<vmem>>
    %dma_wait3A_1243 = arith.constant 0 : i32
    %dma_wait3A_1244 = tpu.memref_slice %arg13[%dma_wait3A_1243] : memref<640000xf32, #tpu.memory_space<vmem_shared>> -> memref<640000xf32, #tpu.memory_space<vmem_shared>>
    tpu.wait_indirect_dma semaphore(%arg16 : memref<!tpu.dma_semaphore, #tpu.memory_space<semaphore_mem>>) src(%dma_wait3A_1239 : memref<128xf32, #tpu.memory_space<vmem>>) dst(%dma_wait3A_1244 : memref<640000xf32, #tpu.memory_space<vmem_shared>>)
    %dma_wait3A_1245 = arith.constant 29 : i32
    %dma_wait3A_1246 = arith.constant 29 : i32
    %dma_wait3A_1247 = arith.constant 0 : i32
    %dma_wait3A_1248 = tpu.memref_slice %arg9[%dma_wait3A_1245, %dma_wait3A_1247] : memref<79x128xf32, #tpu.memory_space<vmem>> -> memref<1x128xf32, #tpu.memory_space<vmem>>
    %dma_wait3A_1249 = tpu.memref_squeeze %dma_wait3A_1248 : memref<1x128xf32, #tpu.memory_space<vmem>> -> memref<128xf32, #tpu.memory_space<vmem>>
    %dma_wait3A_1250 = arith.constant 0 : i32
    %dma_wait3A_1251 = tpu.memref_slice %arg10[%dma_wait3A_1246, %dma_wait3A_1250] : memref<79x128xi32, #tpu.memory_space<vmem>> -> memref<1x128xi32, #tpu.memory_space<vmem>>
    %dma_wait3A_1252 = tpu.memref_squeeze %dma_wait3A_1251 : memref<1x128xi32, #tpu.memory_space<vmem>> -> memref<128xi32, #tpu.memory_space<vmem>>
    %dma_wait3A_1253 = arith.constant 0 : i32
    %dma_wait3A_1254 = tpu.memref_slice %arg13[%dma_wait3A_1253] : memref<640000xf32, #tpu.memory_space<vmem_shared>> -> memref<640000xf32, #tpu.memory_space<vmem_shared>>
    tpu.wait_indirect_dma semaphore(%arg16 : memref<!tpu.dma_semaphore, #tpu.memory_space<semaphore_mem>>) src(%dma_wait3A_1249 : memref<128xf32, #tpu.memory_space<vmem>>) dst(%dma_wait3A_1254 : memref<640000xf32, #tpu.memory_space<vmem_shared>>)
    %dma_wait3A_1255 = arith.constant 30 : i32
    %dma_wait3A_1256 = arith.constant 30 : i32
    %dma_wait3A_1257 = arith.constant 0 : i32
    %dma_wait3A_1258 = tpu.memref_slice %arg9[%dma_wait3A_1255, %dma_wait3A_1257] : memref<79x128xf32, #tpu.memory_space<vmem>> -> memref<1x128xf32, #tpu.memory_space<vmem>>
    %dma_wait3A_1259 = tpu.memref_squeeze %dma_wait3A_1258 : memref<1x128xf32, #tpu.memory_space<vmem>> -> memref<128xf32, #tpu.memory_space<vmem>>
    %dma_wait3A_1260 = arith.constant 0 : i32
    %dma_wait3A_1261 = tpu.memref_slice %arg10[%dma_wait3A_1256, %dma_wait3A_1260] : memref<79x128xi32, #tpu.memory_space<vmem>> -> memref<1x128xi32, #tpu.memory_space<vmem>>
    %dma_wait3A_1262 = tpu.memref_squeeze %dma_wait3A_1261 : memref<1x128xi32, #tpu.memory_space<vmem>> -> memref<128xi32, #tpu.memory_space<vmem>>
    %dma_wait3A_1263 = arith.constant 0 : i32
    %dma_wait3A_1264 = tpu.memref_slice %arg13[%dma_wait3A_1263] : memref<640000xf32, #tpu.memory_space<vmem_shared>> -> memref<640000xf32, #tpu.memory_space<vmem_shared>>
    tpu.wait_indirect_dma semaphore(%arg16 : memref<!tpu.dma_semaphore, #tpu.memory_space<semaphore_mem>>) src(%dma_wait3A_1259 : memref<128xf32, #tpu.memory_space<vmem>>) dst(%dma_wait3A_1264 : memref<640000xf32, #tpu.memory_space<vmem_shared>>)
    %dma_wait3A_1265 = arith.constant 31 : i32
    %dma_wait3A_1266 = arith.constant 31 : i32
    %dma_wait3A_1267 = arith.constant 0 : i32
    %dma_wait3A_1268 = tpu.memref_slice %arg9[%dma_wait3A_1265, %dma_wait3A_1267] : memref<79x128xf32, #tpu.memory_space<vmem>> -> memref<1x128xf32, #tpu.memory_space<vmem>>
    %dma_wait3A_1269 = tpu.memref_squeeze %dma_wait3A_1268 : memref<1x128xf32, #tpu.memory_space<vmem>> -> memref<128xf32, #tpu.memory_space<vmem>>
    %dma_wait3A_1270 = arith.constant 0 : i32
    %dma_wait3A_1271 = tpu.memref_slice %arg10[%dma_wait3A_1266, %dma_wait3A_1270] : memref<79x128xi32, #tpu.memory_space<vmem>> -> memref<1x128xi32, #tpu.memory_space<vmem>>
    %dma_wait3A_1272 = tpu.memref_squeeze %dma_wait3A_1271 : memref<1x128xi32, #tpu.memory_space<vmem>> -> memref<128xi32, #tpu.memory_space<vmem>>
    %dma_wait3A_1273 = arith.constant 0 : i32
    %dma_wait3A_1274 = tpu.memref_slice %arg13[%dma_wait3A_1273] : memref<640000xf32, #tpu.memory_space<vmem_shared>> -> memref<640000xf32, #tpu.memory_space<vmem_shared>>
    tpu.wait_indirect_dma semaphore(%arg16 : memref<!tpu.dma_semaphore, #tpu.memory_space<semaphore_mem>>) src(%dma_wait3A_1269 : memref<128xf32, #tpu.memory_space<vmem>>) dst(%dma_wait3A_1274 : memref<640000xf32, #tpu.memory_space<vmem_shared>>)
    %dma_wait3A_1275 = arith.constant 32 : i32
    %dma_wait3A_1276 = arith.constant 32 : i32
    %dma_wait3A_1277 = arith.constant 0 : i32
    %dma_wait3A_1278 = tpu.memref_slice %arg9[%dma_wait3A_1275, %dma_wait3A_1277] : memref<79x128xf32, #tpu.memory_space<vmem>> -> memref<1x128xf32, #tpu.memory_space<vmem>>
    %dma_wait3A_1279 = tpu.memref_squeeze %dma_wait3A_1278 : memref<1x128xf32, #tpu.memory_space<vmem>> -> memref<128xf32, #tpu.memory_space<vmem>>
    %dma_wait3A_1280 = arith.constant 0 : i32
    %dma_wait3A_1281 = tpu.memref_slice %arg10[%dma_wait3A_1276, %dma_wait3A_1280] : memref<79x128xi32, #tpu.memory_space<vmem>> -> memref<1x128xi32, #tpu.memory_space<vmem>>
    %dma_wait3A_1282 = tpu.memref_squeeze %dma_wait3A_1281 : memref<1x128xi32, #tpu.memory_space<vmem>> -> memref<128xi32, #tpu.memory_space<vmem>>
    %dma_wait3A_1283 = arith.constant 0 : i32
    %dma_wait3A_1284 = tpu.memref_slice %arg13[%dma_wait3A_1283] : memref<640000xf32, #tpu.memory_space<vmem_shared>> -> memref<640000xf32, #tpu.memory_space<vmem_shared>>
    tpu.wait_indirect_dma semaphore(%arg16 : memref<!tpu.dma_semaphore, #tpu.memory_space<semaphore_mem>>) src(%dma_wait3A_1279 : memref<128xf32, #tpu.memory_space<vmem>>) dst(%dma_wait3A_1284 : memref<640000xf32, #tpu.memory_space<vmem_shared>>)
    %dma_wait3A_1285 = arith.constant 33 : i32
    %dma_wait3A_1286 = arith.constant 33 : i32
    %dma_wait3A_1287 = arith.constant 0 : i32
    %dma_wait3A_1288 = tpu.memref_slice %arg9[%dma_wait3A_1285, %dma_wait3A_1287] : memref<79x128xf32, #tpu.memory_space<vmem>> -> memref<1x128xf32, #tpu.memory_space<vmem>>
    %dma_wait3A_1289 = tpu.memref_squeeze %dma_wait3A_1288 : memref<1x128xf32, #tpu.memory_space<vmem>> -> memref<128xf32, #tpu.memory_space<vmem>>
    %dma_wait3A_1290 = arith.constant 0 : i32
    %dma_wait3A_1291 = tpu.memref_slice %arg10[%dma_wait3A_1286, %dma_wait3A_1290] : memref<79x128xi32, #tpu.memory_space<vmem>> -> memref<1x128xi32, #tpu.memory_space<vmem>>
    %dma_wait3A_1292 = tpu.memref_squeeze %dma_wait3A_1291 : memref<1x128xi32, #tpu.memory_space<vmem>> -> memref<128xi32, #tpu.memory_space<vmem>>
    %dma_wait3A_1293 = arith.constant 0 : i32
    %dma_wait3A_1294 = tpu.memref_slice %arg13[%dma_wait3A_1293] : memref<640000xf32, #tpu.memory_space<vmem_shared>> -> memref<640000xf32, #tpu.memory_space<vmem_shared>>
    tpu.wait_indirect_dma semaphore(%arg16 : memref<!tpu.dma_semaphore, #tpu.memory_space<semaphore_mem>>) src(%dma_wait3A_1289 : memref<128xf32, #tpu.memory_space<vmem>>) dst(%dma_wait3A_1294 : memref<640000xf32, #tpu.memory_space<vmem_shared>>)
    %dma_wait3A_1295 = arith.constant 34 : i32
    %dma_wait3A_1296 = arith.constant 34 : i32
    %dma_wait3A_1297 = arith.constant 0 : i32
    %dma_wait3A_1298 = tpu.memref_slice %arg9[%dma_wait3A_1295, %dma_wait3A_1297] : memref<79x128xf32, #tpu.memory_space<vmem>> -> memref<1x128xf32, #tpu.memory_space<vmem>>
    %dma_wait3A_1299 = tpu.memref_squeeze %dma_wait3A_1298 : memref<1x128xf32, #tpu.memory_space<vmem>> -> memref<128xf32, #tpu.memory_space<vmem>>
    %dma_wait3A_1300 = arith.constant 0 : i32
    %dma_wait3A_1301 = tpu.memref_slice %arg10[%dma_wait3A_1296, %dma_wait3A_1300] : memref<79x128xi32, #tpu.memory_space<vmem>> -> memref<1x128xi32, #tpu.memory_space<vmem>>
    %dma_wait3A_1302 = tpu.memref_squeeze %dma_wait3A_1301 : memref<1x128xi32, #tpu.memory_space<vmem>> -> memref<128xi32, #tpu.memory_space<vmem>>
    %dma_wait3A_1303 = arith.constant 0 : i32
    %dma_wait3A_1304 = tpu.memref_slice %arg13[%dma_wait3A_1303] : memref<640000xf32, #tpu.memory_space<vmem_shared>> -> memref<640000xf32, #tpu.memory_space<vmem_shared>>
    tpu.wait_indirect_dma semaphore(%arg16 : memref<!tpu.dma_semaphore, #tpu.memory_space<semaphore_mem>>) src(%dma_wait3A_1299 : memref<128xf32, #tpu.memory_space<vmem>>) dst(%dma_wait3A_1304 : memref<640000xf32, #tpu.memory_space<vmem_shared>>)
    %dma_wait3A_1305 = arith.constant 35 : i32
    %dma_wait3A_1306 = arith.constant 35 : i32
    %dma_wait3A_1307 = arith.constant 0 : i32
    %dma_wait3A_1308 = tpu.memref_slice %arg9[%dma_wait3A_1305, %dma_wait3A_1307] : memref<79x128xf32, #tpu.memory_space<vmem>> -> memref<1x128xf32, #tpu.memory_space<vmem>>
    %dma_wait3A_1309 = tpu.memref_squeeze %dma_wait3A_1308 : memref<1x128xf32, #tpu.memory_space<vmem>> -> memref<128xf32, #tpu.memory_space<vmem>>
    %dma_wait3A_1310 = arith.constant 0 : i32
    %dma_wait3A_1311 = tpu.memref_slice %arg10[%dma_wait3A_1306, %dma_wait3A_1310] : memref<79x128xi32, #tpu.memory_space<vmem>> -> memref<1x128xi32, #tpu.memory_space<vmem>>
    %dma_wait3A_1312 = tpu.memref_squeeze %dma_wait3A_1311 : memref<1x128xi32, #tpu.memory_space<vmem>> -> memref<128xi32, #tpu.memory_space<vmem>>
    %dma_wait3A_1313 = arith.constant 0 : i32
    %dma_wait3A_1314 = tpu.memref_slice %arg13[%dma_wait3A_1313] : memref<640000xf32, #tpu.memory_space<vmem_shared>> -> memref<640000xf32, #tpu.memory_space<vmem_shared>>
    tpu.wait_indirect_dma semaphore(%arg16 : memref<!tpu.dma_semaphore, #tpu.memory_space<semaphore_mem>>) src(%dma_wait3A_1309 : memref<128xf32, #tpu.memory_space<vmem>>) dst(%dma_wait3A_1314 : memref<640000xf32, #tpu.memory_space<vmem_shared>>)
    %dma_wait3A_1315 = arith.constant 36 : i32
    %dma_wait3A_1316 = arith.constant 36 : i32
    %dma_wait3A_1317 = arith.constant 0 : i32
    %dma_wait3A_1318 = tpu.memref_slice %arg9[%dma_wait3A_1315, %dma_wait3A_1317] : memref<79x128xf32, #tpu.memory_space<vmem>> -> memref<1x128xf32, #tpu.memory_space<vmem>>
    %dma_wait3A_1319 = tpu.memref_squeeze %dma_wait3A_1318 : memref<1x128xf32, #tpu.memory_space<vmem>> -> memref<128xf32, #tpu.memory_space<vmem>>
    %dma_wait3A_1320 = arith.constant 0 : i32
    %dma_wait3A_1321 = tpu.memref_slice %arg10[%dma_wait3A_1316, %dma_wait3A_1320] : memref<79x128xi32, #tpu.memory_space<vmem>> -> memref<1x128xi32, #tpu.memory_space<vmem>>
    %dma_wait3A_1322 = tpu.memref_squeeze %dma_wait3A_1321 : memref<1x128xi32, #tpu.memory_space<vmem>> -> memref<128xi32, #tpu.memory_space<vmem>>
    %dma_wait3A_1323 = arith.constant 0 : i32
    %dma_wait3A_1324 = tpu.memref_slice %arg13[%dma_wait3A_1323] : memref<640000xf32, #tpu.memory_space<vmem_shared>> -> memref<640000xf32, #tpu.memory_space<vmem_shared>>
    tpu.wait_indirect_dma semaphore(%arg16 : memref<!tpu.dma_semaphore, #tpu.memory_space<semaphore_mem>>) src(%dma_wait3A_1319 : memref<128xf32, #tpu.memory_space<vmem>>) dst(%dma_wait3A_1324 : memref<640000xf32, #tpu.memory_space<vmem_shared>>)
    %dma_wait3A_1325 = arith.constant 37 : i32
    %dma_wait3A_1326 = arith.constant 37 : i32
    %dma_wait3A_1327 = arith.constant 0 : i32
    %dma_wait3A_1328 = tpu.memref_slice %arg9[%dma_wait3A_1325, %dma_wait3A_1327] : memref<79x128xf32, #tpu.memory_space<vmem>> -> memref<1x128xf32, #tpu.memory_space<vmem>>
    %dma_wait3A_1329 = tpu.memref_squeeze %dma_wait3A_1328 : memref<1x128xf32, #tpu.memory_space<vmem>> -> memref<128xf32, #tpu.memory_space<vmem>>
    %dma_wait3A_1330 = arith.constant 0 : i32
    %dma_wait3A_1331 = tpu.memref_slice %arg10[%dma_wait3A_1326, %dma_wait3A_1330] : memref<79x128xi32, #tpu.memory_space<vmem>> -> memref<1x128xi32, #tpu.memory_space<vmem>>
    %dma_wait3A_1332 = tpu.memref_squeeze %dma_wait3A_1331 : memref<1x128xi32, #tpu.memory_space<vmem>> -> memref<128xi32, #tpu.memory_space<vmem>>
    %dma_wait3A_1333 = arith.constant 0 : i32
    %dma_wait3A_1334 = tpu.memref_slice %arg13[%dma_wait3A_1333] : memref<640000xf32, #tpu.memory_space<vmem_shared>> -> memref<640000xf32, #tpu.memory_space<vmem_shared>>
    tpu.wait_indirect_dma semaphore(%arg16 : memref<!tpu.dma_semaphore, #tpu.memory_space<semaphore_mem>>) src(%dma_wait3A_1329 : memref<128xf32, #tpu.memory_space<vmem>>) dst(%dma_wait3A_1334 : memref<640000xf32, #tpu.memory_space<vmem_shared>>)
    %dma_wait3A_1335 = arith.constant 38 : i32
    %dma_wait3A_1336 = arith.constant 38 : i32
    %dma_wait3A_1337 = arith.constant 0 : i32
    %dma_wait3A_1338 = tpu.memref_slice %arg9[%dma_wait3A_1335, %dma_wait3A_1337] : memref<79x128xf32, #tpu.memory_space<vmem>> -> memref<1x128xf32, #tpu.memory_space<vmem>>
    %dma_wait3A_1339 = tpu.memref_squeeze %dma_wait3A_1338 : memref<1x128xf32, #tpu.memory_space<vmem>> -> memref<128xf32, #tpu.memory_space<vmem>>
    %dma_wait3A_1340 = arith.constant 0 : i32
    %dma_wait3A_1341 = tpu.memref_slice %arg10[%dma_wait3A_1336, %dma_wait3A_1340] : memref<79x128xi32, #tpu.memory_space<vmem>> -> memref<1x128xi32, #tpu.memory_space<vmem>>
    %dma_wait3A_1342 = tpu.memref_squeeze %dma_wait3A_1341 : memref<1x128xi32, #tpu.memory_space<vmem>> -> memref<128xi32, #tpu.memory_space<vmem>>
    %dma_wait3A_1343 = arith.constant 0 : i32
    %dma_wait3A_1344 = tpu.memref_slice %arg13[%dma_wait3A_1343] : memref<640000xf32, #tpu.memory_space<vmem_shared>> -> memref<640000xf32, #tpu.memory_space<vmem_shared>>
    tpu.wait_indirect_dma semaphore(%arg16 : memref<!tpu.dma_semaphore, #tpu.memory_space<semaphore_mem>>) src(%dma_wait3A_1339 : memref<128xf32, #tpu.memory_space<vmem>>) dst(%dma_wait3A_1344 : memref<640000xf32, #tpu.memory_space<vmem_shared>>)
    %dma_wait3A_1345 = arith.constant 39 : i32
    %dma_wait3A_1346 = arith.constant 39 : i32
    %dma_wait3A_1347 = arith.constant 0 : i32
    %dma_wait3A_1348 = tpu.memref_slice %arg9[%dma_wait3A_1345, %dma_wait3A_1347] : memref<79x128xf32, #tpu.memory_space<vmem>> -> memref<1x128xf32, #tpu.memory_space<vmem>>
    %dma_wait3A_1349 = tpu.memref_squeeze %dma_wait3A_1348 : memref<1x128xf32, #tpu.memory_space<vmem>> -> memref<128xf32, #tpu.memory_space<vmem>>
    %dma_wait3A_1350 = arith.constant 0 : i32
    %dma_wait3A_1351 = tpu.memref_slice %arg10[%dma_wait3A_1346, %dma_wait3A_1350] : memref<79x128xi32, #tpu.memory_space<vmem>> -> memref<1x128xi32, #tpu.memory_space<vmem>>
    %dma_wait3A_1352 = tpu.memref_squeeze %dma_wait3A_1351 : memref<1x128xi32, #tpu.memory_space<vmem>> -> memref<128xi32, #tpu.memory_space<vmem>>
    %dma_wait3A_1353 = arith.constant 0 : i32
    %dma_wait3A_1354 = tpu.memref_slice %arg13[%dma_wait3A_1353] : memref<640000xf32, #tpu.memory_space<vmem_shared>> -> memref<640000xf32, #tpu.memory_space<vmem_shared>>
    tpu.wait_indirect_dma semaphore(%arg16 : memref<!tpu.dma_semaphore, #tpu.memory_space<semaphore_mem>>) src(%dma_wait3A_1349 : memref<128xf32, #tpu.memory_space<vmem>>) dst(%dma_wait3A_1354 : memref<640000xf32, #tpu.memory_space<vmem_shared>>)
    %dma_wait3A_1355 = arith.constant 40 : i32
    %dma_wait3A_1356 = arith.constant 40 : i32
    %dma_wait3A_1357 = arith.constant 0 : i32
    %dma_wait3A_1358 = tpu.memref_slice %arg9[%dma_wait3A_1355, %dma_wait3A_1357] : memref<79x128xf32, #tpu.memory_space<vmem>> -> memref<1x128xf32, #tpu.memory_space<vmem>>
    %dma_wait3A_1359 = tpu.memref_squeeze %dma_wait3A_1358 : memref<1x128xf32, #tpu.memory_space<vmem>> -> memref<128xf32, #tpu.memory_space<vmem>>
    %dma_wait3A_1360 = arith.constant 0 : i32
    %dma_wait3A_1361 = tpu.memref_slice %arg10[%dma_wait3A_1356, %dma_wait3A_1360] : memref<79x128xi32, #tpu.memory_space<vmem>> -> memref<1x128xi32, #tpu.memory_space<vmem>>
    %dma_wait3A_1362 = tpu.memref_squeeze %dma_wait3A_1361 : memref<1x128xi32, #tpu.memory_space<vmem>> -> memref<128xi32, #tpu.memory_space<vmem>>
    %dma_wait3A_1363 = arith.constant 0 : i32
    %dma_wait3A_1364 = tpu.memref_slice %arg13[%dma_wait3A_1363] : memref<640000xf32, #tpu.memory_space<vmem_shared>> -> memref<640000xf32, #tpu.memory_space<vmem_shared>>
    tpu.wait_indirect_dma semaphore(%arg16 : memref<!tpu.dma_semaphore, #tpu.memory_space<semaphore_mem>>) src(%dma_wait3A_1359 : memref<128xf32, #tpu.memory_space<vmem>>) dst(%dma_wait3A_1364 : memref<640000xf32, #tpu.memory_space<vmem_shared>>)
    %dma_wait3A_1365 = arith.constant 41 : i32
    %dma_wait3A_1366 = arith.constant 41 : i32
    %dma_wait3A_1367 = arith.constant 0 : i32
    %dma_wait3A_1368 = tpu.memref_slice %arg9[%dma_wait3A_1365, %dma_wait3A_1367] : memref<79x128xf32, #tpu.memory_space<vmem>> -> memref<1x128xf32, #tpu.memory_space<vmem>>
    %dma_wait3A_1369 = tpu.memref_squeeze %dma_wait3A_1368 : memref<1x128xf32, #tpu.memory_space<vmem>> -> memref<128xf32, #tpu.memory_space<vmem>>
    %dma_wait3A_1370 = arith.constant 0 : i32
    %dma_wait3A_1371 = tpu.memref_slice %arg10[%dma_wait3A_1366, %dma_wait3A_1370] : memref<79x128xi32, #tpu.memory_space<vmem>> -> memref<1x128xi32, #tpu.memory_space<vmem>>
    %dma_wait3A_1372 = tpu.memref_squeeze %dma_wait3A_1371 : memref<1x128xi32, #tpu.memory_space<vmem>> -> memref<128xi32, #tpu.memory_space<vmem>>
    %dma_wait3A_1373 = arith.constant 0 : i32
    %dma_wait3A_1374 = tpu.memref_slice %arg13[%dma_wait3A_1373] : memref<640000xf32, #tpu.memory_space<vmem_shared>> -> memref<640000xf32, #tpu.memory_space<vmem_shared>>
    tpu.wait_indirect_dma semaphore(%arg16 : memref<!tpu.dma_semaphore, #tpu.memory_space<semaphore_mem>>) src(%dma_wait3A_1369 : memref<128xf32, #tpu.memory_space<vmem>>) dst(%dma_wait3A_1374 : memref<640000xf32, #tpu.memory_space<vmem_shared>>)
    %dma_wait3A_1375 = arith.constant 42 : i32
    %dma_wait3A_1376 = arith.constant 42 : i32
    %dma_wait3A_1377 = arith.constant 0 : i32
    %dma_wait3A_1378 = tpu.memref_slice %arg9[%dma_wait3A_1375, %dma_wait3A_1377] : memref<79x128xf32, #tpu.memory_space<vmem>> -> memref<1x128xf32, #tpu.memory_space<vmem>>
    %dma_wait3A_1379 = tpu.memref_squeeze %dma_wait3A_1378 : memref<1x128xf32, #tpu.memory_space<vmem>> -> memref<128xf32, #tpu.memory_space<vmem>>
    %dma_wait3A_1380 = arith.constant 0 : i32
    %dma_wait3A_1381 = tpu.memref_slice %arg10[%dma_wait3A_1376, %dma_wait3A_1380] : memref<79x128xi32, #tpu.memory_space<vmem>> -> memref<1x128xi32, #tpu.memory_space<vmem>>
    %dma_wait3A_1382 = tpu.memref_squeeze %dma_wait3A_1381 : memref<1x128xi32, #tpu.memory_space<vmem>> -> memref<128xi32, #tpu.memory_space<vmem>>
    %dma_wait3A_1383 = arith.constant 0 : i32
    %dma_wait3A_1384 = tpu.memref_slice %arg13[%dma_wait3A_1383] : memref<640000xf32, #tpu.memory_space<vmem_shared>> -> memref<640000xf32, #tpu.memory_space<vmem_shared>>
    tpu.wait_indirect_dma semaphore(%arg16 : memref<!tpu.dma_semaphore, #tpu.memory_space<semaphore_mem>>) src(%dma_wait3A_1379 : memref<128xf32, #tpu.memory_space<vmem>>) dst(%dma_wait3A_1384 : memref<640000xf32, #tpu.memory_space<vmem_shared>>)
    %dma_wait3A_1385 = arith.constant 43 : i32
    %dma_wait3A_1386 = arith.constant 43 : i32
    %dma_wait3A_1387 = arith.constant 0 : i32
    %dma_wait3A_1388 = tpu.memref_slice %arg9[%dma_wait3A_1385, %dma_wait3A_1387] : memref<79x128xf32, #tpu.memory_space<vmem>> -> memref<1x128xf32, #tpu.memory_space<vmem>>
    %dma_wait3A_1389 = tpu.memref_squeeze %dma_wait3A_1388 : memref<1x128xf32, #tpu.memory_space<vmem>> -> memref<128xf32, #tpu.memory_space<vmem>>
    %dma_wait3A_1390 = arith.constant 0 : i32
    %dma_wait3A_1391 = tpu.memref_slice %arg10[%dma_wait3A_1386, %dma_wait3A_1390] : memref<79x128xi32, #tpu.memory_space<vmem>> -> memref<1x128xi32, #tpu.memory_space<vmem>>
    %dma_wait3A_1392 = tpu.memref_squeeze %dma_wait3A_1391 : memref<1x128xi32, #tpu.memory_space<vmem>> -> memref<128xi32, #tpu.memory_space<vmem>>
    %dma_wait3A_1393 = arith.constant 0 : i32
    %dma_wait3A_1394 = tpu.memref_slice %arg13[%dma_wait3A_1393] : memref<640000xf32, #tpu.memory_space<vmem_shared>> -> memref<640000xf32, #tpu.memory_space<vmem_shared>>
    tpu.wait_indirect_dma semaphore(%arg16 : memref<!tpu.dma_semaphore, #tpu.memory_space<semaphore_mem>>) src(%dma_wait3A_1389 : memref<128xf32, #tpu.memory_space<vmem>>) dst(%dma_wait3A_1394 : memref<640000xf32, #tpu.memory_space<vmem_shared>>)
    %dma_wait3A_1395 = arith.constant 44 : i32
    %dma_wait3A_1396 = arith.constant 44 : i32
    %dma_wait3A_1397 = arith.constant 0 : i32
    %dma_wait3A_1398 = tpu.memref_slice %arg9[%dma_wait3A_1395, %dma_wait3A_1397] : memref<79x128xf32, #tpu.memory_space<vmem>> -> memref<1x128xf32, #tpu.memory_space<vmem>>
    %dma_wait3A_1399 = tpu.memref_squeeze %dma_wait3A_1398 : memref<1x128xf32, #tpu.memory_space<vmem>> -> memref<128xf32, #tpu.memory_space<vmem>>
    %dma_wait3A_1400 = arith.constant 0 : i32
    %dma_wait3A_1401 = tpu.memref_slice %arg10[%dma_wait3A_1396, %dma_wait3A_1400] : memref<79x128xi32, #tpu.memory_space<vmem>> -> memref<1x128xi32, #tpu.memory_space<vmem>>
    %dma_wait3A_1402 = tpu.memref_squeeze %dma_wait3A_1401 : memref<1x128xi32, #tpu.memory_space<vmem>> -> memref<128xi32, #tpu.memory_space<vmem>>
    %dma_wait3A_1403 = arith.constant 0 : i32
    %dma_wait3A_1404 = tpu.memref_slice %arg13[%dma_wait3A_1403] : memref<640000xf32, #tpu.memory_space<vmem_shared>> -> memref<640000xf32, #tpu.memory_space<vmem_shared>>
    tpu.wait_indirect_dma semaphore(%arg16 : memref<!tpu.dma_semaphore, #tpu.memory_space<semaphore_mem>>) src(%dma_wait3A_1399 : memref<128xf32, #tpu.memory_space<vmem>>) dst(%dma_wait3A_1404 : memref<640000xf32, #tpu.memory_space<vmem_shared>>)
    %dma_wait3A_1405 = arith.constant 45 : i32
    %dma_wait3A_1406 = arith.constant 45 : i32
    %dma_wait3A_1407 = arith.constant 0 : i32
    %dma_wait3A_1408 = tpu.memref_slice %arg9[%dma_wait3A_1405, %dma_wait3A_1407] : memref<79x128xf32, #tpu.memory_space<vmem>> -> memref<1x128xf32, #tpu.memory_space<vmem>>
    %dma_wait3A_1409 = tpu.memref_squeeze %dma_wait3A_1408 : memref<1x128xf32, #tpu.memory_space<vmem>> -> memref<128xf32, #tpu.memory_space<vmem>>
    %dma_wait3A_1410 = arith.constant 0 : i32
    %dma_wait3A_1411 = tpu.memref_slice %arg10[%dma_wait3A_1406, %dma_wait3A_1410] : memref<79x128xi32, #tpu.memory_space<vmem>> -> memref<1x128xi32, #tpu.memory_space<vmem>>
    %dma_wait3A_1412 = tpu.memref_squeeze %dma_wait3A_1411 : memref<1x128xi32, #tpu.memory_space<vmem>> -> memref<128xi32, #tpu.memory_space<vmem>>
    %dma_wait3A_1413 = arith.constant 0 : i32
    %dma_wait3A_1414 = tpu.memref_slice %arg13[%dma_wait3A_1413] : memref<640000xf32, #tpu.memory_space<vmem_shared>> -> memref<640000xf32, #tpu.memory_space<vmem_shared>>
    tpu.wait_indirect_dma semaphore(%arg16 : memref<!tpu.dma_semaphore, #tpu.memory_space<semaphore_mem>>) src(%dma_wait3A_1409 : memref<128xf32, #tpu.memory_space<vmem>>) dst(%dma_wait3A_1414 : memref<640000xf32, #tpu.memory_space<vmem_shared>>)
    %dma_wait3A_1415 = arith.constant 46 : i32
    %dma_wait3A_1416 = arith.constant 46 : i32
    %dma_wait3A_1417 = arith.constant 0 : i32
    %dma_wait3A_1418 = tpu.memref_slice %arg9[%dma_wait3A_1415, %dma_wait3A_1417] : memref<79x128xf32, #tpu.memory_space<vmem>> -> memref<1x128xf32, #tpu.memory_space<vmem>>
    %dma_wait3A_1419 = tpu.memref_squeeze %dma_wait3A_1418 : memref<1x128xf32, #tpu.memory_space<vmem>> -> memref<128xf32, #tpu.memory_space<vmem>>
    %dma_wait3A_1420 = arith.constant 0 : i32
    %dma_wait3A_1421 = tpu.memref_slice %arg10[%dma_wait3A_1416, %dma_wait3A_1420] : memref<79x128xi32, #tpu.memory_space<vmem>> -> memref<1x128xi32, #tpu.memory_space<vmem>>
    %dma_wait3A_1422 = tpu.memref_squeeze %dma_wait3A_1421 : memref<1x128xi32, #tpu.memory_space<vmem>> -> memref<128xi32, #tpu.memory_space<vmem>>
    %dma_wait3A_1423 = arith.constant 0 : i32
    %dma_wait3A_1424 = tpu.memref_slice %arg13[%dma_wait3A_1423] : memref<640000xf32, #tpu.memory_space<vmem_shared>> -> memref<640000xf32, #tpu.memory_space<vmem_shared>>
    tpu.wait_indirect_dma semaphore(%arg16 : memref<!tpu.dma_semaphore, #tpu.memory_space<semaphore_mem>>) src(%dma_wait3A_1419 : memref<128xf32, #tpu.memory_space<vmem>>) dst(%dma_wait3A_1424 : memref<640000xf32, #tpu.memory_space<vmem_shared>>)
    %dma_wait3A_1425 = arith.constant 47 : i32
    %dma_wait3A_1426 = arith.constant 47 : i32
    %dma_wait3A_1427 = arith.constant 0 : i32
    %dma_wait3A_1428 = tpu.memref_slice %arg9[%dma_wait3A_1425, %dma_wait3A_1427] : memref<79x128xf32, #tpu.memory_space<vmem>> -> memref<1x128xf32, #tpu.memory_space<vmem>>
    %dma_wait3A_1429 = tpu.memref_squeeze %dma_wait3A_1428 : memref<1x128xf32, #tpu.memory_space<vmem>> -> memref<128xf32, #tpu.memory_space<vmem>>
    %dma_wait3A_1430 = arith.constant 0 : i32
    %dma_wait3A_1431 = tpu.memref_slice %arg10[%dma_wait3A_1426, %dma_wait3A_1430] : memref<79x128xi32, #tpu.memory_space<vmem>> -> memref<1x128xi32, #tpu.memory_space<vmem>>
    %dma_wait3A_1432 = tpu.memref_squeeze %dma_wait3A_1431 : memref<1x128xi32, #tpu.memory_space<vmem>> -> memref<128xi32, #tpu.memory_space<vmem>>
    %dma_wait3A_1433 = arith.constant 0 : i32
    %dma_wait3A_1434 = tpu.memref_slice %arg13[%dma_wait3A_1433] : memref<640000xf32, #tpu.memory_space<vmem_shared>> -> memref<640000xf32, #tpu.memory_space<vmem_shared>>
    tpu.wait_indirect_dma semaphore(%arg16 : memref<!tpu.dma_semaphore, #tpu.memory_space<semaphore_mem>>) src(%dma_wait3A_1429 : memref<128xf32, #tpu.memory_space<vmem>>) dst(%dma_wait3A_1434 : memref<640000xf32, #tpu.memory_space<vmem_shared>>)
    %dma_wait3A_1435 = arith.constant 48 : i32
    %dma_wait3A_1436 = arith.constant 48 : i32
    %dma_wait3A_1437 = arith.constant 0 : i32
    %dma_wait3A_1438 = tpu.memref_slice %arg9[%dma_wait3A_1435, %dma_wait3A_1437] : memref<79x128xf32, #tpu.memory_space<vmem>> -> memref<1x128xf32, #tpu.memory_space<vmem>>
    %dma_wait3A_1439 = tpu.memref_squeeze %dma_wait3A_1438 : memref<1x128xf32, #tpu.memory_space<vmem>> -> memref<128xf32, #tpu.memory_space<vmem>>
    %dma_wait3A_1440 = arith.constant 0 : i32
    %dma_wait3A_1441 = tpu.memref_slice %arg10[%dma_wait3A_1436, %dma_wait3A_1440] : memref<79x128xi32, #tpu.memory_space<vmem>> -> memref<1x128xi32, #tpu.memory_space<vmem>>
    %dma_wait3A_1442 = tpu.memref_squeeze %dma_wait3A_1441 : memref<1x128xi32, #tpu.memory_space<vmem>> -> memref<128xi32, #tpu.memory_space<vmem>>
    %dma_wait3A_1443 = arith.constant 0 : i32
    %dma_wait3A_1444 = tpu.memref_slice %arg13[%dma_wait3A_1443] : memref<640000xf32, #tpu.memory_space<vmem_shared>> -> memref<640000xf32, #tpu.memory_space<vmem_shared>>
    tpu.wait_indirect_dma semaphore(%arg16 : memref<!tpu.dma_semaphore, #tpu.memory_space<semaphore_mem>>) src(%dma_wait3A_1439 : memref<128xf32, #tpu.memory_space<vmem>>) dst(%dma_wait3A_1444 : memref<640000xf32, #tpu.memory_space<vmem_shared>>)
    %dma_wait3A_1445 = arith.constant 49 : i32
    %dma_wait3A_1446 = arith.constant 49 : i32
    %dma_wait3A_1447 = arith.constant 0 : i32
    %dma_wait3A_1448 = tpu.memref_slice %arg9[%dma_wait3A_1445, %dma_wait3A_1447] : memref<79x128xf32, #tpu.memory_space<vmem>> -> memref<1x128xf32, #tpu.memory_space<vmem>>
    %dma_wait3A_1449 = tpu.memref_squeeze %dma_wait3A_1448 : memref<1x128xf32, #tpu.memory_space<vmem>> -> memref<128xf32, #tpu.memory_space<vmem>>
    %dma_wait3A_1450 = arith.constant 0 : i32
    %dma_wait3A_1451 = tpu.memref_slice %arg10[%dma_wait3A_1446, %dma_wait3A_1450] : memref<79x128xi32, #tpu.memory_space<vmem>> -> memref<1x128xi32, #tpu.memory_space<vmem>>
    %dma_wait3A_1452 = tpu.memref_squeeze %dma_wait3A_1451 : memref<1x128xi32, #tpu.memory_space<vmem>> -> memref<128xi32, #tpu.memory_space<vmem>>
    %dma_wait3A_1453 = arith.constant 0 : i32
    %dma_wait3A_1454 = tpu.memref_slice %arg13[%dma_wait3A_1453] : memref<640000xf32, #tpu.memory_space<vmem_shared>> -> memref<640000xf32, #tpu.memory_space<vmem_shared>>
    tpu.wait_indirect_dma semaphore(%arg16 : memref<!tpu.dma_semaphore, #tpu.memory_space<semaphore_mem>>) src(%dma_wait3A_1449 : memref<128xf32, #tpu.memory_space<vmem>>) dst(%dma_wait3A_1454 : memref<640000xf32, #tpu.memory_space<vmem_shared>>)
    %dma_wait3A_1455 = arith.constant 50 : i32
    %dma_wait3A_1456 = arith.constant 50 : i32
    %dma_wait3A_1457 = arith.constant 0 : i32
    %dma_wait3A_1458 = tpu.memref_slice %arg9[%dma_wait3A_1455, %dma_wait3A_1457] : memref<79x128xf32, #tpu.memory_space<vmem>> -> memref<1x128xf32, #tpu.memory_space<vmem>>
    %dma_wait3A_1459 = tpu.memref_squeeze %dma_wait3A_1458 : memref<1x128xf32, #tpu.memory_space<vmem>> -> memref<128xf32, #tpu.memory_space<vmem>>
    %dma_wait3A_1460 = arith.constant 0 : i32
    %dma_wait3A_1461 = tpu.memref_slice %arg10[%dma_wait3A_1456, %dma_wait3A_1460] : memref<79x128xi32, #tpu.memory_space<vmem>> -> memref<1x128xi32, #tpu.memory_space<vmem>>
    %dma_wait3A_1462 = tpu.memref_squeeze %dma_wait3A_1461 : memref<1x128xi32, #tpu.memory_space<vmem>> -> memref<128xi32, #tpu.memory_space<vmem>>
    %dma_wait3A_1463 = arith.constant 0 : i32
    %dma_wait3A_1464 = tpu.memref_slice %arg13[%dma_wait3A_1463] : memref<640000xf32, #tpu.memory_space<vmem_shared>> -> memref<640000xf32, #tpu.memory_space<vmem_shared>>
    tpu.wait_indirect_dma semaphore(%arg16 : memref<!tpu.dma_semaphore, #tpu.memory_space<semaphore_mem>>) src(%dma_wait3A_1459 : memref<128xf32, #tpu.memory_space<vmem>>) dst(%dma_wait3A_1464 : memref<640000xf32, #tpu.memory_space<vmem_shared>>)
    %dma_wait3A_1465 = arith.constant 51 : i32
    %dma_wait3A_1466 = arith.constant 51 : i32
    %dma_wait3A_1467 = arith.constant 0 : i32
    %dma_wait3A_1468 = tpu.memref_slice %arg9[%dma_wait3A_1465, %dma_wait3A_1467] : memref<79x128xf32, #tpu.memory_space<vmem>> -> memref<1x128xf32, #tpu.memory_space<vmem>>
    %dma_wait3A_1469 = tpu.memref_squeeze %dma_wait3A_1468 : memref<1x128xf32, #tpu.memory_space<vmem>> -> memref<128xf32, #tpu.memory_space<vmem>>
    %dma_wait3A_1470 = arith.constant 0 : i32
    %dma_wait3A_1471 = tpu.memref_slice %arg10[%dma_wait3A_1466, %dma_wait3A_1470] : memref<79x128xi32, #tpu.memory_space<vmem>> -> memref<1x128xi32, #tpu.memory_space<vmem>>
    %dma_wait3A_1472 = tpu.memref_squeeze %dma_wait3A_1471 : memref<1x128xi32, #tpu.memory_space<vmem>> -> memref<128xi32, #tpu.memory_space<vmem>>
    %dma_wait3A_1473 = arith.constant 0 : i32
    %dma_wait3A_1474 = tpu.memref_slice %arg13[%dma_wait3A_1473] : memref<640000xf32, #tpu.memory_space<vmem_shared>> -> memref<640000xf32, #tpu.memory_space<vmem_shared>>
    tpu.wait_indirect_dma semaphore(%arg16 : memref<!tpu.dma_semaphore, #tpu.memory_space<semaphore_mem>>) src(%dma_wait3A_1469 : memref<128xf32, #tpu.memory_space<vmem>>) dst(%dma_wait3A_1474 : memref<640000xf32, #tpu.memory_space<vmem_shared>>)
    %dma_wait3A_1475 = arith.constant 52 : i32
    %dma_wait3A_1476 = arith.constant 52 : i32
    %dma_wait3A_1477 = arith.constant 0 : i32
    %dma_wait3A_1478 = tpu.memref_slice %arg9[%dma_wait3A_1475, %dma_wait3A_1477] : memref<79x128xf32, #tpu.memory_space<vmem>> -> memref<1x128xf32, #tpu.memory_space<vmem>>
    %dma_wait3A_1479 = tpu.memref_squeeze %dma_wait3A_1478 : memref<1x128xf32, #tpu.memory_space<vmem>> -> memref<128xf32, #tpu.memory_space<vmem>>
    %dma_wait3A_1480 = arith.constant 0 : i32
    %dma_wait3A_1481 = tpu.memref_slice %arg10[%dma_wait3A_1476, %dma_wait3A_1480] : memref<79x128xi32, #tpu.memory_space<vmem>> -> memref<1x128xi32, #tpu.memory_space<vmem>>
    %dma_wait3A_1482 = tpu.memref_squeeze %dma_wait3A_1481 : memref<1x128xi32, #tpu.memory_space<vmem>> -> memref<128xi32, #tpu.memory_space<vmem>>
    %dma_wait3A_1483 = arith.constant 0 : i32
    %dma_wait3A_1484 = tpu.memref_slice %arg13[%dma_wait3A_1483] : memref<640000xf32, #tpu.memory_space<vmem_shared>> -> memref<640000xf32, #tpu.memory_space<vmem_shared>>
    tpu.wait_indirect_dma semaphore(%arg16 : memref<!tpu.dma_semaphore, #tpu.memory_space<semaphore_mem>>) src(%dma_wait3A_1479 : memref<128xf32, #tpu.memory_space<vmem>>) dst(%dma_wait3A_1484 : memref<640000xf32, #tpu.memory_space<vmem_shared>>)
    %dma_wait3A_1485 = arith.constant 53 : i32
    %dma_wait3A_1486 = arith.constant 53 : i32
    %dma_wait3A_1487 = arith.constant 0 : i32
    %dma_wait3A_1488 = tpu.memref_slice %arg9[%dma_wait3A_1485, %dma_wait3A_1487] : memref<79x128xf32, #tpu.memory_space<vmem>> -> memref<1x128xf32, #tpu.memory_space<vmem>>
    %dma_wait3A_1489 = tpu.memref_squeeze %dma_wait3A_1488 : memref<1x128xf32, #tpu.memory_space<vmem>> -> memref<128xf32, #tpu.memory_space<vmem>>
    %dma_wait3A_1490 = arith.constant 0 : i32
    %dma_wait3A_1491 = tpu.memref_slice %arg10[%dma_wait3A_1486, %dma_wait3A_1490] : memref<79x128xi32, #tpu.memory_space<vmem>> -> memref<1x128xi32, #tpu.memory_space<vmem>>
    %dma_wait3A_1492 = tpu.memref_squeeze %dma_wait3A_1491 : memref<1x128xi32, #tpu.memory_space<vmem>> -> memref<128xi32, #tpu.memory_space<vmem>>
    %dma_wait3A_1493 = arith.constant 0 : i32
    %dma_wait3A_1494 = tpu.memref_slice %arg13[%dma_wait3A_1493] : memref<640000xf32, #tpu.memory_space<vmem_shared>> -> memref<640000xf32, #tpu.memory_space<vmem_shared>>
    tpu.wait_indirect_dma semaphore(%arg16 : memref<!tpu.dma_semaphore, #tpu.memory_space<semaphore_mem>>) src(%dma_wait3A_1489 : memref<128xf32, #tpu.memory_space<vmem>>) dst(%dma_wait3A_1494 : memref<640000xf32, #tpu.memory_space<vmem_shared>>)
    %dma_wait3A_1495 = arith.constant 54 : i32
    %dma_wait3A_1496 = arith.constant 54 : i32
    %dma_wait3A_1497 = arith.constant 0 : i32
    %dma_wait3A_1498 = tpu.memref_slice %arg9[%dma_wait3A_1495, %dma_wait3A_1497] : memref<79x128xf32, #tpu.memory_space<vmem>> -> memref<1x128xf32, #tpu.memory_space<vmem>>
    %dma_wait3A_1499 = tpu.memref_squeeze %dma_wait3A_1498 : memref<1x128xf32, #tpu.memory_space<vmem>> -> memref<128xf32, #tpu.memory_space<vmem>>
    %dma_wait3A_1500 = arith.constant 0 : i32
    %dma_wait3A_1501 = tpu.memref_slice %arg10[%dma_wait3A_1496, %dma_wait3A_1500] : memref<79x128xi32, #tpu.memory_space<vmem>> -> memref<1x128xi32, #tpu.memory_space<vmem>>
    %dma_wait3A_1502 = tpu.memref_squeeze %dma_wait3A_1501 : memref<1x128xi32, #tpu.memory_space<vmem>> -> memref<128xi32, #tpu.memory_space<vmem>>
    %dma_wait3A_1503 = arith.constant 0 : i32
    %dma_wait3A_1504 = tpu.memref_slice %arg13[%dma_wait3A_1503] : memref<640000xf32, #tpu.memory_space<vmem_shared>> -> memref<640000xf32, #tpu.memory_space<vmem_shared>>
    tpu.wait_indirect_dma semaphore(%arg16 : memref<!tpu.dma_semaphore, #tpu.memory_space<semaphore_mem>>) src(%dma_wait3A_1499 : memref<128xf32, #tpu.memory_space<vmem>>) dst(%dma_wait3A_1504 : memref<640000xf32, #tpu.memory_space<vmem_shared>>)
    %dma_wait3A_1505 = arith.constant 55 : i32
    %dma_wait3A_1506 = arith.constant 55 : i32
    %dma_wait3A_1507 = arith.constant 0 : i32
    %dma_wait3A_1508 = tpu.memref_slice %arg9[%dma_wait3A_1505, %dma_wait3A_1507] : memref<79x128xf32, #tpu.memory_space<vmem>> -> memref<1x128xf32, #tpu.memory_space<vmem>>
    %dma_wait3A_1509 = tpu.memref_squeeze %dma_wait3A_1508 : memref<1x128xf32, #tpu.memory_space<vmem>> -> memref<128xf32, #tpu.memory_space<vmem>>
    %dma_wait3A_1510 = arith.constant 0 : i32
    %dma_wait3A_1511 = tpu.memref_slice %arg10[%dma_wait3A_1506, %dma_wait3A_1510] : memref<79x128xi32, #tpu.memory_space<vmem>> -> memref<1x128xi32, #tpu.memory_space<vmem>>
    %dma_wait3A_1512 = tpu.memref_squeeze %dma_wait3A_1511 : memref<1x128xi32, #tpu.memory_space<vmem>> -> memref<128xi32, #tpu.memory_space<vmem>>
    %dma_wait3A_1513 = arith.constant 0 : i32
    %dma_wait3A_1514 = tpu.memref_slice %arg13[%dma_wait3A_1513] : memref<640000xf32, #tpu.memory_space<vmem_shared>> -> memref<640000xf32, #tpu.memory_space<vmem_shared>>
    tpu.wait_indirect_dma semaphore(%arg16 : memref<!tpu.dma_semaphore, #tpu.memory_space<semaphore_mem>>) src(%dma_wait3A_1509 : memref<128xf32, #tpu.memory_space<vmem>>) dst(%dma_wait3A_1514 : memref<640000xf32, #tpu.memory_space<vmem_shared>>)
    %dma_wait3A_1515 = arith.constant 56 : i32
    %dma_wait3A_1516 = arith.constant 56 : i32
    %dma_wait3A_1517 = arith.constant 0 : i32
    %dma_wait3A_1518 = tpu.memref_slice %arg9[%dma_wait3A_1515, %dma_wait3A_1517] : memref<79x128xf32, #tpu.memory_space<vmem>> -> memref<1x128xf32, #tpu.memory_space<vmem>>
    %dma_wait3A_1519 = tpu.memref_squeeze %dma_wait3A_1518 : memref<1x128xf32, #tpu.memory_space<vmem>> -> memref<128xf32, #tpu.memory_space<vmem>>
    %dma_wait3A_1520 = arith.constant 0 : i32
    %dma_wait3A_1521 = tpu.memref_slice %arg10[%dma_wait3A_1516, %dma_wait3A_1520] : memref<79x128xi32, #tpu.memory_space<vmem>> -> memref<1x128xi32, #tpu.memory_space<vmem>>
    %dma_wait3A_1522 = tpu.memref_squeeze %dma_wait3A_1521 : memref<1x128xi32, #tpu.memory_space<vmem>> -> memref<128xi32, #tpu.memory_space<vmem>>
    %dma_wait3A_1523 = arith.constant 0 : i32
    %dma_wait3A_1524 = tpu.memref_slice %arg13[%dma_wait3A_1523] : memref<640000xf32, #tpu.memory_space<vmem_shared>> -> memref<640000xf32, #tpu.memory_space<vmem_shared>>
    tpu.wait_indirect_dma semaphore(%arg16 : memref<!tpu.dma_semaphore, #tpu.memory_space<semaphore_mem>>) src(%dma_wait3A_1519 : memref<128xf32, #tpu.memory_space<vmem>>) dst(%dma_wait3A_1524 : memref<640000xf32, #tpu.memory_space<vmem_shared>>)
    %dma_wait3A_1525 = arith.constant 57 : i32
    %dma_wait3A_1526 = arith.constant 57 : i32
    %dma_wait3A_1527 = arith.constant 0 : i32
    %dma_wait3A_1528 = tpu.memref_slice %arg9[%dma_wait3A_1525, %dma_wait3A_1527] : memref<79x128xf32, #tpu.memory_space<vmem>> -> memref<1x128xf32, #tpu.memory_space<vmem>>
    %dma_wait3A_1529 = tpu.memref_squeeze %dma_wait3A_1528 : memref<1x128xf32, #tpu.memory_space<vmem>> -> memref<128xf32, #tpu.memory_space<vmem>>
    %dma_wait3A_1530 = arith.constant 0 : i32
    %dma_wait3A_1531 = tpu.memref_slice %arg10[%dma_wait3A_1526, %dma_wait3A_1530] : memref<79x128xi32, #tpu.memory_space<vmem>> -> memref<1x128xi32, #tpu.memory_space<vmem>>
    %dma_wait3A_1532 = tpu.memref_squeeze %dma_wait3A_1531 : memref<1x128xi32, #tpu.memory_space<vmem>> -> memref<128xi32, #tpu.memory_space<vmem>>
    %dma_wait3A_1533 = arith.constant 0 : i32
    %dma_wait3A_1534 = tpu.memref_slice %arg13[%dma_wait3A_1533] : memref<640000xf32, #tpu.memory_space<vmem_shared>> -> memref<640000xf32, #tpu.memory_space<vmem_shared>>
    tpu.wait_indirect_dma semaphore(%arg16 : memref<!tpu.dma_semaphore, #tpu.memory_space<semaphore_mem>>) src(%dma_wait3A_1529 : memref<128xf32, #tpu.memory_space<vmem>>) dst(%dma_wait3A_1534 : memref<640000xf32, #tpu.memory_space<vmem_shared>>)
    %dma_wait3A_1535 = arith.constant 58 : i32
    %dma_wait3A_1536 = arith.constant 58 : i32
    %dma_wait3A_1537 = arith.constant 0 : i32
    %dma_wait3A_1538 = tpu.memref_slice %arg9[%dma_wait3A_1535, %dma_wait3A_1537] : memref<79x128xf32, #tpu.memory_space<vmem>> -> memref<1x128xf32, #tpu.memory_space<vmem>>
    %dma_wait3A_1539 = tpu.memref_squeeze %dma_wait3A_1538 : memref<1x128xf32, #tpu.memory_space<vmem>> -> memref<128xf32, #tpu.memory_space<vmem>>
    %dma_wait3A_1540 = arith.constant 0 : i32
    %dma_wait3A_1541 = tpu.memref_slice %arg10[%dma_wait3A_1536, %dma_wait3A_1540] : memref<79x128xi32, #tpu.memory_space<vmem>> -> memref<1x128xi32, #tpu.memory_space<vmem>>
    %dma_wait3A_1542 = tpu.memref_squeeze %dma_wait3A_1541 : memref<1x128xi32, #tpu.memory_space<vmem>> -> memref<128xi32, #tpu.memory_space<vmem>>
    %dma_wait3A_1543 = arith.constant 0 : i32
    %dma_wait3A_1544 = tpu.memref_slice %arg13[%dma_wait3A_1543] : memref<640000xf32, #tpu.memory_space<vmem_shared>> -> memref<640000xf32, #tpu.memory_space<vmem_shared>>
    tpu.wait_indirect_dma semaphore(%arg16 : memref<!tpu.dma_semaphore, #tpu.memory_space<semaphore_mem>>) src(%dma_wait3A_1539 : memref<128xf32, #tpu.memory_space<vmem>>) dst(%dma_wait3A_1544 : memref<640000xf32, #tpu.memory_space<vmem_shared>>)
    %dma_wait3A_1545 = arith.constant 59 : i32
    %dma_wait3A_1546 = arith.constant 59 : i32
    %dma_wait3A_1547 = arith.constant 0 : i32
    %dma_wait3A_1548 = tpu.memref_slice %arg9[%dma_wait3A_1545, %dma_wait3A_1547] : memref<79x128xf32, #tpu.memory_space<vmem>> -> memref<1x128xf32, #tpu.memory_space<vmem>>
    %dma_wait3A_1549 = tpu.memref_squeeze %dma_wait3A_1548 : memref<1x128xf32, #tpu.memory_space<vmem>> -> memref<128xf32, #tpu.memory_space<vmem>>
    %dma_wait3A_1550 = arith.constant 0 : i32
    %dma_wait3A_1551 = tpu.memref_slice %arg10[%dma_wait3A_1546, %dma_wait3A_1550] : memref<79x128xi32, #tpu.memory_space<vmem>> -> memref<1x128xi32, #tpu.memory_space<vmem>>
    %dma_wait3A_1552 = tpu.memref_squeeze %dma_wait3A_1551 : memref<1x128xi32, #tpu.memory_space<vmem>> -> memref<128xi32, #tpu.memory_space<vmem>>
    %dma_wait3A_1553 = arith.constant 0 : i32
    %dma_wait3A_1554 = tpu.memref_slice %arg13[%dma_wait3A_1553] : memref<640000xf32, #tpu.memory_space<vmem_shared>> -> memref<640000xf32, #tpu.memory_space<vmem_shared>>
    tpu.wait_indirect_dma semaphore(%arg16 : memref<!tpu.dma_semaphore, #tpu.memory_space<semaphore_mem>>) src(%dma_wait3A_1549 : memref<128xf32, #tpu.memory_space<vmem>>) dst(%dma_wait3A_1554 : memref<640000xf32, #tpu.memory_space<vmem_shared>>)
    %dma_wait3A_1555 = arith.constant 60 : i32
    %dma_wait3A_1556 = arith.constant 60 : i32
    %dma_wait3A_1557 = arith.constant 0 : i32
    %dma_wait3A_1558 = tpu.memref_slice %arg9[%dma_wait3A_1555, %dma_wait3A_1557] : memref<79x128xf32, #tpu.memory_space<vmem>> -> memref<1x128xf32, #tpu.memory_space<vmem>>
    %dma_wait3A_1559 = tpu.memref_squeeze %dma_wait3A_1558 : memref<1x128xf32, #tpu.memory_space<vmem>> -> memref<128xf32, #tpu.memory_space<vmem>>
    %dma_wait3A_1560 = arith.constant 0 : i32
    %dma_wait3A_1561 = tpu.memref_slice %arg10[%dma_wait3A_1556, %dma_wait3A_1560] : memref<79x128xi32, #tpu.memory_space<vmem>> -> memref<1x128xi32, #tpu.memory_space<vmem>>
    %dma_wait3A_1562 = tpu.memref_squeeze %dma_wait3A_1561 : memref<1x128xi32, #tpu.memory_space<vmem>> -> memref<128xi32, #tpu.memory_space<vmem>>
    %dma_wait3A_1563 = arith.constant 0 : i32
    %dma_wait3A_1564 = tpu.memref_slice %arg13[%dma_wait3A_1563] : memref<640000xf32, #tpu.memory_space<vmem_shared>> -> memref<640000xf32, #tpu.memory_space<vmem_shared>>
    tpu.wait_indirect_dma semaphore(%arg16 : memref<!tpu.dma_semaphore, #tpu.memory_space<semaphore_mem>>) src(%dma_wait3A_1559 : memref<128xf32, #tpu.memory_space<vmem>>) dst(%dma_wait3A_1564 : memref<640000xf32, #tpu.memory_space<vmem_shared>>)
    %dma_wait3A_1565 = arith.constant 61 : i32
    %dma_wait3A_1566 = arith.constant 61 : i32
    %dma_wait3A_1567 = arith.constant 0 : i32
    %dma_wait3A_1568 = tpu.memref_slice %arg9[%dma_wait3A_1565, %dma_wait3A_1567] : memref<79x128xf32, #tpu.memory_space<vmem>> -> memref<1x128xf32, #tpu.memory_space<vmem>>
    %dma_wait3A_1569 = tpu.memref_squeeze %dma_wait3A_1568 : memref<1x128xf32, #tpu.memory_space<vmem>> -> memref<128xf32, #tpu.memory_space<vmem>>
    %dma_wait3A_1570 = arith.constant 0 : i32
    %dma_wait3A_1571 = tpu.memref_slice %arg10[%dma_wait3A_1566, %dma_wait3A_1570] : memref<79x128xi32, #tpu.memory_space<vmem>> -> memref<1x128xi32, #tpu.memory_space<vmem>>
    %dma_wait3A_1572 = tpu.memref_squeeze %dma_wait3A_1571 : memref<1x128xi32, #tpu.memory_space<vmem>> -> memref<128xi32, #tpu.memory_space<vmem>>
    %dma_wait3A_1573 = arith.constant 0 : i32
    %dma_wait3A_1574 = tpu.memref_slice %arg13[%dma_wait3A_1573] : memref<640000xf32, #tpu.memory_space<vmem_shared>> -> memref<640000xf32, #tpu.memory_space<vmem_shared>>
    tpu.wait_indirect_dma semaphore(%arg16 : memref<!tpu.dma_semaphore, #tpu.memory_space<semaphore_mem>>) src(%dma_wait3A_1569 : memref<128xf32, #tpu.memory_space<vmem>>) dst(%dma_wait3A_1574 : memref<640000xf32, #tpu.memory_space<vmem_shared>>)
    %dma_wait3A_1575 = arith.constant 62 : i32
    %dma_wait3A_1576 = arith.constant 62 : i32
    %dma_wait3A_1577 = arith.constant 0 : i32
    %dma_wait3A_1578 = tpu.memref_slice %arg9[%dma_wait3A_1575, %dma_wait3A_1577] : memref<79x128xf32, #tpu.memory_space<vmem>> -> memref<1x128xf32, #tpu.memory_space<vmem>>
    %dma_wait3A_1579 = tpu.memref_squeeze %dma_wait3A_1578 : memref<1x128xf32, #tpu.memory_space<vmem>> -> memref<128xf32, #tpu.memory_space<vmem>>
    %dma_wait3A_1580 = arith.constant 0 : i32
    %dma_wait3A_1581 = tpu.memref_slice %arg10[%dma_wait3A_1576, %dma_wait3A_1580] : memref<79x128xi32, #tpu.memory_space<vmem>> -> memref<1x128xi32, #tpu.memory_space<vmem>>
    %dma_wait3A_1582 = tpu.memref_squeeze %dma_wait3A_1581 : memref<1x128xi32, #tpu.memory_space<vmem>> -> memref<128xi32, #tpu.memory_space<vmem>>
    %dma_wait3A_1583 = arith.constant 0 : i32
    %dma_wait3A_1584 = tpu.memref_slice %arg13[%dma_wait3A_1583] : memref<640000xf32, #tpu.memory_space<vmem_shared>> -> memref<640000xf32, #tpu.memory_space<vmem_shared>>
    tpu.wait_indirect_dma semaphore(%arg16 : memref<!tpu.dma_semaphore, #tpu.memory_space<semaphore_mem>>) src(%dma_wait3A_1579 : memref<128xf32, #tpu.memory_space<vmem>>) dst(%dma_wait3A_1584 : memref<640000xf32, #tpu.memory_space<vmem_shared>>)
    %dma_wait3A_1585 = arith.constant 63 : i32
    %dma_wait3A_1586 = arith.constant 63 : i32
    %dma_wait3A_1587 = arith.constant 0 : i32
    %dma_wait3A_1588 = tpu.memref_slice %arg9[%dma_wait3A_1585, %dma_wait3A_1587] : memref<79x128xf32, #tpu.memory_space<vmem>> -> memref<1x128xf32, #tpu.memory_space<vmem>>
    %dma_wait3A_1589 = tpu.memref_squeeze %dma_wait3A_1588 : memref<1x128xf32, #tpu.memory_space<vmem>> -> memref<128xf32, #tpu.memory_space<vmem>>
    %dma_wait3A_1590 = arith.constant 0 : i32
    %dma_wait3A_1591 = tpu.memref_slice %arg10[%dma_wait3A_1586, %dma_wait3A_1590] : memref<79x128xi32, #tpu.memory_space<vmem>> -> memref<1x128xi32, #tpu.memory_space<vmem>>
    %dma_wait3A_1592 = tpu.memref_squeeze %dma_wait3A_1591 : memref<1x128xi32, #tpu.memory_space<vmem>> -> memref<128xi32, #tpu.memory_space<vmem>>
    %dma_wait3A_1593 = arith.constant 0 : i32
    %dma_wait3A_1594 = tpu.memref_slice %arg13[%dma_wait3A_1593] : memref<640000xf32, #tpu.memory_space<vmem_shared>> -> memref<640000xf32, #tpu.memory_space<vmem_shared>>
    tpu.wait_indirect_dma semaphore(%arg16 : memref<!tpu.dma_semaphore, #tpu.memory_space<semaphore_mem>>) src(%dma_wait3A_1589 : memref<128xf32, #tpu.memory_space<vmem>>) dst(%dma_wait3A_1594 : memref<640000xf32, #tpu.memory_space<vmem_shared>>)
    %dma_wait3A_1595 = arith.constant 64 : i32
    %dma_wait3A_1596 = arith.constant 64 : i32
    %dma_wait3A_1597 = arith.constant 0 : i32
    %dma_wait3A_1598 = tpu.memref_slice %arg9[%dma_wait3A_1595, %dma_wait3A_1597] : memref<79x128xf32, #tpu.memory_space<vmem>> -> memref<1x128xf32, #tpu.memory_space<vmem>>
    %dma_wait3A_1599 = tpu.memref_squeeze %dma_wait3A_1598 : memref<1x128xf32, #tpu.memory_space<vmem>> -> memref<128xf32, #tpu.memory_space<vmem>>
    %dma_wait3A_1600 = arith.constant 0 : i32
    %dma_wait3A_1601 = tpu.memref_slice %arg10[%dma_wait3A_1596, %dma_wait3A_1600] : memref<79x128xi32, #tpu.memory_space<vmem>> -> memref<1x128xi32, #tpu.memory_space<vmem>>
    %dma_wait3A_1602 = tpu.memref_squeeze %dma_wait3A_1601 : memref<1x128xi32, #tpu.memory_space<vmem>> -> memref<128xi32, #tpu.memory_space<vmem>>
    %dma_wait3A_1603 = arith.constant 0 : i32
    %dma_wait3A_1604 = tpu.memref_slice %arg13[%dma_wait3A_1603] : memref<640000xf32, #tpu.memory_space<vmem_shared>> -> memref<640000xf32, #tpu.memory_space<vmem_shared>>
    tpu.wait_indirect_dma semaphore(%arg16 : memref<!tpu.dma_semaphore, #tpu.memory_space<semaphore_mem>>) src(%dma_wait3A_1599 : memref<128xf32, #tpu.memory_space<vmem>>) dst(%dma_wait3A_1604 : memref<640000xf32, #tpu.memory_space<vmem_shared>>)
    %dma_wait3A_1605 = arith.constant 65 : i32
    %dma_wait3A_1606 = arith.constant 65 : i32
    %dma_wait3A_1607 = arith.constant 0 : i32
    %dma_wait3A_1608 = tpu.memref_slice %arg9[%dma_wait3A_1605, %dma_wait3A_1607] : memref<79x128xf32, #tpu.memory_space<vmem>> -> memref<1x128xf32, #tpu.memory_space<vmem>>
    %dma_wait3A_1609 = tpu.memref_squeeze %dma_wait3A_1608 : memref<1x128xf32, #tpu.memory_space<vmem>> -> memref<128xf32, #tpu.memory_space<vmem>>
    %dma_wait3A_1610 = arith.constant 0 : i32
    %dma_wait3A_1611 = tpu.memref_slice %arg10[%dma_wait3A_1606, %dma_wait3A_1610] : memref<79x128xi32, #tpu.memory_space<vmem>> -> memref<1x128xi32, #tpu.memory_space<vmem>>
    %dma_wait3A_1612 = tpu.memref_squeeze %dma_wait3A_1611 : memref<1x128xi32, #tpu.memory_space<vmem>> -> memref<128xi32, #tpu.memory_space<vmem>>
    %dma_wait3A_1613 = arith.constant 0 : i32
    %dma_wait3A_1614 = tpu.memref_slice %arg13[%dma_wait3A_1613] : memref<640000xf32, #tpu.memory_space<vmem_shared>> -> memref<640000xf32, #tpu.memory_space<vmem_shared>>
    tpu.wait_indirect_dma semaphore(%arg16 : memref<!tpu.dma_semaphore, #tpu.memory_space<semaphore_mem>>) src(%dma_wait3A_1609 : memref<128xf32, #tpu.memory_space<vmem>>) dst(%dma_wait3A_1614 : memref<640000xf32, #tpu.memory_space<vmem_shared>>)
    %dma_wait3A_1615 = arith.constant 66 : i32
    %dma_wait3A_1616 = arith.constant 66 : i32
    %dma_wait3A_1617 = arith.constant 0 : i32
    %dma_wait3A_1618 = tpu.memref_slice %arg9[%dma_wait3A_1615, %dma_wait3A_1617] : memref<79x128xf32, #tpu.memory_space<vmem>> -> memref<1x128xf32, #tpu.memory_space<vmem>>
    %dma_wait3A_1619 = tpu.memref_squeeze %dma_wait3A_1618 : memref<1x128xf32, #tpu.memory_space<vmem>> -> memref<128xf32, #tpu.memory_space<vmem>>
    %dma_wait3A_1620 = arith.constant 0 : i32
    %dma_wait3A_1621 = tpu.memref_slice %arg10[%dma_wait3A_1616, %dma_wait3A_1620] : memref<79x128xi32, #tpu.memory_space<vmem>> -> memref<1x128xi32, #tpu.memory_space<vmem>>
    %dma_wait3A_1622 = tpu.memref_squeeze %dma_wait3A_1621 : memref<1x128xi32, #tpu.memory_space<vmem>> -> memref<128xi32, #tpu.memory_space<vmem>>
    %dma_wait3A_1623 = arith.constant 0 : i32
    %dma_wait3A_1624 = tpu.memref_slice %arg13[%dma_wait3A_1623] : memref<640000xf32, #tpu.memory_space<vmem_shared>> -> memref<640000xf32, #tpu.memory_space<vmem_shared>>
    tpu.wait_indirect_dma semaphore(%arg16 : memref<!tpu.dma_semaphore, #tpu.memory_space<semaphore_mem>>) src(%dma_wait3A_1619 : memref<128xf32, #tpu.memory_space<vmem>>) dst(%dma_wait3A_1624 : memref<640000xf32, #tpu.memory_space<vmem_shared>>)
    %dma_wait3A_1625 = arith.constant 67 : i32
    %dma_wait3A_1626 = arith.constant 67 : i32
    %dma_wait3A_1627 = arith.constant 0 : i32
    %dma_wait3A_1628 = tpu.memref_slice %arg9[%dma_wait3A_1625, %dma_wait3A_1627] : memref<79x128xf32, #tpu.memory_space<vmem>> -> memref<1x128xf32, #tpu.memory_space<vmem>>
    %dma_wait3A_1629 = tpu.memref_squeeze %dma_wait3A_1628 : memref<1x128xf32, #tpu.memory_space<vmem>> -> memref<128xf32, #tpu.memory_space<vmem>>
    %dma_wait3A_1630 = arith.constant 0 : i32
    %dma_wait3A_1631 = tpu.memref_slice %arg10[%dma_wait3A_1626, %dma_wait3A_1630] : memref<79x128xi32, #tpu.memory_space<vmem>> -> memref<1x128xi32, #tpu.memory_space<vmem>>
    %dma_wait3A_1632 = tpu.memref_squeeze %dma_wait3A_1631 : memref<1x128xi32, #tpu.memory_space<vmem>> -> memref<128xi32, #tpu.memory_space<vmem>>
    %dma_wait3A_1633 = arith.constant 0 : i32
    %dma_wait3A_1634 = tpu.memref_slice %arg13[%dma_wait3A_1633] : memref<640000xf32, #tpu.memory_space<vmem_shared>> -> memref<640000xf32, #tpu.memory_space<vmem_shared>>
    tpu.wait_indirect_dma semaphore(%arg16 : memref<!tpu.dma_semaphore, #tpu.memory_space<semaphore_mem>>) src(%dma_wait3A_1629 : memref<128xf32, #tpu.memory_space<vmem>>) dst(%dma_wait3A_1634 : memref<640000xf32, #tpu.memory_space<vmem_shared>>)
    %dma_wait3A_1635 = arith.constant 68 : i32
    %dma_wait3A_1636 = arith.constant 68 : i32
    %dma_wait3A_1637 = arith.constant 0 : i32
    %dma_wait3A_1638 = tpu.memref_slice %arg9[%dma_wait3A_1635, %dma_wait3A_1637] : memref<79x128xf32, #tpu.memory_space<vmem>> -> memref<1x128xf32, #tpu.memory_space<vmem>>
    %dma_wait3A_1639 = tpu.memref_squeeze %dma_wait3A_1638 : memref<1x128xf32, #tpu.memory_space<vmem>> -> memref<128xf32, #tpu.memory_space<vmem>>
    %dma_wait3A_1640 = arith.constant 0 : i32
    %dma_wait3A_1641 = tpu.memref_slice %arg10[%dma_wait3A_1636, %dma_wait3A_1640] : memref<79x128xi32, #tpu.memory_space<vmem>> -> memref<1x128xi32, #tpu.memory_space<vmem>>
    %dma_wait3A_1642 = tpu.memref_squeeze %dma_wait3A_1641 : memref<1x128xi32, #tpu.memory_space<vmem>> -> memref<128xi32, #tpu.memory_space<vmem>>
    %dma_wait3A_1643 = arith.constant 0 : i32
    %dma_wait3A_1644 = tpu.memref_slice %arg13[%dma_wait3A_1643] : memref<640000xf32, #tpu.memory_space<vmem_shared>> -> memref<640000xf32, #tpu.memory_space<vmem_shared>>
    tpu.wait_indirect_dma semaphore(%arg16 : memref<!tpu.dma_semaphore, #tpu.memory_space<semaphore_mem>>) src(%dma_wait3A_1639 : memref<128xf32, #tpu.memory_space<vmem>>) dst(%dma_wait3A_1644 : memref<640000xf32, #tpu.memory_space<vmem_shared>>)
    %dma_wait3A_1645 = arith.constant 69 : i32
    %dma_wait3A_1646 = arith.constant 69 : i32
    %dma_wait3A_1647 = arith.constant 0 : i32
    %dma_wait3A_1648 = tpu.memref_slice %arg9[%dma_wait3A_1645, %dma_wait3A_1647] : memref<79x128xf32, #tpu.memory_space<vmem>> -> memref<1x128xf32, #tpu.memory_space<vmem>>
    %dma_wait3A_1649 = tpu.memref_squeeze %dma_wait3A_1648 : memref<1x128xf32, #tpu.memory_space<vmem>> -> memref<128xf32, #tpu.memory_space<vmem>>
    %dma_wait3A_1650 = arith.constant 0 : i32
    %dma_wait3A_1651 = tpu.memref_slice %arg10[%dma_wait3A_1646, %dma_wait3A_1650] : memref<79x128xi32, #tpu.memory_space<vmem>> -> memref<1x128xi32, #tpu.memory_space<vmem>>
    %dma_wait3A_1652 = tpu.memref_squeeze %dma_wait3A_1651 : memref<1x128xi32, #tpu.memory_space<vmem>> -> memref<128xi32, #tpu.memory_space<vmem>>
    %dma_wait3A_1653 = arith.constant 0 : i32
    %dma_wait3A_1654 = tpu.memref_slice %arg13[%dma_wait3A_1653] : memref<640000xf32, #tpu.memory_space<vmem_shared>> -> memref<640000xf32, #tpu.memory_space<vmem_shared>>
    tpu.wait_indirect_dma semaphore(%arg16 : memref<!tpu.dma_semaphore, #tpu.memory_space<semaphore_mem>>) src(%dma_wait3A_1649 : memref<128xf32, #tpu.memory_space<vmem>>) dst(%dma_wait3A_1654 : memref<640000xf32, #tpu.memory_space<vmem_shared>>)
    %dma_wait3A_1655 = arith.constant 70 : i32
    %dma_wait3A_1656 = arith.constant 70 : i32
    %dma_wait3A_1657 = arith.constant 0 : i32
    %dma_wait3A_1658 = tpu.memref_slice %arg9[%dma_wait3A_1655, %dma_wait3A_1657] : memref<79x128xf32, #tpu.memory_space<vmem>> -> memref<1x128xf32, #tpu.memory_space<vmem>>
    %dma_wait3A_1659 = tpu.memref_squeeze %dma_wait3A_1658 : memref<1x128xf32, #tpu.memory_space<vmem>> -> memref<128xf32, #tpu.memory_space<vmem>>
    %dma_wait3A_1660 = arith.constant 0 : i32
    %dma_wait3A_1661 = tpu.memref_slice %arg10[%dma_wait3A_1656, %dma_wait3A_1660] : memref<79x128xi32, #tpu.memory_space<vmem>> -> memref<1x128xi32, #tpu.memory_space<vmem>>
    %dma_wait3A_1662 = tpu.memref_squeeze %dma_wait3A_1661 : memref<1x128xi32, #tpu.memory_space<vmem>> -> memref<128xi32, #tpu.memory_space<vmem>>
    %dma_wait3A_1663 = arith.constant 0 : i32
    %dma_wait3A_1664 = tpu.memref_slice %arg13[%dma_wait3A_1663] : memref<640000xf32, #tpu.memory_space<vmem_shared>> -> memref<640000xf32, #tpu.memory_space<vmem_shared>>
    tpu.wait_indirect_dma semaphore(%arg16 : memref<!tpu.dma_semaphore, #tpu.memory_space<semaphore_mem>>) src(%dma_wait3A_1659 : memref<128xf32, #tpu.memory_space<vmem>>) dst(%dma_wait3A_1664 : memref<640000xf32, #tpu.memory_space<vmem_shared>>)
    %dma_wait3A_1665 = arith.constant 71 : i32
    %dma_wait3A_1666 = arith.constant 71 : i32
    %dma_wait3A_1667 = arith.constant 0 : i32
    %dma_wait3A_1668 = tpu.memref_slice %arg9[%dma_wait3A_1665, %dma_wait3A_1667] : memref<79x128xf32, #tpu.memory_space<vmem>> -> memref<1x128xf32, #tpu.memory_space<vmem>>
    %dma_wait3A_1669 = tpu.memref_squeeze %dma_wait3A_1668 : memref<1x128xf32, #tpu.memory_space<vmem>> -> memref<128xf32, #tpu.memory_space<vmem>>
    %dma_wait3A_1670 = arith.constant 0 : i32
    %dma_wait3A_1671 = tpu.memref_slice %arg10[%dma_wait3A_1666, %dma_wait3A_1670] : memref<79x128xi32, #tpu.memory_space<vmem>> -> memref<1x128xi32, #tpu.memory_space<vmem>>
    %dma_wait3A_1672 = tpu.memref_squeeze %dma_wait3A_1671 : memref<1x128xi32, #tpu.memory_space<vmem>> -> memref<128xi32, #tpu.memory_space<vmem>>
    %dma_wait3A_1673 = arith.constant 0 : i32
    %dma_wait3A_1674 = tpu.memref_slice %arg13[%dma_wait3A_1673] : memref<640000xf32, #tpu.memory_space<vmem_shared>> -> memref<640000xf32, #tpu.memory_space<vmem_shared>>
    tpu.wait_indirect_dma semaphore(%arg16 : memref<!tpu.dma_semaphore, #tpu.memory_space<semaphore_mem>>) src(%dma_wait3A_1669 : memref<128xf32, #tpu.memory_space<vmem>>) dst(%dma_wait3A_1674 : memref<640000xf32, #tpu.memory_space<vmem_shared>>)
    %dma_wait3A_1675 = arith.constant 72 : i32
    %dma_wait3A_1676 = arith.constant 72 : i32
    %dma_wait3A_1677 = arith.constant 0 : i32
    %dma_wait3A_1678 = tpu.memref_slice %arg9[%dma_wait3A_1675, %dma_wait3A_1677] : memref<79x128xf32, #tpu.memory_space<vmem>> -> memref<1x128xf32, #tpu.memory_space<vmem>>
    %dma_wait3A_1679 = tpu.memref_squeeze %dma_wait3A_1678 : memref<1x128xf32, #tpu.memory_space<vmem>> -> memref<128xf32, #tpu.memory_space<vmem>>
    %dma_wait3A_1680 = arith.constant 0 : i32
    %dma_wait3A_1681 = tpu.memref_slice %arg10[%dma_wait3A_1676, %dma_wait3A_1680] : memref<79x128xi32, #tpu.memory_space<vmem>> -> memref<1x128xi32, #tpu.memory_space<vmem>>
    %dma_wait3A_1682 = tpu.memref_squeeze %dma_wait3A_1681 : memref<1x128xi32, #tpu.memory_space<vmem>> -> memref<128xi32, #tpu.memory_space<vmem>>
    %dma_wait3A_1683 = arith.constant 0 : i32
    %dma_wait3A_1684 = tpu.memref_slice %arg13[%dma_wait3A_1683] : memref<640000xf32, #tpu.memory_space<vmem_shared>> -> memref<640000xf32, #tpu.memory_space<vmem_shared>>
    tpu.wait_indirect_dma semaphore(%arg16 : memref<!tpu.dma_semaphore, #tpu.memory_space<semaphore_mem>>) src(%dma_wait3A_1679 : memref<128xf32, #tpu.memory_space<vmem>>) dst(%dma_wait3A_1684 : memref<640000xf32, #tpu.memory_space<vmem_shared>>)
    %dma_wait3A_1685 = arith.constant 73 : i32
    %dma_wait3A_1686 = arith.constant 73 : i32
    %dma_wait3A_1687 = arith.constant 0 : i32
    %dma_wait3A_1688 = tpu.memref_slice %arg9[%dma_wait3A_1685, %dma_wait3A_1687] : memref<79x128xf32, #tpu.memory_space<vmem>> -> memref<1x128xf32, #tpu.memory_space<vmem>>
    %dma_wait3A_1689 = tpu.memref_squeeze %dma_wait3A_1688 : memref<1x128xf32, #tpu.memory_space<vmem>> -> memref<128xf32, #tpu.memory_space<vmem>>
    %dma_wait3A_1690 = arith.constant 0 : i32
    %dma_wait3A_1691 = tpu.memref_slice %arg10[%dma_wait3A_1686, %dma_wait3A_1690] : memref<79x128xi32, #tpu.memory_space<vmem>> -> memref<1x128xi32, #tpu.memory_space<vmem>>
    %dma_wait3A_1692 = tpu.memref_squeeze %dma_wait3A_1691 : memref<1x128xi32, #tpu.memory_space<vmem>> -> memref<128xi32, #tpu.memory_space<vmem>>
    %dma_wait3A_1693 = arith.constant 0 : i32
    %dma_wait3A_1694 = tpu.memref_slice %arg13[%dma_wait3A_1693] : memref<640000xf32, #tpu.memory_space<vmem_shared>> -> memref<640000xf32, #tpu.memory_space<vmem_shared>>
    tpu.wait_indirect_dma semaphore(%arg16 : memref<!tpu.dma_semaphore, #tpu.memory_space<semaphore_mem>>) src(%dma_wait3A_1689 : memref<128xf32, #tpu.memory_space<vmem>>) dst(%dma_wait3A_1694 : memref<640000xf32, #tpu.memory_space<vmem_shared>>)
    %dma_wait3A_1695 = arith.constant 74 : i32
    %dma_wait3A_1696 = arith.constant 74 : i32
    %dma_wait3A_1697 = arith.constant 0 : i32
    %dma_wait3A_1698 = tpu.memref_slice %arg9[%dma_wait3A_1695, %dma_wait3A_1697] : memref<79x128xf32, #tpu.memory_space<vmem>> -> memref<1x128xf32, #tpu.memory_space<vmem>>
    %dma_wait3A_1699 = tpu.memref_squeeze %dma_wait3A_1698 : memref<1x128xf32, #tpu.memory_space<vmem>> -> memref<128xf32, #tpu.memory_space<vmem>>
    %dma_wait3A_1700 = arith.constant 0 : i32
    %dma_wait3A_1701 = tpu.memref_slice %arg10[%dma_wait3A_1696, %dma_wait3A_1700] : memref<79x128xi32, #tpu.memory_space<vmem>> -> memref<1x128xi32, #tpu.memory_space<vmem>>
    %dma_wait3A_1702 = tpu.memref_squeeze %dma_wait3A_1701 : memref<1x128xi32, #tpu.memory_space<vmem>> -> memref<128xi32, #tpu.memory_space<vmem>>
    %dma_wait3A_1703 = arith.constant 0 : i32
    %dma_wait3A_1704 = tpu.memref_slice %arg13[%dma_wait3A_1703] : memref<640000xf32, #tpu.memory_space<vmem_shared>> -> memref<640000xf32, #tpu.memory_space<vmem_shared>>
    tpu.wait_indirect_dma semaphore(%arg16 : memref<!tpu.dma_semaphore, #tpu.memory_space<semaphore_mem>>) src(%dma_wait3A_1699 : memref<128xf32, #tpu.memory_space<vmem>>) dst(%dma_wait3A_1704 : memref<640000xf32, #tpu.memory_space<vmem_shared>>)
    %dma_wait3A_1705 = arith.constant 75 : i32
    %dma_wait3A_1706 = arith.constant 75 : i32
    %dma_wait3A_1707 = arith.constant 0 : i32
    %dma_wait3A_1708 = tpu.memref_slice %arg9[%dma_wait3A_1705, %dma_wait3A_1707] : memref<79x128xf32, #tpu.memory_space<vmem>> -> memref<1x128xf32, #tpu.memory_space<vmem>>
    %dma_wait3A_1709 = tpu.memref_squeeze %dma_wait3A_1708 : memref<1x128xf32, #tpu.memory_space<vmem>> -> memref<128xf32, #tpu.memory_space<vmem>>
    %dma_wait3A_1710 = arith.constant 0 : i32
    %dma_wait3A_1711 = tpu.memref_slice %arg10[%dma_wait3A_1706, %dma_wait3A_1710] : memref<79x128xi32, #tpu.memory_space<vmem>> -> memref<1x128xi32, #tpu.memory_space<vmem>>
    %dma_wait3A_1712 = tpu.memref_squeeze %dma_wait3A_1711 : memref<1x128xi32, #tpu.memory_space<vmem>> -> memref<128xi32, #tpu.memory_space<vmem>>
    %dma_wait3A_1713 = arith.constant 0 : i32
    %dma_wait3A_1714 = tpu.memref_slice %arg13[%dma_wait3A_1713] : memref<640000xf32, #tpu.memory_space<vmem_shared>> -> memref<640000xf32, #tpu.memory_space<vmem_shared>>
    tpu.wait_indirect_dma semaphore(%arg16 : memref<!tpu.dma_semaphore, #tpu.memory_space<semaphore_mem>>) src(%dma_wait3A_1709 : memref<128xf32, #tpu.memory_space<vmem>>) dst(%dma_wait3A_1714 : memref<640000xf32, #tpu.memory_space<vmem_shared>>)
    %dma_wait3A_1715 = arith.constant 76 : i32
    %dma_wait3A_1716 = arith.constant 76 : i32
    %dma_wait3A_1717 = arith.constant 0 : i32
    %dma_wait3A_1718 = tpu.memref_slice %arg9[%dma_wait3A_1715, %dma_wait3A_1717] : memref<79x128xf32, #tpu.memory_space<vmem>> -> memref<1x128xf32, #tpu.memory_space<vmem>>
    %dma_wait3A_1719 = tpu.memref_squeeze %dma_wait3A_1718 : memref<1x128xf32, #tpu.memory_space<vmem>> -> memref<128xf32, #tpu.memory_space<vmem>>
    %dma_wait3A_1720 = arith.constant 0 : i32
    %dma_wait3A_1721 = tpu.memref_slice %arg10[%dma_wait3A_1716, %dma_wait3A_1720] : memref<79x128xi32, #tpu.memory_space<vmem>> -> memref<1x128xi32, #tpu.memory_space<vmem>>
    %dma_wait3A_1722 = tpu.memref_squeeze %dma_wait3A_1721 : memref<1x128xi32, #tpu.memory_space<vmem>> -> memref<128xi32, #tpu.memory_space<vmem>>
    %dma_wait3A_1723 = arith.constant 0 : i32
    %dma_wait3A_1724 = tpu.memref_slice %arg13[%dma_wait3A_1723] : memref<640000xf32, #tpu.memory_space<vmem_shared>> -> memref<640000xf32, #tpu.memory_space<vmem_shared>>
    tpu.wait_indirect_dma semaphore(%arg16 : memref<!tpu.dma_semaphore, #tpu.memory_space<semaphore_mem>>) src(%dma_wait3A_1719 : memref<128xf32, #tpu.memory_space<vmem>>) dst(%dma_wait3A_1724 : memref<640000xf32, #tpu.memory_space<vmem_shared>>)
    %dma_wait3A_1725 = arith.constant 77 : i32
    %dma_wait3A_1726 = arith.constant 77 : i32
    %dma_wait3A_1727 = arith.constant 0 : i32
    %dma_wait3A_1728 = tpu.memref_slice %arg9[%dma_wait3A_1725, %dma_wait3A_1727] : memref<79x128xf32, #tpu.memory_space<vmem>> -> memref<1x128xf32, #tpu.memory_space<vmem>>
    %dma_wait3A_1729 = tpu.memref_squeeze %dma_wait3A_1728 : memref<1x128xf32, #tpu.memory_space<vmem>> -> memref<128xf32, #tpu.memory_space<vmem>>
    %dma_wait3A_1730 = arith.constant 0 : i32
    %dma_wait3A_1731 = tpu.memref_slice %arg10[%dma_wait3A_1726, %dma_wait3A_1730] : memref<79x128xi32, #tpu.memory_space<vmem>> -> memref<1x128xi32, #tpu.memory_space<vmem>>
    %dma_wait3A_1732 = tpu.memref_squeeze %dma_wait3A_1731 : memref<1x128xi32, #tpu.memory_space<vmem>> -> memref<128xi32, #tpu.memory_space<vmem>>
    %dma_wait3A_1733 = arith.constant 0 : i32
    %dma_wait3A_1734 = tpu.memref_slice %arg13[%dma_wait3A_1733] : memref<640000xf32, #tpu.memory_space<vmem_shared>> -> memref<640000xf32, #tpu.memory_space<vmem_shared>>
    tpu.wait_indirect_dma semaphore(%arg16 : memref<!tpu.dma_semaphore, #tpu.memory_space<semaphore_mem>>) src(%dma_wait3A_1729 : memref<128xf32, #tpu.memory_space<vmem>>) dst(%dma_wait3A_1734 : memref<640000xf32, #tpu.memory_space<vmem_shared>>)
    %dma_wait3A_1735 = arith.constant 78 : i32
    %dma_wait3A_1736 = arith.constant 78 : i32
    %dma_wait3A_1737 = arith.constant 0 : i32
    %dma_wait3A_1738 = tpu.memref_slice %arg9[%dma_wait3A_1735, %dma_wait3A_1737] : memref<79x128xf32, #tpu.memory_space<vmem>> -> memref<1x128xf32, #tpu.memory_space<vmem>>
    %dma_wait3A_1739 = tpu.memref_squeeze %dma_wait3A_1738 : memref<1x128xf32, #tpu.memory_space<vmem>> -> memref<128xf32, #tpu.memory_space<vmem>>
    %dma_wait3A_1740 = arith.constant 0 : i32
    %dma_wait3A_1741 = tpu.memref_slice %arg10[%dma_wait3A_1736, %dma_wait3A_1740] : memref<79x128xi32, #tpu.memory_space<vmem>> -> memref<1x128xi32, #tpu.memory_space<vmem>>
    %dma_wait3A_1742 = tpu.memref_squeeze %dma_wait3A_1741 : memref<1x128xi32, #tpu.memory_space<vmem>> -> memref<128xi32, #tpu.memory_space<vmem>>
    %dma_wait3A_1743 = arith.constant 0 : i32
    %dma_wait3A_1744 = tpu.memref_slice %arg13[%dma_wait3A_1743] : memref<640000xf32, #tpu.memory_space<vmem_shared>> -> memref<640000xf32, #tpu.memory_space<vmem_shared>>
    tpu.wait_indirect_dma semaphore(%arg16 : memref<!tpu.dma_semaphore, #tpu.memory_space<semaphore_mem>>) src(%dma_wait3A_1739 : memref<128xf32, #tpu.memory_space<vmem>>) dst(%dma_wait3A_1744 : memref<640000xf32, #tpu.memory_space<vmem_shared>>)
    %barrier3A_1745 = arith.constant 0 : index
    tpu.barrier barrier_id(%barrier3A_1745)
    %mul3A_1746 = arith.constant 40000 : i32
    %mul3A_1747 = arith.muli %arg1, %mul3A_1746 : i32
    %add3A_1748 = arith.constant 0 : i32
    %add3A_1749 = arith.addi %mul3A_1747, %add3A_1748 : i32
    "tpu.region"() ({
      %run_scoped3A = tpu.sem_alloc : memref<!tpu.dma_semaphore, #tpu.memory_space<semaphore_mem>>
      %dma_start3A_1806 = tpu.memref_slice %arg13[%add3A_1749] : memref<640000xf32, #tpu.memory_space<vmem_shared>> -> memref<10000xf32, #tpu.memory_space<vmem_shared>>
      %dma_start3A_1807 = tpu.memref_slice %arg13[%add3A_1749] : memref<640000xf32, #tpu.memory_space<vmem_shared>> -> memref<10000xf32, #tpu.memory_space<vmem_shared>>
      tpu.enqueue_dma source(%dma_start3A_1807 : memref<10000xf32, #tpu.memory_space<vmem_shared>>) target(%arg11 : memref<10000xf32, #tpu.memory_space<vmem>>) target_semaphore(%run_scoped3A : memref<!tpu.dma_semaphore, #tpu.memory_space<semaphore_mem>>)
      %dma_wait3A_1808 = tpu.memref_slice %arg13[%add3A_1749] : memref<640000xf32, #tpu.memory_space<vmem_shared>> -> memref<10000xf32, #tpu.memory_space<vmem_shared>>
      %dma_wait3A_1809 = tpu.memref_slice %arg13[%add3A_1749] : memref<640000xf32, #tpu.memory_space<vmem_shared>> -> memref<10000xf32, #tpu.memory_space<vmem_shared>>
      tpu.wait_dma2 semaphore(%run_scoped3A : memref<!tpu.dma_semaphore, #tpu.memory_space<semaphore_mem>>) src(%dma_wait3A_1809 : memref<10000xf32, #tpu.memory_space<vmem_shared>>) dst(%arg11 : memref<10000xf32, #tpu.memory_space<vmem>>)
      tpu.yield
    }) : () -> ()
    %mul3A_1750 = arith.constant 640000 : i32
    %mul3A_1751 = arith.muli %arg0, %mul3A_1750 : i32
    %mul3A_1752 = arith.constant 40000 : i32
    %mul3A_1753 = arith.muli %arg1, %mul3A_1752 : i32
    %add3A_1754 = arith.addi %mul3A_1751, %mul3A_1753 : i32
    %add3A_1755 = arith.constant 0 : i32
    %add3A_1756 = arith.addi %add3A_1754, %add3A_1755 : i32
    %dma_start3A_1757 = tpu.memref_slice %arg5[%add3A_1756] : memref<1280000xf32, #tpu.memory_space<hbm>> -> memref<10000xf32, #tpu.memory_space<hbm>>
    %dma_start3A_1758 = tpu.memref_slice %arg5[%add3A_1756] : memref<1280000xf32, #tpu.memory_space<hbm>> -> memref<10000xf32, #tpu.memory_space<hbm>>
    tpu.enqueue_dma source(%arg11 : memref<10000xf32, #tpu.memory_space<vmem>>) target(%dma_start3A_1758 : memref<10000xf32, #tpu.memory_space<hbm>>) target_semaphore(%arg17 : memref<!tpu.dma_semaphore, #tpu.memory_space<semaphore_mem>>)
    %mul3A_1759 = arith.constant 40000 : i32
    %mul3A_1760 = arith.muli %arg1, %mul3A_1759 : i32
    %add3A_1761 = arith.constant 10000 : i32
    %add3A_1762 = arith.addi %mul3A_1760, %add3A_1761 : i32
    "tpu.region"() ({
      %run_scoped3A = tpu.sem_alloc : memref<!tpu.dma_semaphore, #tpu.memory_space<semaphore_mem>>
      %dma_start3A_1806 = tpu.memref_slice %arg13[%add3A_1762] : memref<640000xf32, #tpu.memory_space<vmem_shared>> -> memref<10000xf32, #tpu.memory_space<vmem_shared>>
      %dma_start3A_1807 = tpu.memref_slice %arg13[%add3A_1762] : memref<640000xf32, #tpu.memory_space<vmem_shared>> -> memref<10000xf32, #tpu.memory_space<vmem_shared>>
      tpu.enqueue_dma source(%dma_start3A_1807 : memref<10000xf32, #tpu.memory_space<vmem_shared>>) target(%arg12 : memref<10000xf32, #tpu.memory_space<vmem>>) target_semaphore(%run_scoped3A : memref<!tpu.dma_semaphore, #tpu.memory_space<semaphore_mem>>)
      %dma_wait3A_1808 = tpu.memref_slice %arg13[%add3A_1762] : memref<640000xf32, #tpu.memory_space<vmem_shared>> -> memref<10000xf32, #tpu.memory_space<vmem_shared>>
      %dma_wait3A_1809 = tpu.memref_slice %arg13[%add3A_1762] : memref<640000xf32, #tpu.memory_space<vmem_shared>> -> memref<10000xf32, #tpu.memory_space<vmem_shared>>
      tpu.wait_dma2 semaphore(%run_scoped3A : memref<!tpu.dma_semaphore, #tpu.memory_space<semaphore_mem>>) src(%dma_wait3A_1809 : memref<10000xf32, #tpu.memory_space<vmem_shared>>) dst(%arg12 : memref<10000xf32, #tpu.memory_space<vmem>>)
      tpu.yield
    }) : () -> ()
    %dma_wait3A_1763 = tpu.memref_slice %arg5[%add3A_1756] : memref<1280000xf32, #tpu.memory_space<hbm>> -> memref<10000xf32, #tpu.memory_space<hbm>>
    %dma_wait3A_1764 = tpu.memref_slice %arg5[%add3A_1756] : memref<1280000xf32, #tpu.memory_space<hbm>> -> memref<10000xf32, #tpu.memory_space<hbm>>
    tpu.wait_dma2 semaphore(%arg17 : memref<!tpu.dma_semaphore, #tpu.memory_space<semaphore_mem>>) src(%arg11 : memref<10000xf32, #tpu.memory_space<vmem>>) dst(%dma_wait3A_1764 : memref<10000xf32, #tpu.memory_space<hbm>>)
    %mul3A_1765 = arith.constant 640000 : i32
    %mul3A_1766 = arith.muli %arg0, %mul3A_1765 : i32
    %mul3A_1767 = arith.constant 40000 : i32
    %mul3A_1768 = arith.muli %arg1, %mul3A_1767 : i32
    %add3A_1769 = arith.addi %mul3A_1766, %mul3A_1768 : i32
    %add3A_1770 = arith.constant 10000 : i32
    %add3A_1771 = arith.addi %add3A_1769, %add3A_1770 : i32
    %dma_start3A_1772 = tpu.memref_slice %arg5[%add3A_1771] : memref<1280000xf32, #tpu.memory_space<hbm>> -> memref<10000xf32, #tpu.memory_space<hbm>>
    %dma_start3A_1773 = tpu.memref_slice %arg5[%add3A_1771] : memref<1280000xf32, #tpu.memory_space<hbm>> -> memref<10000xf32, #tpu.memory_space<hbm>>
    tpu.enqueue_dma source(%arg12 : memref<10000xf32, #tpu.memory_space<vmem>>) target(%dma_start3A_1773 : memref<10000xf32, #tpu.memory_space<hbm>>) target_semaphore(%arg17 : memref<!tpu.dma_semaphore, #tpu.memory_space<semaphore_mem>>)
    %mul3A_1774 = arith.constant 40000 : i32
    %mul3A_1775 = arith.muli %arg1, %mul3A_1774 : i32
    %add3A_1776 = arith.constant 20000 : i32
    %add3A_1777 = arith.addi %mul3A_1775, %add3A_1776 : i32
    "tpu.region"() ({
      %run_scoped3A = tpu.sem_alloc : memref<!tpu.dma_semaphore, #tpu.memory_space<semaphore_mem>>
      %dma_start3A_1806 = tpu.memref_slice %arg13[%add3A_1777] : memref<640000xf32, #tpu.memory_space<vmem_shared>> -> memref<10000xf32, #tpu.memory_space<vmem_shared>>
      %dma_start3A_1807 = tpu.memref_slice %arg13[%add3A_1777] : memref<640000xf32, #tpu.memory_space<vmem_shared>> -> memref<10000xf32, #tpu.memory_space<vmem_shared>>
      tpu.enqueue_dma source(%dma_start3A_1807 : memref<10000xf32, #tpu.memory_space<vmem_shared>>) target(%arg11 : memref<10000xf32, #tpu.memory_space<vmem>>) target_semaphore(%run_scoped3A : memref<!tpu.dma_semaphore, #tpu.memory_space<semaphore_mem>>)
      %dma_wait3A_1808 = tpu.memref_slice %arg13[%add3A_1777] : memref<640000xf32, #tpu.memory_space<vmem_shared>> -> memref<10000xf32, #tpu.memory_space<vmem_shared>>
      %dma_wait3A_1809 = tpu.memref_slice %arg13[%add3A_1777] : memref<640000xf32, #tpu.memory_space<vmem_shared>> -> memref<10000xf32, #tpu.memory_space<vmem_shared>>
      tpu.wait_dma2 semaphore(%run_scoped3A : memref<!tpu.dma_semaphore, #tpu.memory_space<semaphore_mem>>) src(%dma_wait3A_1809 : memref<10000xf32, #tpu.memory_space<vmem_shared>>) dst(%arg11 : memref<10000xf32, #tpu.memory_space<vmem>>)
      tpu.yield
    }) : () -> ()
    %dma_wait3A_1778 = tpu.memref_slice %arg5[%add3A_1771] : memref<1280000xf32, #tpu.memory_space<hbm>> -> memref<10000xf32, #tpu.memory_space<hbm>>
    %dma_wait3A_1779 = tpu.memref_slice %arg5[%add3A_1771] : memref<1280000xf32, #tpu.memory_space<hbm>> -> memref<10000xf32, #tpu.memory_space<hbm>>
    tpu.wait_dma2 semaphore(%arg17 : memref<!tpu.dma_semaphore, #tpu.memory_space<semaphore_mem>>) src(%arg12 : memref<10000xf32, #tpu.memory_space<vmem>>) dst(%dma_wait3A_1779 : memref<10000xf32, #tpu.memory_space<hbm>>)
    %mul3A_1780 = arith.constant 640000 : i32
    %mul3A_1781 = arith.muli %arg0, %mul3A_1780 : i32
    %mul3A_1782 = arith.constant 40000 : i32
    %mul3A_1783 = arith.muli %arg1, %mul3A_1782 : i32
    %add3A_1784 = arith.addi %mul3A_1781, %mul3A_1783 : i32
    %add3A_1785 = arith.constant 20000 : i32
    %add3A_1786 = arith.addi %add3A_1784, %add3A_1785 : i32
    %dma_start3A_1787 = tpu.memref_slice %arg5[%add3A_1786] : memref<1280000xf32, #tpu.memory_space<hbm>> -> memref<10000xf32, #tpu.memory_space<hbm>>
    %dma_start3A_1788 = tpu.memref_slice %arg5[%add3A_1786] : memref<1280000xf32, #tpu.memory_space<hbm>> -> memref<10000xf32, #tpu.memory_space<hbm>>
    tpu.enqueue_dma source(%arg11 : memref<10000xf32, #tpu.memory_space<vmem>>) target(%dma_start3A_1788 : memref<10000xf32, #tpu.memory_space<hbm>>) target_semaphore(%arg17 : memref<!tpu.dma_semaphore, #tpu.memory_space<semaphore_mem>>)
    %mul3A_1789 = arith.constant 40000 : i32
    %mul3A_1790 = arith.muli %arg1, %mul3A_1789 : i32
    %add3A_1791 = arith.constant 30000 : i32
    %add3A_1792 = arith.addi %mul3A_1790, %add3A_1791 : i32
    "tpu.region"() ({
      %run_scoped3A = tpu.sem_alloc : memref<!tpu.dma_semaphore, #tpu.memory_space<semaphore_mem>>
      %dma_start3A_1806 = tpu.memref_slice %arg13[%add3A_1792] : memref<640000xf32, #tpu.memory_space<vmem_shared>> -> memref<10000xf32, #tpu.memory_space<vmem_shared>>
      %dma_start3A_1807 = tpu.memref_slice %arg13[%add3A_1792] : memref<640000xf32, #tpu.memory_space<vmem_shared>> -> memref<10000xf32, #tpu.memory_space<vmem_shared>>
      tpu.enqueue_dma source(%dma_start3A_1807 : memref<10000xf32, #tpu.memory_space<vmem_shared>>) target(%arg12 : memref<10000xf32, #tpu.memory_space<vmem>>) target_semaphore(%run_scoped3A : memref<!tpu.dma_semaphore, #tpu.memory_space<semaphore_mem>>)
      %dma_wait3A_1808 = tpu.memref_slice %arg13[%add3A_1792] : memref<640000xf32, #tpu.memory_space<vmem_shared>> -> memref<10000xf32, #tpu.memory_space<vmem_shared>>
      %dma_wait3A_1809 = tpu.memref_slice %arg13[%add3A_1792] : memref<640000xf32, #tpu.memory_space<vmem_shared>> -> memref<10000xf32, #tpu.memory_space<vmem_shared>>
      tpu.wait_dma2 semaphore(%run_scoped3A : memref<!tpu.dma_semaphore, #tpu.memory_space<semaphore_mem>>) src(%dma_wait3A_1809 : memref<10000xf32, #tpu.memory_space<vmem_shared>>) dst(%arg12 : memref<10000xf32, #tpu.memory_space<vmem>>)
      tpu.yield
    }) : () -> ()
    %dma_wait3A_1793 = tpu.memref_slice %arg5[%add3A_1786] : memref<1280000xf32, #tpu.memory_space<hbm>> -> memref<10000xf32, #tpu.memory_space<hbm>>
    %dma_wait3A_1794 = tpu.memref_slice %arg5[%add3A_1786] : memref<1280000xf32, #tpu.memory_space<hbm>> -> memref<10000xf32, #tpu.memory_space<hbm>>
    tpu.wait_dma2 semaphore(%arg17 : memref<!tpu.dma_semaphore, #tpu.memory_space<semaphore_mem>>) src(%arg11 : memref<10000xf32, #tpu.memory_space<vmem>>) dst(%dma_wait3A_1794 : memref<10000xf32, #tpu.memory_space<hbm>>)
    %mul3A_1795 = arith.constant 640000 : i32
    %mul3A_1796 = arith.muli %arg0, %mul3A_1795 : i32
    %mul3A_1797 = arith.constant 40000 : i32
    %mul3A_1798 = arith.muli %arg1, %mul3A_1797 : i32
    %add3A_1799 = arith.addi %mul3A_1796, %mul3A_1798 : i32
    %add3A_1800 = arith.constant 30000 : i32
    %add3A_1801 = arith.addi %add3A_1799, %add3A_1800 : i32
    %dma_start3A_1802 = tpu.memref_slice %arg5[%add3A_1801] : memref<1280000xf32, #tpu.memory_space<hbm>> -> memref<10000xf32, #tpu.memory_space<hbm>>
    %dma_start3A_1803 = tpu.memref_slice %arg5[%add3A_1801] : memref<1280000xf32, #tpu.memory_space<hbm>> -> memref<10000xf32, #tpu.memory_space<hbm>>
    tpu.enqueue_dma source(%arg12 : memref<10000xf32, #tpu.memory_space<vmem>>) target(%dma_start3A_1803 : memref<10000xf32, #tpu.memory_space<hbm>>) target_semaphore(%arg17 : memref<!tpu.dma_semaphore, #tpu.memory_space<semaphore_mem>>)
    %dma_wait3A_1804 = tpu.memref_slice %arg5[%add3A_1801] : memref<1280000xf32, #tpu.memory_space<hbm>> -> memref<10000xf32, #tpu.memory_space<hbm>>
    %dma_wait3A_1805 = tpu.memref_slice %arg5[%add3A_1801] : memref<1280000xf32, #tpu.memory_space<hbm>> -> memref<10000xf32, #tpu.memory_space<hbm>>
    tpu.wait_dma2 semaphore(%arg17 : memref<!tpu.dma_semaphore, #tpu.memory_space<semaphore_mem>>) src(%arg12 : memref<10000xf32, #tpu.memory_space<vmem>>) dst(%dma_wait3A_1805 : memref<10000xf32, #tpu.memory_space<hbm>>)
    return
  }
}

</mosaic_0001>

<sc_bundles>
// kernel: _sc_build_table.3.cloned.1.call-start
scs
__scs_entry_jumppad:
0x0: {  	(pc) =	sbr.rel $0x88, $3  }
0x1: {  	(tag) =	ssettag $0x0;
	lr =	simm.s32 $0x1  }
0x2: {  	[smem:$0x3F9E] =	sst lr;
	_ =	strace $0xD0000000  }
0x3: {  	_ = 	snop  }
0x4: {  	_ = 	snop  }
0x5: {  	_ = 	snop  }
0x6: {  	_ = 	snop  }
0x7: {  	_ = 	snop  }
__scs_overlays_trampoline_lowered:
0x8: {  	[smem:$0x3FAD] =	sst s0  }
0x9: {  	[smem:$0x3FAE] =	sst s1  }
0xa: {  	[smem:$0x3FAF] =	sst s2  }
0xb: {  	[smem:$0x3FB0] =	sst s3  }
0xc: {  	[smem:$0x3FB1] =	sst s4  }
0xd: {  	[smem:$0x3FB2] =	sst s5  }
0xe: {  	[smem:$0x3FB3] =	sst s6  }
0xf: {  	[smem:$0x3FB4] =	sst s7  }
0x10: {  	[smem:$0x3FB5] =	sst s8  }
0x11: {  	[smem:$0x3FB6] =	sst s9;
	s0 =	simm.s32 @!p0 $0x0  }
0x12: {  	s1 =	sld [smem:$0x3F9C];
	s0 =	simm.s32 @p0 $0x1  }
0x13: {  	[smem:$0x3FB7] =	sst s0;
	s0 =	simm.s32 @!p1 $0x0  }
0x14: {  	s2 =	sld [smem:$0x3F9B];
	s0 =	simm.s32 @p1 $0x1  }
0x15: {  	[smem:$0x3FB8] =	sst s0;
	s0 =	simm.s32 @!p2 $0x0  }
0x16: {  	s3 =	sld [smem:$0x3FDB];
	s0 =	simm.s32 @p2 $0x1  }
0x17: {  	s4 =	simm.s32 $0x1BF5;
	[smem:$0x3FBA] =	sst s0  }
0x18: {  	s0 =	sld [smem:$0x3F9D];
	_ =	swait.ge [sflag:s4], $0x0  }
0x19: {  	s7 =	sld [smem:$0x3F9E]  }
0x1a: {  	s8 =	sadd.s32 $0xFFFFE003, lr  }
0x1b: {  	s9 =	sadd.s32 $0xFFFFFEF7, lr;
	s5 =	simm.s32 $0xFFFFFFFF;
	p2 =	slt.u32 s8, $0xFFFFF086  }
0x1c: {  	p1 =	slt.u32 s9, $0xF7A;
	s5 =	simm.s32 @!p2 $0x0  }
0x1d: {  	s5 =	simm.s32 @p1 $0x1;
	p0 =	seq.s32 s7, s2  }
0x1e: {  	s7 =	smul.u32 @!p0 $0xF7A, s2;
	p2 =	seq.s32 @!p0 s5, $0x0  }
0x1f: {  	s9 =	smul.u32 $0xF7A, s1;
	s8 =	simm.s32 @!p0 $0x1BF5;
	p2 =	por !p2, p0  }
0x20: {  	[sflag:s8] =	ssyncset.s32 @!p0 $0xFFFFF086;
	s6 =	sadd.s32 @!p0 s3, s7;
	s7 =	simm.s32 @!p0 $0x108  }
0x21: {  	s3 =	sadd.s32 s3, s9;
	s6 =	sadd.s32 @!p0 $0x88, s6;
	s7 =	simm.s32 @p2 $0x1082  }
0x22: {  	[simem:s7], [sflag:s8] =	dma.local @!p0 [hbm:s6], $0xF7A  }
0x23: {  	s9 =	sor.u32 $0xD0000000, s2;
	s6 =	simm.s32 $0x108;
	_ =	swait.ge @!p0 [sflag:s8], $0x0  }
0x24: {  	s3 =	sadd.s32 $0x88, s3;
	s6 =	simm.s32 @!p1 $0x1082;
	[sflag:s4] =	ssyncset.s32 $0xFFFFF086  }
0x25: {  	[simem:s6], [sflag:s4] =	dma.local [hbm:s3], $0xF7A  }
0x26: {  	[smem:$0x3F9E] =	sst s1;
	(tag) =	ssettag s2;
	_ =	strace s9  }
0x27: {  	s1 =	sld [smem:$0x3FAE]  }
0x28: {  	s2 =	sld [smem:$0x3FAF]  }
0x29: {  	s4 =	sld [smem:$0x3FB1]  }
0x2a: {  	p0 =	seq.s32 s5, $0x0;
	s5 =	sld [smem:$0x3FB2]  }
0x2b: {  	s6 =	sld [smem:$0x3FB3]  }
0x2c: {  	s7 =	sld [smem:$0x3FB4]  }
0x2d: {  	s3 =	simm.s32 $0x108;
	s8 =	sld [smem:$0x3FB5]  }
0x2e: {  	s3 =	simm.s32 @!p0 $0x1082;
	s9 =	sld [smem:$0x3FB6]  }
0x2f: {  	lr =	sadd.s32 s0, s3;
	s0 =	sld [smem:$0x3FAD]  }
0x30: {  	s3 =	sld [smem:$0x3FB0]  }
0x31: {  	[smem:$0x3FB9] =	sst s10  }
0x32: {  	s10 =	sld [smem:$0x3FB7];
	_ =	sdelay $0x3  }
0x33: {  	p0 =	seq.s32 s10, $0x1;
	s10 =	sld [smem:$0x3FB9];
	_ =	sdelay $0x3  }
0x34: {  	[smem:$0x3FB9] =	sst s10  }
0x35: {  	s10 =	sld [smem:$0x3FB8];
	_ =	sdelay $0x3  }
0x36: {  	p1 =	seq.s32 s10, $0x1;
	s10 =	sld [smem:$0x3FB9];
	_ =	sdelay $0x3  }
0x37: {  	[smem:$0x3FB9] =	sst s10  }
0x38: {  	s10 =	sld [smem:$0x3FBA]  }
0x39: {  	_ = 	snop;
	(pc) =	sbr.ind lr, $3  }
0x3a: {  	_ = 	snop  }
0x3b: {  	_ = 	snop  }
0x3c: {  	p2 =	seq.s32 s10, $0x1;
	s10 =	sld [smem:$0x3FB9]  }
0x3d: {  	_ =	shalt  }
0x3e: {  	_ =	shalt  }
0x3f: {  	_ =	shalt  }
0x40: {  	_ =	shalt  }
0x41: {  	_ =	shalt  }
0x42: {  	_ =	shalt  }
0x43: {  	_ =	shalt  }
0x44: {  	_ =	shalt  }
0x45: {  	_ =	shalt  }
0x46: {  	_ =	shalt  }
0x47: {  	_ =	shalt  }
0x48: {  	_ =	shalt  }
0x49: {  	_ =	shalt  }
0x4a: {  	_ =	shalt  }
0x4b: {  	_ =	shalt  }
0x4c: {  	_ =	shalt  }
0x4d: {  	_ =	shalt  }
0x4e: {  	_ =	shalt  }
0x4f: {  	_ =	shalt  }
0x50: {  	_ =	shalt  }
0x51: {  	_ =	shalt  }
0x52: {  	_ =	shalt  }
0x53: {  	_ =	shalt  }
0x54: {  	_ =	shalt  }
0x55: {  	_ =	shalt  }
0x56: {  	_ =	shalt  }
0x57: {  	_ =	shalt  }
0x58: {  	_ =	shalt  }
0x59: {  	_ =	shalt  }
0x5a: {  	_ =	shalt  }
0x5b: {  	_ =	shalt  }
0x5c: {  	_ =	shalt  }
0x5d: {  	_ =	shalt  }
0x5e: {  	_ =	shalt  }
0x5f: {  	_ =	shalt  }
0x60: {  	_ =	shalt  }
0x61: {  	_ =	shalt  }
0x62: {  	_ =	shalt  }
0x63: {  	_ =	shalt  }
0x64: {  	_ =	shalt  }
0x65: {  	_ =	shalt  }
0x66: {  	_ =	shalt  }
0x67: {  	_ =	shalt  }
0x68: {  	_ =	shalt  }
0x69: {  	_ =	shalt  }
0x6a: {  	_ =	shalt  }
0x6b: {  	_ =	shalt  }
0x6c: {  	_ =	shalt  }
0x6d: {  	_ =	shalt  }
0x6e: {  	_ =	shalt  }
0x6f: {  	_ =	shalt  }
0x70: {  	_ =	shalt  }
0x71: {  	_ =	shalt  }
0x72: {  	_ =	shalt  }
0x73: {  	_ =	shalt  }
0x74: {  	_ =	shalt  }
0x75: {  	_ =	shalt  }
0x76: {  	_ =	shalt  }
0x77: {  	_ =	shalt  }
0x78: {  	_ =	shalt  }
0x79: {  	_ =	shalt  }
0x7a: {  	_ =	shalt  }
0x7b: {  	_ =	shalt  }
0x7c: {  	_ =	shalt  }
0x7d: {  	_ =	shalt  }
0x7e: {  	_ =	shalt  }
0x7f: {  	_ =	shalt  }
0x80: {  	_ =	shalt  }
0x81: {  	_ =	shalt  }
0x82: {  	_ =	shalt  }
0x83: {  	_ =	shalt  }
0x84: {  	_ =	shalt  }
0x85: {  	_ =	shalt  }
0x86: {  	_ =	shalt  }
0x87: {  	_ =	shalt  }
.Lfunc_end0:
.L_simem_size_0:
called_computation_lowered:
.L_overlay_start_0:
0x88: {  	s2 =	sld [smem:$0x3FD9]  }
0x89: {  	s3 =	sld [smem:$0x3FFE];
	_ =	sdelay $0x1  }
0x8a: {  	s1 =	srdreg.scid  }
0x8b: {  	s0 =	sand.u32 $0x1, s1  }
0x8c: {  	s18 =	sshll.u32 s0, $0xA;
	s2 =	sadd.s32 s3, s2  }
0x8d: {  	s2 =	sadd.s32 s2, s18  }
0x8e: {  	[smem:$0x3FC5] =	sst s2  }
0x8f: {  	_ = 	snop  }
0x90: {  	s2 =	sld [smem:$0x3FC9]  }
0x91: {  	s19 =	sld [smem:$0x3FC8]  }
0x92: {  	s4 =	sld [smem:$0x3FC7]  }
0x93: {  	s5 =	sld [smem:$0x3FD0];
	(tm) =	ssettm $0x1  }
0x94: {  	s6 =	sld [smem:$0x3FFB];
	_ =	sdelay $0x3  }
0x95: {  	_ =	strace s6  }
0x96: {  	s6 =	sld [smem:$0x3FFC];
	_ =	sdelay $0x3  }
0x97: {  	_ =	strace s6  }
0x98: {  	s6 =	sld [smem:$0x3FFD];
	_ =	sdelay $0x3  }
0x99: {  	_ =	strace s6  }
0x9a: {  	_ =	strace $0x8FFFFFFF  }
0x9b: {  	s20 =	sld [smem:$0x3FDB];
	_ =	sdelay $0x1  }
0x9c: {  	s7 =	simm.s32 $_scs_section_size  }
0x9d: {  	s8 =	simm.s32 $_size__tile_overlayer_lowered;
	s9 =	simm.s32 $_tile_overlayer_lowered  }
0x9e: {  	s23 =	simm.s32 $0x1BFF;
	s22 =	sshll.u32 s9, $0x1;
	s6 =	sadd.s32 s7, s20  }
0x9f: {  	s10 =	simm.s32 $0x0;
	s21 =	sshll.u32 s8, $0x1;
	s8 =	sadd.s32 s22, s6  }
0xa0: {  	[timem:s10], [sflag:s23] =	dma.local [hbm:s8], s21  }
0xa1: {  	_ =	swait.ge [sflag:s23], s21  }
0xa2: {  	s7 =	ssub.s32 $0x0, s21;
	[sflag:s23] =	ssyncset.done $0x0  }
0xa3: {  	[sflag:s23] =	ssyncadd.s32 s7;
	_ =	sdelay $0x1  }
0xa4: {  	s24 =	simm.s32 $0x1B8B  }
0xa5: {  	_ =	swait.ge [sflag:s24], $0x1  }
0xa6: {  	[sflag:s24] =	ssyncset.done $0x0  }
0xa7: {  	s25 =	simm.s32 $0x1B8E;
	[sflag:s24] =	ssyncadd.s32 $0xFFFFFFFF  }
0xa8: {  	s26 =	simm.s32 $execute0_lowered;
	[smem:$0x3FD2] =	sst s25  }
0xa9: {  	s7 =	sshll.u32 s26, $0x1;
	_ =	strace $0x80000046;
	[dreg:$0x1] =	wrdreg $0xFFFFFFFF  }
0xaa: {  	s28 =	simm.s32 $_size_execute0_lowered;
	s6 =	sadd.s32 s6, s7;
	[dreg:$0x0] =	wrdreg $0x0  }
0xab: {  	s7 =	sshll.u32 s28, $0x1;
	[dreg:$0x2] =	wrdreg s6  }
0xac: {  	[dreg:$0x3] =	wrdreg s7  }
0xad: {  	[dreg:$0x4] =	wrdreg $0xC0  }
0xae: {  	_ =	task [dreg:s10], $0x5FFFF  }
0xaf: {  	[dreg:$0x1] =	wrdreg $0xFFFFFFFF  }
0xb0: {  	[dreg:$0x0] =	wrdreg $0x60  }
0xb1: {  	[dreg:$0x2] =	wrdreg s2  }
0xb2: {  	[dreg:$0x3] =	wrdreg s19  }
0xb3: {  	[dreg:$0x4] =	wrdreg s4  }
0xb4: {  	[dreg:$0x5] =	wrdreg s5  }
0xb5: {  	[dreg:$0x6] =	wrdreg $0x13D000  }
0xb6: {  	[dreg:$0x7] =	wrdreg $0x9  }
0xb7: {  	_ =	task.clear_ibuf [dreg:s10], $0x8FFFF;
	_ =	strace $0x90000046  }
0xb8: {  	s29 =	simm.s32 $0x9;
	_ =	strace $0x80000048  }
0xb9: {  	_ =	swait.ge [sflag:s29], $0x1  }
0xba: {  	[sflag:s29] =	ssyncadd.s32 $0xFFFFFFFF  }
0xbb: {  	_ =	strace $0x90000048  }
0xbc: {  	_ =	sfence  }
0xbd: {  	s30 =	sld [smem:$0x0];
	_ =	sdelay $0x2  }
0xbe: {  	s31 =	sshll.u32 s1, $0xD;
	s1 =	sshrl.u32 s1, $0x2  }
0xbf: {  	s3 =	sand.u32 $0x4000, s31;
	s1 =	sadd.s32 s1, s30  }
0xc0: {  	s0 =	sor.u32 s3, s0;
	s1 =	sshll.u32 s1, $0x11  }
0xc1: {  	s0 =	sor.u32 s1, s0  }
0xc2: {  	s0 =	sadd.s32 $0x8F2B, s0  }
0xc3: {  	[sflag:s0] =	ssyncadd.remote.s32 $0x1  }
0xc4: {  	_ =	sfence.sel $0xFFFF  }
0xc5: {  	[dreg:$0x0] =	wrdreg $0xFFFFFFFF;
	(pc) =	sbr.abs _section_cstart, $3  }
0xc6: {  	[dreg:$0x1] =	wrdreg $0xFFFFFFFF  }
0xc7: {  	_ =	task.clear_ibuf [dreg:s10], $0x2FFFF;
	_ =	strace $0x9FFFFFFF  }
0xc8: {  	(tm) =	ssettm $0x7FFFFFFF  }
0xc9: {  	_ =	shalt  }
tec
execute0_lowered:
.L_overlay_start_1:
0x0: {  	(tag) =	ssettag $0x1  }
0x1: {  	s0 =	rddreg [dreg:$0x0];
	s1 =	srdreg.scid  }
0x2: {  	s5 =	stileid.u32;
	s3 =	rddreg [dreg:$0x3]  }
0x3: {  	s4 =	rddreg [dreg:$0x4];
	s12 =	smul.u32 $0x9C40, s5  }
0x4: {  	s9 =	simm.s32 $0x0;
	s31 =	simm.s32 $0x0;
	s22 =	smul.u32 $0x2710, s5  }
0x5: {  	s1 =	sand.u32 $0x1, s1;
	[smem:$0x7FF] =	sst s9;
	s17 =	smul.u32 $0x4E20, s5  }
0x6: {  	s2 =	sshll.u32 s1, $0x4;
	s6 =	ssub.s32 $0x2, s1;
	s14 =	smul.u32 $0x9C400, s1  }
0x7: {  	_ =	strace $0x80000047;
	s21 =	smul.u32 $0x27100, s1;
	s2 =	sor.u32 s5, s2  }
0x8: {  	s8 =	sshrl.u32 s6, $0x1;
	s29 =	sadd.s32 $0x2700, s17;
	s2 =	smul.u32 $0x2710, s2  }
0x9: {  	s8 =	ssub.s32 s6, s8;
	s6 =	sadd.s32 s12, s4;
	s19 =	sadd.s32 s12, s14  }
0xa: {  	[dreg:$0x6] =	wrdreg s29;
	s10 =	sadd.s32 $0x2710, s6;
	s15 =	sadd.s32 $0x4E20, s6  }
0xb: {  	s26 =	smax.u32 s8, $0x1;
	[dreg:$0x7] =	wrdreg s6;
	s7 =	sand.u32 $0x7FF80, s2  }
0xc: {  	s16 =	sadd.s32 $0x7530, s6;
	[dreg:$0x11] =	wrdreg s26;
	s7 =	smin.u32 s7, $0x4BA80  }
0xd: {  	s11 =	sand.u32 $0x70, s2;
	[dreg:$0x9] =	wrdreg s10;
	s13 =	ssub.s32 s2, s7  }
0xe: {  	[dreg:$0xa] =	wrdreg s15;
	s7 =	sshrl.u32 s7, $0x2;
	s20 =	sshll.u32 s13, $0x1  }
0xf: {  	[dreg:$0xb] =	wrdreg s16;
	s0 =	sadd.s32 s0, s7;
	s2 =	sand.u32 $0xFFFFFF00, s20  }
0x10: {  	[dreg:$0x8] =	wrdreg s0;
	s0 =	sshrl.u32 s19, $0x3;
	s2 =	sor.u32 s11, s2  }
0x11: {  	s1 =	smul.u32 $0x4E200, s1;
	s3 =	sadd.s32 s3, s0;
	[dreg:$0xd] =	wrdreg s2  }
0x12: {  	s5 =	simm.s32 $0xEE00;
	s23 =	sadd.s32 $0x4E2, s3;
	[dreg:$0xc] =	wrdreg s3  }
0x13: {  	s0 =	sadd.s32 s22, s21;
	s24 =	sadd.s32 $0x9C4, s3;
	[dreg:$0xe] =	wrdreg s23  }
0x14: {  	s22 =	simm.s32 $0x80;
	s25 =	sadd.s32 $0xEA6, s3;
	[dreg:$0xf] =	wrdreg s24  }
0x15: {  	s28 =	sshll.u32 s0, $0x1;
	s0 =	sand.u32 $0x70, s0;
	[dreg:$0x10] =	wrdreg s25  }
0x16: {  	s2 =	sand.u32 $0xFFF00, s28;
	s30 =	sadd.s32 $0x70, s0;
	s21 =	sadd.s32 $0x13F0, s0  }
0x17: {  	s24 =	simm.s32 $0x4F00;
	s20 =	ssub.s32 s1, s2;
	[dreg:$0x13] =	wrdreg s30  }
0x18: {  	v0 =	vimm.f32 $0.0e+00;
	v1 =	vimm.s32 $0x0;
	s25 =	simm.s32 $0x7680;
	s1 =	simm.s32 $0x3;
	[dreg:$0x12] =	wrdreg s20  }
.LBB2_1:
0x19: {  	s0 =	rddreg [dreg:$0x8]  }
0x1a: {  	[tilespmem:s9], [sflag:$0x1] =	stream.linear.gather [hbm4b:s0+s9], $0x4F00, $0x38;
	[tilespmem:$0x1D940] =	vst v63  }
0x1b: {  	s29 =	rddreg [dreg:$0x1];
	s2 =	simm.s32 $0x200  }
0x1c: {  	[tilespmem:s24], [sflag:$0x1] =	stream.strided.gather [hbm4b:s29+s22], $0x2780, s2, s22, $0x38;
	[tilespmem:$0x1D940] =	vst v63  }
0x1d: {  	s30 =	rddreg [dreg:$0x2];
	s0 =	simm.s32 $0xEE40  }
0x1e: {  	[tilespmem:s25], [sflag:$0x1] =	stream.linear.gather [hbm4b:s30+s9], $0x2780, $0x38;
	[tilespmem:$0x1D940] =	vst v63  }
0x1f: {  	[tilespmem:s0+$0xFFFFFFC0] =	vst v0  }
0x20: {  	[tilespmem:s0+$0x30] =	vst v0  }
0x21: {  	[tilespmem:s0+$0x20] =	vst v0  }
0x22: {  	[tilespmem:s0+$0x10] =	vst v0  }
0x23: {  	[tilespmem:s0+$0x0] =	vst v0  }
0x24: {  	[tilespmem:s0+$0xFFFFFFF0] =	vst v0  }
0x25: {  	s3 =	simm.s32 $0x0;
	[tilespmem:s0+$0xFFFFFFE0] =	vst v0  }
.LBB2_2:
0x26: {  	s3 =	sadd.s32 $0x8, s3;
	[tilespmem:s0+$0xFFFFFFD0] =	vst v0;
	s0 =	sadd.s32 $0x80, s0  }
0x27: {  	[tilespmem:s0+$0xFFFFFFC0] =	vst v0;
	p0 =	slt.u32 s3, $0x268  }
0x28: {  	[tilespmem:s0+$0x30] =	vst v0  }
.Ltmp0:
0x29: {  	[tilespmem:s0+$0x20] =	vst v0;
	(pc) =	sbr.rel @p0 .LBB2_2-.Ltmp0, $4  }
0x2a: {  	[tilespmem:s0+$0x10] =	vst v0  }
0x2b: {  	[tilespmem:s0+$0x0] =	vst v0  }
0x2c: {  	[tilespmem:s0+$0xFFFFFFF0] =	vst v0  }
0x2d: {  	[tilespmem:s0+$0xFFFFFFE0] =	vst v0  }
0x2e: {  	[tilespmem:s0+$0xFFFFFFD0] =	vst v0  }
0x2f: {  	[tilespmem:$0x11500] =	vst v0  }
0x30: {  	[spmem:s6] =	stream.linear.scatter [tilespmem:s5], [sflag:$0x2], $0x2710, $0x38;
	[tilespmem:$0x1D940] =	vst v63  }
0x31: {  	_ = 	snop  }
0x32: {  	[spmem:s10] =	stream.linear.scatter [tilespmem:s5], [sflag:$0x2], $0x2710, $0x38;
	[tilespmem:$0x1D940] =	vst v63  }
0x33: {  	_ = 	snop  }
0x34: {  	[spmem:s15] =	stream.linear.scatter [tilespmem:s5], [sflag:$0x2], $0x2710, $0x38;
	[tilespmem:$0x1D940] =	vst v63  }
0x35: {  	_ = 	snop  }
0x36: {  	[spmem:s16] =	stream.linear.scatter [tilespmem:s5], [sflag:$0x2], $0x2710, $0x38;
	[tilespmem:$0x1D940] =	vst v63  }
0x37: {  	[tilespmem:$0xC510] =	vst v0  }
0x38: {  	[tilespmem:$0xED10] =	vst v1  }
0x39: {  	[tilespmem:$0xC520] =	vst v0  }
0x3a: {  	[tilespmem:$0xED20] =	vst v1  }
0x3b: {  	[tilespmem:$0xC530] =	vst v0  }
0x3c: {  	[tilespmem:$0xED30] =	vst v1  }
0x3d: {  	[tilespmem:$0xC540] =	vst v0  }
0x3e: {  	[tilespmem:$0xED40] =	vst v1  }
0x3f: {  	[tilespmem:$0xC550] =	vst v0  }
0x40: {  	[tilespmem:$0xED50] =	vst v1  }
0x41: {  	[tilespmem:$0xC560] =	vst v0  }
0x42: {  	[tilespmem:$0xED60] =	vst v1  }
0x43: {  	[tilespmem:$0xC570] =	vst v0  }
0x44: {  	s30 =	simm.s32 $0x1;
	[tilespmem:$0xED70] =	vst v1  }
0x45: {  	_ =	swait.ge [sflag:s30], $0x4F00  }
0x46: {  	[sflag:s30] =	ssyncset.done $0x0  }
0x47: {  	[sflag:s30] =	ssyncadd.s32 $0xFFFFB100  }
0x48: {  	_ =	swait.ge [sflag:s30], $0x2780  }
0x49: {  	[sflag:s30] =	ssyncset.done $0x0  }
0x4a: {  	[sflag:s30] =	ssyncadd.s32 $0xFFFFD880  }
0x4b: {  	s0 =	sadd.s32 s20, s17;
	_ =	swait.ge [sflag:s30], $0x2780  }
0x4c: {  	s14 =	sand.u32 $0xFFFFFF00, s0;
	s9 =	sadd.s32 $0xE0, s0;
	[sflag:s30] =	ssyncset.done $0x0  }
0x4d: {  	s14 =	sor.u32 s14, s11;
	s2 =	rddreg [dreg:$0x13];
	[sflag:s30] =	ssyncadd.s32 $0xFFFFD880  }
0x4e: {  	s16 =	sand.u32 $0xFFFFFF00, s9;
	s6 =	sand.u32 $0x70, s2;
	v4 =	vld [tilespmem:s14+$0x80]  }
0x4f: {  	s7 =	sadd.s32 $0x60, s0;
	s3 =	sadd.s32 $0xFFFFFFC0, s2;
	v2 =	vld [tilespmem:s14+$0x0];
	s15 =	sor.u32 s6, s16  }
0x50: {  	s12 =	sadd.s32 $0x80, s0;
	s7 =	sand.u32 $0xFFFFFF00, s7;
	s3 =	sand.u32 $0x70, s3;
	v12 =	vld [tilespmem:s15+$0x0]  }
0x51: {  	s13 =	sadd.s32 $0xC0, s0;
	s18 =	sadd.s32 $0xFFFFFFF0, s2;
	s3 =	sor.u32 s3, s7;
	v13 =	vld [tilespmem:s15+$0x80]  }
0x52: {  	s10 =	sand.u32 $0xFFFFFF00, s12;
	s12 =	sand.u32 $0xFFFFFF00, s13;
	s14 =	sand.u32 $0x70, s18;
	v5 =	vld [tilespmem:s3+$0x80]  }
0x53: {  	s8 =	sadd.s32 $0xFFFFFFD0, s2;
	s12 =	sor.u32 s14, s12;
	v8 =	vld [tilespmem:s3+$0x0]  }
0x54: {  	s23 =	sadd.s32 $0xA0, s0;
	s5 =	sadd.s32 $0xFFFFFFE0, s2;
	s8 =	sand.u32 $0x70, s8;
	v15 =	vld [tilespmem:s12+$0x80]  }
0x55: {  	s26 =	sand.u32 $0xFFFFFF00, s23;
	s7 =	sand.u32 $0x70, s5;
	s3 =	sor.u32 s8, s10;
	v3 =	vld [tilespmem:s12+$0x0]  }
0x56: {  	s7 =	sor.u32 s7, s26;
	v16 =	vld [tilespmem:s3+$0x80]  }
0x57: {  	s28 =	sadd.s32 $0x40, s0;
	s0 =	sadd.s32 $0x20, s0;
	s19 =	sadd.s32 $0xFFFFFFB0, s2;
	v7 =	vld [tilespmem:s7+$0x0]  }
0x58: {  	s29 =	sand.u32 $0xFFFFFF00, s28;
	s30 =	sadd.s32 $0xFFFFFFA0, s2;
	s8 =	sand.u32 $0x70, s19;
	v21 =	vld [tilespmem:s7+$0x80]  }
0x59: {  	s0 =	sand.u32 $0xFFFFFF00, s0;
	s12 =	sand.u32 $0x70, s30;
	s8 =	sor.u32 s8, s29;
	v11 =	vld [tilespmem:s3+$0x0]  }
0x5a: {  	s0 =	sor.u32 s12, s0;
	v20 =	vld [tilespmem:s8+$0x0]  }
0x5b: {  	v14 =	vld [tilespmem:s0+$0x80]  }
0x5c: {  	v6 =	vld [tilespmem:s0+$0x0]  }
0x5d: {  	v10 =	vld [tilespmem:s8+$0x80]  }
0x5e: {  	v19 =	vld.idx.msk [tilespmem:v13+s24+$0x0], $0xffff  }
0x5f: {  	v17 =	vld.idx.msk [tilespmem:v5+s25+$0x0], $0xffff  }
0x60: {  	v18 =	vld.idx.msk [tilespmem:v5+s24+$0x0], $0xffff  }
0x61: {  	v22 =	vld.idx.msk [tilespmem:v15+s24+$0x0], $0xffff  }
0x62: {  	v5 =	vld.idx.msk [tilespmem:v15+s25+$0x0], $0xffff  }
0x63: {  	v9 =	vld.idx.msk [tilespmem:v16+s25+$0x0], $0xffff  }
0x64: {  	s0 =	simm.s32 $0x9E40;
	v15 =	vld.idx.msk [tilespmem:v21+s24+$0x0], $0xffff  }
0x65: {  	v8 =	vshll.u32 v8, $0x6;
	[tilespmem:s0+$0xFFFFFFF0] =	vst v18;
	v18 =	vld.idx.msk [tilespmem:v14+s24+$0x0], $0xffff  }
0x66: {  	s16 =	sadd.s32 $0x80, s2;
	s18 =	simm.s32 $0xC6C0;
	s3 =	simm.s32 $0xC640;
	v8 =	vadd.s32 v8, v17;
	v17 =	vld.idx.msk [tilespmem:v16+s24+$0x0], $0xffff;
	[tilespmem:s0+$0x20] =	vst v22  }
0x67: {  	s14 =	simm.s32 $0x9EC0;
	s15 =	sadd.s32 $0x100, s20;
	s7 =	simm.s32 $0x0;
	v12 =	vshll.u32 v12, $0x6;
	v16 =	vld.idx.msk [tilespmem:v21+s25+$0x0], $0xffff;
	[tilespmem:s3+$0xFFFFFFF0] =	vst v8;
	v8 =	vshll.u32 v20, $0x6  }
.LBB2_4:
0x68: {  	s8 =	sadd.s32 s15, s17;
	s9 =	sadd.s32 $0xFFFFFFD0, s16;
	s10 =	sadd.s32 $0xFFFFFFE0, s16;
	v13 =	vld.idx.msk [tilespmem:v13+s25+$0x0], $0xffff  }
0x69: {  	s12 =	sadd.s32 $0xFFFFFFA0, s16;
	s6 =	sand.u32 $0x70, s16;
	s13 =	sadd.s32 $0x80, s8;
	v20 =	vld.idx.msk [tilespmem:v4+s24+$0x0], $0xffff;
	[tilespmem:s0+$0x30] =	vst v19  }
0x6a: {  	s23 =	sadd.s32 $0xFFFFFFB0, s16;
	s5 =	sadd.s32 $0xC0, s8;
	s13 =	sand.u32 $0xFFFFFF00, s13;
	v14 =	vld.idx.msk [tilespmem:v14+s25+$0x0], $0xffff  }
0x6b: {  	s19 =	sadd.s32 $0xFFFFFFC0, s16;
	s26 =	sadd.s32 $0x60, s8;
	s5 =	sand.u32 $0xFFFFFF00, s5;
	v19 =	vld.idx.msk [tilespmem:v4+s25+$0x0], $0xffff;
	[tilespmem:s0+$0xFFFFFFD0] =	vst v18  }
0x6c: {  	s19 =	sand.u32 $0x70, s19;
	s28 =	sadd.s32 $0xE0, s8;
	s26 =	sand.u32 $0xFFFFFF00, s26;
	v4 =	vshll.u32 v7, $0x6;
	v18 =	vld.idx.msk [tilespmem:v10+s24+$0x0], $0xffff;
	[tilespmem:s0+$0x0] =	vst v17  }
0x6d: {  	s23 =	sand.u32 $0x70, s23;
	s19 =	sor.u32 s19, s26;
	s26 =	sadd.s32 $0xA0, s8;
	v4 =	vadd.s32 v4, v16;
	v7 =	vld.idx.msk [tilespmem:v10+s25+$0x0], $0xffff;
	[tilespmem:s0+$0x10] =	vst v15  }
0x6e: {  	s2 =	sadd.s32 $0xFFFFFFF0, s16;
	v11 =	vshll.u32 v11, $0x6;
	s29 =	sand.u32 $0xFFFFFF00, s8;
	s9 =	sand.u32 $0x70, s9;
	v12 =	vadd.s32 v12, v13;
	v10 =	vld [tilespmem:s19+$0x80];
	[tilespmem:s3+$0x10] =	vst v4  }
0x6f: {  	v6 =	vshll.u32 v6, $0x6;
	s2 =	sand.u32 $0x70, s2;
	v9 =	vadd.s32 v11, v9;
	s29 =	sor.u32 s29, s11;
	v15 =	vld [tilespmem:s19+$0x0];
	s19 =	sand.u32 $0xFFFFFF00, s26;
	[tilespmem:s0+$0xFFFFFFC0] =	vst v20  }
0x70: {  	v3 =	vshll.u32 v3, $0x6;
	v11 =	vshll.u32 v2, $0x6;
	s28 =	sand.u32 $0xFFFFFF00, s28;
	s26 =	sadd.s32 $0x20, s8;
	s8 =	sadd.s32 $0x40, s8;
	v6 =	vadd.s32 v6, v14;
	v4 =	vld [tilespmem:s29+$0x80];
	[tilespmem:s3+$0x0] =	vst v9  }
0x71: {  	s10 =	sand.u32 $0x70, s10;
	v5 =	vadd.s32 v3, v5;
	s6 =	sor.u32 s6, s28;
	s8 =	sand.u32 $0xFFFFFF00, s8;
	v9 =	vadd.s32 v11, v19;
	v2 =	vld [tilespmem:s29+$0x0];
	[tilespmem:s3+$0x30] =	vst v12  }
0x72: {  	s9 =	sor.u32 s9, s13;
	s10 =	sor.u32 s10, s19;
	s8 =	sor.u32 s23, s8;
	v12 =	vld [tilespmem:s6+$0x0];
	[tilespmem:s0+$0xFFFFFFE0] =	vst v18  }
0x73: {  	s7 =	sadd.s32 $0x8, s7;
	s2 =	sor.u32 s2, s5;
	v7 =	vadd.s32 v8, v7;
	s0 =	smov.u32 s14;
	v16 =	vld [tilespmem:s9+$0x80];
	[tilespmem:s3+$0xFFFFFFC0] =	vst v9  }
0x74: {  	p0 =	slt.u32 s7, $0x130;
	v8 =	vld [tilespmem:s2+$0x80];
	[tilespmem:s3+$0xFFFFFFD0] =	vst v6  }
0x75: {  	v3 =	vld [tilespmem:s2+$0x0];
	[tilespmem:s3+$0xFFFFFFE0] =	vst v7  }
0x76: {  	v7 =	vld [tilespmem:s10+$0x0];
	[tilespmem:s3+$0x20] =	vst v5;
	s3 =	smov.u32 s18  }
0x77: {  	v17 =	vld [tilespmem:s8+$0x0]  }
0x78: {  	v18 =	vld.idx.msk [tilespmem:v10+s25+$0x0], $0xffff  }
0x79: {  	v13 =	vld [tilespmem:s6+$0x80]  }
0x7a: {  	s5 =	sand.u32 $0xFFFFFF00, s26;
	s2 =	sand.u32 $0x70, s12;
	v5 =	vld.idx.msk [tilespmem:v10+s24+$0x0], $0xffff  }
0x7b: {  	s2 =	sor.u32 s2, s5;
	v20 =	vld [tilespmem:s10+$0x80]  }
0x7c: {  	v14 =	vld [tilespmem:s2+$0x80]  }
0x7d: {  	v6 =	vld [tilespmem:s2+$0x0]  }
0x7e: {  	v10 =	vld [tilespmem:s8+$0x80]  }
0x7f: {  	v9 =	vld.idx.msk [tilespmem:v16+s25+$0x0], $0xffff  }
0x80: {  	v12 =	vshll.u32 v12, $0x6;
	[tilespmem:s14+$0xFFFFFFF0] =	vst v5;
	v11 =	vld [tilespmem:s9+$0x0]  }
0x81: {  	v21 =	vld.idx.msk [tilespmem:v8+s24+$0x0], $0xffff  }
0x82: {  	v15 =	vshll.u32 v15, $0x6;
	v5 =	vld.idx.msk [tilespmem:v8+s25+$0x0], $0xffff  }
.Ltmp1:
0x83: {  	v8 =	vadd.s32 v15, v18;
	v19 =	vld.idx.msk [tilespmem:v13+s24+$0x0], $0xffff;
	(pc) =	sbr.rel @p0 .LBB2_4-.Ltmp1, $4  }
0x84: {  	[tilespmem:s18+$0xFFFFFFF0] =	vst v8;
	v15 =	vld.idx.msk [tilespmem:v20+s24+$0x0], $0xffff  }
0x85: {  	v8 =	vshll.u32 v17, $0x6;
	v18 =	vld.idx.msk [tilespmem:v14+s24+$0x0], $0xffff  }
0x86: {  	s14 =	sadd.s32 $0x80, s14;
	v17 =	vld.idx.msk [tilespmem:v16+s24+$0x0], $0xffff  }
0x87: {  	s15 =	sadd.s32 $0x100, s15;
	s16 =	sadd.s32 $0x80, s16;
	s18 =	sadd.s32 $0x80, s18;
	v16 =	vld.idx.msk [tilespmem:v20+s25+$0x0], $0xffff;
	[tilespmem:s0+$0x20] =	vst v21  }
0x88: {  	_ =	sdelay $0x3  }
0x89: {  	v13 =	vld.idx.msk [tilespmem:v13+s25+$0x0], $0xffff  }
0x8a: {  	v20 =	vld.idx.msk [tilespmem:v4+s24+$0x0], $0xffff;
	[tilespmem:s0+$0x30] =	vst v19  }
0x8b: {  	v14 =	vld.idx.msk [tilespmem:v14+s25+$0x0], $0xffff;
	[tilespmem:s0+$0x10] =	vst v15  }
0x8c: {  	v4 =	vld.idx.msk [tilespmem:v4+s25+$0x0], $0xffff;
	v11 =	vshll.u32 v11, $0x6;
	[tilespmem:s0+$0xFFFFFFD0] =	vst v18  }
0x8d: {  	v7 =	vshll.u32 v7, $0x6;
	v9 =	vadd.s32 v11, v9;
	[tilespmem:s0+$0x0] =	vst v17  }
0x8e: {  	v7 =	vadd.s32 v7, v16;
	[tilespmem:s3+$0x0] =	vst v9  }
0x8f: {  	v17 =	vld.idx.msk [tilespmem:v10+s24+$0x0], $0xffff;
	[tilespmem:s3+$0x10] =	vst v7  }
0x90: {  	v2 =	vshll.u32 v2, $0x6;
	v7 =	vld.idx.msk [tilespmem:v10+s25+$0x0], $0xffff;
	[tilespmem:s0+$0xFFFFFFC0] =	vst v20;
	v10 =	vadd.s32 v12, v13  }
0x91: {  	v6 =	vshll.u32 v6, $0x6;
	v2 =	vadd.s32 v2, v4;
	[tilespmem:s3+$0x30] =	vst v10  }
0x92: {  	v4 =	vadd.s32 v6, v14;
	[tilespmem:s3+$0xFFFFFFC0] =	vst v2  }
0x93: {  	v2 =	vshll.u32 v3, $0x6;
	[tilespmem:s3+$0xFFFFFFD0] =	vst v4  }
0x94: {  	v2 =	vadd.s32 v2, v5;
	[tilespmem:s0+$0xFFFFFFE0] =	vst v17  }
0x95: {  	[tilespmem:s3+$0x20] =	vst v2;
	v3 =	vadd.s32 v8, v7  }
0x96: {  	s16 =	simm.s32 $0x2;
	[tilespmem:s3+$0xFFFFFFE0] =	vst v3  }
0x97: {  	_ =	swait.ge [sflag:s16], $0x2710  }
0x98: {  	[sflag:s16] =	ssyncset.done $0x0  }
0x99: {  	[sflag:s16] =	ssyncadd.s32 $0xFFFFD8F0  }
0x9a: {  	_ =	swait.ge [sflag:s16], $0x2710  }
0x9b: {  	[sflag:s16] =	ssyncset.done $0x0  }
0x9c: {  	[sflag:s16] =	ssyncadd.s32 $0xFFFFD8F0  }
0x9d: {  	_ =	swait.ge [sflag:s16], $0x2710  }
0x9e: {  	[sflag:s16] =	ssyncset.done $0x0  }
0x9f: {  	[sflag:s16] =	ssyncadd.s32 $0xFFFFD8F0  }
0xa0: {  	_ =	swait.ge [sflag:s16], $0x2710  }
0xa1: {  	[sflag:s16] =	ssyncset.done $0x0  }
0xa2: {  	[sflag:s16] =	ssyncadd.s32 $0xFFFFD8F0  }
0xa3: {  	s18 =	simm.s32 $0xC600;
	s2 =	simm.s32 $0x9E00;
	[bflag:$0x0] =	sbarrier.arrive $0xFFFF  }
0xa4: {  	[spmem:s4] =	stream.indirect.scatter.add.f32 [tilespmem:s2], [sflag:$0x3], $0x1, s18, s22, $0xb8;
	[tilespmem:$0x1D940] =	vst v63  }
0xa5: {  	s19 =	simm.s32 $0xC680;
	s23 =	simm.s32 $0x9E80  }
0xa6: {  	[spmem:s4] =	stream.indirect.scatter.add.f32 [tilespmem:s23], [sflag:$0x3], $0x1, s19, s22, $0xb8;
	[tilespmem:$0x1D940] =	vst v63  }
0xa7: {  	s26 =	simm.s32 $0xC700;
	s28 =	simm.s32 $0x9F00  }
0xa8: {  	[spmem:s4] =	stream.indirect.scatter.add.f32 [tilespmem:s28], [sflag:$0x3], $0x1, s26, s22, $0xb8;
	[tilespmem:$0x1D940] =	vst v63  }
0xa9: {  	s29 =	simm.s32 $0xC780;
	s30 =	simm.s32 $0x9F80  }
0xaa: {  	[spmem:s4] =	stream.indirect.scatter.add.f32 [tilespmem:s30], [sflag:$0x3], $0x1, s29, s22, $0xb8;
	[tilespmem:$0x1D940] =	vst v63  }
0xab: {  	s3 =	simm.s32 $0xA000;
	s2 =	simm.s32 $0xC800  }
0xac: {  	[spmem:s4] =	stream.indirect.scatter.add.f32 [tilespmem:s3], [sflag:$0x3], $0x1, s2, s22, $0xb8;
	[tilespmem:$0x1D940] =	vst v63  }
0xad: {  	s5 =	simm.s32 $0xC880;
	s6 =	simm.s32 $0xA080  }
0xae: {  	[spmem:s4] =	stream.indirect.scatter.add.f32 [tilespmem:s6], [sflag:$0x3], $0x1, s5, s22, $0xb8;
	[tilespmem:$0x1D940] =	vst v63  }
0xaf: {  	s7 =	simm.s32 $0xC900;
	s8 =	simm.s32 $0xA100  }
0xb0: {  	[spmem:s4] =	stream.indirect.scatter.add.f32 [tilespmem:s8], [sflag:$0x3], $0x1, s7, s22, $0xb8;
	[tilespmem:$0x1D940] =	vst v63  }
0xb1: {  	s9 =	simm.s32 $0xC980;
	s10 =	simm.s32 $0xA180  }
0xb2: {  	[spmem:s4] =	stream.indirect.scatter.add.f32 [tilespmem:s10], [sflag:$0x3], $0x1, s9, s22, $0xb8;
	[tilespmem:$0x1D940] =	vst v63  }
0xb3: {  	s12 =	simm.s32 $0xCA00;
	s13 =	simm.s32 $0xA200  }
0xb4: {  	[spmem:s4] =	stream.indirect.scatter.add.f32 [tilespmem:s13], [sflag:$0x3], $0x1, s12, s22, $0xb8;
	[tilespmem:$0x1D940] =	vst v63  }
0xb5: {  	s14 =	simm.s32 $0xCA80;
	s15 =	simm.s32 $0xA280  }
0xb6: {  	[spmem:s4] =	stream.indirect.scatter.add.f32 [tilespmem:s15], [sflag:$0x3], $0x1, s14, s22, $0xb8;
	[tilespmem:$0x1D940] =	vst v63  }
0xb7: {  	s16 =	simm.s32 $0xCB00;
	s18 =	simm.s32 $0xA300  }
0xb8: {  	[spmem:s4] =	stream.indirect.scatter.add.f32 [tilespmem:s18], [sflag:$0x3], $0x1, s16, s22, $0xb8;
	[tilespmem:$0x1D940] =	vst v63  }
0xb9: {  	s19 =	simm.s32 $0xCB80;
	s23 =	simm.s32 $0xA380  }
0xba: {  	[spmem:s4] =	stream.indirect.scatter.add.f32 [tilespmem:s23], [sflag:$0x3], $0x1, s19, s22, $0xb8;
	[tilespmem:$0x1D940] =	vst v63  }
0xbb: {  	s26 =	simm.s32 $0xCC00;
	s28 =	simm.s32 $0xA400  }
0xbc: {  	[spmem:s4] =	stream.indirect.scatter.add.f32 [tilespmem:s28], [sflag:$0x3], $0x1, s26, s22, $0xb8;
	[tilespmem:$0x1D940] =	vst v63  }
0xbd: {  	s29 =	simm.s32 $0xCC80;
	s30 =	simm.s32 $0xA480  }
0xbe: {  	[spmem:s4] =	stream.indirect.scatter.add.f32 [tilespmem:s30], [sflag:$0x3], $0x1, s29, s22, $0xb8;
	[tilespmem:$0x1D940] =	vst v63  }
0xbf: {  	s2 =	simm.s32 $0xCD00;
	s3 =	simm.s32 $0xA500  }
0xc0: {  	[spmem:s4] =	stream.indirect.scatter.add.f32 [tilespmem:s3], [sflag:$0x3], $0x1, s2, s22, $0xb8;
	[tilespmem:$0x1D940] =	vst v63  }
0xc1: {  	s5 =	simm.s32 $0xCD80;
	s6 =	simm.s32 $0xA580  }
0xc2: {  	[spmem:s4] =	stream.indirect.scatter.add.f32 [tilespmem:s6], [sflag:$0x3], $0x1, s5, s22, $0xb8;
	[tilespmem:$0x1D940] =	vst v63  }
0xc3: {  	s7 =	simm.s32 $0xCE00;
	s8 =	simm.s32 $0xA600  }
0xc4: {  	[spmem:s4] =	stream.indirect.scatter.add.f32 [tilespmem:s8], [sflag:$0x3], $0x1, s7, s22, $0xb8;
	[tilespmem:$0x1D940] =	vst v63  }
0xc5: {  	s9 =	simm.s32 $0xCE80;
	s10 =	simm.s32 $0xA680  }
0xc6: {  	[spmem:s4] =	stream.indirect.scatter.add.f32 [tilespmem:s10], [sflag:$0x3], $0x1, s9, s22, $0xb8;
	[tilespmem:$0x1D940] =	vst v63  }
0xc7: {  	s12 =	simm.s32 $0xCF00;
	s13 =	simm.s32 $0xA700  }
0xc8: {  	[spmem:s4] =	stream.indirect.scatter.add.f32 [tilespmem:s13], [sflag:$0x3], $0x1, s12, s22, $0xb8;
	[tilespmem:$0x1D940] =	vst v63  }
0xc9: {  	s14 =	simm.s32 $0xCF80;
	s15 =	simm.s32 $0xA780  }
0xca: {  	[spmem:s4] =	stream.indirect.scatter.add.f32 [tilespmem:s15], [sflag:$0x3], $0x1, s14, s22, $0xb8;
	[tilespmem:$0x1D940] =	vst v63  }
0xcb: {  	s16 =	simm.s32 $0xD000;
	s18 =	simm.s32 $0xA800  }
0xcc: {  	[spmem:s4] =	stream.indirect.scatter.add.f32 [tilespmem:s18], [sflag:$0x3], $0x1, s16, s22, $0xb8;
	[tilespmem:$0x1D940] =	vst v63  }
0xcd: {  	s19 =	simm.s32 $0xD080;
	s23 =	simm.s32 $0xA880  }
0xce: {  	[spmem:s4] =	stream.indirect.scatter.add.f32 [tilespmem:s23], [sflag:$0x3], $0x1, s19, s22, $0xb8;
	[tilespmem:$0x1D940] =	vst v63  }
0xcf: {  	s26 =	simm.s32 $0xD100;
	s28 =	simm.s32 $0xA900  }
0xd0: {  	[spmem:s4] =	stream.indirect.scatter.add.f32 [tilespmem:s28], [sflag:$0x3], $0x1, s26, s22, $0xb8;
	[tilespmem:$0x1D940] =	vst v63  }
0xd1: {  	s29 =	simm.s32 $0xD180;
	s30 =	simm.s32 $0xA980  }
0xd2: {  	[spmem:s4] =	stream.indirect.scatter.add.f32 [tilespmem:s30], [sflag:$0x3], $0x1, s29, s22, $0xb8;
	[tilespmem:$0x1D940] =	vst v63  }
0xd3: {  	s2 =	simm.s32 $0xD200;
	s3 =	simm.s32 $0xAA00  }
0xd4: {  	[spmem:s4] =	stream.indirect.scatter.add.f32 [tilespmem:s3], [sflag:$0x3], $0x1, s2, s22, $0xb8;
	[tilespmem:$0x1D940] =	vst v63  }
0xd5: {  	s5 =	simm.s32 $0xD280;
	s6 =	simm.s32 $0xAA80  }
0xd6: {  	[spmem:s4] =	stream.indirect.scatter.add.f32 [tilespmem:s6], [sflag:$0x3], $0x1, s5, s22, $0xb8;
	[tilespmem:$0x1D940] =	vst v63  }
0xd7: {  	s7 =	simm.s32 $0xD300;
	s8 =	simm.s32 $0xAB00  }
0xd8: {  	[spmem:s4] =	stream.indirect.scatter.add.f32 [tilespmem:s8], [sflag:$0x3], $0x1, s7, s22, $0xb8;
	[tilespmem:$0x1D940] =	vst v63  }
0xd9: {  	s9 =	simm.s32 $0xD380;
	s10 =	simm.s32 $0xAB80  }
0xda: {  	[spmem:s4] =	stream.indirect.scatter.add.f32 [tilespmem:s10], [sflag:$0x3], $0x1, s9, s22, $0xb8;
	[tilespmem:$0x1D940] =	vst v63  }
0xdb: {  	s12 =	simm.s32 $0xD400;
	s13 =	simm.s32 $0xAC00  }
0xdc: {  	[spmem:s4] =	stream.indirect.scatter.add.f32 [tilespmem:s13], [sflag:$0x3], $0x1, s12, s22, $0xb8;
	[tilespmem:$0x1D940] =	vst v63  }
0xdd: {  	s14 =	simm.s32 $0xD480;
	s15 =	simm.s32 $0xAC80  }
0xde: {  	[spmem:s4] =	stream.indirect.scatter.add.f32 [tilespmem:s15], [sflag:$0x3], $0x1, s14, s22, $0xb8;
	[tilespmem:$0x1D940] =	vst v63  }
0xdf: {  	s16 =	simm.s32 $0xD500;
	s18 =	simm.s32 $0xAD00;
	s19 =	simm.s32 $0xD580  }
0xe0: {  	[spmem:s4] =	stream.indirect.scatter.add.f32 [tilespmem:s18], [sflag:$0x3], $0x1, s16, s22, $0xb8;
	[tilespmem:$0x1D940] =	vst v63  }
0xe1: {  	s23 =	simm.s32 $0xAD80;
	s26 =	simm.s32 $0xD600;
	s28 =	simm.s32 $0xAE00  }
0xe2: {  	[spmem:s4] =	stream.indirect.scatter.add.f32 [tilespmem:s23], [sflag:$0x3], $0x1, s19, s22, $0xb8;
	[tilespmem:$0x1D940] =	vst v63  }
0xe3: {  	s29 =	simm.s32 $0xD680;
	s30 =	simm.s32 $0xAE80;
	s2 =	simm.s32 $0xD700  }
0xe4: {  	[spmem:s4] =	stream.indirect.scatter.add.f32 [tilespmem:s28], [sflag:$0x3], $0x1, s26, s22, $0xb8;
	[tilespmem:$0x1D940] =	vst v63  }
0xe5: {  	s3 =	simm.s32 $0xAF00;
	s5 =	simm.s32 $0xD780;
	s6 =	simm.s32 $0xAF80  }
0xe6: {  	[spmem:s4] =	stream.indirect.scatter.add.f32 [tilespmem:s30], [sflag:$0x3], $0x1, s29, s22, $0xb8;
	[tilespmem:$0x1D940] =	vst v63  }
0xe7: {  	s7 =	simm.s32 $0xD800;
	s8 =	simm.s32 $0xB000;
	s12 =	rddreg [dreg:$0x6]  }
0xe8: {  	[spmem:s4] =	stream.indirect.scatter.add.f32 [tilespmem:s3], [sflag:$0x3], $0x1, s2, s22, $0xb8;
	[tilespmem:$0x1D940] =	vst v63  }
0xe9: {  	s9 =	simm.s32 $0xD880;
	s10 =	simm.s32 $0xB080;
	s0 =	sadd.s32 s20, s12  }
0xea: {  	[spmem:s4] =	stream.indirect.scatter.add.f32 [tilespmem:s6], [sflag:$0x3], $0x1, s5, s22, $0xb8;
	[tilespmem:$0x1D940] =	vst v63  }
0xeb: {  	s13 =	simm.s32 $0xD900;
	s5 =	sadd.s32 $0x40, s0;
	s6 =	sadd.s32 $0xFFFFFFB0, s21  }
0xec: {  	[spmem:s4] =	stream.indirect.scatter.add.f32 [tilespmem:s8], [sflag:$0x3], $0x1, s7, s22, $0xb8;
	[tilespmem:$0x1D940] =	vst v63  }
0xed: {  	s14 =	simm.s32 $0xB100;
	s6 =	sand.u32 $0x70, s6;
	s5 =	sand.u32 $0xFFFFFF00, s5  }
0xee: {  	[spmem:s4] =	stream.indirect.scatter.add.f32 [tilespmem:s10], [sflag:$0x3], $0x1, s9, s22, $0xb8;
	[tilespmem:$0x1D940] =	vst v63  }
0xef: {  	s15 =	sadd.s32 $0xFFFFFFA0, s21;
	s18 =	sadd.s32 $0x20, s0;
	s5 =	sor.u32 s6, s5  }
0xf0: {  	[spmem:s4] =	stream.indirect.scatter.add.f32 [tilespmem:s14], [sflag:$0x3], $0x1, s13, s22, $0xb8;
	[tilespmem:$0x1D940] =	vst v63  }
0xf1: {  	s23 =	sadd.s32 $0x60, s0;
	s2 =	sand.u32 $0x70, s15;
	s9 =	sand.u32 $0xFFFFFF00, s0;
	v5 =	vld [tilespmem:s5+$0x80]  }
0xf2: {  	s8 =	sadd.s32 $0xFFFFFFC0, s21;
	s6 =	sand.u32 $0xFFFFFF00, s18;
	s9 =	sor.u32 s9, s11;
	v10 =	vld [tilespmem:s5+$0x0]  }
0xf3: {  	s8 =	sand.u32 $0x70, s8;
	s2 =	sor.u32 s2, s6;
	s6 =	sand.u32 $0xFFFFFF00, s23;
	v2 =	vld [tilespmem:s9+$0x0]  }
0xf4: {  	s19 =	sadd.s32 $0xA0, s0;
	s6 =	sor.u32 s8, s6;
	v3 =	vld [tilespmem:s2+$0x0]  }
0xf5: {  	s26 =	sadd.s32 $0xC0, s0;
	s29 =	sadd.s32 $0x80, s0;
	s0 =	sadd.s32 $0xE0, s0;
	v7 =	vld [tilespmem:s6+$0x0]  }
0xf6: {  	s30 =	sand.u32 $0x70, s21;
	s0 =	sand.u32 $0xFFFFFF00, s0;
	v6 =	vld [tilespmem:s2+$0x80]  }
0xf7: {  	s0 =	sor.u32 s30, s0;
	v15 =	vld [tilespmem:s6+$0x80]  }
0xf8: {  	s16 =	sadd.s32 $0xFFFFFFE0, s21;
	v16 =	vld [tilespmem:s0+$0x80]  }
0xf9: {  	s3 =	sand.u32 $0x70, s16;
	s5 =	sand.u32 $0xFFFFFF00, s19;
	v19 =	vld [tilespmem:s0+$0x0]  }
0xfa: {  	s7 =	sadd.s32 $0xFFFFFFF0, s21;
	v13 =	vld [tilespmem:s9+$0x80];
	s3 =	sor.u32 s3, s5  }
0xfb: {  	s7 =	sand.u32 $0x70, s7;
	s5 =	sand.u32 $0xFFFFFF00, s26;
	v4 =	vld [tilespmem:s3+$0x0]  }
0xfc: {  	s28 =	sadd.s32 $0xFFFFFFD0, s21;
	s5 =	sor.u32 s7, s5;
	v12 =	vld [tilespmem:s3+$0x80]  }
0xfd: {  	s8 =	sand.u32 $0x70, s28;
	s7 =	sand.u32 $0xFFFFFF00, s29;
	v11 =	vld [tilespmem:s5+$0x0]  }
0xfe: {  	s7 =	sor.u32 s8, s7;
	v14 =	vld [tilespmem:s5+$0x80]  }
0xff: {  	v8 =	vld [tilespmem:s7+$0x80]  }
0x100: {  	v18 =	vld [tilespmem:s7+$0x0]  }
0x101: {  	v22 =	vld.idx.msk [tilespmem:v5+s25+$0x0], $0xffff  }
0x102: {  	v21 =	vld.idx.msk [tilespmem:v5+s24+$0x0], $0xffff  }
0x103: {  	v17 =	vld.idx.msk [tilespmem:v16+s24+$0x0], $0xffff  }
0x104: {  	v20 =	vld.idx.msk [tilespmem:v15+s24+$0x0], $0xffff  }
0x105: {  	s15 =	sadd.s32 $0x100, s20;
	v5 =	vshll.u32 v18, $0x6;
	v18 =	vld.idx.msk [tilespmem:v12+s24+$0x0], $0xffff  }
0x106: {  	s16 =	simm.s32 $0xDA70;
	s18 =	sadd.s32 $0x80, s21;
	s14 =	simm.s32 $0xB270;
	v23 =	vshll.u32 v10, $0x6;
	v10 =	vshll.u32 v19, $0x6;
	v19 =	vld.idx.msk [tilespmem:v14+s24+$0x0], $0xffff  }
0x107: {  	s0 =	simm.s32 $0xB1F0;
	s3 =	simm.s32 $0xD9F0;
	s7 =	simm.s32 $0x138;
	v11 =	vshll.u32 v11, $0x6;
	v9 =	vld.idx.msk [tilespmem:v8+s24+$0x0], $0xffff;
	v22 =	vadd.s32 v23, v22  }
.LBB2_6:
0x108: {  	v15 =	vld.idx.msk [tilespmem:v15+s25+$0x0], $0xffff  }
0x109: {  	v16 =	vld.idx.msk [tilespmem:v16+s25+$0x0], $0xffff  }
0x10a: {  	s2 =	rddreg [dreg:$0x6];
	v14 =	vld.idx.msk [tilespmem:v14+s25+$0x0], $0xffff  }
0x10b: {  	s5 =	sadd.s32 $0xFFFFFFA0, s18;
	s8 =	sadd.s32 $0xFFFFFFD0, s18;
	s6 =	sadd.s32 $0xFFFFFFE0, s18;
	v12 =	vld.idx.msk [tilespmem:v12+s25+$0x0], $0xffff;
	[tilespmem:s0+$0xFFFFFFB0] =	vst v21  }
0x10c: {  	s9 =	sadd.s32 $0xFFFFFFF0, s18;
	s10 =	sadd.s32 $0xFFFFFFC0, s18;
	s23 =	sadd.s32 $0xFFFFFFB0, s18;
	v8 =	vld.idx.msk [tilespmem:v8+s25+$0x0], $0xffff;
	[tilespmem:s0+$0xFFFFFFC0] =	vst v20  }
0x10d: {  	s5 =	sand.u32 $0x70, s5;
	s2 =	sadd.s32 s15, s2;
	s9 =	sand.u32 $0x70, s9;
	v21 =	vld.idx.msk [tilespmem:v13+s24+$0x0], $0xffff;
	[tilespmem:s0+$0x0] =	vst v17  }
0x10e: {  	s6 =	sand.u32 $0x70, s6;
	s23 =	sand.u32 $0x70, s23;
	s19 =	sadd.s32 $0x40, s2;
	v13 =	vld.idx.msk [tilespmem:v13+s25+$0x0], $0xffff;
	[tilespmem:s0+$0xFFFFFFE0] =	vst v18  }
0x10f: {  	s10 =	sand.u32 $0x70, s10;
	s8 =	sand.u32 $0x70, s8;
	s19 =	sand.u32 $0xFFFFFF00, s19;
	v17 =	vld.idx.msk [tilespmem:v6+s24+$0x0], $0xffff;
	[tilespmem:s0+$0xFFFFFFF0] =	vst v19  }
0x110: {  	s13 =	sand.u32 $0xFFFFFF00, s2;
	s26 =	sadd.s32 $0x80, s2;
	v7 =	vshll.u32 v7, $0x6;
	s19 =	sor.u32 s23, s19;
	v6 =	vld.idx.msk [tilespmem:v6+s25+$0x0], $0xffff;
	[tilespmem:s3+$0xFFFFFFB0] =	vst v22  }
0x111: {  	s28 =	sadd.s32 $0xE0, s2;
	s29 =	sadd.s32 $0x20, s2;
	s30 =	sadd.s32 $0x60, s2;
	[tilespmem:s0+$0xFFFFFFD0] =	vst v9;
	v7 =	vadd.s32 v7, v15;
	v9 =	vadd.s32 v11, v14;
	v11 =	vld [tilespmem:s19+$0x80]  }
0x112: {  	s20 =	sadd.s32 $0xA0, s2;
	s29 =	sand.u32 $0xFFFFFF00, s29;
	s13 =	sor.u32 s13, s11;
	v4 =	vshll.u32 v4, $0x6;
	v10 =	vadd.s32 v10, v16;
	[tilespmem:s3+$0xFFFFFFC0] =	vst v7;
	v18 =	vld [tilespmem:s19+$0x0]  }
0x113: {  	s2 =	sadd.s32 $0xC0, s2;
	s20 =	sand.u32 $0xFFFFFF00, s20;
	s5 =	sor.u32 s5, s29;
	v4 =	vadd.s32 v4, v12;
	v7 =	vshll.u32 v2, $0x6;
	v2 =	vld [tilespmem:s13+$0x0];
	[tilespmem:s3+$0x0] =	vst v10  }
0x114: {  	s30 =	sand.u32 $0xFFFFFF00, s30;
	s2 =	sand.u32 $0xFFFFFF00, s2;
	s6 =	sor.u32 s6, s20;
	v10 =	vld [tilespmem:s5+$0x0];
	[tilespmem:s3+$0xFFFFFFE0] =	vst v4  }
0x115: {  	s10 =	sor.u32 s10, s30;
	s2 =	sor.u32 s9, s2;
	s30 =	sand.u32 $0xFFFFFF00, s26;
	v5 =	vadd.s32 v5, v8;
	[tilespmem:s3+$0xFFFFFFF0] =	vst v9;
	v4 =	vld [tilespmem:s6+$0x0]  }
0x116: {  	s8 =	sor.u32 s8, s30;
	[tilespmem:s3+$0xFFFFFFD0] =	vst v5;
	v19 =	vld [tilespmem:s2+$0x0]  }
0x117: {  	v5 =	vld [tilespmem:s8+$0x0]  }
0x118: {  	s12 =	sand.u32 $0x70, s18;
	s29 =	sand.u32 $0xFFFFFF00, s28;
	v15 =	vld [tilespmem:s10+$0x80]  }
0x119: {  	s9 =	sor.u32 s12, s29;
	v8 =	vld [tilespmem:s8+$0x80]  }
0x11a: {  	v16 =	vld [tilespmem:s9+$0x80]  }
0x11b: {  	v3 =	vshll.u32 v3, $0x6;
	v12 =	vld [tilespmem:s6+$0x80];
	[tilespmem:s0+$0xFFFFFFA0] =	vst v17  }
0x11c: {  	v14 =	vld [tilespmem:s2+$0x80];
	v3 =	vadd.s32 v3, v6;
	[tilespmem:s0+$0xFFFFFF90] =	vst v21  }
0x11d: {  	v9 =	vadd.s32 v7, v13;
	v7 =	vld [tilespmem:s10+$0x0];
	[tilespmem:s3+$0xFFFFFFA0] =	vst v3  }
0x11e: {  	[tilespmem:s3+$0xFFFFFF90] =	vst v9;
	v6 =	vld [tilespmem:s5+$0x80]  }
0x11f: {  	v13 =	vld [tilespmem:s13+$0x80]  }
0x120: {  	v3 =	vmov v10;
	v10 =	vld [tilespmem:s9+$0x0]  }
0x121: {  	s7 =	sadd.s32 $0x8, s7;
	v22 =	vld.idx.msk [tilespmem:v11+s25+$0x0], $0xffff  }
0x122: {  	p0 =	slt.u32 s7, $0x268;
	v21 =	vld.idx.msk [tilespmem:v11+s24+$0x0], $0xffff  }
.Ltmp2:
0x123: {  	v9 =	vld.idx.msk [tilespmem:v8+s24+$0x0], $0xffff;
	(pc) =	sbr.rel @p0 .LBB2_6-.Ltmp2, $4  }
0x124: {  	v17 =	vld.idx.msk [tilespmem:v16+s24+$0x0], $0xffff  }
0x125: {  	v20 =	vld.idx.msk [tilespmem:v15+s24+$0x0], $0xffff  }
0x126: {  	s18 =	sadd.s32 $0x80, s18;
	s15 =	sadd.s32 $0x100, s15;
	s0 =	smov.u32 s14;
	v23 =	vshll.u32 v18, $0x6;
	v5 =	vshll.u32 v5, $0x6;
	v18 =	vld.idx.msk [tilespmem:v12+s24+$0x0], $0xffff  }
0x127: {  	s14 =	sadd.s32 $0x80, s14;
	s3 =	smov.u32 s16;
	s16 =	sadd.s32 $0x80, s16;
	v11 =	vshll.u32 v19, $0x6;
	v19 =	vld.idx.msk [tilespmem:v14+s24+$0x0], $0xffff;
	v10 =	vshll.u32 v10, $0x6;
	v22 =	vadd.s32 v23, v22  }
0x128: {  	_ =	sdelay $0x3  }
0x129: {  	v15 =	vld.idx.msk [tilespmem:v15+s25+$0x0], $0xffff  }
0x12a: {  	v16 =	vld.idx.msk [tilespmem:v16+s25+$0x0], $0xffff;
	[tilespmem:s0+$0xFFFFFFB0] =	vst v21  }
0x12b: {  	v8 =	vld.idx.msk [tilespmem:v8+s25+$0x0], $0xffff;
	[tilespmem:s0+$0xFFFFFFD0] =	vst v9  }
0x12c: {  	v59 =	vld.idx.msk [tilespmem:v6+s24+$0x0], $0xffff;
	[tilespmem:s0+$0x0] =	vst v17  }
0x12d: {  	v58 =	vld.idx.msk [tilespmem:v13+s24+$0x0], $0xffff;
	[tilespmem:s3+$0xFFFFFFB0] =	vst v22  }
0x12e: {  	v14 =	vld.idx.msk [tilespmem:v14+s25+$0x0], $0xffff;
	[tilespmem:s0+$0xFFFFFFC0] =	vst v20  }
0x12f: {  	v12 =	vld.idx.msk [tilespmem:v12+s25+$0x0], $0xffff;
	[tilespmem:s0+$0xFFFFFFE0] =	vst v18  }
0x130: {  	[tilespmem:s0+$0xFFFFFFF0] =	vst v19  }
0x131: {  	v60 =	vld.idx.msk [tilespmem:v6+s25+$0x0], $0xffff;
	v7 =	vshll.u32 v7, $0x6;
	[tilespmem:s0+$0xFFFFFFA0] =	vst v59  }
0x132: {  	v61 =	vld.idx.msk [tilespmem:v13+s25+$0x0], $0xffff;
	[tilespmem:s0+$0xFFFFFF90] =	vst v58;
	v7 =	vadd.s32 v7, v15  }
0x133: {  	v11 =	vadd.s32 v11, v14;
	[tilespmem:s3+$0xFFFFFFC0] =	vst v7  }
0x134: {  	v4 =	vshll.u32 v4, $0x6;
	v62 =	vadd.s32 v10, v16;
	[tilespmem:s3+$0xFFFFFFF0] =	vst v11  }
0x135: {  	v4 =	vadd.s32 v4, v12;
	[tilespmem:s3+$0x0] =	vst v62  }
0x136: {  	v3 =	vshll.u32 v3, $0x6;
	v63 =	vadd.s32 v5, v8;
	[tilespmem:s3+$0xFFFFFFE0] =	vst v4  }
0x137: {  	v2 =	vshll.u32 v2, $0x6;
	v3 =	vadd.s32 v3, v60;
	[tilespmem:s3+$0xFFFFFFD0] =	vst v63  }
0x138: {  	v2 =	vadd.s32 v2, v61;
	[tilespmem:s3+$0xFFFFFFA0] =	vst v3  }
0x139: {  	[tilespmem:s3+$0xFFFFFF90] =	vst v2  }
0x13a: {  	s0 =	rddreg [dreg:$0xd]  }
0x13b: {  	v2 =	vld [tilespmem:s0+$0x4E80];
	_ =	sdelay $0x6  }
0x13c: {  	v3 =	vld [tilespmem:s0+$0x4E00]  }
0x13d: {  	v4 =	vld.idx.msk [tilespmem:v2+s24+$0x0], $0xffff  }
0x13e: {  	v2 =	vld.idx.msk [tilespmem:v2+s25+$0x0], $0xffff;
	_ =	sdelay $0x3  }
0x13f: {  	v3 =	vshll.u32 v3, $0x6  }
0x140: {  	v2 =	vadd.s32 v3, v2;
	[tilespmem:$0xC500] =	vst v4  }
0x141: {  	s23 =	simm.s32 $0xD980;
	s2 =	simm.s32 $0xB180;
	[tilespmem:$0xED00] =	vst v2  }
0x142: {  	[spmem:s4] =	stream.indirect.scatter.add.f32 [tilespmem:s2], [sflag:$0x3], $0x1, s23, s22, $0xb8;
	[tilespmem:$0x1D940] =	vst v63  }
0x143: {  	s26 =	simm.s32 $0xDA00;
	s28 =	simm.s32 $0xB200  }
0x144: {  	[spmem:s4] =	stream.indirect.scatter.add.f32 [tilespmem:s28], [sflag:$0x3], $0x1, s26, s22, $0xb8;
	[tilespmem:$0x1D940] =	vst v63  }
0x145: {  	s29 =	simm.s32 $0xDA80;
	s30 =	simm.s32 $0xB280  }
0x146: {  	[spmem:s4] =	stream.indirect.scatter.add.f32 [tilespmem:s30], [sflag:$0x3], $0x1, s29, s22, $0xb8;
	[tilespmem:$0x1D940] =	vst v63  }
0x147: {  	s5 =	simm.s32 $0xB300;
	s3 =	simm.s32 $0xDB00  }
0x148: {  	[spmem:s4] =	stream.indirect.scatter.add.f32 [tilespmem:s5], [sflag:$0x3], $0x1, s3, s22, $0xb8;
	[tilespmem:$0x1D940] =	vst v63  }
0x149: {  	s6 =	simm.s32 $0xDB80;
	s7 =	simm.s32 $0xB380  }
0x14a: {  	[spmem:s4] =	stream.indirect.scatter.add.f32 [tilespmem:s7], [sflag:$0x3], $0x1, s6, s22, $0xb8;
	[tilespmem:$0x1D940] =	vst v63  }
0x14b: {  	s8 =	simm.s32 $0xDC00;
	s9 =	simm.s32 $0xB400  }
0x14c: {  	[spmem:s4] =	stream.indirect.scatter.add.f32 [tilespmem:s9], [sflag:$0x3], $0x1, s8, s22, $0xb8;
	[tilespmem:$0x1D940] =	vst v63  }
0x14d: {  	s10 =	simm.s32 $0xDC80;
	s12 =	simm.s32 $0xB480  }
0x14e: {  	[spmem:s4] =	stream.indirect.scatter.add.f32 [tilespmem:s12], [sflag:$0x3], $0x1, s10, s22, $0xb8;
	[tilespmem:$0x1D940] =	vst v63  }
0x14f: {  	s13 =	simm.s32 $0xDD00;
	s14 =	simm.s32 $0xB500  }
0x150: {  	[spmem:s4] =	stream.indirect.scatter.add.f32 [tilespmem:s14], [sflag:$0x3], $0x1, s13, s22, $0xb8;
	[tilespmem:$0x1D940] =	vst v63  }
0x151: {  	s15 =	simm.s32 $0xDD80;
	s16 =	simm.s32 $0xB580  }
0x152: {  	[spmem:s4] =	stream.indirect.scatter.add.f32 [tilespmem:s16], [sflag:$0x3], $0x1, s15, s22, $0xb8;
	[tilespmem:$0x1D940] =	vst v63  }
0x153: {  	s18 =	simm.s32 $0xDE00;
	s19 =	simm.s32 $0xB600  }
0x154: {  	[spmem:s4] =	stream.indirect.scatter.add.f32 [tilespmem:s19], [sflag:$0x3], $0x1, s18, s22, $0xb8;
	[tilespmem:$0x1D940] =	vst v63  }
0x155: {  	s20 =	simm.s32 $0xDE80;
	s23 =	simm.s32 $0xB680  }
0x156: {  	[spmem:s4] =	stream.indirect.scatter.add.f32 [tilespmem:s23], [sflag:$0x3], $0x1, s20, s22, $0xb8;
	[tilespmem:$0x1D940] =	vst v63  }
0x157: {  	s26 =	simm.s32 $0xDF00;
	s28 =	simm.s32 $0xB700  }
0x158: {  	[spmem:s4] =	stream.indirect.scatter.add.f32 [tilespmem:s28], [sflag:$0x3], $0x1, s26, s22, $0xb8;
	[tilespmem:$0x1D940] =	vst v63  }
0x159: {  	s29 =	simm.s32 $0xDF80;
	s30 =	simm.s32 $0xB780  }
0x15a: {  	[spmem:s4] =	stream.indirect.scatter.add.f32 [tilespmem:s30], [sflag:$0x3], $0x1, s29, s22, $0xb8;
	[tilespmem:$0x1D940] =	vst v63  }
0x15b: {  	s3 =	simm.s32 $0xE000;
	s5 =	simm.s32 $0xB800  }
0x15c: {  	[spmem:s4] =	stream.indirect.scatter.add.f32 [tilespmem:s5], [sflag:$0x3], $0x1, s3, s22, $0xb8;
	[tilespmem:$0x1D940] =	vst v63  }
0x15d: {  	s6 =	simm.s32 $0xE080;
	s7 =	simm.s32 $0xB880  }
0x15e: {  	[spmem:s4] =	stream.indirect.scatter.add.f32 [tilespmem:s7], [sflag:$0x3], $0x1, s6, s22, $0xb8;
	[tilespmem:$0x1D940] =	vst v63  }
0x15f: {  	s8 =	simm.s32 $0xE100;
	s9 =	simm.s32 $0xB900  }
0x160: {  	[spmem:s4] =	stream.indirect.scatter.add.f32 [tilespmem:s9], [sflag:$0x3], $0x1, s8, s22, $0xb8;
	[tilespmem:$0x1D940] =	vst v63  }
0x161: {  	s10 =	simm.s32 $0xE180;
	s12 =	simm.s32 $0xB980  }
0x162: {  	[spmem:s4] =	stream.indirect.scatter.add.f32 [tilespmem:s12], [sflag:$0x3], $0x1, s10, s22, $0xb8;
	[tilespmem:$0x1D940] =	vst v63  }
0x163: {  	s13 =	simm.s32 $0xE200;
	s14 =	simm.s32 $0xBA00  }
0x164: {  	[spmem:s4] =	stream.indirect.scatter.add.f32 [tilespmem:s14], [sflag:$0x3], $0x1, s13, s22, $0xb8;
	[tilespmem:$0x1D940] =	vst v63  }
0x165: {  	s15 =	simm.s32 $0xE280;
	s16 =	simm.s32 $0xBA80  }
0x166: {  	[spmem:s4] =	stream.indirect.scatter.add.f32 [tilespmem:s16], [sflag:$0x3], $0x1, s15, s22, $0xb8;
	[tilespmem:$0x1D940] =	vst v63  }
0x167: {  	s18 =	simm.s32 $0xE300;
	s19 =	simm.s32 $0xBB00  }
0x168: {  	[spmem:s4] =	stream.indirect.scatter.add.f32 [tilespmem:s19], [sflag:$0x3], $0x1, s18, s22, $0xb8;
	[tilespmem:$0x1D940] =	vst v63  }
0x169: {  	s20 =	simm.s32 $0xE380;
	s23 =	simm.s32 $0xBB80  }
0x16a: {  	[spmem:s4] =	stream.indirect.scatter.add.f32 [tilespmem:s23], [sflag:$0x3], $0x1, s20, s22, $0xb8;
	[tilespmem:$0x1D940] =	vst v63  }
0x16b: {  	s26 =	simm.s32 $0xE400;
	s28 =	simm.s32 $0xBC00  }
0x16c: {  	[spmem:s4] =	stream.indirect.scatter.add.f32 [tilespmem:s28], [sflag:$0x3], $0x1, s26, s22, $0xb8;
	[tilespmem:$0x1D940] =	vst v63  }
0x16d: {  	s29 =	simm.s32 $0xE480;
	s30 =	simm.s32 $0xBC80  }
0x16e: {  	[spmem:s4] =	stream.indirect.scatter.add.f32 [tilespmem:s30], [sflag:$0x3], $0x1, s29, s22, $0xb8;
	[tilespmem:$0x1D940] =	vst v63  }
0x16f: {  	s3 =	simm.s32 $0xE500;
	s5 =	simm.s32 $0xBD00  }
0x170: {  	[spmem:s4] =	stream.indirect.scatter.add.f32 [tilespmem:s5], [sflag:$0x3], $0x1, s3, s22, $0xb8;
	[tilespmem:$0x1D940] =	vst v63  }
0x171: {  	s6 =	simm.s32 $0xE580;
	s7 =	simm.s32 $0xBD80  }
0x172: {  	[spmem:s4] =	stream.indirect.scatter.add.f32 [tilespmem:s7], [sflag:$0x3], $0x1, s6, s22, $0xb8;
	[tilespmem:$0x1D940] =	vst v63  }
0x173: {  	s8 =	simm.s32 $0xE600;
	s9 =	simm.s32 $0xBE00  }
0x174: {  	[spmem:s4] =	stream.indirect.scatter.add.f32 [tilespmem:s9], [sflag:$0x3], $0x1, s8, s22, $0xb8;
	[tilespmem:$0x1D940] =	vst v63  }
0x175: {  	s10 =	simm.s32 $0xE680;
	s12 =	simm.s32 $0xBE80  }
0x176: {  	[spmem:s4] =	stream.indirect.scatter.add.f32 [tilespmem:s12], [sflag:$0x3], $0x1, s10, s22, $0xb8;
	[tilespmem:$0x1D940] =	vst v63  }
0x177: {  	s13 =	simm.s32 $0xE700;
	s14 =	simm.s32 $0xBF00  }
0x178: {  	[spmem:s4] =	stream.indirect.scatter.add.f32 [tilespmem:s14], [sflag:$0x3], $0x1, s13, s22, $0xb8;
	[tilespmem:$0x1D940] =	vst v63  }
0x179: {  	s15 =	simm.s32 $0xE780;
	s16 =	simm.s32 $0xBF80  }
0x17a: {  	[spmem:s4] =	stream.indirect.scatter.add.f32 [tilespmem:s16], [sflag:$0x3], $0x1, s15, s22, $0xb8;
	[tilespmem:$0x1D940] =	vst v63  }
0x17b: {  	s18 =	simm.s32 $0xE800;
	s19 =	simm.s32 $0xC000  }
0x17c: {  	[spmem:s4] =	stream.indirect.scatter.add.f32 [tilespmem:s19], [sflag:$0x3], $0x1, s18, s22, $0xb8;
	[tilespmem:$0x1D940] =	vst v63  }
0x17d: {  	s20 =	simm.s32 $0xE880;
	s23 =	simm.s32 $0xC080  }
0x17e: {  	[spmem:s4] =	stream.indirect.scatter.add.f32 [tilespmem:s23], [sflag:$0x3], $0x1, s20, s22, $0xb8;
	[tilespmem:$0x1D940] =	vst v63  }
0x17f: {  	s26 =	simm.s32 $0xE900;
	s28 =	simm.s32 $0xC100  }
0x180: {  	[spmem:s4] =	stream.indirect.scatter.add.f32 [tilespmem:s28], [sflag:$0x3], $0x1, s26, s22, $0xb8;
	[tilespmem:$0x1D940] =	vst v63  }
0x181: {  	s29 =	simm.s32 $0xE980;
	s30 =	simm.s32 $0xC180  }
0x182: {  	[spmem:s4] =	stream.indirect.scatter.add.f32 [tilespmem:s30], [sflag:$0x3], $0x1, s29, s22, $0xb8;
	[tilespmem:$0x1D940] =	vst v63  }
0x183: {  	s2 =	simm.s32 $0xEA00;
	s3 =	simm.s32 $0xC200  }
0x184: {  	[spmem:s4] =	stream.indirect.scatter.add.f32 [tilespmem:s3], [sflag:$0x3], $0x1, s2, s22, $0xb8;
	[tilespmem:$0x1D940] =	vst v63  }
0x185: {  	s5 =	simm.s32 $0xEA80;
	s6 =	simm.s32 $0xC280  }
0x186: {  	[spmem:s4] =	stream.indirect.scatter.add.f32 [tilespmem:s6], [sflag:$0x3], $0x1, s5, s22, $0xb8;
	[tilespmem:$0x1D940] =	vst v63  }
0x187: {  	s7 =	simm.s32 $0xEB00;
	s8 =	simm.s32 $0xC300  }
0x188: {  	[spmem:s4] =	stream.indirect.scatter.add.f32 [tilespmem:s8], [sflag:$0x3], $0x1, s7, s22, $0xb8;
	[tilespmem:$0x1D940] =	vst v63  }
0x189: {  	s9 =	simm.s32 $0xEB80;
	s10 =	simm.s32 $0xC380  }
0x18a: {  	[spmem:s4] =	stream.indirect.scatter.add.f32 [tilespmem:s10], [sflag:$0x3], $0x1, s9, s22, $0xb8;
	[tilespmem:$0x1D940] =	vst v63  }
0x18b: {  	s12 =	simm.s32 $0xEC00;
	s13 =	simm.s32 $0xC400  }
0x18c: {  	[spmem:s4] =	stream.indirect.scatter.add.f32 [tilespmem:s13], [sflag:$0x3], $0x1, s12, s22, $0xb8;
	[tilespmem:$0x1D940] =	vst v63  }
0x18d: {  	s14 =	simm.s32 $0xEC80;
	s15 =	simm.s32 $0xC480  }
0x18e: {  	[spmem:s4] =	stream.indirect.scatter.add.f32 [tilespmem:s15], [sflag:$0x3], $0x1, s14, s22, $0xb8;
	[tilespmem:$0x1D940] =	vst v63  }
0x18f: {  	s16 =	simm.s32 $0xED00;
	s18 =	simm.s32 $0xC500  }
0x190: {  	[spmem:s4] =	stream.indirect.scatter.add.f32 [tilespmem:s18], [sflag:$0x3], $0x1, s16, s22, $0xb8;
	[tilespmem:$0x1D940] =	vst v63  }
0x191: {  	_ =	swait.ge [sflag:s1], $0x80  }
0x192: {  	[sflag:s1] =	ssyncset.done $0x0  }
0x193: {  	[sflag:s1] =	ssyncadd.s32 $0xFFFFFF80  }
0x194: {  	_ =	swait.ge [sflag:s1], $0x80  }
0x195: {  	[sflag:s1] =	ssyncset.done $0x0  }
0x196: {  	[sflag:s1] =	ssyncadd.s32 $0xFFFFFF80  }
0x197: {  	_ =	swait.ge [sflag:s1], $0x80  }
0x198: {  	[sflag:s1] =	ssyncset.done $0x0  }
0x199: {  	[sflag:s1] =	ssyncadd.s32 $0xFFFFFF80  }
0x19a: {  	_ =	swait.ge [sflag:s1], $0x80  }
0x19b: {  	[sflag:s1] =	ssyncset.done $0x0  }
0x19c: {  	[sflag:s1] =	ssyncadd.s32 $0xFFFFFF80  }
0x19d: {  	_ =	swait.ge [sflag:s1], $0x80  }
0x19e: {  	[sflag:s1] =	ssyncset.done $0x0  }
0x19f: {  	[sflag:s1] =	ssyncadd.s32 $0xFFFFFF80  }
0x1a0: {  	_ =	swait.ge [sflag:s1], $0x80  }
0x1a1: {  	[sflag:s1] =	ssyncset.done $0x0  }
0x1a2: {  	[sflag:s1] =	ssyncadd.s32 $0xFFFFFF80  }
0x1a3: {  	_ =	swait.ge [sflag:s1], $0x80  }
0x1a4: {  	[sflag:s1] =	ssyncset.done $0x0  }
0x1a5: {  	[sflag:s1] =	ssyncadd.s32 $0xFFFFFF80  }
0x1a6: {  	_ =	swait.ge [sflag:s1], $0x80  }
0x1a7: {  	[sflag:s1] =	ssyncset.done $0x0  }
0x1a8: {  	[sflag:s1] =	ssyncadd.s32 $0xFFFFFF80  }
0x1a9: {  	_ =	swait.ge [sflag:s1], $0x80  }
0x1aa: {  	[sflag:s1] =	ssyncset.done $0x0  }
0x1ab: {  	[sflag:s1] =	ssyncadd.s32 $0xFFFFFF80  }
0x1ac: {  	_ =	swait.ge [sflag:s1], $0x80  }
0x1ad: {  	[sflag:s1] =	ssyncset.done $0x0  }
0x1ae: {  	[sflag:s1] =	ssyncadd.s32 $0xFFFFFF80  }
0x1af: {  	_ =	swait.ge [sflag:s1], $0x80  }
0x1b0: {  	[sflag:s1] =	ssyncset.done $0x0  }
0x1b1: {  	[sflag:s1] =	ssyncadd.s32 $0xFFFFFF80  }
0x1b2: {  	_ =	swait.ge [sflag:s1], $0x80  }
0x1b3: {  	[sflag:s1] =	ssyncset.done $0x0  }
0x1b4: {  	[sflag:s1] =	ssyncadd.s32 $0xFFFFFF80  }
0x1b5: {  	_ =	swait.ge [sflag:s1], $0x80  }
0x1b6: {  	[sflag:s1] =	ssyncset.done $0x0  }
0x1b7: {  	[sflag:s1] =	ssyncadd.s32 $0xFFFFFF80  }
0x1b8: {  	_ =	swait.ge [sflag:s1], $0x80  }
0x1b9: {  	[sflag:s1] =	ssyncset.done $0x0  }
0x1ba: {  	[sflag:s1] =	ssyncadd.s32 $0xFFFFFF80  }
0x1bb: {  	_ =	swait.ge [sflag:s1], $0x80  }
0x1bc: {  	[sflag:s1] =	ssyncset.done $0x0  }
0x1bd: {  	[sflag:s1] =	ssyncadd.s32 $0xFFFFFF80  }
0x1be: {  	_ =	swait.ge [sflag:s1], $0x80  }
0x1bf: {  	[sflag:s1] =	ssyncset.done $0x0  }
0x1c0: {  	[sflag:s1] =	ssyncadd.s32 $0xFFFFFF80  }
0x1c1: {  	_ =	swait.ge [sflag:s1], $0x80  }
0x1c2: {  	[sflag:s1] =	ssyncset.done $0x0  }
0x1c3: {  	[sflag:s1] =	ssyncadd.s32 $0xFFFFFF80  }
0x1c4: {  	_ =	swait.ge [sflag:s1], $0x80  }
0x1c5: {  	[sflag:s1] =	ssyncset.done $0x0  }
0x1c6: {  	[sflag:s1] =	ssyncadd.s32 $0xFFFFFF80  }
0x1c7: {  	_ =	swait.ge [sflag:s1], $0x80  }
0x1c8: {  	[sflag:s1] =	ssyncset.done $0x0  }
0x1c9: {  	[sflag:s1] =	ssyncadd.s32 $0xFFFFFF80  }
0x1ca: {  	_ =	swait.ge [sflag:s1], $0x80  }
0x1cb: {  	[sflag:s1] =	ssyncset.done $0x0  }
0x1cc: {  	[sflag:s1] =	ssyncadd.s32 $0xFFFFFF80  }
0x1cd: {  	_ =	swait.ge [sflag:s1], $0x80  }
0x1ce: {  	[sflag:s1] =	ssyncset.done $0x0  }
0x1cf: {  	[sflag:s1] =	ssyncadd.s32 $0xFFFFFF80  }
0x1d0: {  	_ =	swait.ge [sflag:s1], $0x80  }
0x1d1: {  	[sflag:s1] =	ssyncset.done $0x0  }
0x1d2: {  	[sflag:s1] =	ssyncadd.s32 $0xFFFFFF80  }
0x1d3: {  	_ =	swait.ge [sflag:s1], $0x80  }
0x1d4: {  	[sflag:s1] =	ssyncset.done $0x0  }
0x1d5: {  	[sflag:s1] =	ssyncadd.s32 $0xFFFFFF80  }
0x1d6: {  	_ =	swait.ge [sflag:s1], $0x80  }
0x1d7: {  	[sflag:s1] =	ssyncset.done $0x0  }
0x1d8: {  	[sflag:s1] =	ssyncadd.s32 $0xFFFFFF80  }
0x1d9: {  	_ =	swait.ge [sflag:s1], $0x80  }
0x1da: {  	[sflag:s1] =	ssyncset.done $0x0  }
0x1db: {  	[sflag:s1] =	ssyncadd.s32 $0xFFFFFF80  }
0x1dc: {  	_ =	swait.ge [sflag:s1], $0x80  }
0x1dd: {  	[sflag:s1] =	ssyncset.done $0x0  }
0x1de: {  	[sflag:s1] =	ssyncadd.s32 $0xFFFFFF80  }
0x1df: {  	_ =	swait.ge [sflag:s1], $0x80  }
0x1e0: {  	[sflag:s1] =	ssyncset.done $0x0  }
0x1e1: {  	[sflag:s1] =	ssyncadd.s32 $0xFFFFFF80  }
0x1e2: {  	_ =	swait.ge [sflag:s1], $0x80  }
0x1e3: {  	[sflag:s1] =	ssyncset.done $0x0  }
0x1e4: {  	[sflag:s1] =	ssyncadd.s32 $0xFFFFFF80  }
0x1e5: {  	_ =	swait.ge [sflag:s1], $0x80  }
0x1e6: {  	[sflag:s1] =	ssyncset.done $0x0  }
0x1e7: {  	[sflag:s1] =	ssyncadd.s32 $0xFFFFFF80  }
0x1e8: {  	_ =	swait.ge [sflag:s1], $0x80  }
0x1e9: {  	[sflag:s1] =	ssyncset.done $0x0  }
0x1ea: {  	[sflag:s1] =	ssyncadd.s32 $0xFFFFFF80  }
0x1eb: {  	_ =	swait.ge [sflag:s1], $0x80  }
0x1ec: {  	[sflag:s1] =	ssyncset.done $0x0  }
0x1ed: {  	[sflag:s1] =	ssyncadd.s32 $0xFFFFFF80  }
0x1ee: {  	_ =	swait.ge [sflag:s1], $0x80  }
0x1ef: {  	[sflag:s1] =	ssyncset.done $0x0  }
0x1f0: {  	[sflag:s1] =	ssyncadd.s32 $0xFFFFFF80  }
0x1f1: {  	_ =	swait.ge [sflag:s1], $0x80  }
0x1f2: {  	[sflag:s1] =	ssyncset.done $0x0  }
0x1f3: {  	[sflag:s1] =	ssyncadd.s32 $0xFFFFFF80  }
0x1f4: {  	_ =	swait.ge [sflag:s1], $0x80  }
0x1f5: {  	[sflag:s1] =	ssyncset.done $0x0  }
0x1f6: {  	[sflag:s1] =	ssyncadd.s32 $0xFFFFFF80  }
0x1f7: {  	_ =	swait.ge [sflag:s1], $0x80  }
0x1f8: {  	[sflag:s1] =	ssyncset.done $0x0  }
0x1f9: {  	[sflag:s1] =	ssyncadd.s32 $0xFFFFFF80  }
0x1fa: {  	_ =	swait.ge [sflag:s1], $0x80  }
0x1fb: {  	[sflag:s1] =	ssyncset.done $0x0  }
0x1fc: {  	[sflag:s1] =	ssyncadd.s32 $0xFFFFFF80  }
0x1fd: {  	_ =	swait.ge [sflag:s1], $0x80  }
0x1fe: {  	[sflag:s1] =	ssyncset.done $0x0  }
0x1ff: {  	[sflag:s1] =	ssyncadd.s32 $0xFFFFFF80  }
0x200: {  	_ =	swait.ge [sflag:s1], $0x80  }
0x201: {  	[sflag:s1] =	ssyncset.done $0x0  }
0x202: {  	[sflag:s1] =	ssyncadd.s32 $0xFFFFFF80  }
0x203: {  	_ =	swait.ge [sflag:s1], $0x80  }
0x204: {  	[sflag:s1] =	ssyncset.done $0x0  }
0x205: {  	[sflag:s1] =	ssyncadd.s32 $0xFFFFFF80  }
0x206: {  	_ =	swait.ge [sflag:s1], $0x80  }
0x207: {  	[sflag:s1] =	ssyncset.done $0x0  }
0x208: {  	[sflag:s1] =	ssyncadd.s32 $0xFFFFFF80  }
0x209: {  	_ =	swait.ge [sflag:s1], $0x80  }
0x20a: {  	[sflag:s1] =	ssyncset.done $0x0  }
0x20b: {  	[sflag:s1] =	ssyncadd.s32 $0xFFFFFF80  }
0x20c: {  	_ =	swait.ge [sflag:s1], $0x80  }
0x20d: {  	[sflag:s1] =	ssyncset.done $0x0  }
0x20e: {  	[sflag:s1] =	ssyncadd.s32 $0xFFFFFF80  }
0x20f: {  	_ =	swait.ge [sflag:s1], $0x80  }
0x210: {  	[sflag:s1] =	ssyncset.done $0x0  }
0x211: {  	[sflag:s1] =	ssyncadd.s32 $0xFFFFFF80  }
0x212: {  	_ =	swait.ge [sflag:s1], $0x80  }
0x213: {  	[sflag:s1] =	ssyncset.done $0x0  }
0x214: {  	[sflag:s1] =	ssyncadd.s32 $0xFFFFFF80  }
0x215: {  	_ =	swait.ge [sflag:s1], $0x80  }
0x216: {  	[sflag:s1] =	ssyncset.done $0x0  }
0x217: {  	[sflag:s1] =	ssyncadd.s32 $0xFFFFFF80  }
0x218: {  	_ =	swait.ge [sflag:s1], $0x80  }
0x219: {  	[sflag:s1] =	ssyncset.done $0x0  }
0x21a: {  	[sflag:s1] =	ssyncadd.s32 $0xFFFFFF80  }
0x21b: {  	_ =	swait.ge [sflag:s1], $0x80  }
0x21c: {  	[sflag:s1] =	ssyncset.done $0x0  }
0x21d: {  	[sflag:s1] =	ssyncadd.s32 $0xFFFFFF80  }
0x21e: {  	_ =	swait.ge [sflag:s1], $0x80  }
0x21f: {  	[sflag:s1] =	ssyncset.done $0x0  }
0x220: {  	[sflag:s1] =	ssyncadd.s32 $0xFFFFFF80  }
0x221: {  	_ =	swait.ge [sflag:s1], $0x80  }
0x222: {  	[sflag:s1] =	ssyncset.done $0x0  }
0x223: {  	[sflag:s1] =	ssyncadd.s32 $0xFFFFFF80  }
0x224: {  	_ =	swait.ge [sflag:s1], $0x80  }
0x225: {  	[sflag:s1] =	ssyncset.done $0x0  }
0x226: {  	[sflag:s1] =	ssyncadd.s32 $0xFFFFFF80  }
0x227: {  	_ =	swait.ge [sflag:s1], $0x80  }
0x228: {  	[sflag:s1] =	ssyncset.done $0x0  }
0x229: {  	[sflag:s1] =	ssyncadd.s32 $0xFFFFFF80  }
0x22a: {  	_ =	swait.ge [sflag:s1], $0x80  }
0x22b: {  	[sflag:s1] =	ssyncset.done $0x0  }
0x22c: {  	[sflag:s1] =	ssyncadd.s32 $0xFFFFFF80  }
0x22d: {  	_ =	swait.ge [sflag:s1], $0x80  }
0x22e: {  	[sflag:s1] =	ssyncset.done $0x0  }
0x22f: {  	[sflag:s1] =	ssyncadd.s32 $0xFFFFFF80  }
0x230: {  	_ =	swait.ge [sflag:s1], $0x80  }
0x231: {  	[sflag:s1] =	ssyncset.done $0x0  }
0x232: {  	[sflag:s1] =	ssyncadd.s32 $0xFFFFFF80  }
0x233: {  	_ =	swait.ge [sflag:s1], $0x80  }
0x234: {  	[sflag:s1] =	ssyncset.done $0x0  }
0x235: {  	[sflag:s1] =	ssyncadd.s32 $0xFFFFFF80  }
0x236: {  	_ =	swait.ge [sflag:s1], $0x80  }
0x237: {  	[sflag:s1] =	ssyncset.done $0x0  }
0x238: {  	[sflag:s1] =	ssyncadd.s32 $0xFFFFFF80  }
0x239: {  	_ =	swait.ge [sflag:s1], $0x80  }
0x23a: {  	[sflag:s1] =	ssyncset.done $0x0  }
0x23b: {  	[sflag:s1] =	ssyncadd.s32 $0xFFFFFF80  }
0x23c: {  	_ =	swait.ge [sflag:s1], $0x80  }
0x23d: {  	[sflag:s1] =	ssyncset.done $0x0  }
0x23e: {  	[sflag:s1] =	ssyncadd.s32 $0xFFFFFF80  }
0x23f: {  	_ =	swait.ge [sflag:s1], $0x80  }
0x240: {  	[sflag:s1] =	ssyncset.done $0x0  }
0x241: {  	[sflag:s1] =	ssyncadd.s32 $0xFFFFFF80  }
0x242: {  	_ =	swait.ge [sflag:s1], $0x80  }
0x243: {  	[sflag:s1] =	ssyncset.done $0x0  }
0x244: {  	[sflag:s1] =	ssyncadd.s32 $0xFFFFFF80  }
0x245: {  	_ =	swait.ge [sflag:s1], $0x80  }
0x246: {  	[sflag:s1] =	ssyncset.done $0x0  }
0x247: {  	[sflag:s1] =	ssyncadd.s32 $0xFFFFFF80  }
0x248: {  	_ =	swait.ge [sflag:s1], $0x80  }
0x249: {  	[sflag:s1] =	ssyncset.done $0x0  }
0x24a: {  	[sflag:s1] =	ssyncadd.s32 $0xFFFFFF80  }
0x24b: {  	_ =	swait.ge [sflag:s1], $0x80  }
0x24c: {  	[sflag:s1] =	ssyncset.done $0x0  }
0x24d: {  	[sflag:s1] =	ssyncadd.s32 $0xFFFFFF80  }
0x24e: {  	_ =	swait.ge [sflag:s1], $0x80  }
0x24f: {  	[sflag:s1] =	ssyncset.done $0x0  }
0x250: {  	[sflag:s1] =	ssyncadd.s32 $0xFFFFFF80  }
0x251: {  	_ =	swait.ge [sflag:s1], $0x80  }
0x252: {  	[sflag:s1] =	ssyncset.done $0x0  }
0x253: {  	[sflag:s1] =	ssyncadd.s32 $0xFFFFFF80  }
0x254: {  	_ =	swait.ge [sflag:s1], $0x80  }
0x255: {  	[sflag:s1] =	ssyncset.done $0x0  }
0x256: {  	[sflag:s1] =	ssyncadd.s32 $0xFFFFFF80  }
0x257: {  	_ =	swait.ge [sflag:s1], $0x80  }
0x258: {  	[sflag:s1] =	ssyncset.done $0x0  }
0x259: {  	[sflag:s1] =	ssyncadd.s32 $0xFFFFFF80  }
0x25a: {  	_ =	swait.ge [sflag:s1], $0x80  }
0x25b: {  	[sflag:s1] =	ssyncset.done $0x0  }
0x25c: {  	[sflag:s1] =	ssyncadd.s32 $0xFFFFFF80  }
0x25d: {  	_ =	swait.ge [sflag:s1], $0x80  }
0x25e: {  	[sflag:s1] =	ssyncset.done $0x0  }
0x25f: {  	[sflag:s1] =	ssyncadd.s32 $0xFFFFFF80  }
0x260: {  	_ =	swait.ge [sflag:s1], $0x80  }
0x261: {  	[sflag:s1] =	ssyncset.done $0x0  }
0x262: {  	[sflag:s1] =	ssyncadd.s32 $0xFFFFFF80  }
0x263: {  	_ =	swait.ge [sflag:s1], $0x80  }
0x264: {  	[sflag:s1] =	ssyncset.done $0x0  }
0x265: {  	[sflag:s1] =	ssyncadd.s32 $0xFFFFFF80  }
0x266: {  	_ =	swait.ge [sflag:s1], $0x80  }
0x267: {  	[sflag:s1] =	ssyncset.done $0x0  }
0x268: {  	[sflag:s1] =	ssyncadd.s32 $0xFFFFFF80  }
0x269: {  	_ =	swait.ge [sflag:s1], $0x80  }
0x26a: {  	[sflag:s1] =	ssyncset.done $0x0  }
0x26b: {  	[sflag:s1] =	ssyncadd.s32 $0xFFFFFF80  }
0x26c: {  	_ =	swait.ge [sflag:s1], $0x80  }
0x26d: {  	[sflag:s1] =	ssyncset.done $0x0  }
0x26e: {  	[sflag:s1] =	ssyncadd.s32 $0xFFFFFF80  }
0x26f: {  	_ =	swait.ge [sflag:s1], $0x80  }
0x270: {  	[sflag:s1] =	ssyncset.done $0x0  }
0x271: {  	[sflag:s1] =	ssyncadd.s32 $0xFFFFFF80  }
0x272: {  	_ =	swait.ge [sflag:s1], $0x80  }
0x273: {  	[sflag:s1] =	ssyncset.done $0x0  }
0x274: {  	[sflag:s1] =	ssyncadd.s32 $0xFFFFFF80  }
0x275: {  	_ =	swait.ge [sflag:s1], $0x80  }
0x276: {  	[sflag:s1] =	ssyncset.done $0x0  }
0x277: {  	[sflag:s1] =	ssyncadd.s32 $0xFFFFFF80  }
0x278: {  	_ =	swait.ge [sflag:s1], $0x80  }
0x279: {  	[sflag:s1] =	ssyncset.done $0x0  }
0x27a: {  	[sflag:s1] =	ssyncadd.s32 $0xFFFFFF80  }
0x27b: {  	_ =	swait.ge [sflag:s1], $0x80  }
0x27c: {  	[sflag:s1] =	ssyncset.done $0x0  }
0x27d: {  	[sflag:s1] =	ssyncadd.s32 $0xFFFFFF80  }
0x27e: {  	[bflag:$0x0] =	sbarrier.arrive $0xFFFF  }
0x27f: {  	s19 =	simm.s32 $0x5;
	s5 =	simm.s32 $0xEE00;
	s6 =	rddreg [dreg:$0x7]  }
0x280: {  	[tilespmem:s5], [sflag:$0x5] =	stream.linear.gather [spmem:s6], $0x2710, $0x38;
	[tilespmem:$0x1D940] =	vst v63  }
0x281: {  	_ =	swait.ge [sflag:s19], $0x2710  }
0x282: {  	[sflag:s19] =	ssyncset.done $0x0  }
0x283: {  	s9 =	simm.s32 $0x0;
	s20 =	rddreg [dreg:$0xc];
	[sflag:s19] =	ssyncadd.s32 $0xFFFFD8F0  }
0x284: {  	[hbm4b:s20+s9] =	stream.linear.scatter [tilespmem:s5], [sflag:$0x4], $0x2710, $0x38;
	[tilespmem:$0x1D940] =	vst v63  }
0x285: {  	s23 =	simm.s32 $0x11580;
	s10 =	rddreg [dreg:$0x9]  }
0x286: {  	[tilespmem:s23], [sflag:$0x5] =	stream.linear.gather [spmem:s10], $0x2710, $0x38;
	[tilespmem:$0x1D940] =	vst v63  }
0x287: {  	_ =	swait.ge [sflag:s19], $0x2710  }
0x288: {  	[sflag:s19] =	ssyncset.done $0x0  }
0x289: {  	s7 =	simm.s32 $0x4;
	[sflag:s19] =	ssyncadd.s32 $0xFFFFD8F0  }
0x28a: {  	_ =	swait.ge [sflag:s7], $0x2710  }
0x28b: {  	[sflag:s7] =	ssyncset.done $0x0  }
0x28c: {  	s26 =	rddreg [dreg:$0xe];
	[sflag:s7] =	ssyncadd.s32 $0xFFFFD8F0  }
0x28d: {  	[hbm4b:s26+s9] =	stream.linear.scatter [tilespmem:s23], [sflag:$0x4], $0x2710, $0x38;
	[tilespmem:$0x1D940] =	vst v63  }
0x28e: {  	s15 =	rddreg [dreg:$0xa]  }
0x28f: {  	[tilespmem:s5], [sflag:$0x5] =	stream.linear.gather [spmem:s15], $0x2710, $0x38;
	[tilespmem:$0x1D940] =	vst v63  }
0x290: {  	_ =	swait.ge [sflag:s19], $0x2710  }
0x291: {  	[sflag:s19] =	ssyncset.done $0x0  }
0x292: {  	[sflag:s19] =	ssyncadd.s32 $0xFFFFD8F0  }
0x293: {  	_ =	swait.ge [sflag:s7], $0x2710  }
0x294: {  	[sflag:s7] =	ssyncset.done $0x0  }
0x295: {  	s28 =	rddreg [dreg:$0xf];
	[sflag:s7] =	ssyncadd.s32 $0xFFFFD8F0  }
0x296: {  	[hbm4b:s28+s9] =	stream.linear.scatter [tilespmem:s5], [sflag:$0x4], $0x2710, $0x38;
	[tilespmem:$0x1D940] =	vst v63  }
0x297: {  	s16 =	rddreg [dreg:$0xb]  }
0x298: {  	[tilespmem:s23], [sflag:$0x5] =	stream.linear.gather [spmem:s16], $0x2710, $0x38;
	[tilespmem:$0x1D940] =	vst v63  }
0x299: {  	_ =	swait.ge [sflag:s19], $0x2710  }
0x29a: {  	[sflag:s19] =	ssyncset.done $0x0  }
0x29b: {  	[sflag:s19] =	ssyncadd.s32 $0xFFFFD8F0  }
0x29c: {  	_ =	swait.ge [sflag:s7], $0x2710  }
0x29d: {  	[sflag:s7] =	ssyncset.done $0x0  }
0x29e: {  	s29 =	rddreg [dreg:$0x10];
	[sflag:s7] =	ssyncadd.s32 $0xFFFFD8F0  }
0x29f: {  	[hbm4b:s29+s9] =	stream.linear.scatter [tilespmem:s23], [sflag:$0x4], $0x2710, $0x38;
	[tilespmem:$0x1D940] =	vst v63  }
0x2a0: {  	_ =	swait.ge [sflag:s7], $0x2710  }
0x2a1: {  	s31 =	sadd.s32 $0x1, s31;
	s30 =	rddreg [dreg:$0x11]  }
0x2a2: {  	p0 =	sne.s32 s31, s30  }
.Ltmp3:
0x2a3: {  	_ = 	snop;
	(pc) =	sbr.rel @p0 .LBB2_1-.Ltmp3, $3  }
0x2a4: {  	_ =	sdelay $0x1  }
0x2a5: {  	[sflag:s7] =	ssyncset.done $0x0  }
0x2a6: {  	s20 =	rddreg [dreg:$0x12];
	[sflag:s7] =	ssyncadd.s32 $0xFFFFD8F0  }
0x2a7: {  	_ =	sfence.sel $0x180000  }
0x2a8: {  	[bflag:$0x0] =	sbarrier.arrive $0xFFFF  }
0x2a9: {  	_ =	strace $0x90000047  }
0x2aa: {  	s0 =	stileid.u32;
	[bflag:$0x2] =	sbarrier.arrive $0xFFFF  }
0x2ab: {  	p0 =	sne.s32 s0, $0x0;
	s0 =	rddreg [dreg:$0x5]  }
0x2ac: {  	s0 =	sadd.s32 @!p0 $0x100000, s0  }
0x2ad: {  	[sflag:s0] =	ssyncadd.tile.s32 @!p0 $0x1;
	_ =	shalt  }
.Lfunc_end2:
_tile_overlayer_lowered:
.L_overlay_start_2:
0x2ae: {  	(tag) =	ssettag $0x2  }
0x2af: {  	s0 =	rddreg [dreg:$0x0];
	s2 =	stileid.u32  }
0x2b0: {  	s1 =	rddreg [dreg:$0x1];
	p0 =	sne.s32 s2, $0x0  }
0x2b1: {  	s3 =	rddreg [dreg:$0x2];
	[bflag:$0x3] =	sbarrier.arrive $0xFFFF;
	s2 =	simm.s32 @!p0 $0x1C05  }
0x2b2: {  	[timem:s3], [sflag:s2] =	dma.local @!p0 [hbm:s0], s1  }
0x2b3: {  	s0 =	simm.s32 @!p0 $0x5  }
0x2b4: {  	_ =	swait.ge @!p0 [sflag:s0], s1  }
0x2b5: {  	s1 =	ssub.s32 @!p0 $0x0, s1;
	[sflag:s0] =	ssyncset.done @!p0 $0x0  }
0x2b6: {  	[sflag:s0] =	ssyncadd.s32 @!p0 s1  }
0x2b7: {  	[bflag:$0x3] =	sbarrier.arrive $0xFFFF  }
0x2b8: {  	_ =	shalt  }

</sc_bundles>
